<compile_context>
chip_gen: v7x
topology: tpu7x:2x2x1
jax: 0.10.2.dev20260603
libtpu: 0.0.44.dev20260713+nightly
codegen_flags: <defaults>
</compile_context>

<pallas_src>
import functools

import jax
import jax.numpy as jnp
from jax import lax
from jax.experimental import pallas as pl
from jax.experimental.pallas import tpu as pltpu
from jax.experimental.pallas import tpu_sc as plsc

N = 10000
NP = 10240
H = 128
E = 320000
R2D = 2560
EPAD = R2D * 128
RB = 400
GRID = N // RB
ROWS_PER_TILE = R2D // 16
NODE_ROWS_PER_TILE = NP // 16



def _enc_body(xu, wu, bu, eu, xm, wm, bm, em, w1um, w1mu,
              hu_o, hm_o, p1um_o, p1mu_o):
    hu = jnp.dot(xu[...], wu[...], preferred_element_type=jnp.float32)
    hu = hu + bu[...] + eu[...]
    hm = jnp.dot(xm[...], wm[...], preferred_element_type=jnp.float32)
    hm = hm + bm[...] + em[...]
    hu_o[...] = hu
    hm_o[...] = hm
    p1um_o[...] = jnp.dot(hu, w1um[...], preferred_element_type=jnp.float32)
    p1mu_o[...] = jnp.dot(hm, w1mu[...], preferred_element_type=jnp.float32)


def _row_spec(k):
    return pl.BlockSpec((RB, k), lambda i: (i, 0))


def _full_spec(r, k):
    return pl.BlockSpec((r, k), lambda i: (0, 0))


def _encoder(xu, wu, bu, eu, xm, wm, bm, em, w1um, w1mu):
    return pl.pallas_call(
        _enc_body,
        grid=(GRID,),
        in_specs=[
            _row_spec(8), _full_spec(8, H), _full_spec(1, H), _row_spec(H),
            _row_spec(24), _full_spec(24, H), _full_spec(1, H), _row_spec(H),
            _full_spec(H, H), _full_spec(H, H),
        ],
        out_specs=[_row_spec(H)] * 4,
        out_shape=[jax.ShapeDtypeStruct((N, H), jnp.float32)] * 4,
    )(xu, wu, bu, eu, xm, wm, bm, em, w1um, w1mu)


def _comb1_body(accm, cntm, hm, lbm, rwm, accu, cntu, hu, lbu, rwu,
                w2um, w2mu, hu1_o, hm1_o, p2um_o, p2mu_o):
    aggm = accm[...] / jnp.maximum(cntm[...], 1.0)
    hm1 = jax.nn.relu(
        aggm + lbm[...] + jnp.dot(hm[...], rwm[...],
                                  preferred_element_type=jnp.float32))
    aggu = accu[...] / jnp.maximum(cntu[...], 1.0)
    hu1 = jax.nn.relu(
        aggu + lbu[...] + jnp.dot(hu[...], rwu[...],
                                  preferred_element_type=jnp.float32))
    hu1_o[...] = hu1
    hm1_o[...] = hm1
    p2um_o[...] = jnp.dot(hu1, w2um[...], preferred_element_type=jnp.float32)
    p2mu_o[...] = jnp.dot(hm1, w2mu[...], preferred_element_type=jnp.float32)


def _combine1(accm, cntm, hm, lbm, rwm, accu, cntu, hu, lbu, rwu, w2um, w2mu):
    return pl.pallas_call(
        _comb1_body,
        grid=(GRID,),
        in_specs=[
            _row_spec(H), _row_spec(1), _row_spec(H), _full_spec(1, H),
            _full_spec(H, H),
            _row_spec(H), _row_spec(1), _row_spec(H), _full_spec(1, H),
            _full_spec(H, H),
            _full_spec(H, H), _full_spec(H, H),
        ],
        out_specs=[_row_spec(H)] * 4,
        out_shape=[jax.ShapeDtypeStruct((N, H), jnp.float32)] * 4,
    )(accm, cntm, hm, lbm, rwm, accu, cntu, hu, lbu, rwu, w2um, w2mu)


def _comb2_body(accm, cntm, hm1, lbm, rwm, accu, cntu, hu1, lbu, rwu,
                u2_o, m2_o):
    aggm = accm[...] / jnp.maximum(cntm[...], 1.0)
    m2_o[...] = aggm + lbm[...] + jnp.dot(
        hm1[...], rwm[...], preferred_element_type=jnp.float32)
    aggu = accu[...] / jnp.maximum(cntu[...], 1.0)
    u2_o[...] = aggu + lbu[...] + jnp.dot(
        hu1[...], rwu[...], preferred_element_type=jnp.float32)


def _combine2(accm, cntm, hm1, lbm, rwm, accu, cntu, hu1, lbu, rwu):
    return pl.pallas_call(
        _comb2_body,
        grid=(GRID,),
        in_specs=[
            _row_spec(H), _row_spec(1), _row_spec(H), _full_spec(1, H),
            _full_spec(H, H),
            _row_spec(H), _row_spec(1), _row_spec(H), _full_spec(1, H),
            _full_spec(H, H),
        ],
        out_specs=[_row_spec(H)] * 2,
        out_shape=[jax.ShapeDtypeStruct((N, H), jnp.float32)] * 2,
    )(accm, cntm, hm1, lbm, rwm, accu, cntu, hu1, lbu, rwu)



@functools.lru_cache(maxsize=None)
def _get_mesh():
    return plsc.VectorSubcoreMesh(core_axis_name="c", subcore_axis_name="s")


CROWS = NP // 128


@functools.lru_cache(maxsize=None)
def _make_agg(with_counts):
    out_type = [jax.ShapeDtypeStruct((2 * NP, H), jnp.float32)]
    scratch = [
        pltpu.VMEM_SHARED((NP, H), jnp.float32),
        pltpu.VMEM((128,), jnp.int32),
        pltpu.VMEM((128,), jnp.int32),
        pltpu.VMEM((128,), jnp.int32),
        pltpu.VMEM((128,), jnp.int32),
        pltpu.VMEM((128, H), jnp.float32),
        pltpu.VMEM((128, H), jnp.float32),
        pltpu.SemaphoreType.DMA,
        pltpu.SemaphoreType.DMA,
        pltpu.SemaphoreType.DMA,
        pltpu.SemaphoreType.DMA,
    ]
    if with_counts:
        out_type = out_type + [
            jax.ShapeDtypeStruct((2 * CROWS, 128), jnp.float32)]
        scratch = scratch + [
            pltpu.VMEM_SHARED((CROWS, 128), jnp.float32),
            pltpu.VMEM((CROWS, 128), jnp.float32),
            pltpu.VMEM((CROWS,), jnp.int32),
        ]

    def body(p_flat, g1d, s1d, z128h, iota80h, *rest):
        if with_counts:
            (acc_o, cnt_o, acc_s, gidx0, sidx0, gidx1, sidx1, rows0, rows1,
             semg0, semg1, sems0, sems1, cnt_s, cnt_l, iota_v) = rest
        else:
            (acc_o, acc_s, gidx0, sidx0, gidx1, sidx1, rows0, rows1,
             semg0, semg1, sems0, sems1) = rest
        c = lax.axis_index("c")
        s = lax.axis_index("s")

        pltpu.sync_copy(z128h, rows0)
        for i in range(NODE_ROWS_PER_TILE // 128):
            sl = pl.ds(s * NODE_ROWS_PER_TILE + i * 128, 128)
            pltpu.sync_copy(rows0, acc_s.at[sl])
        if with_counts:
            pltpu.sync_copy(z128h.at[pl.ds(0, CROWS)], cnt_l)

            @pl.when(s < CROWS // 8)
            def _():
                pltpu.sync_copy(rows0.at[pl.ds(0, 8)],
                                cnt_s.at[pl.ds(s * 8, 8)])
            pltpu.sync_copy(iota80h, iota_v)
        plsc.subcore_barrier()

        ebase = c * EPAD + s * (EPAD // 16)
        goff = c * NP
        nch = EPAD // 16 // 128

        def load_idx(b, gb, sb):
            e0 = ebase + b * 128
            pltpu.sync_copy(g1d.at[pl.ds(e0, 128)], gb)
            pltpu.sync_copy(s1d.at[pl.ds(e0, 128)], sb)

        def count_from(sb):
            ones16 = jnp.ones((16,), jnp.float32)
            for k in range(8):
                v = sb[pl.ds(k * 16, 16)]
                plsc.addupdate_scatter(
                    cnt_l, [lax.shift_right_logical(v, 7), v & 127], ones16)

        load_idx(0, gidx0, sidx0)
        pltpu.async_copy(p_flat.at[gidx0], rows0, semg0)
        pltpu.sync_copy(z128h, rows1)
        load_idx(0, gidx1, sidx1)
        pltpu.async_copy(rows1, acc_s.at[sidx1], sems1, add=True)

        def blk2(h, carry):
            b0 = 2 * h
            pltpu.make_async_copy(rows1, acc_s.at[sidx1], sems1).wait()
            load_idx(b0 + 1, gidx1, sidx1)
            pltpu.async_copy(p_flat.at[gidx1], rows1, semg1)
            pltpu.make_async_copy(p_flat.at[gidx0], rows0, semg0).wait()
            pltpu.async_copy(rows0, acc_s.at[sidx0], sems0, add=True)
            if with_counts:
                count_from(sidx0)
            pltpu.make_async_copy(rows0, acc_s.at[sidx0], sems0).wait()
            load_idx(lax.rem(b0 + 2, nch), gidx0, sidx0)
            pltpu.async_copy(p_flat.at[gidx0], rows0, semg0)
            pltpu.make_async_copy(p_flat.at[gidx1], rows1, semg1).wait()
            pltpu.async_copy(rows1, acc_s.at[sidx1], sems1, add=True)
            if with_counts:
                count_from(sidx1)
            return carry
        lax.fori_loop(0, nch // 2, blk2, 0)
        pltpu.make_async_copy(p_flat.at[gidx0], rows0, semg0).wait()
        pltpu.make_async_copy(rows1, acc_s.at[sidx1], sems1).wait()

        if with_counts:
            pltpu.sync_copy(cnt_l, cnt_s.at[iota_v], add=True)
        plsc.subcore_barrier()
        for i in range(NODE_ROWS_PER_TILE // 128):
            r0 = s * NODE_ROWS_PER_TILE + i * 128
            pltpu.sync_copy(acc_s.at[pl.ds(r0, 128)], rows0)
            pltpu.sync_copy(rows0, acc_o.at[pl.ds(goff + r0, 128)])
        if with_counts:
            @pl.when(s < CROWS // 8)
            def _():
                pltpu.sync_copy(cnt_s.at[pl.ds(s * 8, 8)],
                                rows0.at[pl.ds(0, 8)])
                pltpu.sync_copy(rows0.at[pl.ds(0, 8)],
                                cnt_o.at[pl.ds(c * CROWS + s * 8, 8)])

    return functools.partial(
        pl.kernel, mesh=_get_mesh(), out_type=out_type,
        scratch_types=scratch,
        compiler_params=pltpu.CompilerParams(
            needs_layout_passes=False, use_tc_tiling_on_sc=False))(body)


def _dot_body(u2, m2, elu1d, elm1d, dots_o, uidx0, midx0, uidx1, midx1,
              urows0, mrows0, urows1, mrows1, outv, tbuf, semu0, semm0,
              semu1, semm1):
    c = lax.axis_index("c")
    s = lax.axis_index("s")
    wid = s * 2 + c
    nch = EPAD // 32 // 128
    base = wid * (EPAD // 32)

    def load_pair(b, ui, mi):
        e0 = base + b * 128
        pltpu.sync_copy(elu1d.at[pl.ds(e0, 128)], ui)
        pltpu.sync_copy(elm1d.at[pl.ds(e0, 128)], mi)

    def compute(ur, mr, b):
        lane = lax.iota(jnp.int32, 16)

        def grp(g, carry2):
            for t in range(16):
                e = g * 16 + t
                a = ur[e, pl.ds(0, 16)] * mr[e, pl.ds(0, 16)]
                for q in range(1, 8):
                    a = a + (ur[e, pl.ds(q * 16, 16)]
                             * mr[e, pl.ds(q * 16, 16)])
                plsc.store_scatter(
                    tbuf, [lane, jnp.full((16,), t, jnp.int32)], a)
            d = tbuf[0, pl.ds(0, 16)]
            for r in range(1, 16):
                d = d + tbuf[r, pl.ds(0, 16)]
            outv[pl.ds(g * 16, 16)] = d
            return carry2
        lax.fori_loop(0, 8, grp, 0)
        pltpu.sync_copy(outv, dots_o.at[pl.ds(base + b * 128, 128)])

    load_pair(0, uidx0, midx0)
    pltpu.async_copy(u2.at[uidx0], urows0, semu0)
    pltpu.async_copy(m2.at[midx0], mrows0, semm0)

    def blk2(h, carry):
        b0 = 2 * h
        load_pair(b0 + 1, uidx1, midx1)
        pltpu.async_copy(u2.at[uidx1], urows1, semu1)
        pltpu.async_copy(m2.at[midx1], mrows1, semm1)
        pltpu.make_async_copy(u2.at[uidx0], urows0, semu0).wait()
        pltpu.make_async_copy(m2.at[midx0], mrows0, semm0).wait()
        compute(urows0, mrows0, b0)
        load_pair(lax.rem(b0 + 2, nch), uidx0, midx0)
        pltpu.async_copy(u2.at[uidx0], urows0, semu0)
        pltpu.async_copy(m2.at[midx0], mrows0, semm0)
        pltpu.make_async_copy(u2.at[uidx1], urows1, semu1).wait()
        pltpu.make_async_copy(m2.at[midx1], mrows1, semm1).wait()
        compute(urows1, mrows1, b0 + 1)
        return carry
    lax.fori_loop(0, nch // 2, blk2, 0)
    pltpu.make_async_copy(u2.at[uidx0], urows0, semu0).wait()
    pltpu.make_async_copy(m2.at[midx0], mrows0, semm0).wait()


@functools.lru_cache(maxsize=None)
def _make_edge_dot():
    return functools.partial(
        pl.kernel, mesh=_get_mesh(),
        out_type=jax.ShapeDtypeStruct((EPAD,), jnp.float32),
        scratch_types=[
            pltpu.VMEM((128,), jnp.int32),
            pltpu.VMEM((128,), jnp.int32),
            pltpu.VMEM((128,), jnp.int32),
            pltpu.VMEM((128,), jnp.int32),
            pltpu.VMEM((128, H), jnp.float32),
            pltpu.VMEM((128, H), jnp.float32),
            pltpu.VMEM((128, H), jnp.float32),
            pltpu.VMEM((128, H), jnp.float32),
            pltpu.VMEM((128,), jnp.float32),
            pltpu.VMEM((16, 128), jnp.float32),
            pltpu.SemaphoreType.DMA,
            pltpu.SemaphoreType.DMA,
            pltpu.SemaphoreType.DMA,
            pltpu.SemaphoreType.DMA,
        ],
        compiler_params=pltpu.CompilerParams(
            needs_layout_passes=False, use_tc_tiling_on_sc=False))(_dot_body)



def _pad_rows(a):
    return jnp.pad(a, ((0, NP - N), (0, 0)))


def _pad_edges(idx):
    return jnp.concatenate([idx, jnp.full((EPAD - E,), N, jnp.int32)])


def kernel(x_user, x_movie, user_node_id, movie_node_id, edge_index,
           edge_label_index, user_lin_w, user_lin_b, movie_lin_w, movie_lin_b,
           user_emb, movie_emb, c1_um_lw, c1_um_lb, c1_um_rw, c1_mu_lw,
           c1_mu_lb, c1_mu_rw, c2_um_lw, c2_um_lb, c2_um_rw, c2_mu_lw,
           c2_mu_lb, c2_mu_rw):
    xu = jnp.pad(x_user, ((0, 0), (0, 8 - x_user.shape[1])))
    wu = jnp.pad(user_lin_w, ((0, 8 - user_lin_w.shape[0]), (0, 0)))
    xm = jnp.pad(x_movie, ((0, 0), (0, 24 - x_movie.shape[1])))
    wm = jnp.pad(movie_lin_w, ((0, 24 - movie_lin_w.shape[0]), (0, 0)))
    bu = user_lin_b.reshape(1, H)
    bm = movie_lin_b.reshape(1, H)

    hu, hm, p1um, p1mu = _encoder(xu, wu, bu, user_emb, xm, wm, bm,
                                  movie_emb, c1_um_lw, c1_mu_lw)

    srcp = _pad_edges(edge_index[0])
    dstp = _pad_edges(edge_index[1])
    z128 = jnp.zeros((128, H), jnp.float32)
    iota80 = jnp.arange(CROWS, dtype=jnp.int32)

    g1d = jnp.concatenate([srcp, dstp + NP])
    s1d = jnp.concatenate([dstp, srcp])

    acc1, cnt = _make_agg(True)(
        jnp.concatenate([_pad_rows(p1um), _pad_rows(p1mu)]),
        g1d, s1d, z128, iota80)
    acc1m, acc1u = acc1[:NP], acc1[NP:]
    cntm = cnt[:CROWS].reshape(-1)[:N, None]
    cntu = cnt[CROWS:].reshape(-1)[:N, None]

    hu1, hm1, p2um, p2mu = _combine1(
        acc1m[:N], cntm[:N], hm, c1_um_lb.reshape(1, H), c1_um_rw,
        acc1u[:N], cntu[:N], hu, c1_mu_lb.reshape(1, H), c1_mu_rw,
        c2_um_lw, c2_mu_lw)

    (acc2,) = _make_agg(False)(
        jnp.concatenate([_pad_rows(p2um), _pad_rows(p2mu)]),
        g1d, s1d, z128, iota80)
    acc2m, acc2u = acc2[:NP], acc2[NP:]

    u2, m2 = _combine2(
        acc2m[:N], cntm[:N], hm1, c2_um_lb.reshape(1, H), c2_um_rw,
        acc2u[:N], cntu[:N], hu1, c2_mu_lb.reshape(1, H), c2_mu_rw)

    elu1d = _pad_edges(edge_label_index[0])
    elm1d = _pad_edges(edge_label_index[1])
    dots = _make_edge_dot()(_pad_rows(u2), _pad_rows(m2), elu1d, elm1d)
    return dots[:E]

# --- scband reference (transcript-rebuilt; emitter-appended) ---
"""Pipeline reference for scband-model-89524298318422 (READ-ONLY COPY).

The authoritative reference and input builder live on the scoring server;
editing this copy changes nothing except your own understanding.
"""

import jax, jax.numpy as jnp
import numpy as np

N_USER = 10000
N_MOVIE = 10000
E = 320000
H = 128


def setup_inputs(seed: int = 0) -> dict:
    key = jax.random.key(seed)
    ks = jax.random.split(key, 24)

    def p(i, shape):
        return jax.random.normal(ks[i], shape, dtype=jnp.float32) * 0.05

    inp = {}
    inp["x_user"] = jax.random.normal(ks[0], (N_USER, 3), dtype=jnp.float32)
    inp["x_movie"] = jax.random.normal(ks[1], (N_MOVIE, 18), dtype=jnp.float32)
    inp["user_node_id"] = jnp.arange(N_USER, dtype=jnp.int32)
    inp["movie_node_id"] = jnp.arange(N_MOVIE, dtype=jnp.int32)
    inp["edge_index"] = jnp.stack([
        jax.random.randint(ks[2], (E,), 0, N_USER, dtype=jnp.int32),
        jax.random.randint(ks[3], (E,), 0, N_MOVIE, dtype=jnp.int32)])
    inp["edge_label_index"] = jnp.stack([
        jax.random.randint(ks[4], (E,), 0, N_USER, dtype=jnp.int32),
        jax.random.randint(ks[5], (E,), 0, N_MOVIE, dtype=jnp.int32)])
    inp["user_lin_w"] = p(6, (3, H))
    inp["user_lin_b"] = p(7, (H,))
    inp["movie_lin_w"] = p(8, (18, H))
    inp["movie_lin_b"] = p(9, (H,))
    inp["user_emb"] = p(10, (N_USER, H))
    inp["movie_emb"] = p(11, (N_MOVIE, H))
    i = 12
    for n in ["c1_um", "c1_mu", "c2_um", "c2_mu"]:
        inp[n + "_lw"] = p(i, (H, H))
        inp[n + "_lb"] = p(i + 1, (H,))
        inp[n + "_rw"] = p(i + 2, (H, H))
        i += 3
    return inp


def _sage(h_src, h_dst, src, dst, n_dst, lw, lb, rw):
    # PyG SAGEConv with mean aggregation: lin_l(mean_j x_j) + lin_r(x_i)
    msg = jnp.take(h_src, src, axis=0)
    agg = jax.ops.segment_sum(msg, dst, num_segments=n_dst)
    cnt = jax.ops.segment_sum(jnp.ones((src.shape[0],), jnp.float32), dst, num_segments=n_dst)
    agg = agg / jnp.maximum(cnt, 1.0)[:, None]
    return agg @ lw + lb + h_dst @ rw


def reference(x_user, x_movie, user_node_id, movie_node_id, edge_index, edge_label_index,
              user_lin_w, user_lin_b, movie_lin_w, movie_lin_b, user_emb, movie_emb,
              c1_um_lw, c1_um_lb, c1_um_rw, c1_mu_lw, c1_mu_lb, c1_mu_rw,
              c2_um_lw, c2_um_lb, c2_um_rw, c2_mu_lw, c2_mu_lb, c2_mu_rw):
    # input encoders: linear + learned node embedding lookup
    hu = x_user @ user_lin_w + user_lin_b + jnp.take(user_emb, user_node_id, axis=0)
    hm = x_movie @ movie_lin_w + movie_lin_b + jnp.take(movie_emb, movie_node_id, axis=0)
    src_u = edge_index[0]
    dst_m = edge_index[1]
    # hetero layer 1 (user->movie and rev movie->user), then ReLU
    m1 = _sage(hu, hm, src_u, dst_m, hm.shape[0], c1_um_lw, c1_um_lb, c1_um_rw)
    u1 = _sage(hm, hu, dst_m, src_u, hu.shape[0], c1_mu_lw, c1_mu_lb, c1_mu_rw)
    hu1 = jax.nn.relu(u1)
    hm1 = jax.nn.relu(m1)
    # hetero layer 2
    m2 = _sage(hu1, hm1, src_u, dst_m, hm1.shape[0], c2_um_lw, c2_um_lb, c2_um_rw)
    u2 = _sage(hm1, hu1, dst_m, src_u, hu1.shape[0], c2_mu_lw, c2_mu_lb, c2_mu_rw)
    # edge-level dot-product classifier
    eu = jnp.take(u2, edge_label_index[0], axis=0)
    em = jnp.take(m2, edge_label_index[1], axis=0)
    return jnp.sum(eu * em, axis=-1)

if __name__ == "__main__":
    import jax
    _d = setup_inputs()
    print(jax.jit(kernel)(*tuple(_d.values())))

</pallas_src>

<mosaic_0001>
#map = affine_map<(d0, d1) -> (0, 0)>
#map1 = affine_map<(d0, d1) -> (0)>
module attributes {stable_mosaic.version = 14 : i64} {
  func.func @_dot_body(%arg0: i32, %arg1: i32, %arg2: memref<10240x128xf32, #tpu.memory_space<hbm>>, %arg3: memref<10240x128xf32, #tpu.memory_space<hbm>>, %arg4: memref<327680xi32, #tpu.memory_space<hbm>>, %arg5: memref<327680xi32, #tpu.memory_space<hbm>>, %arg6: memref<327680xf32, #tpu.memory_space<hbm>>, %arg7: memref<128xi32, #tpu.memory_space<vmem>>, %arg8: memref<128xi32, #tpu.memory_space<vmem>>, %arg9: memref<128xi32, #tpu.memory_space<vmem>>, %arg10: memref<128xi32, #tpu.memory_space<vmem>>, %arg11: memref<128x128xf32, #tpu.memory_space<vmem>>, %arg12: memref<128x128xf32, #tpu.memory_space<vmem>>, %arg13: memref<128x128xf32, #tpu.memory_space<vmem>>, %arg14: memref<128x128xf32, #tpu.memory_space<vmem>>, %arg15: memref<128xf32, #tpu.memory_space<vmem>>, %arg16: memref<16x128xf32, #tpu.memory_space<vmem>>, %arg17: memref<!tpu.dma_semaphore, #tpu.memory_space<semaphore_mem>>, %arg18: memref<!tpu.dma_semaphore, #tpu.memory_space<semaphore_mem>>, %arg19: memref<!tpu.dma_semaphore, #tpu.memory_space<semaphore_mem>>, %arg20: memref<!tpu.dma_semaphore, #tpu.memory_space<semaphore_mem>>) attributes {dimension_semantics = [#tpu.dimension_semantics<core_parallel>, #tpu.dimension_semantics<subcore_parallel>], iteration_bounds = array<i64: 2, 16>, scalar_prefetch = 0 : i64, scratch_operands = 14 : i64, tpu.core_type = #tpu.core_type<sc_vector_subcore>, window_params = [{transform_indices = #map}, {transform_indices = #map}, {transform_indices = #map1}, {transform_indices = #map1}, {transform_indices = #map1}]} {
    %mul3A = arith.constant 2 : i32
    %mul3A_0 = arith.muli %arg1, %mul3A : i32
    %add3A = arith.addi %mul3A_0, %arg0 : i32
    %mul3A_1 = arith.constant 10240 : i32
    %mul3A_2 = arith.muli %add3A, %mul3A_1 : i32
    %add3A_3 = arith.constant 0 : i32
    %add3A_4 = arith.addi %mul3A_2, %add3A_3 : i32
    "tpu.region"() ({
      %run_scoped3A = tpu.sem_alloc : memref<!tpu.dma_semaphore, #tpu.memory_space<semaphore_mem>>
      %dma_start3A_20 = tpu.memref_slice %arg4[%add3A_4] : memref<327680xi32, #tpu.memory_space<hbm>> -> memref<128xi32, #tpu.memory_space<hbm>>
      %dma_start3A_21 = tpu.memref_slice %arg4[%add3A_4] : memref<327680xi32, #tpu.memory_space<hbm>> -> memref<128xi32, #tpu.memory_space<hbm>>
      tpu.enqueue_dma source(%dma_start3A_21 : memref<128xi32, #tpu.memory_space<hbm>>) target(%arg7 : memref<128xi32, #tpu.memory_space<vmem>>) target_semaphore(%run_scoped3A : memref<!tpu.dma_semaphore, #tpu.memory_space<semaphore_mem>>)
      %dma_wait3A_22 = tpu.memref_slice %arg4[%add3A_4] : memref<327680xi32, #tpu.memory_space<hbm>> -> memref<128xi32, #tpu.memory_space<hbm>>
      %dma_wait3A_23 = tpu.memref_slice %arg4[%add3A_4] : memref<327680xi32, #tpu.memory_space<hbm>> -> memref<128xi32, #tpu.memory_space<hbm>>
      tpu.wait_dma2 semaphore(%run_scoped3A : memref<!tpu.dma_semaphore, #tpu.memory_space<semaphore_mem>>) src(%dma_wait3A_23 : memref<128xi32, #tpu.memory_space<hbm>>) dst(%arg7 : memref<128xi32, #tpu.memory_space<vmem>>)
      tpu.yield
    }) : () -> ()
    "tpu.region"() ({
      %run_scoped3A = tpu.sem_alloc : memref<!tpu.dma_semaphore, #tpu.memory_space<semaphore_mem>>
      %dma_start3A_20 = tpu.memref_slice %arg5[%add3A_4] : memref<327680xi32, #tpu.memory_space<hbm>> -> memref<128xi32, #tpu.memory_space<hbm>>
      %dma_start3A_21 = tpu.memref_slice %arg5[%add3A_4] : memref<327680xi32, #tpu.memory_space<hbm>> -> memref<128xi32, #tpu.memory_space<hbm>>
      tpu.enqueue_dma source(%dma_start3A_21 : memref<128xi32, #tpu.memory_space<hbm>>) target(%arg8 : memref<128xi32, #tpu.memory_space<vmem>>) target_semaphore(%run_scoped3A : memref<!tpu.dma_semaphore, #tpu.memory_space<semaphore_mem>>)
      %dma_wait3A_22 = tpu.memref_slice %arg5[%add3A_4] : memref<327680xi32, #tpu.memory_space<hbm>> -> memref<128xi32, #tpu.memory_space<hbm>>
      %dma_wait3A_23 = tpu.memref_slice %arg5[%add3A_4] : memref<327680xi32, #tpu.memory_space<hbm>> -> memref<128xi32, #tpu.memory_space<hbm>>
      tpu.wait_dma2 semaphore(%run_scoped3A : memref<!tpu.dma_semaphore, #tpu.memory_space<semaphore_mem>>) src(%dma_wait3A_23 : memref<128xi32, #tpu.memory_space<hbm>>) dst(%arg8 : memref<128xi32, #tpu.memory_space<vmem>>)
      tpu.yield
    }) : () -> ()
    %dma_start3A = arith.constant 0 : i32
    %dma_start3A_5 = arith.constant 0 : i32
    %dma_start3A_6 = tpu.memref_slice %arg2[%dma_start3A, %dma_start3A_5] : memref<10240x128xf32, #tpu.memory_space<hbm>> -> memref<10240x128xf32, #tpu.memory_space<hbm>>
    tpu.enqueue_indirect_dma source(%dma_start3A_6 : memref<10240x128xf32, #tpu.memory_space<hbm>>) target(%arg11 : memref<128x128xf32, #tpu.memory_space<vmem>>) offsets(%arg7 : memref<128xi32, #tpu.memory_space<vmem>>) semaphore(%arg17 : memref<!tpu.dma_semaphore, #tpu.memory_space<semaphore_mem>>)
    %dma_start3A_7 = arith.constant 0 : i32
    %dma_start3A_8 = arith.constant 0 : i32
    %dma_start3A_9 = tpu.memref_slice %arg3[%dma_start3A_7, %dma_start3A_8] : memref<10240x128xf32, #tpu.memory_space<hbm>> -> memref<10240x128xf32, #tpu.memory_space<hbm>>
    tpu.enqueue_indirect_dma source(%dma_start3A_9 : memref<10240x128xf32, #tpu.memory_space<hbm>>) target(%arg12 : memref<128x128xf32, #tpu.memory_space<vmem>>) offsets(%arg8 : memref<128xi32, #tpu.memory_space<vmem>>) semaphore(%arg18 : memref<!tpu.dma_semaphore, #tpu.memory_space<semaphore_mem>>)
    %scan3A = arith.constant 0 : i32
    %scan3A_10 = arith.constant 0 : i32
    %scan3A_11 = arith.constant 40 : i32
    %scan3A_12 = arith.addi %scan3A_10, %scan3A_11 : i32
    %scan3A_13 = arith.constant 1 : i32
    scf.for %scan3A_20 = %scan3A_10 to %scan3A_12 step %scan3A_13  : i32 {
      %mul3A_21 = arith.constant 2 : i32
      %mul3A_22 = arith.muli %mul3A_21, %scan3A_20 : i32
      %add3A_23 = arith.constant 1 : i32
      %add3A_24 = arith.addi %mul3A_22, %add3A_23 : i32
      %mul3A_25 = arith.constant 128 : i32
      %mul3A_26 = arith.muli %add3A_24, %mul3A_25 : i32
      %add3A_27 = arith.addi %mul3A_2, %mul3A_26 : i32
      "tpu.region"() ({
        %run_scoped3A = tpu.sem_alloc : memref<!tpu.dma_semaphore, #tpu.memory_space<semaphore_mem>>
        %dma_start3A_79 = tpu.memref_slice %arg4[%add3A_27] : memref<327680xi32, #tpu.memory_space<hbm>> -> memref<128xi32, #tpu.memory_space<hbm>>
        %dma_start3A_80 = tpu.memref_slice %arg4[%add3A_27] : memref<327680xi32, #tpu.memory_space<hbm>> -> memref<128xi32, #tpu.memory_space<hbm>>
        tpu.enqueue_dma source(%dma_start3A_80 : memref<128xi32, #tpu.memory_space<hbm>>) target(%arg9 : memref<128xi32, #tpu.memory_space<vmem>>) target_semaphore(%run_scoped3A : memref<!tpu.dma_semaphore, #tpu.memory_space<semaphore_mem>>)
        %dma_wait3A_81 = tpu.memref_slice %arg4[%add3A_27] : memref<327680xi32, #tpu.memory_space<hbm>> -> memref<128xi32, #tpu.memory_space<hbm>>
        %dma_wait3A_82 = tpu.memref_slice %arg4[%add3A_27] : memref<327680xi32, #tpu.memory_space<hbm>> -> memref<128xi32, #tpu.memory_space<hbm>>
        tpu.wait_dma2 semaphore(%run_scoped3A : memref<!tpu.dma_semaphore, #tpu.memory_space<semaphore_mem>>) src(%dma_wait3A_82 : memref<128xi32, #tpu.memory_space<hbm>>) dst(%arg9 : memref<128xi32, #tpu.memory_space<vmem>>)
        tpu.yield
      }) : () -> ()
      "tpu.region"() ({
        %run_scoped3A = tpu.sem_alloc : memref<!tpu.dma_semaphore, #tpu.memory_space<semaphore_mem>>
        %dma_start3A_79 = tpu.memref_slice %arg5[%add3A_27] : memref<327680xi32, #tpu.memory_space<hbm>> -> memref<128xi32, #tpu.memory_space<hbm>>
        %dma_start3A_80 = tpu.memref_slice %arg5[%add3A_27] : memref<327680xi32, #tpu.memory_space<hbm>> -> memref<128xi32, #tpu.memory_space<hbm>>
        tpu.enqueue_dma source(%dma_start3A_80 : memref<128xi32, #tpu.memory_space<hbm>>) target(%arg10 : memref<128xi32, #tpu.memory_space<vmem>>) target_semaphore(%run_scoped3A : memref<!tpu.dma_semaphore, #tpu.memory_space<semaphore_mem>>)
        %dma_wait3A_81 = tpu.memref_slice %arg5[%add3A_27] : memref<327680xi32, #tpu.memory_space<hbm>> -> memref<128xi32, #tpu.memory_space<hbm>>
        %dma_wait3A_82 = tpu.memref_slice %arg5[%add3A_27] : memref<327680xi32, #tpu.memory_space<hbm>> -> memref<128xi32, #tpu.memory_space<hbm>>
        tpu.wait_dma2 semaphore(%run_scoped3A : memref<!tpu.dma_semaphore, #tpu.memory_space<semaphore_mem>>) src(%dma_wait3A_82 : memref<128xi32, #tpu.memory_space<hbm>>) dst(%arg10 : memref<128xi32, #tpu.memory_space<vmem>>)
        tpu.yield
      }) : () -> ()
      %dma_start3A_28 = arith.constant 0 : i32
      %dma_start3A_29 = arith.constant 0 : i32
      %dma_start3A_30 = tpu.memref_slice %arg2[%dma_start3A_28, %dma_start3A_29] : memref<10240x128xf32, #tpu.memory_space<hbm>> -> memref<10240x128xf32, #tpu.memory_space<hbm>>
      tpu.enqueue_indirect_dma source(%dma_start3A_30 : memref<10240x128xf32, #tpu.memory_space<hbm>>) target(%arg13 : memref<128x128xf32, #tpu.memory_space<vmem>>) offsets(%arg9 : memref<128xi32, #tpu.memory_space<vmem>>) semaphore(%arg19 : memref<!tpu.dma_semaphore, #tpu.memory_space<semaphore_mem>>)
      %dma_start3A_31 = arith.constant 0 : i32
      %dma_start3A_32 = arith.constant 0 : i32
      %dma_start3A_33 = tpu.memref_slice %arg3[%dma_start3A_31, %dma_start3A_32] : memref<10240x128xf32, #tpu.memory_space<hbm>> -> memref<10240x128xf32, #tpu.memory_space<hbm>>
      tpu.enqueue_indirect_dma source(%dma_start3A_33 : memref<10240x128xf32, #tpu.memory_space<hbm>>) target(%arg14 : memref<128x128xf32, #tpu.memory_space<vmem>>) offsets(%arg10 : memref<128xi32, #tpu.memory_space<vmem>>) semaphore(%arg20 : memref<!tpu.dma_semaphore, #tpu.memory_space<semaphore_mem>>)
      %dma_wait3A_34 = arith.constant 0 : i32
      %dma_wait3A_35 = arith.constant 0 : i32
      %dma_wait3A_36 = tpu.memref_slice %arg2[%dma_wait3A_34, %dma_wait3A_35] : memref<10240x128xf32, #tpu.memory_space<hbm>> -> memref<10240x128xf32, #tpu.memory_space<hbm>>
      tpu.wait_indirect_dma semaphore(%arg17 : memref<!tpu.dma_semaphore, #tpu.memory_space<semaphore_mem>>) src(%dma_wait3A_36 : memref<10240x128xf32, #tpu.memory_space<hbm>>) dst(%arg11 : memref<128x128xf32, #tpu.memory_space<vmem>>)
      %dma_wait3A_37 = arith.constant 0 : i32
      %dma_wait3A_38 = arith.constant 0 : i32
      %dma_wait3A_39 = tpu.memref_slice %arg3[%dma_wait3A_37, %dma_wait3A_38] : memref<10240x128xf32, #tpu.memory_space<hbm>> -> memref<10240x128xf32, #tpu.memory_space<hbm>>
      tpu.wait_indirect_dma semaphore(%arg18 : memref<!tpu.dma_semaphore, #tpu.memory_space<semaphore_mem>>) src(%dma_wait3A_39 : memref<10240x128xf32, #tpu.memory_space<hbm>>) dst(%arg12 : memref<128x128xf32, #tpu.memory_space<vmem>>)
      %iota3A = tpu.iota {dimensions = array<i32: 0>} : vector<16xi32>
      %scan3A_40 = arith.constant 0 : i32
      %scan3A_41 = arith.constant 0 : i32
      %scan3A_42 = arith.constant 8 : i32
      %scan3A_43 = arith.addi %scan3A_41, %scan3A_42 : i32
      %scan3A_44 = arith.constant 1 : i32
      scf.for %scan3A_79 = %scan3A_41 to %scan3A_43 step %scan3A_44  : i32 {
        %mul3A_80 = arith.constant 16 : i32
        %mul3A_81 = arith.muli %scan3A_79, %mul3A_80 : i32
        %add3A_82 = arith.constant 0 : i32
        %add3A_83 = arith.addi %mul3A_81, %add3A_82 : i32
        %get3A = arith.index_cast %add3A_83 : i32 to index
        %get3A_84 = arith.constant 0 : index
        %get3A_85 = tpu.vector_load %arg11[%get3A, %get3A_84] {strides = array<i32>} : memref<128x128xf32, #tpu.memory_space<vmem>>, vector<16xf32>,
        %get3A_86 = arith.index_cast %add3A_83 : i32 to index
        %get3A_87 = arith.constant 0 : index
        %get3A_88 = tpu.vector_load %arg12[%get3A_86, %get3A_87] {strides = array<i32>} : memref<128x128xf32, #tpu.memory_space<vmem>>, vector<16xf32>,
        %mul3A_89 = arith.mulf %get3A_85, %get3A_88 : vector<16xf32>
        %get3A_90 = arith.index_cast %add3A_83 : i32 to index
        %get3A_91 = arith.constant 16 : index
        %get3A_92 = tpu.vector_load %arg11[%get3A_90, %get3A_91] {strides = array<i32>} : memref<128x128xf32, #tpu.memory_space<vmem>>, vector<16xf32>,
        %get3A_93 = arith.index_cast %add3A_83 : i32 to index
        %get3A_94 = arith.constant 16 : index
        %get3A_95 = tpu.vector_load %arg12[%get3A_93, %get3A_94] {strides = array<i32>} : memref<128x128xf32, #tpu.memory_space<vmem>>, vector<16xf32>,
        %mul3A_96 = arith.mulf %get3A_92, %get3A_95 : vector<16xf32>
        %add3A_97 = arith.addf %mul3A_89, %mul3A_96 : vector<16xf32>
        %get3A_98 = arith.index_cast %add3A_83 : i32 to index
        %get3A_99 = arith.constant 32 : index
        %get3A_100 = tpu.vector_load %arg11[%get3A_98, %get3A_99] {strides = array<i32>} : memref<128x128xf32, #tpu.memory_space<vmem>>, vector<16xf32>,
        %get3A_101 = arith.index_cast %add3A_83 : i32 to index
        %get3A_102 = arith.constant 32 : index
        %get3A_103 = tpu.vector_load %arg12[%get3A_101, %get3A_102] {strides = array<i32>} : memref<128x128xf32, #tpu.memory_space<vmem>>, vector<16xf32>,
        %mul3A_104 = arith.mulf %get3A_100, %get3A_103 : vector<16xf32>
        %add3A_105 = arith.addf %add3A_97, %mul3A_104 : vector<16xf32>
        %get3A_106 = arith.index_cast %add3A_83 : i32 to index
        %get3A_107 = arith.constant 48 : index
        %get3A_108 = tpu.vector_load %arg11[%get3A_106, %get3A_107] {strides = array<i32>} : memref<128x128xf32, #tpu.memory_space<vmem>>, vector<16xf32>,
        %get3A_109 = arith.index_cast %add3A_83 : i32 to index
        %get3A_110 = arith.constant 48 : index
        %get3A_111 = tpu.vector_load %arg12[%get3A_109, %get3A_110] {strides = array<i32>} : memref<128x128xf32, #tpu.memory_space<vmem>>, vector<16xf32>,
        %mul3A_112 = arith.mulf %get3A_108, %get3A_111 : vector<16xf32>
        %add3A_113 = arith.addf %add3A_105, %mul3A_112 : vector<16xf32>
        %get3A_114 = arith.index_cast %add3A_83 : i32 to index
        %get3A_115 = arith.constant 64 : index
        %get3A_116 = tpu.vector_load %arg11[%get3A_114, %get3A_115] {strides = array<i32>} : memref<128x128xf32, #tpu.memory_space<vmem>>, vector<16xf32>,
        %get3A_117 = arith.index_cast %add3A_83 : i32 to index
        %get3A_118 = arith.constant 64 : index
        %get3A_119 = tpu.vector_load %arg12[%get3A_117, %get3A_118] {strides = array<i32>} : memref<128x128xf32, #tpu.memory_space<vmem>>, vector<16xf32>,
        %mul3A_120 = arith.mulf %get3A_116, %get3A_119 : vector<16xf32>
        %add3A_121 = arith.addf %add3A_113, %mul3A_120 : vector<16xf32>
        %get3A_122 = arith.index_cast %add3A_83 : i32 to index
        %get3A_123 = arith.constant 80 : index
        %get3A_124 = tpu.vector_load %arg11[%get3A_122, %get3A_123] {strides = array<i32>} : memref<128x128xf32, #tpu.memory_space<vmem>>, vector<16xf32>,
        %get3A_125 = arith.index_cast %add3A_83 : i32 to index
        %get3A_126 = arith.constant 80 : index
        %get3A_127 = tpu.vector_load %arg12[%get3A_125, %get3A_126] {strides = array<i32>} : memref<128x128xf32, #tpu.memory_space<vmem>>, vector<16xf32>,
        %mul3A_128 = arith.mulf %get3A_124, %get3A_127 : vector<16xf32>
        %add3A_129 = arith.addf %add3A_121, %mul3A_128 : vector<16xf32>
        %get3A_130 = arith.index_cast %add3A_83 : i32 to index
        %get3A_131 = arith.constant 96 : index
        %get3A_132 = tpu.vector_load %arg11[%get3A_130, %get3A_131] {strides = array<i32>} : memref<128x128xf32, #tpu.memory_space<vmem>>, vector<16xf32>,
        %get3A_133 = arith.index_cast %add3A_83 : i32 to index
        %get3A_134 = arith.constant 96 : index
        %get3A_135 = tpu.vector_load %arg12[%get3A_133, %get3A_134] {strides = array<i32>} : memref<128x128xf32, #tpu.memory_space<vmem>>, vector<16xf32>,
        %mul3A_136 = arith.mulf %get3A_132, %get3A_135 : vector<16xf32>
        %add3A_137 = arith.addf %add3A_129, %mul3A_136 : vector<16xf32>
        %get3A_138 = arith.index_cast %add3A_83 : i32 to index
        %get3A_139 = arith.constant 112 : index
        %get3A_140 = tpu.vector_load %arg11[%get3A_138, %get3A_139] {strides = array<i32>} : memref<128x128xf32, #tpu.memory_space<vmem>>, vector<16xf32>,
        %get3A_141 = arith.index_cast %add3A_83 : i32 to index
        %get3A_142 = arith.constant 112 : index
        %get3A_143 = tpu.vector_load %arg12[%get3A_141, %get3A_142] {strides = array<i32>} : memref<128x128xf32, #tpu.memory_space<vmem>>, vector<16xf32>,
        %mul3A_144 = arith.mulf %get3A_140, %get3A_143 : vector<16xf32>
        %add3A_145 = arith.addf %add3A_137, %mul3A_144 : vector<16xf32>
        %broadcast_in_dim3A = arith.constant 0 : i32
        %broadcast_in_dim3A_146 = vector.broadcast %broadcast_in_dim3A : i32 to vector<16xi32>
        tpu.vector_store_idx %arg16[%iota3A, %broadcast_in_dim3A_146], %add3A_145 : memref<16x128xf32, #tpu.memory_space<vmem>>[vector<16xi32>, vector<16xi32>], vector<16xf32>,
        %mul3A_147 = arith.constant 16 : i32
        %mul3A_148 = arith.muli %scan3A_79, %mul3A_147 : i32
        %add3A_149 = arith.constant 1 : i32
        %add3A_150 = arith.addi %mul3A_148, %add3A_149 : i32
        %get3A_151 = arith.index_cast %add3A_150 : i32 to index
        %get3A_152 = arith.constant 0 : index
        %get3A_153 = tpu.vector_load %arg11[%get3A_151, %get3A_152] {strides = array<i32>} : memref<128x128xf32, #tpu.memory_space<vmem>>, vector<16xf32>,
        %get3A_154 = arith.index_cast %add3A_150 : i32 to index
        %get3A_155 = arith.constant 0 : index
        %get3A_156 = tpu.vector_load %arg12[%get3A_154, %get3A_155] {strides = array<i32>} : memref<128x128xf32, #tpu.memory_space<vmem>>, vector<16xf32>,
        %mul3A_157 = arith.mulf %get3A_153, %get3A_156 : vector<16xf32>
        %get3A_158 = arith.index_cast %add3A_150 : i32 to index
        %get3A_159 = arith.constant 16 : index
        %get3A_160 = tpu.vector_load %arg11[%get3A_158, %get3A_159] {strides = array<i32>} : memref<128x128xf32, #tpu.memory_space<vmem>>, vector<16xf32>,
        %get3A_161 = arith.index_cast %add3A_150 : i32 to index
        %get3A_162 = arith.constant 16 : index
        %get3A_163 = tpu.vector_load %arg12[%get3A_161, %get3A_162] {strides = array<i32>} : memref<128x128xf32, #tpu.memory_space<vmem>>, vector<16xf32>,
        %mul3A_164 = arith.mulf %get3A_160, %get3A_163 : vector<16xf32>
        %add3A_165 = arith.addf %mul3A_157, %mul3A_164 : vector<16xf32>
        %get3A_166 = arith.index_cast %add3A_150 : i32 to index
        %get3A_167 = arith.constant 32 : index
        %get3A_168 = tpu.vector_load %arg11[%get3A_166, %get3A_167] {strides = array<i32>} : memref<128x128xf32, #tpu.memory_space<vmem>>, vector<16xf32>,
        %get3A_169 = arith.index_cast %add3A_150 : i32 to index
        %get3A_170 = arith.constant 32 : index
        %get3A_171 = tpu.vector_load %arg12[%get3A_169, %get3A_170] {strides = array<i32>} : memref<128x128xf32, #tpu.memory_space<vmem>>, vector<16xf32>,
        %mul3A_172 = arith.mulf %get3A_168, %get3A_171 : vector<16xf32>
        %add3A_173 = arith.addf %add3A_165, %mul3A_172 : vector<16xf32>
        %get3A_174 = arith.index_cast %add3A_150 : i32 to index
        %get3A_175 = arith.constant 48 : index
        %get3A_176 = tpu.vector_load %arg11[%get3A_174, %get3A_175] {strides = array<i32>} : memref<128x128xf32, #tpu.memory_space<vmem>>, vector<16xf32>,
        %get3A_177 = arith.index_cast %add3A_150 : i32 to index
        %get3A_178 = arith.constant 48 : index
        %get3A_179 = tpu.vector_load %arg12[%get3A_177, %get3A_178] {strides = array<i32>} : memref<128x128xf32, #tpu.memory_space<vmem>>, vector<16xf32>,
        %mul3A_180 = arith.mulf %get3A_176, %get3A_179 : vector<16xf32>
        %add3A_181 = arith.addf %add3A_173, %mul3A_180 : vector<16xf32>
        %get3A_182 = arith.index_cast %add3A_150 : i32 to index
        %get3A_183 = arith.constant 64 : index
        %get3A_184 = tpu.vector_load %arg11[%get3A_182, %get3A_183] {strides = array<i32>} : memref<128x128xf32, #tpu.memory_space<vmem>>, vector<16xf32>,
        %get3A_185 = arith.index_cast %add3A_150 : i32 to index
        %get3A_186 = arith.constant 64 : index
        %get3A_187 = tpu.vector_load %arg12[%get3A_185, %get3A_186] {strides = array<i32>} : memref<128x128xf32, #tpu.memory_space<vmem>>, vector<16xf32>,
        %mul3A_188 = arith.mulf %get3A_184, %get3A_187 : vector<16xf32>
        %add3A_189 = arith.addf %add3A_181, %mul3A_188 : vector<16xf32>
        %get3A_190 = arith.index_cast %add3A_150 : i32 to index
        %get3A_191 = arith.constant 80 : index
        %get3A_192 = tpu.vector_load %arg11[%get3A_190, %get3A_191] {strides = array<i32>} : memref<128x128xf32, #tpu.memory_space<vmem>>, vector<16xf32>,
        %get3A_193 = arith.index_cast %add3A_150 : i32 to index
        %get3A_194 = arith.constant 80 : index
        %get3A_195 = tpu.vector_load %arg12[%get3A_193, %get3A_194] {strides = array<i32>} : memref<128x128xf32, #tpu.memory_space<vmem>>, vector<16xf32>,
        %mul3A_196 = arith.mulf %get3A_192, %get3A_195 : vector<16xf32>
        %add3A_197 = arith.addf %add3A_189, %mul3A_196 : vector<16xf32>
        %get3A_198 = arith.index_cast %add3A_150 : i32 to index
        %get3A_199 = arith.constant 96 : index
        %get3A_200 = tpu.vector_load %arg11[%get3A_198, %get3A_199] {strides = array<i32>} : memref<128x128xf32, #tpu.memory_space<vmem>>, vector<16xf32>,
        %get3A_201 = arith.index_cast %add3A_150 : i32 to index
        %get3A_202 = arith.constant 96 : index
        %get3A_203 = tpu.vector_load %arg12[%get3A_201, %get3A_202] {strides = array<i32>} : memref<128x128xf32, #tpu.memory_space<vmem>>, vector<16xf32>,
        %mul3A_204 = arith.mulf %get3A_200, %get3A_203 : vector<16xf32>
        %add3A_205 = arith.addf %add3A_197, %mul3A_204 : vector<16xf32>
        %get3A_206 = arith.index_cast %add3A_150 : i32 to index
        %get3A_207 = arith.constant 112 : index
        %get3A_208 = tpu.vector_load %arg11[%get3A_206, %get3A_207] {strides = array<i32>} : memref<128x128xf32, #tpu.memory_space<vmem>>, vector<16xf32>,
        %get3A_209 = arith.index_cast %add3A_150 : i32 to index
        %get3A_210 = arith.constant 112 : index
        %get3A_211 = tpu.vector_load %arg12[%get3A_209, %get3A_210] {strides = array<i32>} : memref<128x128xf32, #tpu.memory_space<vmem>>, vector<16xf32>,
        %mul3A_212 = arith.mulf %get3A_208, %get3A_211 : vector<16xf32>
        %add3A_213 = arith.addf %add3A_205, %mul3A_212 : vector<16xf32>
        %broadcast_in_dim3A_214 = arith.constant 1 : i32
        %broadcast_in_dim3A_215 = vector.broadcast %broadcast_in_dim3A_214 : i32 to vector<16xi32>
        tpu.vector_store_idx %arg16[%iota3A, %broadcast_in_dim3A_215], %add3A_213 : memref<16x128xf32, #tpu.memory_space<vmem>>[vector<16xi32>, vector<16xi32>], vector<16xf32>,
        %mul3A_216 = arith.constant 16 : i32
        %mul3A_217 = arith.muli %scan3A_79, %mul3A_216 : i32
        %add3A_218 = arith.constant 2 : i32
        %add3A_219 = arith.addi %mul3A_217, %add3A_218 : i32
        %get3A_220 = arith.index_cast %add3A_219 : i32 to index
        %get3A_221 = arith.constant 0 : index
        %get3A_222 = tpu.vector_load %arg11[%get3A_220, %get3A_221] {strides = array<i32>} : memref<128x128xf32, #tpu.memory_space<vmem>>, vector<16xf32>,
        %get3A_223 = arith.index_cast %add3A_219 : i32 to index
        %get3A_224 = arith.constant 0 : index
        %get3A_225 = tpu.vector_load %arg12[%get3A_223, %get3A_224] {strides = array<i32>} : memref<128x128xf32, #tpu.memory_space<vmem>>, vector<16xf32>,
        %mul3A_226 = arith.mulf %get3A_222, %get3A_225 : vector<16xf32>
        %get3A_227 = arith.index_cast %add3A_219 : i32 to index
        %get3A_228 = arith.constant 16 : index
        %get3A_229 = tpu.vector_load %arg11[%get3A_227, %get3A_228] {strides = array<i32>} : memref<128x128xf32, #tpu.memory_space<vmem>>, vector<16xf32>,
        %get3A_230 = arith.index_cast %add3A_219 : i32 to index
        %get3A_231 = arith.constant 16 : index
        %get3A_232 = tpu.vector_load %arg12[%get3A_230, %get3A_231] {strides = array<i32>} : memref<128x128xf32, #tpu.memory_space<vmem>>, vector<16xf32>,
        %mul3A_233 = arith.mulf %get3A_229, %get3A_232 : vector<16xf32>
        %add3A_234 = arith.addf %mul3A_226, %mul3A_233 : vector<16xf32>
        %get3A_235 = arith.index_cast %add3A_219 : i32 to index
        %get3A_236 = arith.constant 32 : index
        %get3A_237 = tpu.vector_load %arg11[%get3A_235, %get3A_236] {strides = array<i32>} : memref<128x128xf32, #tpu.memory_space<vmem>>, vector<16xf32>,
        %get3A_238 = arith.index_cast %add3A_219 : i32 to index
        %get3A_239 = arith.constant 32 : index
        %get3A_240 = tpu.vector_load %arg12[%get3A_238, %get3A_239] {strides = array<i32>} : memref<128x128xf32, #tpu.memory_space<vmem>>, vector<16xf32>,
        %mul3A_241 = arith.mulf %get3A_237, %get3A_240 : vector<16xf32>
        %add3A_242 = arith.addf %add3A_234, %mul3A_241 : vector<16xf32>
        %get3A_243 = arith.index_cast %add3A_219 : i32 to index
        %get3A_244 = arith.constant 48 : index
        %get3A_245 = tpu.vector_load %arg11[%get3A_243, %get3A_244] {strides = array<i32>} : memref<128x128xf32, #tpu.memory_space<vmem>>, vector<16xf32>,
        %get3A_246 = arith.index_cast %add3A_219 : i32 to index
        %get3A_247 = arith.constant 48 : index
        %get3A_248 = tpu.vector_load %arg12[%get3A_246, %get3A_247] {strides = array<i32>} : memref<128x128xf32, #tpu.memory_space<vmem>>, vector<16xf32>,
        %mul3A_249 = arith.mulf %get3A_245, %get3A_248 : vector<16xf32>
        %add3A_250 = arith.addf %add3A_242, %mul3A_249 : vector<16xf32>
        %get3A_251 = arith.index_cast %add3A_219 : i32 to index
        %get3A_252 = arith.constant 64 : index
        %get3A_253 = tpu.vector_load %arg11[%get3A_251, %get3A_252] {strides = array<i32>} : memref<128x128xf32, #tpu.memory_space<vmem>>, vector<16xf32>,
        %get3A_254 = arith.index_cast %add3A_219 : i32 to index
        %get3A_255 = arith.constant 64 : index
        %get3A_256 = tpu.vector_load %arg12[%get3A_254, %get3A_255] {strides = array<i32>} : memref<128x128xf32, #tpu.memory_space<vmem>>, vector<16xf32>,
        %mul3A_257 = arith.mulf %get3A_253, %get3A_256 : vector<16xf32>
        %add3A_258 = arith.addf %add3A_250, %mul3A_257 : vector<16xf32>
        %get3A_259 = arith.index_cast %add3A_219 : i32 to index
        %get3A_260 = arith.constant 80 : index
        %get3A_261 = tpu.vector_load %arg11[%get3A_259, %get3A_260] {strides = array<i32>} : memref<128x128xf32, #tpu.memory_space<vmem>>, vector<16xf32>,
        %get3A_262 = arith.index_cast %add3A_219 : i32 to index
        %get3A_263 = arith.constant 80 : index
        %get3A_264 = tpu.vector_load %arg12[%get3A_262, %get3A_263] {strides = array<i32>} : memref<128x128xf32, #tpu.memory_space<vmem>>, vector<16xf32>,
        %mul3A_265 = arith.mulf %get3A_261, %get3A_264 : vector<16xf32>
        %add3A_266 = arith.addf %add3A_258, %mul3A_265 : vector<16xf32>
        %get3A_267 = arith.index_cast %add3A_219 : i32 to index
        %get3A_268 = arith.constant 96 : index
        %get3A_269 = tpu.vector_load %arg11[%get3A_267, %get3A_268] {strides = array<i32>} : memref<128x128xf32, #tpu.memory_space<vmem>>, vector<16xf32>,
        %get3A_270 = arith.index_cast %add3A_219 : i32 to index
        %get3A_271 = arith.constant 96 : index
        %get3A_272 = tpu.vector_load %arg12[%get3A_270, %get3A_271] {strides = array<i32>} : memref<128x128xf32, #tpu.memory_space<vmem>>, vector<16xf32>,
        %mul3A_273 = arith.mulf %get3A_269, %get3A_272 : vector<16xf32>
        %add3A_274 = arith.addf %add3A_266, %mul3A_273 : vector<16xf32>
        %get3A_275 = arith.index_cast %add3A_219 : i32 to index
        %get3A_276 = arith.constant 112 : index
        %get3A_277 = tpu.vector_load %arg11[%get3A_275, %get3A_276] {strides = array<i32>} : memref<128x128xf32, #tpu.memory_space<vmem>>, vector<16xf32>,
        %get3A_278 = arith.index_cast %add3A_219 : i32 to index
        %get3A_279 = arith.constant 112 : index
        %get3A_280 = tpu.vector_load %arg12[%get3A_278, %get3A_279] {strides = array<i32>} : memref<128x128xf32, #tpu.memory_space<vmem>>, vector<16xf32>,
        %mul3A_281 = arith.mulf %get3A_277, %get3A_280 : vector<16xf32>
        %add3A_282 = arith.addf %add3A_274, %mul3A_281 : vector<16xf32>
        %broadcast_in_dim3A_283 = arith.constant 2 : i32
        %broadcast_in_dim3A_284 = vector.broadcast %broadcast_in_dim3A_283 : i32 to vector<16xi32>
        tpu.vector_store_idx %arg16[%iota3A, %broadcast_in_dim3A_284], %add3A_282 : memref<16x128xf32, #tpu.memory_space<vmem>>[vector<16xi32>, vector<16xi32>], vector<16xf32>,
        %mul3A_285 = arith.constant 16 : i32
        %mul3A_286 = arith.muli %scan3A_79, %mul3A_285 : i32
        %add3A_287 = arith.constant 3 : i32
        %add3A_288 = arith.addi %mul3A_286, %add3A_287 : i32
        %get3A_289 = arith.index_cast %add3A_288 : i32 to index
        %get3A_290 = arith.constant 0 : index
        %get3A_291 = tpu.vector_load %arg11[%get3A_289, %get3A_290] {strides = array<i32>} : memref<128x128xf32, #tpu.memory_space<vmem>>, vector<16xf32>,
        %get3A_292 = arith.index_cast %add3A_288 : i32 to index
        %get3A_293 = arith.constant 0 : index
        %get3A_294 = tpu.vector_load %arg12[%get3A_292, %get3A_293] {strides = array<i32>} : memref<128x128xf32, #tpu.memory_space<vmem>>, vector<16xf32>,
        %mul3A_295 = arith.mulf %get3A_291, %get3A_294 : vector<16xf32>
        %get3A_296 = arith.index_cast %add3A_288 : i32 to index
        %get3A_297 = arith.constant 16 : index
        %get3A_298 = tpu.vector_load %arg11[%get3A_296, %get3A_297] {strides = array<i32>} : memref<128x128xf32, #tpu.memory_space<vmem>>, vector<16xf32>,
        %get3A_299 = arith.index_cast %add3A_288 : i32 to index
        %get3A_300 = arith.constant 16 : index
        %get3A_301 = tpu.vector_load %arg12[%get3A_299, %get3A_300] {strides = array<i32>} : memref<128x128xf32, #tpu.memory_space<vmem>>, vector<16xf32>,
        %mul3A_302 = arith.mulf %get3A_298, %get3A_301 : vector<16xf32>
        %add3A_303 = arith.addf %mul3A_295, %mul3A_302 : vector<16xf32>
        %get3A_304 = arith.index_cast %add3A_288 : i32 to index
        %get3A_305 = arith.constant 32 : index
        %get3A_306 = tpu.vector_load %arg11[%get3A_304, %get3A_305] {strides = array<i32>} : memref<128x128xf32, #tpu.memory_space<vmem>>, vector<16xf32>,
        %get3A_307 = arith.index_cast %add3A_288 : i32 to index
        %get3A_308 = arith.constant 32 : index
        %get3A_309 = tpu.vector_load %arg12[%get3A_307, %get3A_308] {strides = array<i32>} : memref<128x128xf32, #tpu.memory_space<vmem>>, vector<16xf32>,
        %mul3A_310 = arith.mulf %get3A_306, %get3A_309 : vector<16xf32>
        %add3A_311 = arith.addf %add3A_303, %mul3A_310 : vector<16xf32>
        %get3A_312 = arith.index_cast %add3A_288 : i32 to index
        %get3A_313 = arith.constant 48 : index
        %get3A_314 = tpu.vector_load %arg11[%get3A_312, %get3A_313] {strides = array<i32>} : memref<128x128xf32, #tpu.memory_space<vmem>>, vector<16xf32>,
        %get3A_315 = arith.index_cast %add3A_288 : i32 to index
        %get3A_316 = arith.constant 48 : index
        %get3A_317 = tpu.vector_load %arg12[%get3A_315, %get3A_316] {strides = array<i32>} : memref<128x128xf32, #tpu.memory_space<vmem>>, vector<16xf32>,
        %mul3A_318 = arith.mulf %get3A_314, %get3A_317 : vector<16xf32>
        %add3A_319 = arith.addf %add3A_311, %mul3A_318 : vector<16xf32>
        %get3A_320 = arith.index_cast %add3A_288 : i32 to index
        %get3A_321 = arith.constant 64 : index
        %get3A_322 = tpu.vector_load %arg11[%get3A_320, %get3A_321] {strides = array<i32>} : memref<128x128xf32, #tpu.memory_space<vmem>>, vector<16xf32>,
        %get3A_323 = arith.index_cast %add3A_288 : i32 to index
        %get3A_324 = arith.constant 64 : index
        %get3A_325 = tpu.vector_load %arg12[%get3A_323, %get3A_324] {strides = array<i32>} : memref<128x128xf32, #tpu.memory_space<vmem>>, vector<16xf32>,
        %mul3A_326 = arith.mulf %get3A_322, %get3A_325 : vector<16xf32>
        %add3A_327 = arith.addf %add3A_319, %mul3A_326 : vector<16xf32>
        %get3A_328 = arith.index_cast %add3A_288 : i32 to index
        %get3A_329 = arith.constant 80 : index
        %get3A_330 = tpu.vector_load %arg11[%get3A_328, %get3A_329] {strides = array<i32>} : memref<128x128xf32, #tpu.memory_space<vmem>>, vector<16xf32>,
        %get3A_331 = arith.index_cast %add3A_288 : i32 to index
        %get3A_332 = arith.constant 80 : index
        %get3A_333 = tpu.vector_load %arg12[%get3A_331, %get3A_332] {strides = array<i32>} : memref<128x128xf32, #tpu.memory_space<vmem>>, vector<16xf32>,
        %mul3A_334 = arith.mulf %get3A_330, %get3A_333 : vector<16xf32>
        %add3A_335 = arith.addf %add3A_327, %mul3A_334 : vector<16xf32>
        %get3A_336 = arith.index_cast %add3A_288 : i32 to index
        %get3A_337 = arith.constant 96 : index
        %get3A_338 = tpu.vector_load %arg11[%get3A_336, %get3A_337] {strides = array<i32>} : memref<128x128xf32, #tpu.memory_space<vmem>>, vector<16xf32>,
        %get3A_339 = arith.index_cast %add3A_288 : i32 to index
        %get3A_340 = arith.constant 96 : index
        %get3A_341 = tpu.vector_load %arg12[%get3A_339, %get3A_340] {strides = array<i32>} : memref<128x128xf32, #tpu.memory_space<vmem>>, vector<16xf32>,
        %mul3A_342 = arith.mulf %get3A_338, %get3A_341 : vector<16xf32>
        %add3A_343 = arith.addf %add3A_335, %mul3A_342 : vector<16xf32>
        %get3A_344 = arith.index_cast %add3A_288 : i32 to index
        %get3A_345 = arith.constant 112 : index
        %get3A_346 = tpu.vector_load %arg11[%get3A_344, %get3A_345] {strides = array<i32>} : memref<128x128xf32, #tpu.memory_space<vmem>>, vector<16xf32>,
        %get3A_347 = arith.index_cast %add3A_288 : i32 to index
        %get3A_348 = arith.constant 112 : index
        %get3A_349 = tpu.vector_load %arg12[%get3A_347, %get3A_348] {strides = array<i32>} : memref<128x128xf32, #tpu.memory_space<vmem>>, vector<16xf32>,
        %mul3A_350 = arith.mulf %get3A_346, %get3A_349 : vector<16xf32>
        %add3A_351 = arith.addf %add3A_343, %mul3A_350 : vector<16xf32>
        %broadcast_in_dim3A_352 = arith.constant 3 : i32
        %broadcast_in_dim3A_353 = vector.broadcast %broadcast_in_dim3A_352 : i32 to vector<16xi32>
        tpu.vector_store_idx %arg16[%iota3A, %broadcast_in_dim3A_353], %add3A_351 : memref<16x128xf32, #tpu.memory_space<vmem>>[vector<16xi32>, vector<16xi32>], vector<16xf32>,
        %mul3A_354 = arith.constant 16 : i32
        %mul3A_355 = arith.muli %scan3A_79, %mul3A_354 : i32
        %add3A_356 = arith.constant 4 : i32
        %add3A_357 = arith.addi %mul3A_355, %add3A_356 : i32
        %get3A_358 = arith.index_cast %add3A_357 : i32 to index
        %get3A_359 = arith.constant 0 : index
        %get3A_360 = tpu.vector_load %arg11[%get3A_358, %get3A_359] {strides = array<i32>} : memref<128x128xf32, #tpu.memory_space<vmem>>, vector<16xf32>,
        %get3A_361 = arith.index_cast %add3A_357 : i32 to index
        %get3A_362 = arith.constant 0 : index
        %get3A_363 = tpu.vector_load %arg12[%get3A_361, %get3A_362] {strides = array<i32>} : memref<128x128xf32, #tpu.memory_space<vmem>>, vector<16xf32>,
        %mul3A_364 = arith.mulf %get3A_360, %get3A_363 : vector<16xf32>
        %get3A_365 = arith.index_cast %add3A_357 : i32 to index
        %get3A_366 = arith.constant 16 : index
        %get3A_367 = tpu.vector_load %arg11[%get3A_365, %get3A_366] {strides = array<i32>} : memref<128x128xf32, #tpu.memory_space<vmem>>, vector<16xf32>,
        %get3A_368 = arith.index_cast %add3A_357 : i32 to index
        %get3A_369 = arith.constant 16 : index
        %get3A_370 = tpu.vector_load %arg12[%get3A_368, %get3A_369] {strides = array<i32>} : memref<128x128xf32, #tpu.memory_space<vmem>>, vector<16xf32>,
        %mul3A_371 = arith.mulf %get3A_367, %get3A_370 : vector<16xf32>
        %add3A_372 = arith.addf %mul3A_364, %mul3A_371 : vector<16xf32>
        %get3A_373 = arith.index_cast %add3A_357 : i32 to index
        %get3A_374 = arith.constant 32 : index
        %get3A_375 = tpu.vector_load %arg11[%get3A_373, %get3A_374] {strides = array<i32>} : memref<128x128xf32, #tpu.memory_space<vmem>>, vector<16xf32>,
        %get3A_376 = arith.index_cast %add3A_357 : i32 to index
        %get3A_377 = arith.constant 32 : index
        %get3A_378 = tpu.vector_load %arg12[%get3A_376, %get3A_377] {strides = array<i32>} : memref<128x128xf32, #tpu.memory_space<vmem>>, vector<16xf32>,
        %mul3A_379 = arith.mulf %get3A_375, %get3A_378 : vector<16xf32>
        %add3A_380 = arith.addf %add3A_372, %mul3A_379 : vector<16xf32>
        %get3A_381 = arith.index_cast %add3A_357 : i32 to index
        %get3A_382 = arith.constant 48 : index
        %get3A_383 = tpu.vector_load %arg11[%get3A_381, %get3A_382] {strides = array<i32>} : memref<128x128xf32, #tpu.memory_space<vmem>>, vector<16xf32>,
        %get3A_384 = arith.index_cast %add3A_357 : i32 to index
        %get3A_385 = arith.constant 48 : index
        %get3A_386 = tpu.vector_load %arg12[%get3A_384, %get3A_385] {strides = array<i32>} : memref<128x128xf32, #tpu.memory_space<vmem>>, vector<16xf32>,
        %mul3A_387 = arith.mulf %get3A_383, %get3A_386 : vector<16xf32>
        %add3A_388 = arith.addf %add3A_380, %mul3A_387 : vector<16xf32>
        %get3A_389 = arith.index_cast %add3A_357 : i32 to index
        %get3A_390 = arith.constant 64 : index
        %get3A_391 = tpu.vector_load %arg11[%get3A_389, %get3A_390] {strides = array<i32>} : memref<128x128xf32, #tpu.memory_space<vmem>>, vector<16xf32>,
        %get3A_392 = arith.index_cast %add3A_357 : i32 to index
        %get3A_393 = arith.constant 64 : index
        %get3A_394 = tpu.vector_load %arg12[%get3A_392, %get3A_393] {strides = array<i32>} : memref<128x128xf32, #tpu.memory_space<vmem>>, vector<16xf32>,
        %mul3A_395 = arith.mulf %get3A_391, %get3A_394 : vector<16xf32>
        %add3A_396 = arith.addf %add3A_388, %mul3A_395 : vector<16xf32>
        %get3A_397 = arith.index_cast %add3A_357 : i32 to index
        %get3A_398 = arith.constant 80 : index
        %get3A_399 = tpu.vector_load %arg11[%get3A_397, %get3A_398] {strides = array<i32>} : memref<128x128xf32, #tpu.memory_space<vmem>>, vector<16xf32>,
        %get3A_400 = arith.index_cast %add3A_357 : i32 to index
        %get3A_401 = arith.constant 80 : index
        %get3A_402 = tpu.vector_load %arg12[%get3A_400, %get3A_401] {strides = array<i32>} : memref<128x128xf32, #tpu.memory_space<vmem>>, vector<16xf32>,
        %mul3A_403 = arith.mulf %get3A_399, %get3A_402 : vector<16xf32>
        %add3A_404 = arith.addf %add3A_396, %mul3A_403 : vector<16xf32>
        %get3A_405 = arith.index_cast %add3A_357 : i32 to index
        %get3A_406 = arith.constant 96 : index
        %get3A_407 = tpu.vector_load %arg11[%get3A_405, %get3A_406] {strides = array<i32>} : memref<128x128xf32, #tpu.memory_space<vmem>>, vector<16xf32>,
        %get3A_408 = arith.index_cast %add3A_357 : i32 to index
        %get3A_409 = arith.constant 96 : index
        %get3A_410 = tpu.vector_load %arg12[%get3A_408, %get3A_409] {strides = array<i32>} : memref<128x128xf32, #tpu.memory_space<vmem>>, vector<16xf32>,
        %mul3A_411 = arith.mulf %get3A_407, %get3A_410 : vector<16xf32>
        %add3A_412 = arith.addf %add3A_404, %mul3A_411 : vector<16xf32>
        %get3A_413 = arith.index_cast %add3A_357 : i32 to index
        %get3A_414 = arith.constant 112 : index
        %get3A_415 = tpu.vector_load %arg11[%get3A_413, %get3A_414] {strides = array<i32>} : memref<128x128xf32, #tpu.memory_space<vmem>>, vector<16xf32>,
        %get3A_416 = arith.index_cast %add3A_357 : i32 to index
        %get3A_417 = arith.constant 112 : index
        %get3A_418 = tpu.vector_load %arg12[%get3A_416, %get3A_417] {strides = array<i32>} : memref<128x128xf32, #tpu.memory_space<vmem>>, vector<16xf32>,
        %mul3A_419 = arith.mulf %get3A_415, %get3A_418 : vector<16xf32>
        %add3A_420 = arith.addf %add3A_412, %mul3A_419 : vector<16xf32>
        %broadcast_in_dim3A_421 = arith.constant 4 : i32
        %broadcast_in_dim3A_422 = vector.broadcast %broadcast_in_dim3A_421 : i32 to vector<16xi32>
        tpu.vector_store_idx %arg16[%iota3A, %broadcast_in_dim3A_422], %add3A_420 : memref<16x128xf32, #tpu.memory_space<vmem>>[vector<16xi32>, vector<16xi32>], vector<16xf32>,
        %mul3A_423 = arith.constant 16 : i32
        %mul3A_424 = arith.muli %scan3A_79, %mul3A_423 : i32
        %add3A_425 = arith.constant 5 : i32
        %add3A_426 = arith.addi %mul3A_424, %add3A_425 : i32
        %get3A_427 = arith.index_cast %add3A_426 : i32 to index
        %get3A_428 = arith.constant 0 : index
        %get3A_429 = tpu.vector_load %arg11[%get3A_427, %get3A_428] {strides = array<i32>} : memref<128x128xf32, #tpu.memory_space<vmem>>, vector<16xf32>,
        %get3A_430 = arith.index_cast %add3A_426 : i32 to index
        %get3A_431 = arith.constant 0 : index
        %get3A_432 = tpu.vector_load %arg12[%get3A_430, %get3A_431] {strides = array<i32>} : memref<128x128xf32, #tpu.memory_space<vmem>>, vector<16xf32>,
        %mul3A_433 = arith.mulf %get3A_429, %get3A_432 : vector<16xf32>
        %get3A_434 = arith.index_cast %add3A_426 : i32 to index
        %get3A_435 = arith.constant 16 : index
        %get3A_436 = tpu.vector_load %arg11[%get3A_434, %get3A_435] {strides = array<i32>} : memref<128x128xf32, #tpu.memory_space<vmem>>, vector<16xf32>,
        %get3A_437 = arith.index_cast %add3A_426 : i32 to index
        %get3A_438 = arith.constant 16 : index
        %get3A_439 = tpu.vector_load %arg12[%get3A_437, %get3A_438] {strides = array<i32>} : memref<128x128xf32, #tpu.memory_space<vmem>>, vector<16xf32>,
        %mul3A_440 = arith.mulf %get3A_436, %get3A_439 : vector<16xf32>
        %add3A_441 = arith.addf %mul3A_433, %mul3A_440 : vector<16xf32>
        %get3A_442 = arith.index_cast %add3A_426 : i32 to index
        %get3A_443 = arith.constant 32 : index
        %get3A_444 = tpu.vector_load %arg11[%get3A_442, %get3A_443] {strides = array<i32>} : memref<128x128xf32, #tpu.memory_space<vmem>>, vector<16xf32>,
        %get3A_445 = arith.index_cast %add3A_426 : i32 to index
        %get3A_446 = arith.constant 32 : index
        %get3A_447 = tpu.vector_load %arg12[%get3A_445, %get3A_446] {strides = array<i32>} : memref<128x128xf32, #tpu.memory_space<vmem>>, vector<16xf32>,
        %mul3A_448 = arith.mulf %get3A_444, %get3A_447 : vector<16xf32>
        %add3A_449 = arith.addf %add3A_441, %mul3A_448 : vector<16xf32>
        %get3A_450 = arith.index_cast %add3A_426 : i32 to index
        %get3A_451 = arith.constant 48 : index
        %get3A_452 = tpu.vector_load %arg11[%get3A_450, %get3A_451] {strides = array<i32>} : memref<128x128xf32, #tpu.memory_space<vmem>>, vector<16xf32>,
        %get3A_453 = arith.index_cast %add3A_426 : i32 to index
        %get3A_454 = arith.constant 48 : index
        %get3A_455 = tpu.vector_load %arg12[%get3A_453, %get3A_454] {strides = array<i32>} : memref<128x128xf32, #tpu.memory_space<vmem>>, vector<16xf32>,
        %mul3A_456 = arith.mulf %get3A_452, %get3A_455 : vector<16xf32>
        %add3A_457 = arith.addf %add3A_449, %mul3A_456 : vector<16xf32>
        %get3A_458 = arith.index_cast %add3A_426 : i32 to index
        %get3A_459 = arith.constant 64 : index
        %get3A_460 = tpu.vector_load %arg11[%get3A_458, %get3A_459] {strides = array<i32>} : memref<128x128xf32, #tpu.memory_space<vmem>>, vector<16xf32>,
        %get3A_461 = arith.index_cast %add3A_426 : i32 to index
        %get3A_462 = arith.constant 64 : index
        %get3A_463 = tpu.vector_load %arg12[%get3A_461, %get3A_462] {strides = array<i32>} : memref<128x128xf32, #tpu.memory_space<vmem>>, vector<16xf32>,
        %mul3A_464 = arith.mulf %get3A_460, %get3A_463 : vector<16xf32>
        %add3A_465 = arith.addf %add3A_457, %mul3A_464 : vector<16xf32>
        %get3A_466 = arith.index_cast %add3A_426 : i32 to index
        %get3A_467 = arith.constant 80 : index
        %get3A_468 = tpu.vector_load %arg11[%get3A_466, %get3A_467] {strides = array<i32>} : memref<128x128xf32, #tpu.memory_space<vmem>>, vector<16xf32>,
        %get3A_469 = arith.index_cast %add3A_426 : i32 to index
        %get3A_470 = arith.constant 80 : index
        %get3A_471 = tpu.vector_load %arg12[%get3A_469, %get3A_470] {strides = array<i32>} : memref<128x128xf32, #tpu.memory_space<vmem>>, vector<16xf32>,
        %mul3A_472 = arith.mulf %get3A_468, %get3A_471 : vector<16xf32>
        %add3A_473 = arith.addf %add3A_465, %mul3A_472 : vector<16xf32>
        %get3A_474 = arith.index_cast %add3A_426 : i32 to index
        %get3A_475 = arith.constant 96 : index
        %get3A_476 = tpu.vector_load %arg11[%get3A_474, %get3A_475] {strides = array<i32>} : memref<128x128xf32, #tpu.memory_space<vmem>>, vector<16xf32>,
        %get3A_477 = arith.index_cast %add3A_426 : i32 to index
        %get3A_478 = arith.constant 96 : index
        %get3A_479 = tpu.vector_load %arg12[%get3A_477, %get3A_478] {strides = array<i32>} : memref<128x128xf32, #tpu.memory_space<vmem>>, vector<16xf32>,
        %mul3A_480 = arith.mulf %get3A_476, %get3A_479 : vector<16xf32>
        %add3A_481 = arith.addf %add3A_473, %mul3A_480 : vector<16xf32>
        %get3A_482 = arith.index_cast %add3A_426 : i32 to index
        %get3A_483 = arith.constant 112 : index
        %get3A_484 = tpu.vector_load %arg11[%get3A_482, %get3A_483] {strides = array<i32>} : memref<128x128xf32, #tpu.memory_space<vmem>>, vector<16xf32>,
        %get3A_485 = arith.index_cast %add3A_426 : i32 to index
        %get3A_486 = arith.constant 112 : index
        %get3A_487 = tpu.vector_load %arg12[%get3A_485, %get3A_486] {strides = array<i32>} : memref<128x128xf32, #tpu.memory_space<vmem>>, vector<16xf32>,
        %mul3A_488 = arith.mulf %get3A_484, %get3A_487 : vector<16xf32>
        %add3A_489 = arith.addf %add3A_481, %mul3A_488 : vector<16xf32>
        %broadcast_in_dim3A_490 = arith.constant 5 : i32
        %broadcast_in_dim3A_491 = vector.broadcast %broadcast_in_dim3A_490 : i32 to vector<16xi32>
        tpu.vector_store_idx %arg16[%iota3A, %broadcast_in_dim3A_491], %add3A_489 : memref<16x128xf32, #tpu.memory_space<vmem>>[vector<16xi32>, vector<16xi32>], vector<16xf32>,
        %mul3A_492 = arith.constant 16 : i32
        %mul3A_493 = arith.muli %scan3A_79, %mul3A_492 : i32
        %add3A_494 = arith.constant 6 : i32
        %add3A_495 = arith.addi %mul3A_493, %add3A_494 : i32
        %get3A_496 = arith.index_cast %add3A_495 : i32 to index
        %get3A_497 = arith.constant 0 : index
        %get3A_498 = tpu.vector_load %arg11[%get3A_496, %get3A_497] {strides = array<i32>} : memref<128x128xf32, #tpu.memory_space<vmem>>, vector<16xf32>,
        %get3A_499 = arith.index_cast %add3A_495 : i32 to index
        %get3A_500 = arith.constant 0 : index
        %get3A_501 = tpu.vector_load %arg12[%get3A_499, %get3A_500] {strides = array<i32>} : memref<128x128xf32, #tpu.memory_space<vmem>>, vector<16xf32>,
        %mul3A_502 = arith.mulf %get3A_498, %get3A_501 : vector<16xf32>
        %get3A_503 = arith.index_cast %add3A_495 : i32 to index
        %get3A_504 = arith.constant 16 : index
        %get3A_505 = tpu.vector_load %arg11[%get3A_503, %get3A_504] {strides = array<i32>} : memref<128x128xf32, #tpu.memory_space<vmem>>, vector<16xf32>,
        %get3A_506 = arith.index_cast %add3A_495 : i32 to index
        %get3A_507 = arith.constant 16 : index
        %get3A_508 = tpu.vector_load %arg12[%get3A_506, %get3A_507] {strides = array<i32>} : memref<128x128xf32, #tpu.memory_space<vmem>>, vector<16xf32>,
        %mul3A_509 = arith.mulf %get3A_505, %get3A_508 : vector<16xf32>
        %add3A_510 = arith.addf %mul3A_502, %mul3A_509 : vector<16xf32>
        %get3A_511 = arith.index_cast %add3A_495 : i32 to index
        %get3A_512 = arith.constant 32 : index
        %get3A_513 = tpu.vector_load %arg11[%get3A_511, %get3A_512] {strides = array<i32>} : memref<128x128xf32, #tpu.memory_space<vmem>>, vector<16xf32>,
        %get3A_514 = arith.index_cast %add3A_495 : i32 to index
        %get3A_515 = arith.constant 32 : index
        %get3A_516 = tpu.vector_load %arg12[%get3A_514, %get3A_515] {strides = array<i32>} : memref<128x128xf32, #tpu.memory_space<vmem>>, vector<16xf32>,
        %mul3A_517 = arith.mulf %get3A_513, %get3A_516 : vector<16xf32>
        %add3A_518 = arith.addf %add3A_510, %mul3A_517 : vector<16xf32>
        %get3A_519 = arith.index_cast %add3A_495 : i32 to index
        %get3A_520 = arith.constant 48 : index
        %get3A_521 = tpu.vector_load %arg11[%get3A_519, %get3A_520] {strides = array<i32>} : memref<128x128xf32, #tpu.memory_space<vmem>>, vector<16xf32>,
        %get3A_522 = arith.index_cast %add3A_495 : i32 to index
        %get3A_523 = arith.constant 48 : index
        %get3A_524 = tpu.vector_load %arg12[%get3A_522, %get3A_523] {strides = array<i32>} : memref<128x128xf32, #tpu.memory_space<vmem>>, vector<16xf32>,
        %mul3A_525 = arith.mulf %get3A_521, %get3A_524 : vector<16xf32>
        %add3A_526 = arith.addf %add3A_518, %mul3A_525 : vector<16xf32>
        %get3A_527 = arith.index_cast %add3A_495 : i32 to index
        %get3A_528 = arith.constant 64 : index
        %get3A_529 = tpu.vector_load %arg11[%get3A_527, %get3A_528] {strides = array<i32>} : memref<128x128xf32, #tpu.memory_space<vmem>>, vector<16xf32>,
        %get3A_530 = arith.index_cast %add3A_495 : i32 to index
        %get3A_531 = arith.constant 64 : index
        %get3A_532 = tpu.vector_load %arg12[%get3A_530, %get3A_531] {strides = array<i32>} : memref<128x128xf32, #tpu.memory_space<vmem>>, vector<16xf32>,
        %mul3A_533 = arith.mulf %get3A_529, %get3A_532 : vector<16xf32>
        %add3A_534 = arith.addf %add3A_526, %mul3A_533 : vector<16xf32>
        %get3A_535 = arith.index_cast %add3A_495 : i32 to index
        %get3A_536 = arith.constant 80 : index
        %get3A_537 = tpu.vector_load %arg11[%get3A_535, %get3A_536] {strides = array<i32>} : memref<128x128xf32, #tpu.memory_space<vmem>>, vector<16xf32>,
        %get3A_538 = arith.index_cast %add3A_495 : i32 to index
        %get3A_539 = arith.constant 80 : index
        %get3A_540 = tpu.vector_load %arg12[%get3A_538, %get3A_539] {strides = array<i32>} : memref<128x128xf32, #tpu.memory_space<vmem>>, vector<16xf32>,
        %mul3A_541 = arith.mulf %get3A_537, %get3A_540 : vector<16xf32>
        %add3A_542 = arith.addf %add3A_534, %mul3A_541 : vector<16xf32>
        %get3A_543 = arith.index_cast %add3A_495 : i32 to index
        %get3A_544 = arith.constant 96 : index
        %get3A_545 = tpu.vector_load %arg11[%get3A_543, %get3A_544] {strides = array<i32>} : memref<128x128xf32, #tpu.memory_space<vmem>>, vector<16xf32>,
        %get3A_546 = arith.index_cast %add3A_495 : i32 to index
        %get3A_547 = arith.constant 96 : index
        %get3A_548 = tpu.vector_load %arg12[%get3A_546, %get3A_547] {strides = array<i32>} : memref<128x128xf32, #tpu.memory_space<vmem>>, vector<16xf32>,
        %mul3A_549 = arith.mulf %get3A_545, %get3A_548 : vector<16xf32>
        %add3A_550 = arith.addf %add3A_542, %mul3A_549 : vector<16xf32>
        %get3A_551 = arith.index_cast %add3A_495 : i32 to index
        %get3A_552 = arith.constant 112 : index
        %get3A_553 = tpu.vector_load %arg11[%get3A_551, %get3A_552] {strides = array<i32>} : memref<128x128xf32, #tpu.memory_space<vmem>>, vector<16xf32>,
        %get3A_554 = arith.index_cast %add3A_495 : i32 to index
        %get3A_555 = arith.constant 112 : index
        %get3A_556 = tpu.vector_load %arg12[%get3A_554, %get3A_555] {strides = array<i32>} : memref<128x128xf32, #tpu.memory_space<vmem>>, vector<16xf32>,
        %mul3A_557 = arith.mulf %get3A_553, %get3A_556 : vector<16xf32>
        %add3A_558 = arith.addf %add3A_550, %mul3A_557 : vector<16xf32>
        %broadcast_in_dim3A_559 = arith.constant 6 : i32
        %broadcast_in_dim3A_560 = vector.broadcast %broadcast_in_dim3A_559 : i32 to vector<16xi32>
        tpu.vector_store_idx %arg16[%iota3A, %broadcast_in_dim3A_560], %add3A_558 : memref<16x128xf32, #tpu.memory_space<vmem>>[vector<16xi32>, vector<16xi32>], vector<16xf32>,
        %mul3A_561 = arith.constant 16 : i32
        %mul3A_562 = arith.muli %scan3A_79, %mul3A_561 : i32
        %add3A_563 = arith.constant 7 : i32
        %add3A_564 = arith.addi %mul3A_562, %add3A_563 : i32
        %get3A_565 = arith.index_cast %add3A_564 : i32 to index
        %get3A_566 = arith.constant 0 : index
        %get3A_567 = tpu.vector_load %arg11[%get3A_565, %get3A_566] {strides = array<i32>} : memref<128x128xf32, #tpu.memory_space<vmem>>, vector<16xf32>,
        %get3A_568 = arith.index_cast %add3A_564 : i32 to index
        %get3A_569 = arith.constant 0 : index
        %get3A_570 = tpu.vector_load %arg12[%get3A_568, %get3A_569] {strides = array<i32>} : memref<128x128xf32, #tpu.memory_space<vmem>>, vector<16xf32>,
        %mul3A_571 = arith.mulf %get3A_567, %get3A_570 : vector<16xf32>
        %get3A_572 = arith.index_cast %add3A_564 : i32 to index
        %get3A_573 = arith.constant 16 : index
        %get3A_574 = tpu.vector_load %arg11[%get3A_572, %get3A_573] {strides = array<i32>} : memref<128x128xf32, #tpu.memory_space<vmem>>, vector<16xf32>,
        %get3A_575 = arith.index_cast %add3A_564 : i32 to index
        %get3A_576 = arith.constant 16 : index
        %get3A_577 = tpu.vector_load %arg12[%get3A_575, %get3A_576] {strides = array<i32>} : memref<128x128xf32, #tpu.memory_space<vmem>>, vector<16xf32>,
        %mul3A_578 = arith.mulf %get3A_574, %get3A_577 : vector<16xf32>
        %add3A_579 = arith.addf %mul3A_571, %mul3A_578 : vector<16xf32>
        %get3A_580 = arith.index_cast %add3A_564 : i32 to index
        %get3A_581 = arith.constant 32 : index
        %get3A_582 = tpu.vector_load %arg11[%get3A_580, %get3A_581] {strides = array<i32>} : memref<128x128xf32, #tpu.memory_space<vmem>>, vector<16xf32>,
        %get3A_583 = arith.index_cast %add3A_564 : i32 to index
        %get3A_584 = arith.constant 32 : index
        %get3A_585 = tpu.vector_load %arg12[%get3A_583, %get3A_584] {strides = array<i32>} : memref<128x128xf32, #tpu.memory_space<vmem>>, vector<16xf32>,
        %mul3A_586 = arith.mulf %get3A_582, %get3A_585 : vector<16xf32>
        %add3A_587 = arith.addf %add3A_579, %mul3A_586 : vector<16xf32>
        %get3A_588 = arith.index_cast %add3A_564 : i32 to index
        %get3A_589 = arith.constant 48 : index
        %get3A_590 = tpu.vector_load %arg11[%get3A_588, %get3A_589] {strides = array<i32>} : memref<128x128xf32, #tpu.memory_space<vmem>>, vector<16xf32>,
        %get3A_591 = arith.index_cast %add3A_564 : i32 to index
        %get3A_592 = arith.constant 48 : index
        %get3A_593 = tpu.vector_load %arg12[%get3A_591, %get3A_592] {strides = array<i32>} : memref<128x128xf32, #tpu.memory_space<vmem>>, vector<16xf32>,
        %mul3A_594 = arith.mulf %get3A_590, %get3A_593 : vector<16xf32>
        %add3A_595 = arith.addf %add3A_587, %mul3A_594 : vector<16xf32>
        %get3A_596 = arith.index_cast %add3A_564 : i32 to index
        %get3A_597 = arith.constant 64 : index
        %get3A_598 = tpu.vector_load %arg11[%get3A_596, %get3A_597] {strides = array<i32>} : memref<128x128xf32, #tpu.memory_space<vmem>>, vector<16xf32>,
        %get3A_599 = arith.index_cast %add3A_564 : i32 to index
        %get3A_600 = arith.constant 64 : index
        %get3A_601 = tpu.vector_load %arg12[%get3A_599, %get3A_600] {strides = array<i32>} : memref<128x128xf32, #tpu.memory_space<vmem>>, vector<16xf32>,
        %mul3A_602 = arith.mulf %get3A_598, %get3A_601 : vector<16xf32>
        %add3A_603 = arith.addf %add3A_595, %mul3A_602 : vector<16xf32>
        %get3A_604 = arith.index_cast %add3A_564 : i32 to index
        %get3A_605 = arith.constant 80 : index
        %get3A_606 = tpu.vector_load %arg11[%get3A_604, %get3A_605] {strides = array<i32>} : memref<128x128xf32, #tpu.memory_space<vmem>>, vector<16xf32>,
        %get3A_607 = arith.index_cast %add3A_564 : i32 to index
        %get3A_608 = arith.constant 80 : index
        %get3A_609 = tpu.vector_load %arg12[%get3A_607, %get3A_608] {strides = array<i32>} : memref<128x128xf32, #tpu.memory_space<vmem>>, vector<16xf32>,
        %mul3A_610 = arith.mulf %get3A_606, %get3A_609 : vector<16xf32>
        %add3A_611 = arith.addf %add3A_603, %mul3A_610 : vector<16xf32>
        %get3A_612 = arith.index_cast %add3A_564 : i32 to index
        %get3A_613 = arith.constant 96 : index
        %get3A_614 = tpu.vector_load %arg11[%get3A_612, %get3A_613] {strides = array<i32>} : memref<128x128xf32, #tpu.memory_space<vmem>>, vector<16xf32>,
        %get3A_615 = arith.index_cast %add3A_564 : i32 to index
        %get3A_616 = arith.constant 96 : index
        %get3A_617 = tpu.vector_load %arg12[%get3A_615, %get3A_616] {strides = array<i32>} : memref<128x128xf32, #tpu.memory_space<vmem>>, vector<16xf32>,
        %mul3A_618 = arith.mulf %get3A_614, %get3A_617 : vector<16xf32>
        %add3A_619 = arith.addf %add3A_611, %mul3A_618 : vector<16xf32>
        %get3A_620 = arith.index_cast %add3A_564 : i32 to index
        %get3A_621 = arith.constant 112 : index
        %get3A_622 = tpu.vector_load %arg11[%get3A_620, %get3A_621] {strides = array<i32>} : memref<128x128xf32, #tpu.memory_space<vmem>>, vector<16xf32>,
        %get3A_623 = arith.index_cast %add3A_564 : i32 to index
        %get3A_624 = arith.constant 112 : index
        %get3A_625 = tpu.vector_load %arg12[%get3A_623, %get3A_624] {strides = array<i32>} : memref<128x128xf32, #tpu.memory_space<vmem>>, vector<16xf32>,
        %mul3A_626 = arith.mulf %get3A_622, %get3A_625 : vector<16xf32>
        %add3A_627 = arith.addf %add3A_619, %mul3A_626 : vector<16xf32>
        %broadcast_in_dim3A_628 = arith.constant 7 : i32
        %broadcast_in_dim3A_629 = vector.broadcast %broadcast_in_dim3A_628 : i32 to vector<16xi32>
        tpu.vector_store_idx %arg16[%iota3A, %broadcast_in_dim3A_629], %add3A_627 : memref<16x128xf32, #tpu.memory_space<vmem>>[vector<16xi32>, vector<16xi32>], vector<16xf32>,
        %mul3A_630 = arith.constant 16 : i32
        %mul3A_631 = arith.muli %scan3A_79, %mul3A_630 : i32
        %add3A_632 = arith.constant 8 : i32
        %add3A_633 = arith.addi %mul3A_631, %add3A_632 : i32
        %get3A_634 = arith.index_cast %add3A_633 : i32 to index
        %get3A_635 = arith.constant 0 : index
        %get3A_636 = tpu.vector_load %arg11[%get3A_634, %get3A_635] {strides = array<i32>} : memref<128x128xf32, #tpu.memory_space<vmem>>, vector<16xf32>,
        %get3A_637 = arith.index_cast %add3A_633 : i32 to index
        %get3A_638 = arith.constant 0 : index
        %get3A_639 = tpu.vector_load %arg12[%get3A_637, %get3A_638] {strides = array<i32>} : memref<128x128xf32, #tpu.memory_space<vmem>>, vector<16xf32>,
        %mul3A_640 = arith.mulf %get3A_636, %get3A_639 : vector<16xf32>
        %get3A_641 = arith.index_cast %add3A_633 : i32 to index
        %get3A_642 = arith.constant 16 : index
        %get3A_643 = tpu.vector_load %arg11[%get3A_641, %get3A_642] {strides = array<i32>} : memref<128x128xf32, #tpu.memory_space<vmem>>, vector<16xf32>,
        %get3A_644 = arith.index_cast %add3A_633 : i32 to index
        %get3A_645 = arith.constant 16 : index
        %get3A_646 = tpu.vector_load %arg12[%get3A_644, %get3A_645] {strides = array<i32>} : memref<128x128xf32, #tpu.memory_space<vmem>>, vector<16xf32>,
        %mul3A_647 = arith.mulf %get3A_643, %get3A_646 : vector<16xf32>
        %add3A_648 = arith.addf %mul3A_640, %mul3A_647 : vector<16xf32>
        %get3A_649 = arith.index_cast %add3A_633 : i32 to index
        %get3A_650 = arith.constant 32 : index
        %get3A_651 = tpu.vector_load %arg11[%get3A_649, %get3A_650] {strides = array<i32>} : memref<128x128xf32, #tpu.memory_space<vmem>>, vector<16xf32>,
        %get3A_652 = arith.index_cast %add3A_633 : i32 to index
        %get3A_653 = arith.constant 32 : index
        %get3A_654 = tpu.vector_load %arg12[%get3A_652, %get3A_653] {strides = array<i32>} : memref<128x128xf32, #tpu.memory_space<vmem>>, vector<16xf32>,
        %mul3A_655 = arith.mulf %get3A_651, %get3A_654 : vector<16xf32>
        %add3A_656 = arith.addf %add3A_648, %mul3A_655 : vector<16xf32>
        %get3A_657 = arith.index_cast %add3A_633 : i32 to index
        %get3A_658 = arith.constant 48 : index
        %get3A_659 = tpu.vector_load %arg11[%get3A_657, %get3A_658] {strides = array<i32>} : memref<128x128xf32, #tpu.memory_space<vmem>>, vector<16xf32>,
        %get3A_660 = arith.index_cast %add3A_633 : i32 to index
        %get3A_661 = arith.constant 48 : index
        %get3A_662 = tpu.vector_load %arg12[%get3A_660, %get3A_661] {strides = array<i32>} : memref<128x128xf32, #tpu.memory_space<vmem>>, vector<16xf32>,
        %mul3A_663 = arith.mulf %get3A_659, %get3A_662 : vector<16xf32>
        %add3A_664 = arith.addf %add3A_656, %mul3A_663 : vector<16xf32>
        %get3A_665 = arith.index_cast %add3A_633 : i32 to index
        %get3A_666 = arith.constant 64 : index
        %get3A_667 = tpu.vector_load %arg11[%get3A_665, %get3A_666] {strides = array<i32>} : memref<128x128xf32, #tpu.memory_space<vmem>>, vector<16xf32>,
        %get3A_668 = arith.index_cast %add3A_633 : i32 to index
        %get3A_669 = arith.constant 64 : index
        %get3A_670 = tpu.vector_load %arg12[%get3A_668, %get3A_669] {strides = array<i32>} : memref<128x128xf32, #tpu.memory_space<vmem>>, vector<16xf32>,
        %mul3A_671 = arith.mulf %get3A_667, %get3A_670 : vector<16xf32>
        %add3A_672 = arith.addf %add3A_664, %mul3A_671 : vector<16xf32>
        %get3A_673 = arith.index_cast %add3A_633 : i32 to index
        %get3A_674 = arith.constant 80 : index
        %get3A_675 = tpu.vector_load %arg11[%get3A_673, %get3A_674] {strides = array<i32>} : memref<128x128xf32, #tpu.memory_space<vmem>>, vector<16xf32>,
        %get3A_676 = arith.index_cast %add3A_633 : i32 to index
        %get3A_677 = arith.constant 80 : index
        %get3A_678 = tpu.vector_load %arg12[%get3A_676, %get3A_677] {strides = array<i32>} : memref<128x128xf32, #tpu.memory_space<vmem>>, vector<16xf32>,
        %mul3A_679 = arith.mulf %get3A_675, %get3A_678 : vector<16xf32>
        %add3A_680 = arith.addf %add3A_672, %mul3A_679 : vector<16xf32>
        %get3A_681 = arith.index_cast %add3A_633 : i32 to index
        %get3A_682 = arith.constant 96 : index
        %get3A_683 = tpu.vector_load %arg11[%get3A_681, %get3A_682] {strides = array<i32>} : memref<128x128xf32, #tpu.memory_space<vmem>>, vector<16xf32>,
        %get3A_684 = arith.index_cast %add3A_633 : i32 to index
        %get3A_685 = arith.constant 96 : index
        %get3A_686 = tpu.vector_load %arg12[%get3A_684, %get3A_685] {strides = array<i32>} : memref<128x128xf32, #tpu.memory_space<vmem>>, vector<16xf32>,
        %mul3A_687 = arith.mulf %get3A_683, %get3A_686 : vector<16xf32>
        %add3A_688 = arith.addf %add3A_680, %mul3A_687 : vector<16xf32>
        %get3A_689 = arith.index_cast %add3A_633 : i32 to index
        %get3A_690 = arith.constant 112 : index
        %get3A_691 = tpu.vector_load %arg11[%get3A_689, %get3A_690] {strides = array<i32>} : memref<128x128xf32, #tpu.memory_space<vmem>>, vector<16xf32>,
        %get3A_692 = arith.index_cast %add3A_633 : i32 to index
        %get3A_693 = arith.constant 112 : index
        %get3A_694 = tpu.vector_load %arg12[%get3A_692, %get3A_693] {strides = array<i32>} : memref<128x128xf32, #tpu.memory_space<vmem>>, vector<16xf32>,
        %mul3A_695 = arith.mulf %get3A_691, %get3A_694 : vector<16xf32>
        %add3A_696 = arith.addf %add3A_688, %mul3A_695 : vector<16xf32>
        %broadcast_in_dim3A_697 = arith.constant 8 : i32
        %broadcast_in_dim3A_698 = vector.broadcast %broadcast_in_dim3A_697 : i32 to vector<16xi32>
        tpu.vector_store_idx %arg16[%iota3A, %broadcast_in_dim3A_698], %add3A_696 : memref<16x128xf32, #tpu.memory_space<vmem>>[vector<16xi32>, vector<16xi32>], vector<16xf32>,
        %mul3A_699 = arith.constant 16 : i32
        %mul3A_700 = arith.muli %scan3A_79, %mul3A_699 : i32
        %add3A_701 = arith.constant 9 : i32
        %add3A_702 = arith.addi %mul3A_700, %add3A_701 : i32
        %get3A_703 = arith.index_cast %add3A_702 : i32 to index
        %get3A_704 = arith.constant 0 : index
        %get3A_705 = tpu.vector_load %arg11[%get3A_703, %get3A_704] {strides = array<i32>} : memref<128x128xf32, #tpu.memory_space<vmem>>, vector<16xf32>,
        %get3A_706 = arith.index_cast %add3A_702 : i32 to index
        %get3A_707 = arith.constant 0 : index
        %get3A_708 = tpu.vector_load %arg12[%get3A_706, %get3A_707] {strides = array<i32>} : memref<128x128xf32, #tpu.memory_space<vmem>>, vector<16xf32>,
        %mul3A_709 = arith.mulf %get3A_705, %get3A_708 : vector<16xf32>
        %get3A_710 = arith.index_cast %add3A_702 : i32 to index
        %get3A_711 = arith.constant 16 : index
        %get3A_712 = tpu.vector_load %arg11[%get3A_710, %get3A_711] {strides = array<i32>} : memref<128x128xf32, #tpu.memory_space<vmem>>, vector<16xf32>,
        %get3A_713 = arith.index_cast %add3A_702 : i32 to index
        %get3A_714 = arith.constant 16 : index
        %get3A_715 = tpu.vector_load %arg12[%get3A_713, %get3A_714] {strides = array<i32>} : memref<128x128xf32, #tpu.memory_space<vmem>>, vector<16xf32>,
        %mul3A_716 = arith.mulf %get3A_712, %get3A_715 : vector<16xf32>
        %add3A_717 = arith.addf %mul3A_709, %mul3A_716 : vector<16xf32>
        %get3A_718 = arith.index_cast %add3A_702 : i32 to index
        %get3A_719 = arith.constant 32 : index
        %get3A_720 = tpu.vector_load %arg11[%get3A_718, %get3A_719] {strides = array<i32>} : memref<128x128xf32, #tpu.memory_space<vmem>>, vector<16xf32>,
        %get3A_721 = arith.index_cast %add3A_702 : i32 to index
        %get3A_722 = arith.constant 32 : index
        %get3A_723 = tpu.vector_load %arg12[%get3A_721, %get3A_722] {strides = array<i32>} : memref<128x128xf32, #tpu.memory_space<vmem>>, vector<16xf32>,
        %mul3A_724 = arith.mulf %get3A_720, %get3A_723 : vector<16xf32>
        %add3A_725 = arith.addf %add3A_717, %mul3A_724 : vector<16xf32>
        %get3A_726 = arith.index_cast %add3A_702 : i32 to index
        %get3A_727 = arith.constant 48 : index
        %get3A_728 = tpu.vector_load %arg11[%get3A_726, %get3A_727] {strides = array<i32>} : memref<128x128xf32, #tpu.memory_space<vmem>>, vector<16xf32>,
        %get3A_729 = arith.index_cast %add3A_702 : i32 to index
        %get3A_730 = arith.constant 48 : index
        %get3A_731 = tpu.vector_load %arg12[%get3A_729, %get3A_730] {strides = array<i32>} : memref<128x128xf32, #tpu.memory_space<vmem>>, vector<16xf32>,
        %mul3A_732 = arith.mulf %get3A_728, %get3A_731 : vector<16xf32>
        %add3A_733 = arith.addf %add3A_725, %mul3A_732 : vector<16xf32>
        %get3A_734 = arith.index_cast %add3A_702 : i32 to index
        %get3A_735 = arith.constant 64 : index
        %get3A_736 = tpu.vector_load %arg11[%get3A_734, %get3A_735] {strides = array<i32>} : memref<128x128xf32, #tpu.memory_space<vmem>>, vector<16xf32>,
        %get3A_737 = arith.index_cast %add3A_702 : i32 to index
        %get3A_738 = arith.constant 64 : index
        %get3A_739 = tpu.vector_load %arg12[%get3A_737, %get3A_738] {strides = array<i32>} : memref<128x128xf32, #tpu.memory_space<vmem>>, vector<16xf32>,
        %mul3A_740 = arith.mulf %get3A_736, %get3A_739 : vector<16xf32>
        %add3A_741 = arith.addf %add3A_733, %mul3A_740 : vector<16xf32>
        %get3A_742 = arith.index_cast %add3A_702 : i32 to index
        %get3A_743 = arith.constant 80 : index
        %get3A_744 = tpu.vector_load %arg11[%get3A_742, %get3A_743] {strides = array<i32>} : memref<128x128xf32, #tpu.memory_space<vmem>>, vector<16xf32>,
        %get3A_745 = arith.index_cast %add3A_702 : i32 to index
        %get3A_746 = arith.constant 80 : index
        %get3A_747 = tpu.vector_load %arg12[%get3A_745, %get3A_746] {strides = array<i32>} : memref<128x128xf32, #tpu.memory_space<vmem>>, vector<16xf32>,
        %mul3A_748 = arith.mulf %get3A_744, %get3A_747 : vector<16xf32>
        %add3A_749 = arith.addf %add3A_741, %mul3A_748 : vector<16xf32>
        %get3A_750 = arith.index_cast %add3A_702 : i32 to index
        %get3A_751 = arith.constant 96 : index
        %get3A_752 = tpu.vector_load %arg11[%get3A_750, %get3A_751] {strides = array<i32>} : memref<128x128xf32, #tpu.memory_space<vmem>>, vector<16xf32>,
        %get3A_753 = arith.index_cast %add3A_702 : i32 to index
        %get3A_754 = arith.constant 96 : index
        %get3A_755 = tpu.vector_load %arg12[%get3A_753, %get3A_754] {strides = array<i32>} : memref<128x128xf32, #tpu.memory_space<vmem>>, vector<16xf32>,
        %mul3A_756 = arith.mulf %get3A_752, %get3A_755 : vector<16xf32>
        %add3A_757 = arith.addf %add3A_749, %mul3A_756 : vector<16xf32>
        %get3A_758 = arith.index_cast %add3A_702 : i32 to index
        %get3A_759 = arith.constant 112 : index
        %get3A_760 = tpu.vector_load %arg11[%get3A_758, %get3A_759] {strides = array<i32>} : memref<128x128xf32, #tpu.memory_space<vmem>>, vector<16xf32>,
        %get3A_761 = arith.index_cast %add3A_702 : i32 to index
        %get3A_762 = arith.constant 112 : index
        %get3A_763 = tpu.vector_load %arg12[%get3A_761, %get3A_762] {strides = array<i32>} : memref<128x128xf32, #tpu.memory_space<vmem>>, vector<16xf32>,
        %mul3A_764 = arith.mulf %get3A_760, %get3A_763 : vector<16xf32>
        %add3A_765 = arith.addf %add3A_757, %mul3A_764 : vector<16xf32>
        %broadcast_in_dim3A_766 = arith.constant 9 : i32
        %broadcast_in_dim3A_767 = vector.broadcast %broadcast_in_dim3A_766 : i32 to vector<16xi32>
        tpu.vector_store_idx %arg16[%iota3A, %broadcast_in_dim3A_767], %add3A_765 : memref<16x128xf32, #tpu.memory_space<vmem>>[vector<16xi32>, vector<16xi32>], vector<16xf32>,
        %mul3A_768 = arith.constant 16 : i32
        %mul3A_769 = arith.muli %scan3A_79, %mul3A_768 : i32
        %add3A_770 = arith.constant 10 : i32
        %add3A_771 = arith.addi %mul3A_769, %add3A_770 : i32
        %get3A_772 = arith.index_cast %add3A_771 : i32 to index
        %get3A_773 = arith.constant 0 : index
        %get3A_774 = tpu.vector_load %arg11[%get3A_772, %get3A_773] {strides = array<i32>} : memref<128x128xf32, #tpu.memory_space<vmem>>, vector<16xf32>,
        %get3A_775 = arith.index_cast %add3A_771 : i32 to index
        %get3A_776 = arith.constant 0 : index
        %get3A_777 = tpu.vector_load %arg12[%get3A_775, %get3A_776] {strides = array<i32>} : memref<128x128xf32, #tpu.memory_space<vmem>>, vector<16xf32>,
        %mul3A_778 = arith.mulf %get3A_774, %get3A_777 : vector<16xf32>
        %get3A_779 = arith.index_cast %add3A_771 : i32 to index
        %get3A_780 = arith.constant 16 : index
        %get3A_781 = tpu.vector_load %arg11[%get3A_779, %get3A_780] {strides = array<i32>} : memref<128x128xf32, #tpu.memory_space<vmem>>, vector<16xf32>,
        %get3A_782 = arith.index_cast %add3A_771 : i32 to index
        %get3A_783 = arith.constant 16 : index
        %get3A_784 = tpu.vector_load %arg12[%get3A_782, %get3A_783] {strides = array<i32>} : memref<128x128xf32, #tpu.memory_space<vmem>>, vector<16xf32>,
        %mul3A_785 = arith.mulf %get3A_781, %get3A_784 : vector<16xf32>
        %add3A_786 = arith.addf %mul3A_778, %mul3A_785 : vector<16xf32>
        %get3A_787 = arith.index_cast %add3A_771 : i32 to index
        %get3A_788 = arith.constant 32 : index
        %get3A_789 = tpu.vector_load %arg11[%get3A_787, %get3A_788] {strides = array<i32>} : memref<128x128xf32, #tpu.memory_space<vmem>>, vector<16xf32>,
        %get3A_790 = arith.index_cast %add3A_771 : i32 to index
        %get3A_791 = arith.constant 32 : index
        %get3A_792 = tpu.vector_load %arg12[%get3A_790, %get3A_791] {strides = array<i32>} : memref<128x128xf32, #tpu.memory_space<vmem>>, vector<16xf32>,
        %mul3A_793 = arith.mulf %get3A_789, %get3A_792 : vector<16xf32>
        %add3A_794 = arith.addf %add3A_786, %mul3A_793 : vector<16xf32>
        %get3A_795 = arith.index_cast %add3A_771 : i32 to index
        %get3A_796 = arith.constant 48 : index
        %get3A_797 = tpu.vector_load %arg11[%get3A_795, %get3A_796] {strides = array<i32>} : memref<128x128xf32, #tpu.memory_space<vmem>>, vector<16xf32>,
        %get3A_798 = arith.index_cast %add3A_771 : i32 to index
        %get3A_799 = arith.constant 48 : index
        %get3A_800 = tpu.vector_load %arg12[%get3A_798, %get3A_799] {strides = array<i32>} : memref<128x128xf32, #tpu.memory_space<vmem>>, vector<16xf32>,
        %mul3A_801 = arith.mulf %get3A_797, %get3A_800 : vector<16xf32>
        %add3A_802 = arith.addf %add3A_794, %mul3A_801 : vector<16xf32>
        %get3A_803 = arith.index_cast %add3A_771 : i32 to index
        %get3A_804 = arith.constant 64 : index
        %get3A_805 = tpu.vector_load %arg11[%get3A_803, %get3A_804] {strides = array<i32>} : memref<128x128xf32, #tpu.memory_space<vmem>>, vector<16xf32>,
        %get3A_806 = arith.index_cast %add3A_771 : i32 to index
        %get3A_807 = arith.constant 64 : index
        %get3A_808 = tpu.vector_load %arg12[%get3A_806, %get3A_807] {strides = array<i32>} : memref<128x128xf32, #tpu.memory_space<vmem>>, vector<16xf32>,
        %mul3A_809 = arith.mulf %get3A_805, %get3A_808 : vector<16xf32>
        %add3A_810 = arith.addf %add3A_802, %mul3A_809 : vector<16xf32>
        %get3A_811 = arith.index_cast %add3A_771 : i32 to index
        %get3A_812 = arith.constant 80 : index
        %get3A_813 = tpu.vector_load %arg11[%get3A_811, %get3A_812] {strides = array<i32>} : memref<128x128xf32, #tpu.memory_space<vmem>>, vector<16xf32>,
        %get3A_814 = arith.index_cast %add3A_771 : i32 to index
        %get3A_815 = arith.constant 80 : index
        %get3A_816 = tpu.vector_load %arg12[%get3A_814, %get3A_815] {strides = array<i32>} : memref<128x128xf32, #tpu.memory_space<vmem>>, vector<16xf32>,
        %mul3A_817 = arith.mulf %get3A_813, %get3A_816 : vector<16xf32>
        %add3A_818 = arith.addf %add3A_810, %mul3A_817 : vector<16xf32>
        %get3A_819 = arith.index_cast %add3A_771 : i32 to index
        %get3A_820 = arith.constant 96 : index
        %get3A_821 = tpu.vector_load %arg11[%get3A_819, %get3A_820] {strides = array<i32>} : memref<128x128xf32, #tpu.memory_space<vmem>>, vector<16xf32>,
        %get3A_822 = arith.index_cast %add3A_771 : i32 to index
        %get3A_823 = arith.constant 96 : index
        %get3A_824 = tpu.vector_load %arg12[%get3A_822, %get3A_823] {strides = array<i32>} : memref<128x128xf32, #tpu.memory_space<vmem>>, vector<16xf32>,
        %mul3A_825 = arith.mulf %get3A_821, %get3A_824 : vector<16xf32>
        %add3A_826 = arith.addf %add3A_818, %mul3A_825 : vector<16xf32>
        %get3A_827 = arith.index_cast %add3A_771 : i32 to index
        %get3A_828 = arith.constant 112 : index
        %get3A_829 = tpu.vector_load %arg11[%get3A_827, %get3A_828] {strides = array<i32>} : memref<128x128xf32, #tpu.memory_space<vmem>>, vector<16xf32>,
        %get3A_830 = arith.index_cast %add3A_771 : i32 to index
        %get3A_831 = arith.constant 112 : index
        %get3A_832 = tpu.vector_load %arg12[%get3A_830, %get3A_831] {strides = array<i32>} : memref<128x128xf32, #tpu.memory_space<vmem>>, vector<16xf32>,
        %mul3A_833 = arith.mulf %get3A_829, %get3A_832 : vector<16xf32>
        %add3A_834 = arith.addf %add3A_826, %mul3A_833 : vector<16xf32>
        %broadcast_in_dim3A_835 = arith.constant 10 : i32
        %broadcast_in_dim3A_836 = vector.broadcast %broadcast_in_dim3A_835 : i32 to vector<16xi32>
        tpu.vector_store_idx %arg16[%iota3A, %broadcast_in_dim3A_836], %add3A_834 : memref<16x128xf32, #tpu.memory_space<vmem>>[vector<16xi32>, vector<16xi32>], vector<16xf32>,
        %mul3A_837 = arith.constant 16 : i32
        %mul3A_838 = arith.muli %scan3A_79, %mul3A_837 : i32
        %add3A_839 = arith.constant 11 : i32
        %add3A_840 = arith.addi %mul3A_838, %add3A_839 : i32
        %get3A_841 = arith.index_cast %add3A_840 : i32 to index
        %get3A_842 = arith.constant 0 : index
        %get3A_843 = tpu.vector_load %arg11[%get3A_841, %get3A_842] {strides = array<i32>} : memref<128x128xf32, #tpu.memory_space<vmem>>, vector<16xf32>,
        %get3A_844 = arith.index_cast %add3A_840 : i32 to index
        %get3A_845 = arith.constant 0 : index
        %get3A_846 = tpu.vector_load %arg12[%get3A_844, %get3A_845] {strides = array<i32>} : memref<128x128xf32, #tpu.memory_space<vmem>>, vector<16xf32>,
        %mul3A_847 = arith.mulf %get3A_843, %get3A_846 : vector<16xf32>
        %get3A_848 = arith.index_cast %add3A_840 : i32 to index
        %get3A_849 = arith.constant 16 : index
        %get3A_850 = tpu.vector_load %arg11[%get3A_848, %get3A_849] {strides = array<i32>} : memref<128x128xf32, #tpu.memory_space<vmem>>, vector<16xf32>,
        %get3A_851 = arith.index_cast %add3A_840 : i32 to index
        %get3A_852 = arith.constant 16 : index
        %get3A_853 = tpu.vector_load %arg12[%get3A_851, %get3A_852] {strides = array<i32>} : memref<128x128xf32, #tpu.memory_space<vmem>>, vector<16xf32>,
        %mul3A_854 = arith.mulf %get3A_850, %get3A_853 : vector<16xf32>
        %add3A_855 = arith.addf %mul3A_847, %mul3A_854 : vector<16xf32>
        %get3A_856 = arith.index_cast %add3A_840 : i32 to index
        %get3A_857 = arith.constant 32 : index
        %get3A_858 = tpu.vector_load %arg11[%get3A_856, %get3A_857] {strides = array<i32>} : memref<128x128xf32, #tpu.memory_space<vmem>>, vector<16xf32>,
        %get3A_859 = arith.index_cast %add3A_840 : i32 to index
        %get3A_860 = arith.constant 32 : index
        %get3A_861 = tpu.vector_load %arg12[%get3A_859, %get3A_860] {strides = array<i32>} : memref<128x128xf32, #tpu.memory_space<vmem>>, vector<16xf32>,
        %mul3A_862 = arith.mulf %get3A_858, %get3A_861 : vector<16xf32>
        %add3A_863 = arith.addf %add3A_855, %mul3A_862 : vector<16xf32>
        %get3A_864 = arith.index_cast %add3A_840 : i32 to index
        %get3A_865 = arith.constant 48 : index
        %get3A_866 = tpu.vector_load %arg11[%get3A_864, %get3A_865] {strides = array<i32>} : memref<128x128xf32, #tpu.memory_space<vmem>>, vector<16xf32>,
        %get3A_867 = arith.index_cast %add3A_840 : i32 to index
        %get3A_868 = arith.constant 48 : index
        %get3A_869 = tpu.vector_load %arg12[%get3A_867, %get3A_868] {strides = array<i32>} : memref<128x128xf32, #tpu.memory_space<vmem>>, vector<16xf32>,
        %mul3A_870 = arith.mulf %get3A_866, %get3A_869 : vector<16xf32>
        %add3A_871 = arith.addf %add3A_863, %mul3A_870 : vector<16xf32>
        %get3A_872 = arith.index_cast %add3A_840 : i32 to index
        %get3A_873 = arith.constant 64 : index
        %get3A_874 = tpu.vector_load %arg11[%get3A_872, %get3A_873] {strides = array<i32>} : memref<128x128xf32, #tpu.memory_space<vmem>>, vector<16xf32>,
        %get3A_875 = arith.index_cast %add3A_840 : i32 to index
        %get3A_876 = arith.constant 64 : index
        %get3A_877 = tpu.vector_load %arg12[%get3A_875, %get3A_876] {strides = array<i32>} : memref<128x128xf32, #tpu.memory_space<vmem>>, vector<16xf32>,
        %mul3A_878 = arith.mulf %get3A_874, %get3A_877 : vector<16xf32>
        %add3A_879 = arith.addf %add3A_871, %mul3A_878 : vector<16xf32>
        %get3A_880 = arith.index_cast %add3A_840 : i32 to index
        %get3A_881 = arith.constant 80 : index
        %get3A_882 = tpu.vector_load %arg11[%get3A_880, %get3A_881] {strides = array<i32>} : memref<128x128xf32, #tpu.memory_space<vmem>>, vector<16xf32>,
        %get3A_883 = arith.index_cast %add3A_840 : i32 to index
        %get3A_884 = arith.constant 80 : index
        %get3A_885 = tpu.vector_load %arg12[%get3A_883, %get3A_884] {strides = array<i32>} : memref<128x128xf32, #tpu.memory_space<vmem>>, vector<16xf32>,
        %mul3A_886 = arith.mulf %get3A_882, %get3A_885 : vector<16xf32>
        %add3A_887 = arith.addf %add3A_879, %mul3A_886 : vector<16xf32>
        %get3A_888 = arith.index_cast %add3A_840 : i32 to index
        %get3A_889 = arith.constant 96 : index
        %get3A_890 = tpu.vector_load %arg11[%get3A_888, %get3A_889] {strides = array<i32>} : memref<128x128xf32, #tpu.memory_space<vmem>>, vector<16xf32>,
        %get3A_891 = arith.index_cast %add3A_840 : i32 to index
        %get3A_892 = arith.constant 96 : index
        %get3A_893 = tpu.vector_load %arg12[%get3A_891, %get3A_892] {strides = array<i32>} : memref<128x128xf32, #tpu.memory_space<vmem>>, vector<16xf32>,
        %mul3A_894 = arith.mulf %get3A_890, %get3A_893 : vector<16xf32>
        %add3A_895 = arith.addf %add3A_887, %mul3A_894 : vector<16xf32>
        %get3A_896 = arith.index_cast %add3A_840 : i32 to index
        %get3A_897 = arith.constant 112 : index
        %get3A_898 = tpu.vector_load %arg11[%get3A_896, %get3A_897] {strides = array<i32>} : memref<128x128xf32, #tpu.memory_space<vmem>>, vector<16xf32>,
        %get3A_899 = arith.index_cast %add3A_840 : i32 to index
        %get3A_900 = arith.constant 112 : index
        %get3A_901 = tpu.vector_load %arg12[%get3A_899, %get3A_900] {strides = array<i32>} : memref<128x128xf32, #tpu.memory_space<vmem>>, vector<16xf32>,
        %mul3A_902 = arith.mulf %get3A_898, %get3A_901 : vector<16xf32>
        %add3A_903 = arith.addf %add3A_895, %mul3A_902 : vector<16xf32>
        %broadcast_in_dim3A_904 = arith.constant 11 : i32
        %broadcast_in_dim3A_905 = vector.broadcast %broadcast_in_dim3A_904 : i32 to vector<16xi32>
        tpu.vector_store_idx %arg16[%iota3A, %broadcast_in_dim3A_905], %add3A_903 : memref<16x128xf32, #tpu.memory_space<vmem>>[vector<16xi32>, vector<16xi32>], vector<16xf32>,
        %mul3A_906 = arith.constant 16 : i32
        %mul3A_907 = arith.muli %scan3A_79, %mul3A_906 : i32
        %add3A_908 = arith.constant 12 : i32
        %add3A_909 = arith.addi %mul3A_907, %add3A_908 : i32
        %get3A_910 = arith.index_cast %add3A_909 : i32 to index
        %get3A_911 = arith.constant 0 : index
        %get3A_912 = tpu.vector_load %arg11[%get3A_910, %get3A_911] {strides = array<i32>} : memref<128x128xf32, #tpu.memory_space<vmem>>, vector<16xf32>,
        %get3A_913 = arith.index_cast %add3A_909 : i32 to index
        %get3A_914 = arith.constant 0 : index
        %get3A_915 = tpu.vector_load %arg12[%get3A_913, %get3A_914] {strides = array<i32>} : memref<128x128xf32, #tpu.memory_space<vmem>>, vector<16xf32>,
        %mul3A_916 = arith.mulf %get3A_912, %get3A_915 : vector<16xf32>
        %get3A_917 = arith.index_cast %add3A_909 : i32 to index
        %get3A_918 = arith.constant 16 : index
        %get3A_919 = tpu.vector_load %arg11[%get3A_917, %get3A_918] {strides = array<i32>} : memref<128x128xf32, #tpu.memory_space<vmem>>, vector<16xf32>,
        %get3A_920 = arith.index_cast %add3A_909 : i32 to index
        %get3A_921 = arith.constant 16 : index
        %get3A_922 = tpu.vector_load %arg12[%get3A_920, %get3A_921] {strides = array<i32>} : memref<128x128xf32, #tpu.memory_space<vmem>>, vector<16xf32>,
        %mul3A_923 = arith.mulf %get3A_919, %get3A_922 : vector<16xf32>
        %add3A_924 = arith.addf %mul3A_916, %mul3A_923 : vector<16xf32>
        %get3A_925 = arith.index_cast %add3A_909 : i32 to index
        %get3A_926 = arith.constant 32 : index
        %get3A_927 = tpu.vector_load %arg11[%get3A_925, %get3A_926] {strides = array<i32>} : memref<128x128xf32, #tpu.memory_space<vmem>>, vector<16xf32>,
        %get3A_928 = arith.index_cast %add3A_909 : i32 to index
        %get3A_929 = arith.constant 32 : index
        %get3A_930 = tpu.vector_load %arg12[%get3A_928, %get3A_929] {strides = array<i32>} : memref<128x128xf32, #tpu.memory_space<vmem>>, vector<16xf32>,
        %mul3A_931 = arith.mulf %get3A_927, %get3A_930 : vector<16xf32>
        %add3A_932 = arith.addf %add3A_924, %mul3A_931 : vector<16xf32>
        %get3A_933 = arith.index_cast %add3A_909 : i32 to index
        %get3A_934 = arith.constant 48 : index
        %get3A_935 = tpu.vector_load %arg11[%get3A_933, %get3A_934] {strides = array<i32>} : memref<128x128xf32, #tpu.memory_space<vmem>>, vector<16xf32>,
        %get3A_936 = arith.index_cast %add3A_909 : i32 to index
        %get3A_937 = arith.constant 48 : index
        %get3A_938 = tpu.vector_load %arg12[%get3A_936, %get3A_937] {strides = array<i32>} : memref<128x128xf32, #tpu.memory_space<vmem>>, vector<16xf32>,
        %mul3A_939 = arith.mulf %get3A_935, %get3A_938 : vector<16xf32>
        %add3A_940 = arith.addf %add3A_932, %mul3A_939 : vector<16xf32>
        %get3A_941 = arith.index_cast %add3A_909 : i32 to index
        %get3A_942 = arith.constant 64 : index
        %get3A_943 = tpu.vector_load %arg11[%get3A_941, %get3A_942] {strides = array<i32>} : memref<128x128xf32, #tpu.memory_space<vmem>>, vector<16xf32>,
        %get3A_944 = arith.index_cast %add3A_909 : i32 to index
        %get3A_945 = arith.constant 64 : index
        %get3A_946 = tpu.vector_load %arg12[%get3A_944, %get3A_945] {strides = array<i32>} : memref<128x128xf32, #tpu.memory_space<vmem>>, vector<16xf32>,
        %mul3A_947 = arith.mulf %get3A_943, %get3A_946 : vector<16xf32>
        %add3A_948 = arith.addf %add3A_940, %mul3A_947 : vector<16xf32>
        %get3A_949 = arith.index_cast %add3A_909 : i32 to index
        %get3A_950 = arith.constant 80 : index
        %get3A_951 = tpu.vector_load %arg11[%get3A_949, %get3A_950] {strides = array<i32>} : memref<128x128xf32, #tpu.memory_space<vmem>>, vector<16xf32>,
        %get3A_952 = arith.index_cast %add3A_909 : i32 to index
        %get3A_953 = arith.constant 80 : index
        %get3A_954 = tpu.vector_load %arg12[%get3A_952, %get3A_953] {strides = array<i32>} : memref<128x128xf32, #tpu.memory_space<vmem>>, vector<16xf32>,
        %mul3A_955 = arith.mulf %get3A_951, %get3A_954 : vector<16xf32>
        %add3A_956 = arith.addf %add3A_948, %mul3A_955 : vector<16xf32>
        %get3A_957 = arith.index_cast %add3A_909 : i32 to index
        %get3A_958 = arith.constant 96 : index
        %get3A_959 = tpu.vector_load %arg11[%get3A_957, %get3A_958] {strides = array<i32>} : memref<128x128xf32, #tpu.memory_space<vmem>>, vector<16xf32>,
        %get3A_960 = arith.index_cast %add3A_909 : i32 to index
        %get3A_961 = arith.constant 96 : index
        %get3A_962 = tpu.vector_load %arg12[%get3A_960, %get3A_961] {strides = array<i32>} : memref<128x128xf32, #tpu.memory_space<vmem>>, vector<16xf32>,
        %mul3A_963 = arith.mulf %get3A_959, %get3A_962 : vector<16xf32>
        %add3A_964 = arith.addf %add3A_956, %mul3A_963 : vector<16xf32>
        %get3A_965 = arith.index_cast %add3A_909 : i32 to index
        %get3A_966 = arith.constant 112 : index
        %get3A_967 = tpu.vector_load %arg11[%get3A_965, %get3A_966] {strides = array<i32>} : memref<128x128xf32, #tpu.memory_space<vmem>>, vector<16xf32>,
        %get3A_968 = arith.index_cast %add3A_909 : i32 to index
        %get3A_969 = arith.constant 112 : index
        %get3A_970 = tpu.vector_load %arg12[%get3A_968, %get3A_969] {strides = array<i32>} : memref<128x128xf32, #tpu.memory_space<vmem>>, vector<16xf32>,
        %mul3A_971 = arith.mulf %get3A_967, %get3A_970 : vector<16xf32>
        %add3A_972 = arith.addf %add3A_964, %mul3A_971 : vector<16xf32>
        %broadcast_in_dim3A_973 = arith.constant 12 : i32
        %broadcast_in_dim3A_974 = vector.broadcast %broadcast_in_dim3A_973 : i32 to vector<16xi32>
        tpu.vector_store_idx %arg16[%iota3A, %broadcast_in_dim3A_974], %add3A_972 : memref<16x128xf32, #tpu.memory_space<vmem>>[vector<16xi32>, vector<16xi32>], vector<16xf32>,
        %mul3A_975 = arith.constant 16 : i32
        %mul3A_976 = arith.muli %scan3A_79, %mul3A_975 : i32
        %add3A_977 = arith.constant 13 : i32
        %add3A_978 = arith.addi %mul3A_976, %add3A_977 : i32
        %get3A_979 = arith.index_cast %add3A_978 : i32 to index
        %get3A_980 = arith.constant 0 : index
        %get3A_981 = tpu.vector_load %arg11[%get3A_979, %get3A_980] {strides = array<i32>} : memref<128x128xf32, #tpu.memory_space<vmem>>, vector<16xf32>,
        %get3A_982 = arith.index_cast %add3A_978 : i32 to index
        %get3A_983 = arith.constant 0 : index
        %get3A_984 = tpu.vector_load %arg12[%get3A_982, %get3A_983] {strides = array<i32>} : memref<128x128xf32, #tpu.memory_space<vmem>>, vector<16xf32>,
        %mul3A_985 = arith.mulf %get3A_981, %get3A_984 : vector<16xf32>
        %get3A_986 = arith.index_cast %add3A_978 : i32 to index
        %get3A_987 = arith.constant 16 : index
        %get3A_988 = tpu.vector_load %arg11[%get3A_986, %get3A_987] {strides = array<i32>} : memref<128x128xf32, #tpu.memory_space<vmem>>, vector<16xf32>,
        %get3A_989 = arith.index_cast %add3A_978 : i32 to index
        %get3A_990 = arith.constant 16 : index
        %get3A_991 = tpu.vector_load %arg12[%get3A_989, %get3A_990] {strides = array<i32>} : memref<128x128xf32, #tpu.memory_space<vmem>>, vector<16xf32>,
        %mul3A_992 = arith.mulf %get3A_988, %get3A_991 : vector<16xf32>
        %add3A_993 = arith.addf %mul3A_985, %mul3A_992 : vector<16xf32>
        %get3A_994 = arith.index_cast %add3A_978 : i32 to index
        %get3A_995 = arith.constant 32 : index
        %get3A_996 = tpu.vector_load %arg11[%get3A_994, %get3A_995] {strides = array<i32>} : memref<128x128xf32, #tpu.memory_space<vmem>>, vector<16xf32>,
        %get3A_997 = arith.index_cast %add3A_978 : i32 to index
        %get3A_998 = arith.constant 32 : index
        %get3A_999 = tpu.vector_load %arg12[%get3A_997, %get3A_998] {strides = array<i32>} : memref<128x128xf32, #tpu.memory_space<vmem>>, vector<16xf32>,
        %mul3A_1000 = arith.mulf %get3A_996, %get3A_999 : vector<16xf32>
        %add3A_1001 = arith.addf %add3A_993, %mul3A_1000 : vector<16xf32>
        %get3A_1002 = arith.index_cast %add3A_978 : i32 to index
        %get3A_1003 = arith.constant 48 : index
        %get3A_1004 = tpu.vector_load %arg11[%get3A_1002, %get3A_1003] {strides = array<i32>} : memref<128x128xf32, #tpu.memory_space<vmem>>, vector<16xf32>,
        %get3A_1005 = arith.index_cast %add3A_978 : i32 to index
        %get3A_1006 = arith.constant 48 : index
        %get3A_1007 = tpu.vector_load %arg12[%get3A_1005, %get3A_1006] {strides = array<i32>} : memref<128x128xf32, #tpu.memory_space<vmem>>, vector<16xf32>,
        %mul3A_1008 = arith.mulf %get3A_1004, %get3A_1007 : vector<16xf32>
        %add3A_1009 = arith.addf %add3A_1001, %mul3A_1008 : vector<16xf32>
        %get3A_1010 = arith.index_cast %add3A_978 : i32 to index
        %get3A_1011 = arith.constant 64 : index
        %get3A_1012 = tpu.vector_load %arg11[%get3A_1010, %get3A_1011] {strides = array<i32>} : memref<128x128xf32, #tpu.memory_space<vmem>>, vector<16xf32>,
        %get3A_1013 = arith.index_cast %add3A_978 : i32 to index
        %get3A_1014 = arith.constant 64 : index
        %get3A_1015 = tpu.vector_load %arg12[%get3A_1013, %get3A_1014] {strides = array<i32>} : memref<128x128xf32, #tpu.memory_space<vmem>>, vector<16xf32>,
        %mul3A_1016 = arith.mulf %get3A_1012, %get3A_1015 : vector<16xf32>
        %add3A_1017 = arith.addf %add3A_1009, %mul3A_1016 : vector<16xf32>
        %get3A_1018 = arith.index_cast %add3A_978 : i32 to index
        %get3A_1019 = arith.constant 80 : index
        %get3A_1020 = tpu.vector_load %arg11[%get3A_1018, %get3A_1019] {strides = array<i32>} : memref<128x128xf32, #tpu.memory_space<vmem>>, vector<16xf32>,
        %get3A_1021 = arith.index_cast %add3A_978 : i32 to index
        %get3A_1022 = arith.constant 80 : index
        %get3A_1023 = tpu.vector_load %arg12[%get3A_1021, %get3A_1022] {strides = array<i32>} : memref<128x128xf32, #tpu.memory_space<vmem>>, vector<16xf32>,
        %mul3A_1024 = arith.mulf %get3A_1020, %get3A_1023 : vector<16xf32>
        %add3A_1025 = arith.addf %add3A_1017, %mul3A_1024 : vector<16xf32>
        %get3A_1026 = arith.index_cast %add3A_978 : i32 to index
        %get3A_1027 = arith.constant 96 : index
        %get3A_1028 = tpu.vector_load %arg11[%get3A_1026, %get3A_1027] {strides = array<i32>} : memref<128x128xf32, #tpu.memory_space<vmem>>, vector<16xf32>,
        %get3A_1029 = arith.index_cast %add3A_978 : i32 to index
        %get3A_1030 = arith.constant 96 : index
        %get3A_1031 = tpu.vector_load %arg12[%get3A_1029, %get3A_1030] {strides = array<i32>} : memref<128x128xf32, #tpu.memory_space<vmem>>, vector<16xf32>,
        %mul3A_1032 = arith.mulf %get3A_1028, %get3A_1031 : vector<16xf32>
        %add3A_1033 = arith.addf %add3A_1025, %mul3A_1032 : vector<16xf32>
        %get3A_1034 = arith.index_cast %add3A_978 : i32 to index
        %get3A_1035 = arith.constant 112 : index
        %get3A_1036 = tpu.vector_load %arg11[%get3A_1034, %get3A_1035] {strides = array<i32>} : memref<128x128xf32, #tpu.memory_space<vmem>>, vector<16xf32>,
        %get3A_1037 = arith.index_cast %add3A_978 : i32 to index
        %get3A_1038 = arith.constant 112 : index
        %get3A_1039 = tpu.vector_load %arg12[%get3A_1037, %get3A_1038] {strides = array<i32>} : memref<128x128xf32, #tpu.memory_space<vmem>>, vector<16xf32>,
        %mul3A_1040 = arith.mulf %get3A_1036, %get3A_1039 : vector<16xf32>
        %add3A_1041 = arith.addf %add3A_1033, %mul3A_1040 : vector<16xf32>
        %broadcast_in_dim3A_1042 = arith.constant 13 : i32
        %broadcast_in_dim3A_1043 = vector.broadcast %broadcast_in_dim3A_1042 : i32 to vector<16xi32>
        tpu.vector_store_idx %arg16[%iota3A, %broadcast_in_dim3A_1043], %add3A_1041 : memref<16x128xf32, #tpu.memory_space<vmem>>[vector<16xi32>, vector<16xi32>], vector<16xf32>,
        %mul3A_1044 = arith.constant 16 : i32
        %mul3A_1045 = arith.muli %scan3A_79, %mul3A_1044 : i32
        %add3A_1046 = arith.constant 14 : i32
        %add3A_1047 = arith.addi %mul3A_1045, %add3A_1046 : i32
        %get3A_1048 = arith.index_cast %add3A_1047 : i32 to index
        %get3A_1049 = arith.constant 0 : index
        %get3A_1050 = tpu.vector_load %arg11[%get3A_1048, %get3A_1049] {strides = array<i32>} : memref<128x128xf32, #tpu.memory_space<vmem>>, vector<16xf32>,
        %get3A_1051 = arith.index_cast %add3A_1047 : i32 to index
        %get3A_1052 = arith.constant 0 : index
        %get3A_1053 = tpu.vector_load %arg12[%get3A_1051, %get3A_1052] {strides = array<i32>} : memref<128x128xf32, #tpu.memory_space<vmem>>, vector<16xf32>,
        %mul3A_1054 = arith.mulf %get3A_1050, %get3A_1053 : vector<16xf32>
        %get3A_1055 = arith.index_cast %add3A_1047 : i32 to index
        %get3A_1056 = arith.constant 16 : index
        %get3A_1057 = tpu.vector_load %arg11[%get3A_1055, %get3A_1056] {strides = array<i32>} : memref<128x128xf32, #tpu.memory_space<vmem>>, vector<16xf32>,
        %get3A_1058 = arith.index_cast %add3A_1047 : i32 to index
        %get3A_1059 = arith.constant 16 : index
        %get3A_1060 = tpu.vector_load %arg12[%get3A_1058, %get3A_1059] {strides = array<i32>} : memref<128x128xf32, #tpu.memory_space<vmem>>, vector<16xf32>,
        %mul3A_1061 = arith.mulf %get3A_1057, %get3A_1060 : vector<16xf32>
        %add3A_1062 = arith.addf %mul3A_1054, %mul3A_1061 : vector<16xf32>
        %get3A_1063 = arith.index_cast %add3A_1047 : i32 to index
        %get3A_1064 = arith.constant 32 : index
        %get3A_1065 = tpu.vector_load %arg11[%get3A_1063, %get3A_1064] {strides = array<i32>} : memref<128x128xf32, #tpu.memory_space<vmem>>, vector<16xf32>,
        %get3A_1066 = arith.index_cast %add3A_1047 : i32 to index
        %get3A_1067 = arith.constant 32 : index
        %get3A_1068 = tpu.vector_load %arg12[%get3A_1066, %get3A_1067] {strides = array<i32>} : memref<128x128xf32, #tpu.memory_space<vmem>>, vector<16xf32>,
        %mul3A_1069 = arith.mulf %get3A_1065, %get3A_1068 : vector<16xf32>
        %add3A_1070 = arith.addf %add3A_1062, %mul3A_1069 : vector<16xf32>
        %get3A_1071 = arith.index_cast %add3A_1047 : i32 to index
        %get3A_1072 = arith.constant 48 : index
        %get3A_1073 = tpu.vector_load %arg11[%get3A_1071, %get3A_1072] {strides = array<i32>} : memref<128x128xf32, #tpu.memory_space<vmem>>, vector<16xf32>,
        %get3A_1074 = arith.index_cast %add3A_1047 : i32 to index
        %get3A_1075 = arith.constant 48 : index
        %get3A_1076 = tpu.vector_load %arg12[%get3A_1074, %get3A_1075] {strides = array<i32>} : memref<128x128xf32, #tpu.memory_space<vmem>>, vector<16xf32>,
        %mul3A_1077 = arith.mulf %get3A_1073, %get3A_1076 : vector<16xf32>
        %add3A_1078 = arith.addf %add3A_1070, %mul3A_1077 : vector<16xf32>
        %get3A_1079 = arith.index_cast %add3A_1047 : i32 to index
        %get3A_1080 = arith.constant 64 : index
        %get3A_1081 = tpu.vector_load %arg11[%get3A_1079, %get3A_1080] {strides = array<i32>} : memref<128x128xf32, #tpu.memory_space<vmem>>, vector<16xf32>,
        %get3A_1082 = arith.index_cast %add3A_1047 : i32 to index
        %get3A_1083 = arith.constant 64 : index
        %get3A_1084 = tpu.vector_load %arg12[%get3A_1082, %get3A_1083] {strides = array<i32>} : memref<128x128xf32, #tpu.memory_space<vmem>>, vector<16xf32>,
        %mul3A_1085 = arith.mulf %get3A_1081, %get3A_1084 : vector<16xf32>
        %add3A_1086 = arith.addf %add3A_1078, %mul3A_1085 : vector<16xf32>
        %get3A_1087 = arith.index_cast %add3A_1047 : i32 to index
        %get3A_1088 = arith.constant 80 : index
        %get3A_1089 = tpu.vector_load %arg11[%get3A_1087, %get3A_1088] {strides = array<i32>} : memref<128x128xf32, #tpu.memory_space<vmem>>, vector<16xf32>,
        %get3A_1090 = arith.index_cast %add3A_1047 : i32 to index
        %get3A_1091 = arith.constant 80 : index
        %get3A_1092 = tpu.vector_load %arg12[%get3A_1090, %get3A_1091] {strides = array<i32>} : memref<128x128xf32, #tpu.memory_space<vmem>>, vector<16xf32>,
        %mul3A_1093 = arith.mulf %get3A_1089, %get3A_1092 : vector<16xf32>
        %add3A_1094 = arith.addf %add3A_1086, %mul3A_1093 : vector<16xf32>
        %get3A_1095 = arith.index_cast %add3A_1047 : i32 to index
        %get3A_1096 = arith.constant 96 : index
        %get3A_1097 = tpu.vector_load %arg11[%get3A_1095, %get3A_1096] {strides = array<i32>} : memref<128x128xf32, #tpu.memory_space<vmem>>, vector<16xf32>,
        %get3A_1098 = arith.index_cast %add3A_1047 : i32 to index
        %get3A_1099 = arith.constant 96 : index
        %get3A_1100 = tpu.vector_load %arg12[%get3A_1098, %get3A_1099] {strides = array<i32>} : memref<128x128xf32, #tpu.memory_space<vmem>>, vector<16xf32>,
        %mul3A_1101 = arith.mulf %get3A_1097, %get3A_1100 : vector<16xf32>
        %add3A_1102 = arith.addf %add3A_1094, %mul3A_1101 : vector<16xf32>
        %get3A_1103 = arith.index_cast %add3A_1047 : i32 to index
        %get3A_1104 = arith.constant 112 : index
        %get3A_1105 = tpu.vector_load %arg11[%get3A_1103, %get3A_1104] {strides = array<i32>} : memref<128x128xf32, #tpu.memory_space<vmem>>, vector<16xf32>,
        %get3A_1106 = arith.index_cast %add3A_1047 : i32 to index
        %get3A_1107 = arith.constant 112 : index
        %get3A_1108 = tpu.vector_load %arg12[%get3A_1106, %get3A_1107] {strides = array<i32>} : memref<128x128xf32, #tpu.memory_space<vmem>>, vector<16xf32>,
        %mul3A_1109 = arith.mulf %get3A_1105, %get3A_1108 : vector<16xf32>
        %add3A_1110 = arith.addf %add3A_1102, %mul3A_1109 : vector<16xf32>
        %broadcast_in_dim3A_1111 = arith.constant 14 : i32
        %broadcast_in_dim3A_1112 = vector.broadcast %broadcast_in_dim3A_1111 : i32 to vector<16xi32>
        tpu.vector_store_idx %arg16[%iota3A, %broadcast_in_dim3A_1112], %add3A_1110 : memref<16x128xf32, #tpu.memory_space<vmem>>[vector<16xi32>, vector<16xi32>], vector<16xf32>,
        %mul3A_1113 = arith.constant 16 : i32
        %mul3A_1114 = arith.muli %scan3A_79, %mul3A_1113 : i32
        %add3A_1115 = arith.constant 15 : i32
        %add3A_1116 = arith.addi %mul3A_1114, %add3A_1115 : i32
        %get3A_1117 = arith.index_cast %add3A_1116 : i32 to index
        %get3A_1118 = arith.constant 0 : index
        %get3A_1119 = tpu.vector_load %arg11[%get3A_1117, %get3A_1118] {strides = array<i32>} : memref<128x128xf32, #tpu.memory_space<vmem>>, vector<16xf32>,
        %get3A_1120 = arith.index_cast %add3A_1116 : i32 to index
        %get3A_1121 = arith.constant 0 : index
        %get3A_1122 = tpu.vector_load %arg12[%get3A_1120, %get3A_1121] {strides = array<i32>} : memref<128x128xf32, #tpu.memory_space<vmem>>, vector<16xf32>,
        %mul3A_1123 = arith.mulf %get3A_1119, %get3A_1122 : vector<16xf32>
        %get3A_1124 = arith.index_cast %add3A_1116 : i32 to index
        %get3A_1125 = arith.constant 16 : index
        %get3A_1126 = tpu.vector_load %arg11[%get3A_1124, %get3A_1125] {strides = array<i32>} : memref<128x128xf32, #tpu.memory_space<vmem>>, vector<16xf32>,
        %get3A_1127 = arith.index_cast %add3A_1116 : i32 to index
        %get3A_1128 = arith.constant 16 : index
        %get3A_1129 = tpu.vector_load %arg12[%get3A_1127, %get3A_1128] {strides = array<i32>} : memref<128x128xf32, #tpu.memory_space<vmem>>, vector<16xf32>,
        %mul3A_1130 = arith.mulf %get3A_1126, %get3A_1129 : vector<16xf32>
        %add3A_1131 = arith.addf %mul3A_1123, %mul3A_1130 : vector<16xf32>
        %get3A_1132 = arith.index_cast %add3A_1116 : i32 to index
        %get3A_1133 = arith.constant 32 : index
        %get3A_1134 = tpu.vector_load %arg11[%get3A_1132, %get3A_1133] {strides = array<i32>} : memref<128x128xf32, #tpu.memory_space<vmem>>, vector<16xf32>,
        %get3A_1135 = arith.index_cast %add3A_1116 : i32 to index
        %get3A_1136 = arith.constant 32 : index
        %get3A_1137 = tpu.vector_load %arg12[%get3A_1135, %get3A_1136] {strides = array<i32>} : memref<128x128xf32, #tpu.memory_space<vmem>>, vector<16xf32>,
        %mul3A_1138 = arith.mulf %get3A_1134, %get3A_1137 : vector<16xf32>
        %add3A_1139 = arith.addf %add3A_1131, %mul3A_1138 : vector<16xf32>
        %get3A_1140 = arith.index_cast %add3A_1116 : i32 to index
        %get3A_1141 = arith.constant 48 : index
        %get3A_1142 = tpu.vector_load %arg11[%get3A_1140, %get3A_1141] {strides = array<i32>} : memref<128x128xf32, #tpu.memory_space<vmem>>, vector<16xf32>,
        %get3A_1143 = arith.index_cast %add3A_1116 : i32 to index
        %get3A_1144 = arith.constant 48 : index
        %get3A_1145 = tpu.vector_load %arg12[%get3A_1143, %get3A_1144] {strides = array<i32>} : memref<128x128xf32, #tpu.memory_space<vmem>>, vector<16xf32>,
        %mul3A_1146 = arith.mulf %get3A_1142, %get3A_1145 : vector<16xf32>
        %add3A_1147 = arith.addf %add3A_1139, %mul3A_1146 : vector<16xf32>
        %get3A_1148 = arith.index_cast %add3A_1116 : i32 to index
        %get3A_1149 = arith.constant 64 : index
        %get3A_1150 = tpu.vector_load %arg11[%get3A_1148, %get3A_1149] {strides = array<i32>} : memref<128x128xf32, #tpu.memory_space<vmem>>, vector<16xf32>,
        %get3A_1151 = arith.index_cast %add3A_1116 : i32 to index
        %get3A_1152 = arith.constant 64 : index
        %get3A_1153 = tpu.vector_load %arg12[%get3A_1151, %get3A_1152] {strides = array<i32>} : memref<128x128xf32, #tpu.memory_space<vmem>>, vector<16xf32>,
        %mul3A_1154 = arith.mulf %get3A_1150, %get3A_1153 : vector<16xf32>
        %add3A_1155 = arith.addf %add3A_1147, %mul3A_1154 : vector<16xf32>
        %get3A_1156 = arith.index_cast %add3A_1116 : i32 to index
        %get3A_1157 = arith.constant 80 : index
        %get3A_1158 = tpu.vector_load %arg11[%get3A_1156, %get3A_1157] {strides = array<i32>} : memref<128x128xf32, #tpu.memory_space<vmem>>, vector<16xf32>,
        %get3A_1159 = arith.index_cast %add3A_1116 : i32 to index
        %get3A_1160 = arith.constant 80 : index
        %get3A_1161 = tpu.vector_load %arg12[%get3A_1159, %get3A_1160] {strides = array<i32>} : memref<128x128xf32, #tpu.memory_space<vmem>>, vector<16xf32>,
        %mul3A_1162 = arith.mulf %get3A_1158, %get3A_1161 : vector<16xf32>
        %add3A_1163 = arith.addf %add3A_1155, %mul3A_1162 : vector<16xf32>
        %get3A_1164 = arith.index_cast %add3A_1116 : i32 to index
        %get3A_1165 = arith.constant 96 : index
        %get3A_1166 = tpu.vector_load %arg11[%get3A_1164, %get3A_1165] {strides = array<i32>} : memref<128x128xf32, #tpu.memory_space<vmem>>, vector<16xf32>,
        %get3A_1167 = arith.index_cast %add3A_1116 : i32 to index
        %get3A_1168 = arith.constant 96 : index
        %get3A_1169 = tpu.vector_load %arg12[%get3A_1167, %get3A_1168] {strides = array<i32>} : memref<128x128xf32, #tpu.memory_space<vmem>>, vector<16xf32>,
        %mul3A_1170 = arith.mulf %get3A_1166, %get3A_1169 : vector<16xf32>
        %add3A_1171 = arith.addf %add3A_1163, %mul3A_1170 : vector<16xf32>
        %get3A_1172 = arith.index_cast %add3A_1116 : i32 to index
        %get3A_1173 = arith.constant 112 : index
        %get3A_1174 = tpu.vector_load %arg11[%get3A_1172, %get3A_1173] {strides = array<i32>} : memref<128x128xf32, #tpu.memory_space<vmem>>, vector<16xf32>,
        %get3A_1175 = arith.index_cast %add3A_1116 : i32 to index
        %get3A_1176 = arith.constant 112 : index
        %get3A_1177 = tpu.vector_load %arg12[%get3A_1175, %get3A_1176] {strides = array<i32>} : memref<128x128xf32, #tpu.memory_space<vmem>>, vector<16xf32>,
        %mul3A_1178 = arith.mulf %get3A_1174, %get3A_1177 : vector<16xf32>
        %add3A_1179 = arith.addf %add3A_1171, %mul3A_1178 : vector<16xf32>
        %broadcast_in_dim3A_1180 = arith.constant 15 : i32
        %broadcast_in_dim3A_1181 = vector.broadcast %broadcast_in_dim3A_1180 : i32 to vector<16xi32>
        tpu.vector_store_idx %arg16[%iota3A, %broadcast_in_dim3A_1181], %add3A_1179 : memref<16x128xf32, #tpu.memory_space<vmem>>[vector<16xi32>, vector<16xi32>], vector<16xf32>,
        %get3A_1182 = arith.constant 0 : i32
        %get3A_1183 = arith.index_cast %get3A_1182 : i32 to index
        %get3A_1184 = arith.constant 0 : index
        %get3A_1185 = tpu.vector_load %arg16[%get3A_1183, %get3A_1184] {strides = array<i32>} : memref<16x128xf32, #tpu.memory_space<vmem>>, vector<16xf32>,
        %get3A_1186 = arith.constant 1 : i32
        %get3A_1187 = arith.index_cast %get3A_1186 : i32 to index
        %get3A_1188 = arith.constant 0 : index
        %get3A_1189 = tpu.vector_load %arg16[%get3A_1187, %get3A_1188] {strides = array<i32>} : memref<16x128xf32, #tpu.memory_space<vmem>>, vector<16xf32>,
        %add3A_1190 = arith.addf %get3A_1185, %get3A_1189 : vector<16xf32>
        %get3A_1191 = arith.constant 2 : i32
        %get3A_1192 = arith.index_cast %get3A_1191 : i32 to index
        %get3A_1193 = arith.constant 0 : index
        %get3A_1194 = tpu.vector_load %arg16[%get3A_1192, %get3A_1193] {strides = array<i32>} : memref<16x128xf32, #tpu.memory_space<vmem>>, vector<16xf32>,
        %add3A_1195 = arith.addf %add3A_1190, %get3A_1194 : vector<16xf32>
        %get3A_1196 = arith.constant 3 : i32
        %get3A_1197 = arith.index_cast %get3A_1196 : i32 to index
        %get3A_1198 = arith.constant 0 : index
        %get3A_1199 = tpu.vector_load %arg16[%get3A_1197, %get3A_1198] {strides = array<i32>} : memref<16x128xf32, #tpu.memory_space<vmem>>, vector<16xf32>,
        %add3A_1200 = arith.addf %add3A_1195, %get3A_1199 : vector<16xf32>
        %get3A_1201 = arith.constant 4 : i32
        %get3A_1202 = arith.index_cast %get3A_1201 : i32 to index
        %get3A_1203 = arith.constant 0 : index
        %get3A_1204 = tpu.vector_load %arg16[%get3A_1202, %get3A_1203] {strides = array<i32>} : memref<16x128xf32, #tpu.memory_space<vmem>>, vector<16xf32>,
        %add3A_1205 = arith.addf %add3A_1200, %get3A_1204 : vector<16xf32>
        %get3A_1206 = arith.constant 5 : i32
        %get3A_1207 = arith.index_cast %get3A_1206 : i32 to index
        %get3A_1208 = arith.constant 0 : index
        %get3A_1209 = tpu.vector_load %arg16[%get3A_1207, %get3A_1208] {strides = array<i32>} : memref<16x128xf32, #tpu.memory_space<vmem>>, vector<16xf32>,
        %add3A_1210 = arith.addf %add3A_1205, %get3A_1209 : vector<16xf32>
        %get3A_1211 = arith.constant 6 : i32
        %get3A_1212 = arith.index_cast %get3A_1211 : i32 to index
        %get3A_1213 = arith.constant 0 : index
        %get3A_1214 = tpu.vector_load %arg16[%get3A_1212, %get3A_1213] {strides = array<i32>} : memref<16x128xf32, #tpu.memory_space<vmem>>, vector<16xf32>,
        %add3A_1215 = arith.addf %add3A_1210, %get3A_1214 : vector<16xf32>
        %get3A_1216 = arith.constant 7 : i32
        %get3A_1217 = arith.index_cast %get3A_1216 : i32 to index
        %get3A_1218 = arith.constant 0 : index
        %get3A_1219 = tpu.vector_load %arg16[%get3A_1217, %get3A_1218] {strides = array<i32>} : memref<16x128xf32, #tpu.memory_space<vmem>>, vector<16xf32>,
        %add3A_1220 = arith.addf %add3A_1215, %get3A_1219 : vector<16xf32>
        %get3A_1221 = arith.constant 8 : i32
        %get3A_1222 = arith.index_cast %get3A_1221 : i32 to index
        %get3A_1223 = arith.constant 0 : index
        %get3A_1224 = tpu.vector_load %arg16[%get3A_1222, %get3A_1223] {strides = array<i32>} : memref<16x128xf32, #tpu.memory_space<vmem>>, vector<16xf32>,
        %add3A_1225 = arith.addf %add3A_1220, %get3A_1224 : vector<16xf32>
        %get3A_1226 = arith.constant 9 : i32
        %get3A_1227 = arith.index_cast %get3A_1226 : i32 to index
        %get3A_1228 = arith.constant 0 : index
        %get3A_1229 = tpu.vector_load %arg16[%get3A_1227, %get3A_1228] {strides = array<i32>} : memref<16x128xf32, #tpu.memory_space<vmem>>, vector<16xf32>,
        %add3A_1230 = arith.addf %add3A_1225, %get3A_1229 : vector<16xf32>
        %get3A_1231 = arith.constant 10 : i32
        %get3A_1232 = arith.index_cast %get3A_1231 : i32 to index
        %get3A_1233 = arith.constant 0 : index
        %get3A_1234 = tpu.vector_load %arg16[%get3A_1232, %get3A_1233] {strides = array<i32>} : memref<16x128xf32, #tpu.memory_space<vmem>>, vector<16xf32>,
        %add3A_1235 = arith.addf %add3A_1230, %get3A_1234 : vector<16xf32>
        %get3A_1236 = arith.constant 11 : i32
        %get3A_1237 = arith.index_cast %get3A_1236 : i32 to index
        %get3A_1238 = arith.constant 0 : index
        %get3A_1239 = tpu.vector_load %arg16[%get3A_1237, %get3A_1238] {strides = array<i32>} : memref<16x128xf32, #tpu.memory_space<vmem>>, vector<16xf32>,
        %add3A_1240 = arith.addf %add3A_1235, %get3A_1239 : vector<16xf32>
        %get3A_1241 = arith.constant 12 : i32
        %get3A_1242 = arith.index_cast %get3A_1241 : i32 to index
        %get3A_1243 = arith.constant 0 : index
        %get3A_1244 = tpu.vector_load %arg16[%get3A_1242, %get3A_1243] {strides = array<i32>} : memref<16x128xf32, #tpu.memory_space<vmem>>, vector<16xf32>,
        %add3A_1245 = arith.addf %add3A_1240, %get3A_1244 : vector<16xf32>
        %get3A_1246 = arith.constant 13 : i32
        %get3A_1247 = arith.index_cast %get3A_1246 : i32 to index
        %get3A_1248 = arith.constant 0 : index
        %get3A_1249 = tpu.vector_load %arg16[%get3A_1247, %get3A_1248] {strides = array<i32>} : memref<16x128xf32, #tpu.memory_space<vmem>>, vector<16xf32>,
        %add3A_1250 = arith.addf %add3A_1245, %get3A_1249 : vector<16xf32>
        %get3A_1251 = arith.constant 14 : i32
        %get3A_1252 = arith.index_cast %get3A_1251 : i32 to index
        %get3A_1253 = arith.constant 0 : index
        %get3A_1254 = tpu.vector_load %arg16[%get3A_1252, %get3A_1253] {strides = array<i32>} : memref<16x128xf32, #tpu.memory_space<vmem>>, vector<16xf32>,
        %add3A_1255 = arith.addf %add3A_1250, %get3A_1254 : vector<16xf32>
        %get3A_1256 = arith.constant 15 : i32
        %get3A_1257 = arith.index_cast %get3A_1256 : i32 to index
        %get3A_1258 = arith.constant 0 : index
        %get3A_1259 = tpu.vector_load %arg16[%get3A_1257, %get3A_1258] {strides = array<i32>} : memref<16x128xf32, #tpu.memory_space<vmem>>, vector<16xf32>,
        %add3A_1260 = arith.addf %add3A_1255, %get3A_1259 : vector<16xf32>
        %mul3A_1261 = arith.constant 16 : i32
        %mul3A_1262 = arith.muli %scan3A_79, %mul3A_1261 : i32
        %swap3A = arith.index_cast %mul3A_1262 : i32 to index
        %swap3A_1263 = tpu.vector_load %arg15[%swap3A] {strides = array<i32>} : memref<128xf32, #tpu.memory_space<vmem>>, vector<16xf32>,
        tpu.vector_store %arg15[%swap3A], %add3A_1260 {strides = array<i32>} : memref<128xf32, #tpu.memory_space<vmem>>, vector<16xf32>,
      }
      %scan3A_45 = arith.constant 8 : i32
      %mul3A_46 = arith.constant 128 : i32
      %mul3A_47 = arith.muli %mul3A_22, %mul3A_46 : i32
      %add3A_48 = arith.addi %mul3A_2, %mul3A_47 : i32
      "tpu.region"() ({
        %run_scoped3A = tpu.sem_alloc : memref<!tpu.dma_semaphore, #tpu.memory_space<semaphore_mem>>
        %dma_start3A_79 = tpu.memref_slice %arg6[%add3A_48] : memref<327680xf32, #tpu.memory_space<hbm>> -> memref<128xf32, #tpu.memory_space<hbm>>
        %dma_start3A_80 = tpu.memref_slice %arg6[%add3A_48] : memref<327680xf32, #tpu.memory_space<hbm>> -> memref<128xf32, #tpu.memory_space<hbm>>
        tpu.enqueue_dma source(%arg15 : memref<128xf32, #tpu.memory_space<vmem>>) target(%dma_start3A_80 : memref<128xf32, #tpu.memory_space<hbm>>) target_semaphore(%run_scoped3A : memref<!tpu.dma_semaphore, #tpu.memory_space<semaphore_mem>>)
        %dma_wait3A_81 = tpu.memref_slice %arg6[%add3A_48] : memref<327680xf32, #tpu.memory_space<hbm>> -> memref<128xf32, #tpu.memory_space<hbm>>
        %dma_wait3A_82 = tpu.memref_slice %arg6[%add3A_48] : memref<327680xf32, #tpu.memory_space<hbm>> -> memref<128xf32, #tpu.memory_space<hbm>>
        tpu.wait_dma2 semaphore(%run_scoped3A : memref<!tpu.dma_semaphore, #tpu.memory_space<semaphore_mem>>) src(%arg15 : memref<128xf32, #tpu.memory_space<vmem>>) dst(%dma_wait3A_82 : memref<128xf32, #tpu.memory_space<hbm>>)
        tpu.yield
      }) : () -> ()
      %add3A_49 = arith.constant 2 : i32
      %add3A_50 = arith.addi %mul3A_22, %add3A_49 : i32
      %rem3A = arith.constant 80 : i32
      %rem3A_51 = arith.remsi %add3A_50, %rem3A : i32
      %mul3A_52 = arith.constant 128 : i32
      %mul3A_53 = arith.muli %rem3A_51, %mul3A_52 : i32
      %add3A_54 = arith.addi %mul3A_2, %mul3A_53 : i32
      "tpu.region"() ({
        %run_scoped3A = tpu.sem_alloc : memref<!tpu.dma_semaphore, #tpu.memory_space<semaphore_mem>>
        %dma_start3A_79 = tpu.memref_slice %arg4[%add3A_54] : memref<327680xi32, #tpu.memory_space<hbm>> -> memref<128xi32, #tpu.memory_space<hbm>>
        %dma_start3A_80 = tpu.memref_slice %arg4[%add3A_54] : memref<327680xi32, #tpu.memory_space<hbm>> -> memref<128xi32, #tpu.memory_space<hbm>>
        tpu.enqueue_dma source(%dma_start3A_80 : memref<128xi32, #tpu.memory_space<hbm>>) target(%arg7 : memref<128xi32, #tpu.memory_space<vmem>>) target_semaphore(%run_scoped3A : memref<!tpu.dma_semaphore, #tpu.memory_space<semaphore_mem>>)
        %dma_wait3A_81 = tpu.memref_slice %arg4[%add3A_54] : memref<327680xi32, #tpu.memory_space<hbm>> -> memref<128xi32, #tpu.memory_space<hbm>>
        %dma_wait3A_82 = tpu.memref_slice %arg4[%add3A_54] : memref<327680xi32, #tpu.memory_space<hbm>> -> memref<128xi32, #tpu.memory_space<hbm>>
        tpu.wait_dma2 semaphore(%run_scoped3A : memref<!tpu.dma_semaphore, #tpu.memory_space<semaphore_mem>>) src(%dma_wait3A_82 : memref<128xi32, #tpu.memory_space<hbm>>) dst(%arg7 : memref<128xi32, #tpu.memory_space<vmem>>)
        tpu.yield
      }) : () -> ()
      "tpu.region"() ({
        %run_scoped3A = tpu.sem_alloc : memref<!tpu.dma_semaphore, #tpu.memory_space<semaphore_mem>>
        %dma_start3A_79 = tpu.memref_slice %arg5[%add3A_54] : memref<327680xi32, #tpu.memory_space<hbm>> -> memref<128xi32, #tpu.memory_space<hbm>>
        %dma_start3A_80 = tpu.memref_slice %arg5[%add3A_54] : memref<327680xi32, #tpu.memory_space<hbm>> -> memref<128xi32, #tpu.memory_space<hbm>>
        tpu.enqueue_dma source(%dma_start3A_80 : memref<128xi32, #tpu.memory_space<hbm>>) target(%arg8 : memref<128xi32, #tpu.memory_space<vmem>>) target_semaphore(%run_scoped3A : memref<!tpu.dma_semaphore, #tpu.memory_space<semaphore_mem>>)
        %dma_wait3A_81 = tpu.memref_slice %arg5[%add3A_54] : memref<327680xi32, #tpu.memory_space<hbm>> -> memref<128xi32, #tpu.memory_space<hbm>>
        %dma_wait3A_82 = tpu.memref_slice %arg5[%add3A_54] : memref<327680xi32, #tpu.memory_space<hbm>> -> memref<128xi32, #tpu.memory_space<hbm>>
        tpu.wait_dma2 semaphore(%run_scoped3A : memref<!tpu.dma_semaphore, #tpu.memory_space<semaphore_mem>>) src(%dma_wait3A_82 : memref<128xi32, #tpu.memory_space<hbm>>) dst(%arg8 : memref<128xi32, #tpu.memory_space<vmem>>)
        tpu.yield
      }) : () -> ()
      %dma_start3A_55 = arith.constant 0 : i32
      %dma_start3A_56 = arith.constant 0 : i32
      %dma_start3A_57 = tpu.memref_slice %arg2[%dma_start3A_55, %dma_start3A_56] : memref<10240x128xf32, #tpu.memory_space<hbm>> -> memref<10240x128xf32, #tpu.memory_space<hbm>>
      tpu.enqueue_indirect_dma source(%dma_start3A_57 : memref<10240x128xf32, #tpu.memory_space<hbm>>) target(%arg11 : memref<128x128xf32, #tpu.memory_space<vmem>>) offsets(%arg7 : memref<128xi32, #tpu.memory_space<vmem>>) semaphore(%arg17 : memref<!tpu.dma_semaphore, #tpu.memory_space<semaphore_mem>>)
      %dma_start3A_58 = arith.constant 0 : i32
      %dma_start3A_59 = arith.constant 0 : i32
      %dma_start3A_60 = tpu.memref_slice %arg3[%dma_start3A_58, %dma_start3A_59] : memref<10240x128xf32, #tpu.memory_space<hbm>> -> memref<10240x128xf32, #tpu.memory_space<hbm>>
      tpu.enqueue_indirect_dma source(%dma_start3A_60 : memref<10240x128xf32, #tpu.memory_space<hbm>>) target(%arg12 : memref<128x128xf32, #tpu.memory_space<vmem>>) offsets(%arg8 : memref<128xi32, #tpu.memory_space<vmem>>) semaphore(%arg18 : memref<!tpu.dma_semaphore, #tpu.memory_space<semaphore_mem>>)
      %dma_wait3A_61 = arith.constant 0 : i32
      %dma_wait3A_62 = arith.constant 0 : i32
      %dma_wait3A_63 = tpu.memref_slice %arg2[%dma_wait3A_61, %dma_wait3A_62] : memref<10240x128xf32, #tpu.memory_space<hbm>> -> memref<10240x128xf32, #tpu.memory_space<hbm>>
      tpu.wait_indirect_dma semaphore(%arg19 : memref<!tpu.dma_semaphore, #tpu.memory_space<semaphore_mem>>) src(%dma_wait3A_63 : memref<10240x128xf32, #tpu.memory_space<hbm>>) dst(%arg13 : memref<128x128xf32, #tpu.memory_space<vmem>>)
      %dma_wait3A_64 = arith.constant 0 : i32
      %dma_wait3A_65 = arith.constant 0 : i32
      %dma_wait3A_66 = tpu.memref_slice %arg3[%dma_wait3A_64, %dma_wait3A_65] : memref<10240x128xf32, #tpu.memory_space<hbm>> -> memref<10240x128xf32, #tpu.memory_space<hbm>>
      tpu.wait_indirect_dma semaphore(%arg20 : memref<!tpu.dma_semaphore, #tpu.memory_space<semaphore_mem>>) src(%dma_wait3A_66 : memref<10240x128xf32, #tpu.memory_space<hbm>>) dst(%arg14 : memref<128x128xf32, #tpu.memory_space<vmem>>)
      %add3A_67 = arith.constant 1 : i32
      %add3A_68 = arith.addi %mul3A_22, %add3A_67 : i32
      %iota3A_69 = tpu.iota {dimensions = array<i32: 0>} : vector<16xi32>
      %scan3A_70 = arith.constant 0 : i32
      %scan3A_71 = arith.constant 0 : i32
      %scan3A_72 = arith.constant 8 : i32
      %scan3A_73 = arith.addi %scan3A_71, %scan3A_72 : i32
      %scan3A_74 = arith.constant 1 : i32
      scf.for %scan3A_79 = %scan3A_71 to %scan3A_73 step %scan3A_74  : i32 {
        %mul3A_80 = arith.constant 16 : i32
        %mul3A_81 = arith.muli %scan3A_79, %mul3A_80 : i32
        %add3A_82 = arith.constant 0 : i32
        %add3A_83 = arith.addi %mul3A_81, %add3A_82 : i32
        %get3A = arith.index_cast %add3A_83 : i32 to index
        %get3A_84 = arith.constant 0 : index
        %get3A_85 = tpu.vector_load %arg13[%get3A, %get3A_84] {strides = array<i32>} : memref<128x128xf32, #tpu.memory_space<vmem>>, vector<16xf32>,
        %get3A_86 = arith.index_cast %add3A_83 : i32 to index
        %get3A_87 = arith.constant 0 : index
        %get3A_88 = tpu.vector_load %arg14[%get3A_86, %get3A_87] {strides = array<i32>} : memref<128x128xf32, #tpu.memory_space<vmem>>, vector<16xf32>,
        %mul3A_89 = arith.mulf %get3A_85, %get3A_88 : vector<16xf32>
        %get3A_90 = arith.index_cast %add3A_83 : i32 to index
        %get3A_91 = arith.constant 16 : index
        %get3A_92 = tpu.vector_load %arg13[%get3A_90, %get3A_91] {strides = array<i32>} : memref<128x128xf32, #tpu.memory_space<vmem>>, vector<16xf32>,
        %get3A_93 = arith.index_cast %add3A_83 : i32 to index
        %get3A_94 = arith.constant 16 : index
        %get3A_95 = tpu.vector_load %arg14[%get3A_93, %get3A_94] {strides = array<i32>} : memref<128x128xf32, #tpu.memory_space<vmem>>, vector<16xf32>,
        %mul3A_96 = arith.mulf %get3A_92, %get3A_95 : vector<16xf32>
        %add3A_97 = arith.addf %mul3A_89, %mul3A_96 : vector<16xf32>
        %get3A_98 = arith.index_cast %add3A_83 : i32 to index
        %get3A_99 = arith.constant 32 : index
        %get3A_100 = tpu.vector_load %arg13[%get3A_98, %get3A_99] {strides = array<i32>} : memref<128x128xf32, #tpu.memory_space<vmem>>, vector<16xf32>,
        %get3A_101 = arith.index_cast %add3A_83 : i32 to index
        %get3A_102 = arith.constant 32 : index
        %get3A_103 = tpu.vector_load %arg14[%get3A_101, %get3A_102] {strides = array<i32>} : memref<128x128xf32, #tpu.memory_space<vmem>>, vector<16xf32>,
        %mul3A_104 = arith.mulf %get3A_100, %get3A_103 : vector<16xf32>
        %add3A_105 = arith.addf %add3A_97, %mul3A_104 : vector<16xf32>
        %get3A_106 = arith.index_cast %add3A_83 : i32 to index
        %get3A_107 = arith.constant 48 : index
        %get3A_108 = tpu.vector_load %arg13[%get3A_106, %get3A_107] {strides = array<i32>} : memref<128x128xf32, #tpu.memory_space<vmem>>, vector<16xf32>,
        %get3A_109 = arith.index_cast %add3A_83 : i32 to index
        %get3A_110 = arith.constant 48 : index
        %get3A_111 = tpu.vector_load %arg14[%get3A_109, %get3A_110] {strides = array<i32>} : memref<128x128xf32, #tpu.memory_space<vmem>>, vector<16xf32>,
        %mul3A_112 = arith.mulf %get3A_108, %get3A_111 : vector<16xf32>
        %add3A_113 = arith.addf %add3A_105, %mul3A_112 : vector<16xf32>
        %get3A_114 = arith.index_cast %add3A_83 : i32 to index
        %get3A_115 = arith.constant 64 : index
        %get3A_116 = tpu.vector_load %arg13[%get3A_114, %get3A_115] {strides = array<i32>} : memref<128x128xf32, #tpu.memory_space<vmem>>, vector<16xf32>,
        %get3A_117 = arith.index_cast %add3A_83 : i32 to index
        %get3A_118 = arith.constant 64 : index
        %get3A_119 = tpu.vector_load %arg14[%get3A_117, %get3A_118] {strides = array<i32>} : memref<128x128xf32, #tpu.memory_space<vmem>>, vector<16xf32>,
        %mul3A_120 = arith.mulf %get3A_116, %get3A_119 : vector<16xf32>
        %add3A_121 = arith.addf %add3A_113, %mul3A_120 : vector<16xf32>
        %get3A_122 = arith.index_cast %add3A_83 : i32 to index
        %get3A_123 = arith.constant 80 : index
        %get3A_124 = tpu.vector_load %arg13[%get3A_122, %get3A_123] {strides = array<i32>} : memref<128x128xf32, #tpu.memory_space<vmem>>, vector<16xf32>,
        %get3A_125 = arith.index_cast %add3A_83 : i32 to index
        %get3A_126 = arith.constant 80 : index
        %get3A_127 = tpu.vector_load %arg14[%get3A_125, %get3A_126] {strides = array<i32>} : memref<128x128xf32, #tpu.memory_space<vmem>>, vector<16xf32>,
        %mul3A_128 = arith.mulf %get3A_124, %get3A_127 : vector<16xf32>
        %add3A_129 = arith.addf %add3A_121, %mul3A_128 : vector<16xf32>
        %get3A_130 = arith.index_cast %add3A_83 : i32 to index
        %get3A_131 = arith.constant 96 : index
        %get3A_132 = tpu.vector_load %arg13[%get3A_130, %get3A_131] {strides = array<i32>} : memref<128x128xf32, #tpu.memory_space<vmem>>, vector<16xf32>,
        %get3A_133 = arith.index_cast %add3A_83 : i32 to index
        %get3A_134 = arith.constant 96 : index
        %get3A_135 = tpu.vector_load %arg14[%get3A_133, %get3A_134] {strides = array<i32>} : memref<128x128xf32, #tpu.memory_space<vmem>>, vector<16xf32>,
        %mul3A_136 = arith.mulf %get3A_132, %get3A_135 : vector<16xf32>
        %add3A_137 = arith.addf %add3A_129, %mul3A_136 : vector<16xf32>
        %get3A_138 = arith.index_cast %add3A_83 : i32 to index
        %get3A_139 = arith.constant 112 : index
        %get3A_140 = tpu.vector_load %arg13[%get3A_138, %get3A_139] {strides = array<i32>} : memref<128x128xf32, #tpu.memory_space<vmem>>, vector<16xf32>,
        %get3A_141 = arith.index_cast %add3A_83 : i32 to index
        %get3A_142 = arith.constant 112 : index
        %get3A_143 = tpu.vector_load %arg14[%get3A_141, %get3A_142] {strides = array<i32>} : memref<128x128xf32, #tpu.memory_space<vmem>>, vector<16xf32>,
        %mul3A_144 = arith.mulf %get3A_140, %get3A_143 : vector<16xf32>
        %add3A_145 = arith.addf %add3A_137, %mul3A_144 : vector<16xf32>
        %broadcast_in_dim3A = arith.constant 0 : i32
        %broadcast_in_dim3A_146 = vector.broadcast %broadcast_in_dim3A : i32 to vector<16xi32>
        tpu.vector_store_idx %arg16[%iota3A_69, %broadcast_in_dim3A_146], %add3A_145 : memref<16x128xf32, #tpu.memory_space<vmem>>[vector<16xi32>, vector<16xi32>], vector<16xf32>,
        %mul3A_147 = arith.constant 16 : i32
        %mul3A_148 = arith.muli %scan3A_79, %mul3A_147 : i32
        %add3A_149 = arith.constant 1 : i32
        %add3A_150 = arith.addi %mul3A_148, %add3A_149 : i32
        %get3A_151 = arith.index_cast %add3A_150 : i32 to index
        %get3A_152 = arith.constant 0 : index
        %get3A_153 = tpu.vector_load %arg13[%get3A_151, %get3A_152] {strides = array<i32>} : memref<128x128xf32, #tpu.memory_space<vmem>>, vector<16xf32>,
        %get3A_154 = arith.index_cast %add3A_150 : i32 to index
        %get3A_155 = arith.constant 0 : index
        %get3A_156 = tpu.vector_load %arg14[%get3A_154, %get3A_155] {strides = array<i32>} : memref<128x128xf32, #tpu.memory_space<vmem>>, vector<16xf32>,
        %mul3A_157 = arith.mulf %get3A_153, %get3A_156 : vector<16xf32>
        %get3A_158 = arith.index_cast %add3A_150 : i32 to index
        %get3A_159 = arith.constant 16 : index
        %get3A_160 = tpu.vector_load %arg13[%get3A_158, %get3A_159] {strides = array<i32>} : memref<128x128xf32, #tpu.memory_space<vmem>>, vector<16xf32>,
        %get3A_161 = arith.index_cast %add3A_150 : i32 to index
        %get3A_162 = arith.constant 16 : index
        %get3A_163 = tpu.vector_load %arg14[%get3A_161, %get3A_162] {strides = array<i32>} : memref<128x128xf32, #tpu.memory_space<vmem>>, vector<16xf32>,
        %mul3A_164 = arith.mulf %get3A_160, %get3A_163 : vector<16xf32>
        %add3A_165 = arith.addf %mul3A_157, %mul3A_164 : vector<16xf32>
        %get3A_166 = arith.index_cast %add3A_150 : i32 to index
        %get3A_167 = arith.constant 32 : index
        %get3A_168 = tpu.vector_load %arg13[%get3A_166, %get3A_167] {strides = array<i32>} : memref<128x128xf32, #tpu.memory_space<vmem>>, vector<16xf32>,
        %get3A_169 = arith.index_cast %add3A_150 : i32 to index
        %get3A_170 = arith.constant 32 : index
        %get3A_171 = tpu.vector_load %arg14[%get3A_169, %get3A_170] {strides = array<i32>} : memref<128x128xf32, #tpu.memory_space<vmem>>, vector<16xf32>,
        %mul3A_172 = arith.mulf %get3A_168, %get3A_171 : vector<16xf32>
        %add3A_173 = arith.addf %add3A_165, %mul3A_172 : vector<16xf32>
        %get3A_174 = arith.index_cast %add3A_150 : i32 to index
        %get3A_175 = arith.constant 48 : index
        %get3A_176 = tpu.vector_load %arg13[%get3A_174, %get3A_175] {strides = array<i32>} : memref<128x128xf32, #tpu.memory_space<vmem>>, vector<16xf32>,
        %get3A_177 = arith.index_cast %add3A_150 : i32 to index
        %get3A_178 = arith.constant 48 : index
        %get3A_179 = tpu.vector_load %arg14[%get3A_177, %get3A_178] {strides = array<i32>} : memref<128x128xf32, #tpu.memory_space<vmem>>, vector<16xf32>,
        %mul3A_180 = arith.mulf %get3A_176, %get3A_179 : vector<16xf32>
        %add3A_181 = arith.addf %add3A_173, %mul3A_180 : vector<16xf32>
        %get3A_182 = arith.index_cast %add3A_150 : i32 to index
        %get3A_183 = arith.constant 64 : index
        %get3A_184 = tpu.vector_load %arg13[%get3A_182, %get3A_183] {strides = array<i32>} : memref<128x128xf32, #tpu.memory_space<vmem>>, vector<16xf32>,
        %get3A_185 = arith.index_cast %add3A_150 : i32 to index
        %get3A_186 = arith.constant 64 : index
        %get3A_187 = tpu.vector_load %arg14[%get3A_185, %get3A_186] {strides = array<i32>} : memref<128x128xf32, #tpu.memory_space<vmem>>, vector<16xf32>,
        %mul3A_188 = arith.mulf %get3A_184, %get3A_187 : vector<16xf32>
        %add3A_189 = arith.addf %add3A_181, %mul3A_188 : vector<16xf32>
        %get3A_190 = arith.index_cast %add3A_150 : i32 to index
        %get3A_191 = arith.constant 80 : index
        %get3A_192 = tpu.vector_load %arg13[%get3A_190, %get3A_191] {strides = array<i32>} : memref<128x128xf32, #tpu.memory_space<vmem>>, vector<16xf32>,
        %get3A_193 = arith.index_cast %add3A_150 : i32 to index
        %get3A_194 = arith.constant 80 : index
        %get3A_195 = tpu.vector_load %arg14[%get3A_193, %get3A_194] {strides = array<i32>} : memref<128x128xf32, #tpu.memory_space<vmem>>, vector<16xf32>,
        %mul3A_196 = arith.mulf %get3A_192, %get3A_195 : vector<16xf32>
        %add3A_197 = arith.addf %add3A_189, %mul3A_196 : vector<16xf32>
        %get3A_198 = arith.index_cast %add3A_150 : i32 to index
        %get3A_199 = arith.constant 96 : index
        %get3A_200 = tpu.vector_load %arg13[%get3A_198, %get3A_199] {strides = array<i32>} : memref<128x128xf32, #tpu.memory_space<vmem>>, vector<16xf32>,
        %get3A_201 = arith.index_cast %add3A_150 : i32 to index
        %get3A_202 = arith.constant 96 : index
        %get3A_203 = tpu.vector_load %arg14[%get3A_201, %get3A_202] {strides = array<i32>} : memref<128x128xf32, #tpu.memory_space<vmem>>, vector<16xf32>,
        %mul3A_204 = arith.mulf %get3A_200, %get3A_203 : vector<16xf32>
        %add3A_205 = arith.addf %add3A_197, %mul3A_204 : vector<16xf32>
        %get3A_206 = arith.index_cast %add3A_150 : i32 to index
        %get3A_207 = arith.constant 112 : index
        %get3A_208 = tpu.vector_load %arg13[%get3A_206, %get3A_207] {strides = array<i32>} : memref<128x128xf32, #tpu.memory_space<vmem>>, vector<16xf32>,
        %get3A_209 = arith.index_cast %add3A_150 : i32 to index
        %get3A_210 = arith.constant 112 : index
        %get3A_211 = tpu.vector_load %arg14[%get3A_209, %get3A_210] {strides = array<i32>} : memref<128x128xf32, #tpu.memory_space<vmem>>, vector<16xf32>,
        %mul3A_212 = arith.mulf %get3A_208, %get3A_211 : vector<16xf32>
        %add3A_213 = arith.addf %add3A_205, %mul3A_212 : vector<16xf32>
        %broadcast_in_dim3A_214 = arith.constant 1 : i32
        %broadcast_in_dim3A_215 = vector.broadcast %broadcast_in_dim3A_214 : i32 to vector<16xi32>
        tpu.vector_store_idx %arg16[%iota3A_69, %broadcast_in_dim3A_215], %add3A_213 : memref<16x128xf32, #tpu.memory_space<vmem>>[vector<16xi32>, vector<16xi32>], vector<16xf32>,
        %mul3A_216 = arith.constant 16 : i32
        %mul3A_217 = arith.muli %scan3A_79, %mul3A_216 : i32
        %add3A_218 = arith.constant 2 : i32
        %add3A_219 = arith.addi %mul3A_217, %add3A_218 : i32
        %get3A_220 = arith.index_cast %add3A_219 : i32 to index
        %get3A_221 = arith.constant 0 : index
        %get3A_222 = tpu.vector_load %arg13[%get3A_220, %get3A_221] {strides = array<i32>} : memref<128x128xf32, #tpu.memory_space<vmem>>, vector<16xf32>,
        %get3A_223 = arith.index_cast %add3A_219 : i32 to index
        %get3A_224 = arith.constant 0 : index
        %get3A_225 = tpu.vector_load %arg14[%get3A_223, %get3A_224] {strides = array<i32>} : memref<128x128xf32, #tpu.memory_space<vmem>>, vector<16xf32>,
        %mul3A_226 = arith.mulf %get3A_222, %get3A_225 : vector<16xf32>
        %get3A_227 = arith.index_cast %add3A_219 : i32 to index
        %get3A_228 = arith.constant 16 : index
        %get3A_229 = tpu.vector_load %arg13[%get3A_227, %get3A_228] {strides = array<i32>} : memref<128x128xf32, #tpu.memory_space<vmem>>, vector<16xf32>,
        %get3A_230 = arith.index_cast %add3A_219 : i32 to index
        %get3A_231 = arith.constant 16 : index
        %get3A_232 = tpu.vector_load %arg14[%get3A_230, %get3A_231] {strides = array<i32>} : memref<128x128xf32, #tpu.memory_space<vmem>>, vector<16xf32>,
        %mul3A_233 = arith.mulf %get3A_229, %get3A_232 : vector<16xf32>
        %add3A_234 = arith.addf %mul3A_226, %mul3A_233 : vector<16xf32>
        %get3A_235 = arith.index_cast %add3A_219 : i32 to index
        %get3A_236 = arith.constant 32 : index
        %get3A_237 = tpu.vector_load %arg13[%get3A_235, %get3A_236] {strides = array<i32>} : memref<128x128xf32, #tpu.memory_space<vmem>>, vector<16xf32>,
        %get3A_238 = arith.index_cast %add3A_219 : i32 to index
        %get3A_239 = arith.constant 32 : index
        %get3A_240 = tpu.vector_load %arg14[%get3A_238, %get3A_239] {strides = array<i32>} : memref<128x128xf32, #tpu.memory_space<vmem>>, vector<16xf32>,
        %mul3A_241 = arith.mulf %get3A_237, %get3A_240 : vector<16xf32>
        %add3A_242 = arith.addf %add3A_234, %mul3A_241 : vector<16xf32>
        %get3A_243 = arith.index_cast %add3A_219 : i32 to index
        %get3A_244 = arith.constant 48 : index
        %get3A_245 = tpu.vector_load %arg13[%get3A_243, %get3A_244] {strides = array<i32>} : memref<128x128xf32, #tpu.memory_space<vmem>>, vector<16xf32>,
        %get3A_246 = arith.index_cast %add3A_219 : i32 to index
        %get3A_247 = arith.constant 48 : index
        %get3A_248 = tpu.vector_load %arg14[%get3A_246, %get3A_247] {strides = array<i32>} : memref<128x128xf32, #tpu.memory_space<vmem>>, vector<16xf32>,
        %mul3A_249 = arith.mulf %get3A_245, %get3A_248 : vector<16xf32>
        %add3A_250 = arith.addf %add3A_242, %mul3A_249 : vector<16xf32>
        %get3A_251 = arith.index_cast %add3A_219 : i32 to index
        %get3A_252 = arith.constant 64 : index
        %get3A_253 = tpu.vector_load %arg13[%get3A_251, %get3A_252] {strides = array<i32>} : memref<128x128xf32, #tpu.memory_space<vmem>>, vector<16xf32>,
        %get3A_254 = arith.index_cast %add3A_219 : i32 to index
        %get3A_255 = arith.constant 64 : index
        %get3A_256 = tpu.vector_load %arg14[%get3A_254, %get3A_255] {strides = array<i32>} : memref<128x128xf32, #tpu.memory_space<vmem>>, vector<16xf32>,
        %mul3A_257 = arith.mulf %get3A_253, %get3A_256 : vector<16xf32>
        %add3A_258 = arith.addf %add3A_250, %mul3A_257 : vector<16xf32>
        %get3A_259 = arith.index_cast %add3A_219 : i32 to index
        %get3A_260 = arith.constant 80 : index
        %get3A_261 = tpu.vector_load %arg13[%get3A_259, %get3A_260] {strides = array<i32>} : memref<128x128xf32, #tpu.memory_space<vmem>>, vector<16xf32>,
        %get3A_262 = arith.index_cast %add3A_219 : i32 to index
        %get3A_263 = arith.constant 80 : index
        %get3A_264 = tpu.vector_load %arg14[%get3A_262, %get3A_263] {strides = array<i32>} : memref<128x128xf32, #tpu.memory_space<vmem>>, vector<16xf32>,
        %mul3A_265 = arith.mulf %get3A_261, %get3A_264 : vector<16xf32>
        %add3A_266 = arith.addf %add3A_258, %mul3A_265 : vector<16xf32>
        %get3A_267 = arith.index_cast %add3A_219 : i32 to index
        %get3A_268 = arith.constant 96 : index
        %get3A_269 = tpu.vector_load %arg13[%get3A_267, %get3A_268] {strides = array<i32>} : memref<128x128xf32, #tpu.memory_space<vmem>>, vector<16xf32>,
        %get3A_270 = arith.index_cast %add3A_219 : i32 to index
        %get3A_271 = arith.constant 96 : index
        %get3A_272 = tpu.vector_load %arg14[%get3A_270, %get3A_271] {strides = array<i32>} : memref<128x128xf32, #tpu.memory_space<vmem>>, vector<16xf32>,
        %mul3A_273 = arith.mulf %get3A_269, %get3A_272 : vector<16xf32>
        %add3A_274 = arith.addf %add3A_266, %mul3A_273 : vector<16xf32>
        %get3A_275 = arith.index_cast %add3A_219 : i32 to index
        %get3A_276 = arith.constant 112 : index
        %get3A_277 = tpu.vector_load %arg13[%get3A_275, %get3A_276] {strides = array<i32>} : memref<128x128xf32, #tpu.memory_space<vmem>>, vector<16xf32>,
        %get3A_278 = arith.index_cast %add3A_219 : i32 to index
        %get3A_279 = arith.constant 112 : index
        %get3A_280 = tpu.vector_load %arg14[%get3A_278, %get3A_279] {strides = array<i32>} : memref<128x128xf32, #tpu.memory_space<vmem>>, vector<16xf32>,
        %mul3A_281 = arith.mulf %get3A_277, %get3A_280 : vector<16xf32>
        %add3A_282 = arith.addf %add3A_274, %mul3A_281 : vector<16xf32>
        %broadcast_in_dim3A_283 = arith.constant 2 : i32
        %broadcast_in_dim3A_284 = vector.broadcast %broadcast_in_dim3A_283 : i32 to vector<16xi32>
        tpu.vector_store_idx %arg16[%iota3A_69, %broadcast_in_dim3A_284], %add3A_282 : memref<16x128xf32, #tpu.memory_space<vmem>>[vector<16xi32>, vector<16xi32>], vector<16xf32>,
        %mul3A_285 = arith.constant 16 : i32
        %mul3A_286 = arith.muli %scan3A_79, %mul3A_285 : i32
        %add3A_287 = arith.constant 3 : i32
        %add3A_288 = arith.addi %mul3A_286, %add3A_287 : i32
        %get3A_289 = arith.index_cast %add3A_288 : i32 to index
        %get3A_290 = arith.constant 0 : index
        %get3A_291 = tpu.vector_load %arg13[%get3A_289, %get3A_290] {strides = array<i32>} : memref<128x128xf32, #tpu.memory_space<vmem>>, vector<16xf32>,
        %get3A_292 = arith.index_cast %add3A_288 : i32 to index
        %get3A_293 = arith.constant 0 : index
        %get3A_294 = tpu.vector_load %arg14[%get3A_292, %get3A_293] {strides = array<i32>} : memref<128x128xf32, #tpu.memory_space<vmem>>, vector<16xf32>,
        %mul3A_295 = arith.mulf %get3A_291, %get3A_294 : vector<16xf32>
        %get3A_296 = arith.index_cast %add3A_288 : i32 to index
        %get3A_297 = arith.constant 16 : index
        %get3A_298 = tpu.vector_load %arg13[%get3A_296, %get3A_297] {strides = array<i32>} : memref<128x128xf32, #tpu.memory_space<vmem>>, vector<16xf32>,
        %get3A_299 = arith.index_cast %add3A_288 : i32 to index
        %get3A_300 = arith.constant 16 : index
        %get3A_301 = tpu.vector_load %arg14[%get3A_299, %get3A_300] {strides = array<i32>} : memref<128x128xf32, #tpu.memory_space<vmem>>, vector<16xf32>,
        %mul3A_302 = arith.mulf %get3A_298, %get3A_301 : vector<16xf32>
        %add3A_303 = arith.addf %mul3A_295, %mul3A_302 : vector<16xf32>
        %get3A_304 = arith.index_cast %add3A_288 : i32 to index
        %get3A_305 = arith.constant 32 : index
        %get3A_306 = tpu.vector_load %arg13[%get3A_304, %get3A_305] {strides = array<i32>} : memref<128x128xf32, #tpu.memory_space<vmem>>, vector<16xf32>,
        %get3A_307 = arith.index_cast %add3A_288 : i32 to index
        %get3A_308 = arith.constant 32 : index
        %get3A_309 = tpu.vector_load %arg14[%get3A_307, %get3A_308] {strides = array<i32>} : memref<128x128xf32, #tpu.memory_space<vmem>>, vector<16xf32>,
        %mul3A_310 = arith.mulf %get3A_306, %get3A_309 : vector<16xf32>
        %add3A_311 = arith.addf %add3A_303, %mul3A_310 : vector<16xf32>
        %get3A_312 = arith.index_cast %add3A_288 : i32 to index
        %get3A_313 = arith.constant 48 : index
        %get3A_314 = tpu.vector_load %arg13[%get3A_312, %get3A_313] {strides = array<i32>} : memref<128x128xf32, #tpu.memory_space<vmem>>, vector<16xf32>,
        %get3A_315 = arith.index_cast %add3A_288 : i32 to index
        %get3A_316 = arith.constant 48 : index
        %get3A_317 = tpu.vector_load %arg14[%get3A_315, %get3A_316] {strides = array<i32>} : memref<128x128xf32, #tpu.memory_space<vmem>>, vector<16xf32>,
        %mul3A_318 = arith.mulf %get3A_314, %get3A_317 : vector<16xf32>
        %add3A_319 = arith.addf %add3A_311, %mul3A_318 : vector<16xf32>
        %get3A_320 = arith.index_cast %add3A_288 : i32 to index
        %get3A_321 = arith.constant 64 : index
        %get3A_322 = tpu.vector_load %arg13[%get3A_320, %get3A_321] {strides = array<i32>} : memref<128x128xf32, #tpu.memory_space<vmem>>, vector<16xf32>,
        %get3A_323 = arith.index_cast %add3A_288 : i32 to index
        %get3A_324 = arith.constant 64 : index
        %get3A_325 = tpu.vector_load %arg14[%get3A_323, %get3A_324] {strides = array<i32>} : memref<128x128xf32, #tpu.memory_space<vmem>>, vector<16xf32>,
        %mul3A_326 = arith.mulf %get3A_322, %get3A_325 : vector<16xf32>
        %add3A_327 = arith.addf %add3A_319, %mul3A_326 : vector<16xf32>
        %get3A_328 = arith.index_cast %add3A_288 : i32 to index
        %get3A_329 = arith.constant 80 : index
        %get3A_330 = tpu.vector_load %arg13[%get3A_328, %get3A_329] {strides = array<i32>} : memref<128x128xf32, #tpu.memory_space<vmem>>, vector<16xf32>,
        %get3A_331 = arith.index_cast %add3A_288 : i32 to index
        %get3A_332 = arith.constant 80 : index
        %get3A_333 = tpu.vector_load %arg14[%get3A_331, %get3A_332] {strides = array<i32>} : memref<128x128xf32, #tpu.memory_space<vmem>>, vector<16xf32>,
        %mul3A_334 = arith.mulf %get3A_330, %get3A_333 : vector<16xf32>
        %add3A_335 = arith.addf %add3A_327, %mul3A_334 : vector<16xf32>
        %get3A_336 = arith.index_cast %add3A_288 : i32 to index
        %get3A_337 = arith.constant 96 : index
        %get3A_338 = tpu.vector_load %arg13[%get3A_336, %get3A_337] {strides = array<i32>} : memref<128x128xf32, #tpu.memory_space<vmem>>, vector<16xf32>,
        %get3A_339 = arith.index_cast %add3A_288 : i32 to index
        %get3A_340 = arith.constant 96 : index
        %get3A_341 = tpu.vector_load %arg14[%get3A_339, %get3A_340] {strides = array<i32>} : memref<128x128xf32, #tpu.memory_space<vmem>>, vector<16xf32>,
        %mul3A_342 = arith.mulf %get3A_338, %get3A_341 : vector<16xf32>
        %add3A_343 = arith.addf %add3A_335, %mul3A_342 : vector<16xf32>
        %get3A_344 = arith.index_cast %add3A_288 : i32 to index
        %get3A_345 = arith.constant 112 : index
        %get3A_346 = tpu.vector_load %arg13[%get3A_344, %get3A_345] {strides = array<i32>} : memref<128x128xf32, #tpu.memory_space<vmem>>, vector<16xf32>,
        %get3A_347 = arith.index_cast %add3A_288 : i32 to index
        %get3A_348 = arith.constant 112 : index
        %get3A_349 = tpu.vector_load %arg14[%get3A_347, %get3A_348] {strides = array<i32>} : memref<128x128xf32, #tpu.memory_space<vmem>>, vector<16xf32>,
        %mul3A_350 = arith.mulf %get3A_346, %get3A_349 : vector<16xf32>
        %add3A_351 = arith.addf %add3A_343, %mul3A_350 : vector<16xf32>
        %broadcast_in_dim3A_352 = arith.constant 3 : i32
        %broadcast_in_dim3A_353 = vector.broadcast %broadcast_in_dim3A_352 : i32 to vector<16xi32>
        tpu.vector_store_idx %arg16[%iota3A_69, %broadcast_in_dim3A_353], %add3A_351 : memref<16x128xf32, #tpu.memory_space<vmem>>[vector<16xi32>, vector<16xi32>], vector<16xf32>,
        %mul3A_354 = arith.constant 16 : i32
        %mul3A_355 = arith.muli %scan3A_79, %mul3A_354 : i32
        %add3A_356 = arith.constant 4 : i32
        %add3A_357 = arith.addi %mul3A_355, %add3A_356 : i32
        %get3A_358 = arith.index_cast %add3A_357 : i32 to index
        %get3A_359 = arith.constant 0 : index
        %get3A_360 = tpu.vector_load %arg13[%get3A_358, %get3A_359] {strides = array<i32>} : memref<128x128xf32, #tpu.memory_space<vmem>>, vector<16xf32>,
        %get3A_361 = arith.index_cast %add3A_357 : i32 to index
        %get3A_362 = arith.constant 0 : index
        %get3A_363 = tpu.vector_load %arg14[%get3A_361, %get3A_362] {strides = array<i32>} : memref<128x128xf32, #tpu.memory_space<vmem>>, vector<16xf32>,
        %mul3A_364 = arith.mulf %get3A_360, %get3A_363 : vector<16xf32>
        %get3A_365 = arith.index_cast %add3A_357 : i32 to index
        %get3A_366 = arith.constant 16 : index
        %get3A_367 = tpu.vector_load %arg13[%get3A_365, %get3A_366] {strides = array<i32>} : memref<128x128xf32, #tpu.memory_space<vmem>>, vector<16xf32>,
        %get3A_368 = arith.index_cast %add3A_357 : i32 to index
        %get3A_369 = arith.constant 16 : index
        %get3A_370 = tpu.vector_load %arg14[%get3A_368, %get3A_369] {strides = array<i32>} : memref<128x128xf32, #tpu.memory_space<vmem>>, vector<16xf32>,
        %mul3A_371 = arith.mulf %get3A_367, %get3A_370 : vector<16xf32>
        %add3A_372 = arith.addf %mul3A_364, %mul3A_371 : vector<16xf32>
        %get3A_373 = arith.index_cast %add3A_357 : i32 to index
        %get3A_374 = arith.constant 32 : index
        %get3A_375 = tpu.vector_load %arg13[%get3A_373, %get3A_374] {strides = array<i32>} : memref<128x128xf32, #tpu.memory_space<vmem>>, vector<16xf32>,
        %get3A_376 = arith.index_cast %add3A_357 : i32 to index
        %get3A_377 = arith.constant 32 : index
        %get3A_378 = tpu.vector_load %arg14[%get3A_376, %get3A_377] {strides = array<i32>} : memref<128x128xf32, #tpu.memory_space<vmem>>, vector<16xf32>,
        %mul3A_379 = arith.mulf %get3A_375, %get3A_378 : vector<16xf32>
        %add3A_380 = arith.addf %add3A_372, %mul3A_379 : vector<16xf32>
        %get3A_381 = arith.index_cast %add3A_357 : i32 to index
        %get3A_382 = arith.constant 48 : index
        %get3A_383 = tpu.vector_load %arg13[%get3A_381, %get3A_382] {strides = array<i32>} : memref<128x128xf32, #tpu.memory_space<vmem>>, vector<16xf32>,
        %get3A_384 = arith.index_cast %add3A_357 : i32 to index
        %get3A_385 = arith.constant 48 : index
        %get3A_386 = tpu.vector_load %arg14[%get3A_384, %get3A_385] {strides = array<i32>} : memref<128x128xf32, #tpu.memory_space<vmem>>, vector<16xf32>,
        %mul3A_387 = arith.mulf %get3A_383, %get3A_386 : vector<16xf32>
        %add3A_388 = arith.addf %add3A_380, %mul3A_387 : vector<16xf32>
        %get3A_389 = arith.index_cast %add3A_357 : i32 to index
        %get3A_390 = arith.constant 64 : index
        %get3A_391 = tpu.vector_load %arg13[%get3A_389, %get3A_390] {strides = array<i32>} : memref<128x128xf32, #tpu.memory_space<vmem>>, vector<16xf32>,
        %get3A_392 = arith.index_cast %add3A_357 : i32 to index
        %get3A_393 = arith.constant 64 : index
        %get3A_394 = tpu.vector_load %arg14[%get3A_392, %get3A_393] {strides = array<i32>} : memref<128x128xf32, #tpu.memory_space<vmem>>, vector<16xf32>,
        %mul3A_395 = arith.mulf %get3A_391, %get3A_394 : vector<16xf32>
        %add3A_396 = arith.addf %add3A_388, %mul3A_395 : vector<16xf32>
        %get3A_397 = arith.index_cast %add3A_357 : i32 to index
        %get3A_398 = arith.constant 80 : index
        %get3A_399 = tpu.vector_load %arg13[%get3A_397, %get3A_398] {strides = array<i32>} : memref<128x128xf32, #tpu.memory_space<vmem>>, vector<16xf32>,
        %get3A_400 = arith.index_cast %add3A_357 : i32 to index
        %get3A_401 = arith.constant 80 : index
        %get3A_402 = tpu.vector_load %arg14[%get3A_400, %get3A_401] {strides = array<i32>} : memref<128x128xf32, #tpu.memory_space<vmem>>, vector<16xf32>,
        %mul3A_403 = arith.mulf %get3A_399, %get3A_402 : vector<16xf32>
        %add3A_404 = arith.addf %add3A_396, %mul3A_403 : vector<16xf32>
        %get3A_405 = arith.index_cast %add3A_357 : i32 to index
        %get3A_406 = arith.constant 96 : index
        %get3A_407 = tpu.vector_load %arg13[%get3A_405, %get3A_406] {strides = array<i32>} : memref<128x128xf32, #tpu.memory_space<vmem>>, vector<16xf32>,
        %get3A_408 = arith.index_cast %add3A_357 : i32 to index
        %get3A_409 = arith.constant 96 : index
        %get3A_410 = tpu.vector_load %arg14[%get3A_408, %get3A_409] {strides = array<i32>} : memref<128x128xf32, #tpu.memory_space<vmem>>, vector<16xf32>,
        %mul3A_411 = arith.mulf %get3A_407, %get3A_410 : vector<16xf32>
        %add3A_412 = arith.addf %add3A_404, %mul3A_411 : vector<16xf32>
        %get3A_413 = arith.index_cast %add3A_357 : i32 to index
        %get3A_414 = arith.constant 112 : index
        %get3A_415 = tpu.vector_load %arg13[%get3A_413, %get3A_414] {strides = array<i32>} : memref<128x128xf32, #tpu.memory_space<vmem>>, vector<16xf32>,
        %get3A_416 = arith.index_cast %add3A_357 : i32 to index
        %get3A_417 = arith.constant 112 : index
        %get3A_418 = tpu.vector_load %arg14[%get3A_416, %get3A_417] {strides = array<i32>} : memref<128x128xf32, #tpu.memory_space<vmem>>, vector<16xf32>,
        %mul3A_419 = arith.mulf %get3A_415, %get3A_418 : vector<16xf32>
        %add3A_420 = arith.addf %add3A_412, %mul3A_419 : vector<16xf32>
        %broadcast_in_dim3A_421 = arith.constant 4 : i32
        %broadcast_in_dim3A_422 = vector.broadcast %broadcast_in_dim3A_421 : i32 to vector<16xi32>
        tpu.vector_store_idx %arg16[%iota3A_69, %broadcast_in_dim3A_422], %add3A_420 : memref<16x128xf32, #tpu.memory_space<vmem>>[vector<16xi32>, vector<16xi32>], vector<16xf32>,
        %mul3A_423 = arith.constant 16 : i32
        %mul3A_424 = arith.muli %scan3A_79, %mul3A_423 : i32
        %add3A_425 = arith.constant 5 : i32
        %add3A_426 = arith.addi %mul3A_424, %add3A_425 : i32
        %get3A_427 = arith.index_cast %add3A_426 : i32 to index
        %get3A_428 = arith.constant 0 : index
        %get3A_429 = tpu.vector_load %arg13[%get3A_427, %get3A_428] {strides = array<i32>} : memref<128x128xf32, #tpu.memory_space<vmem>>, vector<16xf32>,
        %get3A_430 = arith.index_cast %add3A_426 : i32 to index
        %get3A_431 = arith.constant 0 : index
        %get3A_432 = tpu.vector_load %arg14[%get3A_430, %get3A_431] {strides = array<i32>} : memref<128x128xf32, #tpu.memory_space<vmem>>, vector<16xf32>,
        %mul3A_433 = arith.mulf %get3A_429, %get3A_432 : vector<16xf32>
        %get3A_434 = arith.index_cast %add3A_426 : i32 to index
        %get3A_435 = arith.constant 16 : index
        %get3A_436 = tpu.vector_load %arg13[%get3A_434, %get3A_435] {strides = array<i32>} : memref<128x128xf32, #tpu.memory_space<vmem>>, vector<16xf32>,
        %get3A_437 = arith.index_cast %add3A_426 : i32 to index
        %get3A_438 = arith.constant 16 : index
        %get3A_439 = tpu.vector_load %arg14[%get3A_437, %get3A_438] {strides = array<i32>} : memref<128x128xf32, #tpu.memory_space<vmem>>, vector<16xf32>,
        %mul3A_440 = arith.mulf %get3A_436, %get3A_439 : vector<16xf32>
        %add3A_441 = arith.addf %mul3A_433, %mul3A_440 : vector<16xf32>
        %get3A_442 = arith.index_cast %add3A_426 : i32 to index
        %get3A_443 = arith.constant 32 : index
        %get3A_444 = tpu.vector_load %arg13[%get3A_442, %get3A_443] {strides = array<i32>} : memref<128x128xf32, #tpu.memory_space<vmem>>, vector<16xf32>,
        %get3A_445 = arith.index_cast %add3A_426 : i32 to index
        %get3A_446 = arith.constant 32 : index
        %get3A_447 = tpu.vector_load %arg14[%get3A_445, %get3A_446] {strides = array<i32>} : memref<128x128xf32, #tpu.memory_space<vmem>>, vector<16xf32>,
        %mul3A_448 = arith.mulf %get3A_444, %get3A_447 : vector<16xf32>
        %add3A_449 = arith.addf %add3A_441, %mul3A_448 : vector<16xf32>
        %get3A_450 = arith.index_cast %add3A_426 : i32 to index
        %get3A_451 = arith.constant 48 : index
        %get3A_452 = tpu.vector_load %arg13[%get3A_450, %get3A_451] {strides = array<i32>} : memref<128x128xf32, #tpu.memory_space<vmem>>, vector<16xf32>,
        %get3A_453 = arith.index_cast %add3A_426 : i32 to index
        %get3A_454 = arith.constant 48 : index
        %get3A_455 = tpu.vector_load %arg14[%get3A_453, %get3A_454] {strides = array<i32>} : memref<128x128xf32, #tpu.memory_space<vmem>>, vector<16xf32>,
        %mul3A_456 = arith.mulf %get3A_452, %get3A_455 : vector<16xf32>
        %add3A_457 = arith.addf %add3A_449, %mul3A_456 : vector<16xf32>
        %get3A_458 = arith.index_cast %add3A_426 : i32 to index
        %get3A_459 = arith.constant 64 : index
        %get3A_460 = tpu.vector_load %arg13[%get3A_458, %get3A_459] {strides = array<i32>} : memref<128x128xf32, #tpu.memory_space<vmem>>, vector<16xf32>,
        %get3A_461 = arith.index_cast %add3A_426 : i32 to index
        %get3A_462 = arith.constant 64 : index
        %get3A_463 = tpu.vector_load %arg14[%get3A_461, %get3A_462] {strides = array<i32>} : memref<128x128xf32, #tpu.memory_space<vmem>>, vector<16xf32>,
        %mul3A_464 = arith.mulf %get3A_460, %get3A_463 : vector<16xf32>
        %add3A_465 = arith.addf %add3A_457, %mul3A_464 : vector<16xf32>
        %get3A_466 = arith.index_cast %add3A_426 : i32 to index
        %get3A_467 = arith.constant 80 : index
        %get3A_468 = tpu.vector_load %arg13[%get3A_466, %get3A_467] {strides = array<i32>} : memref<128x128xf32, #tpu.memory_space<vmem>>, vector<16xf32>,
        %get3A_469 = arith.index_cast %add3A_426 : i32 to index
        %get3A_470 = arith.constant 80 : index
        %get3A_471 = tpu.vector_load %arg14[%get3A_469, %get3A_470] {strides = array<i32>} : memref<128x128xf32, #tpu.memory_space<vmem>>, vector<16xf32>,
        %mul3A_472 = arith.mulf %get3A_468, %get3A_471 : vector<16xf32>
        %add3A_473 = arith.addf %add3A_465, %mul3A_472 : vector<16xf32>
        %get3A_474 = arith.index_cast %add3A_426 : i32 to index
        %get3A_475 = arith.constant 96 : index
        %get3A_476 = tpu.vector_load %arg13[%get3A_474, %get3A_475] {strides = array<i32>} : memref<128x128xf32, #tpu.memory_space<vmem>>, vector<16xf32>,
        %get3A_477 = arith.index_cast %add3A_426 : i32 to index
        %get3A_478 = arith.constant 96 : index
        %get3A_479 = tpu.vector_load %arg14[%get3A_477, %get3A_478] {strides = array<i32>} : memref<128x128xf32, #tpu.memory_space<vmem>>, vector<16xf32>,
        %mul3A_480 = arith.mulf %get3A_476, %get3A_479 : vector<16xf32>
        %add3A_481 = arith.addf %add3A_473, %mul3A_480 : vector<16xf32>
        %get3A_482 = arith.index_cast %add3A_426 : i32 to index
        %get3A_483 = arith.constant 112 : index
        %get3A_484 = tpu.vector_load %arg13[%get3A_482, %get3A_483] {strides = array<i32>} : memref<128x128xf32, #tpu.memory_space<vmem>>, vector<16xf32>,
        %get3A_485 = arith.index_cast %add3A_426 : i32 to index
        %get3A_486 = arith.constant 112 : index
        %get3A_487 = tpu.vector_load %arg14[%get3A_485, %get3A_486] {strides = array<i32>} : memref<128x128xf32, #tpu.memory_space<vmem>>, vector<16xf32>,
        %mul3A_488 = arith.mulf %get3A_484, %get3A_487 : vector<16xf32>
        %add3A_489 = arith.addf %add3A_481, %mul3A_488 : vector<16xf32>
        %broadcast_in_dim3A_490 = arith.constant 5 : i32
        %broadcast_in_dim3A_491 = vector.broadcast %broadcast_in_dim3A_490 : i32 to vector<16xi32>
        tpu.vector_store_idx %arg16[%iota3A_69, %broadcast_in_dim3A_491], %add3A_489 : memref<16x128xf32, #tpu.memory_space<vmem>>[vector<16xi32>, vector<16xi32>], vector<16xf32>,
        %mul3A_492 = arith.constant 16 : i32
        %mul3A_493 = arith.muli %scan3A_79, %mul3A_492 : i32
        %add3A_494 = arith.constant 6 : i32
        %add3A_495 = arith.addi %mul3A_493, %add3A_494 : i32
        %get3A_496 = arith.index_cast %add3A_495 : i32 to index
        %get3A_497 = arith.constant 0 : index
        %get3A_498 = tpu.vector_load %arg13[%get3A_496, %get3A_497] {strides = array<i32>} : memref<128x128xf32, #tpu.memory_space<vmem>>, vector<16xf32>,
        %get3A_499 = arith.index_cast %add3A_495 : i32 to index
        %get3A_500 = arith.constant 0 : index
        %get3A_501 = tpu.vector_load %arg14[%get3A_499, %get3A_500] {strides = array<i32>} : memref<128x128xf32, #tpu.memory_space<vmem>>, vector<16xf32>,
        %mul3A_502 = arith.mulf %get3A_498, %get3A_501 : vector<16xf32>
        %get3A_503 = arith.index_cast %add3A_495 : i32 to index
        %get3A_504 = arith.constant 16 : index
        %get3A_505 = tpu.vector_load %arg13[%get3A_503, %get3A_504] {strides = array<i32>} : memref<128x128xf32, #tpu.memory_space<vmem>>, vector<16xf32>,
        %get3A_506 = arith.index_cast %add3A_495 : i32 to index
        %get3A_507 = arith.constant 16 : index
        %get3A_508 = tpu.vector_load %arg14[%get3A_506, %get3A_507] {strides = array<i32>} : memref<128x128xf32, #tpu.memory_space<vmem>>, vector<16xf32>,
        %mul3A_509 = arith.mulf %get3A_505, %get3A_508 : vector<16xf32>
        %add3A_510 = arith.addf %mul3A_502, %mul3A_509 : vector<16xf32>
        %get3A_511 = arith.index_cast %add3A_495 : i32 to index
        %get3A_512 = arith.constant 32 : index
        %get3A_513 = tpu.vector_load %arg13[%get3A_511, %get3A_512] {strides = array<i32>} : memref<128x128xf32, #tpu.memory_space<vmem>>, vector<16xf32>,
        %get3A_514 = arith.index_cast %add3A_495 : i32 to index
        %get3A_515 = arith.constant 32 : index
        %get3A_516 = tpu.vector_load %arg14[%get3A_514, %get3A_515] {strides = array<i32>} : memref<128x128xf32, #tpu.memory_space<vmem>>, vector<16xf32>,
        %mul3A_517 = arith.mulf %get3A_513, %get3A_516 : vector<16xf32>
        %add3A_518 = arith.addf %add3A_510, %mul3A_517 : vector<16xf32>
        %get3A_519 = arith.index_cast %add3A_495 : i32 to index
        %get3A_520 = arith.constant 48 : index
        %get3A_521 = tpu.vector_load %arg13[%get3A_519, %get3A_520] {strides = array<i32>} : memref<128x128xf32, #tpu.memory_space<vmem>>, vector<16xf32>,
        %get3A_522 = arith.index_cast %add3A_495 : i32 to index
        %get3A_523 = arith.constant 48 : index
        %get3A_524 = tpu.vector_load %arg14[%get3A_522, %get3A_523] {strides = array<i32>} : memref<128x128xf32, #tpu.memory_space<vmem>>, vector<16xf32>,
        %mul3A_525 = arith.mulf %get3A_521, %get3A_524 : vector<16xf32>
        %add3A_526 = arith.addf %add3A_518, %mul3A_525 : vector<16xf32>
        %get3A_527 = arith.index_cast %add3A_495 : i32 to index
        %get3A_528 = arith.constant 64 : index
        %get3A_529 = tpu.vector_load %arg13[%get3A_527, %get3A_528] {strides = array<i32>} : memref<128x128xf32, #tpu.memory_space<vmem>>, vector<16xf32>,
        %get3A_530 = arith.index_cast %add3A_495 : i32 to index
        %get3A_531 = arith.constant 64 : index
        %get3A_532 = tpu.vector_load %arg14[%get3A_530, %get3A_531] {strides = array<i32>} : memref<128x128xf32, #tpu.memory_space<vmem>>, vector<16xf32>,
        %mul3A_533 = arith.mulf %get3A_529, %get3A_532 : vector<16xf32>
        %add3A_534 = arith.addf %add3A_526, %mul3A_533 : vector<16xf32>
        %get3A_535 = arith.index_cast %add3A_495 : i32 to index
        %get3A_536 = arith.constant 80 : index
        %get3A_537 = tpu.vector_load %arg13[%get3A_535, %get3A_536] {strides = array<i32>} : memref<128x128xf32, #tpu.memory_space<vmem>>, vector<16xf32>,
        %get3A_538 = arith.index_cast %add3A_495 : i32 to index
        %get3A_539 = arith.constant 80 : index
        %get3A_540 = tpu.vector_load %arg14[%get3A_538, %get3A_539] {strides = array<i32>} : memref<128x128xf32, #tpu.memory_space<vmem>>, vector<16xf32>,
        %mul3A_541 = arith.mulf %get3A_537, %get3A_540 : vector<16xf32>
        %add3A_542 = arith.addf %add3A_534, %mul3A_541 : vector<16xf32>
        %get3A_543 = arith.index_cast %add3A_495 : i32 to index
        %get3A_544 = arith.constant 96 : index
        %get3A_545 = tpu.vector_load %arg13[%get3A_543, %get3A_544] {strides = array<i32>} : memref<128x128xf32, #tpu.memory_space<vmem>>, vector<16xf32>,
        %get3A_546 = arith.index_cast %add3A_495 : i32 to index
        %get3A_547 = arith.constant 96 : index
        %get3A_548 = tpu.vector_load %arg14[%get3A_546, %get3A_547] {strides = array<i32>} : memref<128x128xf32, #tpu.memory_space<vmem>>, vector<16xf32>,
        %mul3A_549 = arith.mulf %get3A_545, %get3A_548 : vector<16xf32>
        %add3A_550 = arith.addf %add3A_542, %mul3A_549 : vector<16xf32>
        %get3A_551 = arith.index_cast %add3A_495 : i32 to index
        %get3A_552 = arith.constant 112 : index
        %get3A_553 = tpu.vector_load %arg13[%get3A_551, %get3A_552] {strides = array<i32>} : memref<128x128xf32, #tpu.memory_space<vmem>>, vector<16xf32>,
        %get3A_554 = arith.index_cast %add3A_495 : i32 to index
        %get3A_555 = arith.constant 112 : index
        %get3A_556 = tpu.vector_load %arg14[%get3A_554, %get3A_555] {strides = array<i32>} : memref<128x128xf32, #tpu.memory_space<vmem>>, vector<16xf32>,
        %mul3A_557 = arith.mulf %get3A_553, %get3A_556 : vector<16xf32>
        %add3A_558 = arith.addf %add3A_550, %mul3A_557 : vector<16xf32>
        %broadcast_in_dim3A_559 = arith.constant 6 : i32
        %broadcast_in_dim3A_560 = vector.broadcast %broadcast_in_dim3A_559 : i32 to vector<16xi32>
        tpu.vector_store_idx %arg16[%iota3A_69, %broadcast_in_dim3A_560], %add3A_558 : memref<16x128xf32, #tpu.memory_space<vmem>>[vector<16xi32>, vector<16xi32>], vector<16xf32>,
        %mul3A_561 = arith.constant 16 : i32
        %mul3A_562 = arith.muli %scan3A_79, %mul3A_561 : i32
        %add3A_563 = arith.constant 7 : i32
        %add3A_564 = arith.addi %mul3A_562, %add3A_563 : i32
        %get3A_565 = arith.index_cast %add3A_564 : i32 to index
        %get3A_566 = arith.constant 0 : index
        %get3A_567 = tpu.vector_load %arg13[%get3A_565, %get3A_566] {strides = array<i32>} : memref<128x128xf32, #tpu.memory_space<vmem>>, vector<16xf32>,
        %get3A_568 = arith.index_cast %add3A_564 : i32 to index
        %get3A_569 = arith.constant 0 : index
        %get3A_570 = tpu.vector_load %arg14[%get3A_568, %get3A_569] {strides = array<i32>} : memref<128x128xf32, #tpu.memory_space<vmem>>, vector<16xf32>,
        %mul3A_571 = arith.mulf %get3A_567, %get3A_570 : vector<16xf32>
        %get3A_572 = arith.index_cast %add3A_564 : i32 to index
        %get3A_573 = arith.constant 16 : index
        %get3A_574 = tpu.vector_load %arg13[%get3A_572, %get3A_573] {strides = array<i32>} : memref<128x128xf32, #tpu.memory_space<vmem>>, vector<16xf32>,
        %get3A_575 = arith.index_cast %add3A_564 : i32 to index
        %get3A_576 = arith.constant 16 : index
        %get3A_577 = tpu.vector_load %arg14[%get3A_575, %get3A_576] {strides = array<i32>} : memref<128x128xf32, #tpu.memory_space<vmem>>, vector<16xf32>,
        %mul3A_578 = arith.mulf %get3A_574, %get3A_577 : vector<16xf32>
        %add3A_579 = arith.addf %mul3A_571, %mul3A_578 : vector<16xf32>
        %get3A_580 = arith.index_cast %add3A_564 : i32 to index
        %get3A_581 = arith.constant 32 : index
        %get3A_582 = tpu.vector_load %arg13[%get3A_580, %get3A_581] {strides = array<i32>} : memref<128x128xf32, #tpu.memory_space<vmem>>, vector<16xf32>,
        %get3A_583 = arith.index_cast %add3A_564 : i32 to index
        %get3A_584 = arith.constant 32 : index
        %get3A_585 = tpu.vector_load %arg14[%get3A_583, %get3A_584] {strides = array<i32>} : memref<128x128xf32, #tpu.memory_space<vmem>>, vector<16xf32>,
        %mul3A_586 = arith.mulf %get3A_582, %get3A_585 : vector<16xf32>
        %add3A_587 = arith.addf %add3A_579, %mul3A_586 : vector<16xf32>
        %get3A_588 = arith.index_cast %add3A_564 : i32 to index
        %get3A_589 = arith.constant 48 : index
        %get3A_590 = tpu.vector_load %arg13[%get3A_588, %get3A_589] {strides = array<i32>} : memref<128x128xf32, #tpu.memory_space<vmem>>, vector<16xf32>,
        %get3A_591 = arith.index_cast %add3A_564 : i32 to index
        %get3A_592 = arith.constant 48 : index
        %get3A_593 = tpu.vector_load %arg14[%get3A_591, %get3A_592] {strides = array<i32>} : memref<128x128xf32, #tpu.memory_space<vmem>>, vector<16xf32>,
        %mul3A_594 = arith.mulf %get3A_590, %get3A_593 : vector<16xf32>
        %add3A_595 = arith.addf %add3A_587, %mul3A_594 : vector<16xf32>
        %get3A_596 = arith.index_cast %add3A_564 : i32 to index
        %get3A_597 = arith.constant 64 : index
        %get3A_598 = tpu.vector_load %arg13[%get3A_596, %get3A_597] {strides = array<i32>} : memref<128x128xf32, #tpu.memory_space<vmem>>, vector<16xf32>,
        %get3A_599 = arith.index_cast %add3A_564 : i32 to index
        %get3A_600 = arith.constant 64 : index
        %get3A_601 = tpu.vector_load %arg14[%get3A_599, %get3A_600] {strides = array<i32>} : memref<128x128xf32, #tpu.memory_space<vmem>>, vector<16xf32>,
        %mul3A_602 = arith.mulf %get3A_598, %get3A_601 : vector<16xf32>
        %add3A_603 = arith.addf %add3A_595, %mul3A_602 : vector<16xf32>
        %get3A_604 = arith.index_cast %add3A_564 : i32 to index
        %get3A_605 = arith.constant 80 : index
        %get3A_606 = tpu.vector_load %arg13[%get3A_604, %get3A_605] {strides = array<i32>} : memref<128x128xf32, #tpu.memory_space<vmem>>, vector<16xf32>,
        %get3A_607 = arith.index_cast %add3A_564 : i32 to index
        %get3A_608 = arith.constant 80 : index
        %get3A_609 = tpu.vector_load %arg14[%get3A_607, %get3A_608] {strides = array<i32>} : memref<128x128xf32, #tpu.memory_space<vmem>>, vector<16xf32>,
        %mul3A_610 = arith.mulf %get3A_606, %get3A_609 : vector<16xf32>
        %add3A_611 = arith.addf %add3A_603, %mul3A_610 : vector<16xf32>
        %get3A_612 = arith.index_cast %add3A_564 : i32 to index
        %get3A_613 = arith.constant 96 : index
        %get3A_614 = tpu.vector_load %arg13[%get3A_612, %get3A_613] {strides = array<i32>} : memref<128x128xf32, #tpu.memory_space<vmem>>, vector<16xf32>,
        %get3A_615 = arith.index_cast %add3A_564 : i32 to index
        %get3A_616 = arith.constant 96 : index
        %get3A_617 = tpu.vector_load %arg14[%get3A_615, %get3A_616] {strides = array<i32>} : memref<128x128xf32, #tpu.memory_space<vmem>>, vector<16xf32>,
        %mul3A_618 = arith.mulf %get3A_614, %get3A_617 : vector<16xf32>
        %add3A_619 = arith.addf %add3A_611, %mul3A_618 : vector<16xf32>
        %get3A_620 = arith.index_cast %add3A_564 : i32 to index
        %get3A_621 = arith.constant 112 : index
        %get3A_622 = tpu.vector_load %arg13[%get3A_620, %get3A_621] {strides = array<i32>} : memref<128x128xf32, #tpu.memory_space<vmem>>, vector<16xf32>,
        %get3A_623 = arith.index_cast %add3A_564 : i32 to index
        %get3A_624 = arith.constant 112 : index
        %get3A_625 = tpu.vector_load %arg14[%get3A_623, %get3A_624] {strides = array<i32>} : memref<128x128xf32, #tpu.memory_space<vmem>>, vector<16xf32>,
        %mul3A_626 = arith.mulf %get3A_622, %get3A_625 : vector<16xf32>
        %add3A_627 = arith.addf %add3A_619, %mul3A_626 : vector<16xf32>
        %broadcast_in_dim3A_628 = arith.constant 7 : i32
        %broadcast_in_dim3A_629 = vector.broadcast %broadcast_in_dim3A_628 : i32 to vector<16xi32>
        tpu.vector_store_idx %arg16[%iota3A_69, %broadcast_in_dim3A_629], %add3A_627 : memref<16x128xf32, #tpu.memory_space<vmem>>[vector<16xi32>, vector<16xi32>], vector<16xf32>,
        %mul3A_630 = arith.constant 16 : i32
        %mul3A_631 = arith.muli %scan3A_79, %mul3A_630 : i32
        %add3A_632 = arith.constant 8 : i32
        %add3A_633 = arith.addi %mul3A_631, %add3A_632 : i32
        %get3A_634 = arith.index_cast %add3A_633 : i32 to index
        %get3A_635 = arith.constant 0 : index
        %get3A_636 = tpu.vector_load %arg13[%get3A_634, %get3A_635] {strides = array<i32>} : memref<128x128xf32, #tpu.memory_space<vmem>>, vector<16xf32>,
        %get3A_637 = arith.index_cast %add3A_633 : i32 to index
        %get3A_638 = arith.constant 0 : index
        %get3A_639 = tpu.vector_load %arg14[%get3A_637, %get3A_638] {strides = array<i32>} : memref<128x128xf32, #tpu.memory_space<vmem>>, vector<16xf32>,
        %mul3A_640 = arith.mulf %get3A_636, %get3A_639 : vector<16xf32>
        %get3A_641 = arith.index_cast %add3A_633 : i32 to index
        %get3A_642 = arith.constant 16 : index
        %get3A_643 = tpu.vector_load %arg13[%get3A_641, %get3A_642] {strides = array<i32>} : memref<128x128xf32, #tpu.memory_space<vmem>>, vector<16xf32>,
        %get3A_644 = arith.index_cast %add3A_633 : i32 to index
        %get3A_645 = arith.constant 16 : index
        %get3A_646 = tpu.vector_load %arg14[%get3A_644, %get3A_645] {strides = array<i32>} : memref<128x128xf32, #tpu.memory_space<vmem>>, vector<16xf32>,
        %mul3A_647 = arith.mulf %get3A_643, %get3A_646 : vector<16xf32>
        %add3A_648 = arith.addf %mul3A_640, %mul3A_647 : vector<16xf32>
        %get3A_649 = arith.index_cast %add3A_633 : i32 to index
        %get3A_650 = arith.constant 32 : index
        %get3A_651 = tpu.vector_load %arg13[%get3A_649, %get3A_650] {strides = array<i32>} : memref<128x128xf32, #tpu.memory_space<vmem>>, vector<16xf32>,
        %get3A_652 = arith.index_cast %add3A_633 : i32 to index
        %get3A_653 = arith.constant 32 : index
        %get3A_654 = tpu.vector_load %arg14[%get3A_652, %get3A_653] {strides = array<i32>} : memref<128x128xf32, #tpu.memory_space<vmem>>, vector<16xf32>,
        %mul3A_655 = arith.mulf %get3A_651, %get3A_654 : vector<16xf32>
        %add3A_656 = arith.addf %add3A_648, %mul3A_655 : vector<16xf32>
        %get3A_657 = arith.index_cast %add3A_633 : i32 to index
        %get3A_658 = arith.constant 48 : index
        %get3A_659 = tpu.vector_load %arg13[%get3A_657, %get3A_658] {strides = array<i32>} : memref<128x128xf32, #tpu.memory_space<vmem>>, vector<16xf32>,
        %get3A_660 = arith.index_cast %add3A_633 : i32 to index
        %get3A_661 = arith.constant 48 : index
        %get3A_662 = tpu.vector_load %arg14[%get3A_660, %get3A_661] {strides = array<i32>} : memref<128x128xf32, #tpu.memory_space<vmem>>, vector<16xf32>,
        %mul3A_663 = arith.mulf %get3A_659, %get3A_662 : vector<16xf32>
        %add3A_664 = arith.addf %add3A_656, %mul3A_663 : vector<16xf32>
        %get3A_665 = arith.index_cast %add3A_633 : i32 to index
        %get3A_666 = arith.constant 64 : index
        %get3A_667 = tpu.vector_load %arg13[%get3A_665, %get3A_666] {strides = array<i32>} : memref<128x128xf32, #tpu.memory_space<vmem>>, vector<16xf32>,
        %get3A_668 = arith.index_cast %add3A_633 : i32 to index
        %get3A_669 = arith.constant 64 : index
        %get3A_670 = tpu.vector_load %arg14[%get3A_668, %get3A_669] {strides = array<i32>} : memref<128x128xf32, #tpu.memory_space<vmem>>, vector<16xf32>,
        %mul3A_671 = arith.mulf %get3A_667, %get3A_670 : vector<16xf32>
        %add3A_672 = arith.addf %add3A_664, %mul3A_671 : vector<16xf32>
        %get3A_673 = arith.index_cast %add3A_633 : i32 to index
        %get3A_674 = arith.constant 80 : index
        %get3A_675 = tpu.vector_load %arg13[%get3A_673, %get3A_674] {strides = array<i32>} : memref<128x128xf32, #tpu.memory_space<vmem>>, vector<16xf32>,
        %get3A_676 = arith.index_cast %add3A_633 : i32 to index
        %get3A_677 = arith.constant 80 : index
        %get3A_678 = tpu.vector_load %arg14[%get3A_676, %get3A_677] {strides = array<i32>} : memref<128x128xf32, #tpu.memory_space<vmem>>, vector<16xf32>,
        %mul3A_679 = arith.mulf %get3A_675, %get3A_678 : vector<16xf32>
        %add3A_680 = arith.addf %add3A_672, %mul3A_679 : vector<16xf32>
        %get3A_681 = arith.index_cast %add3A_633 : i32 to index
        %get3A_682 = arith.constant 96 : index
        %get3A_683 = tpu.vector_load %arg13[%get3A_681, %get3A_682] {strides = array<i32>} : memref<128x128xf32, #tpu.memory_space<vmem>>, vector<16xf32>,
        %get3A_684 = arith.index_cast %add3A_633 : i32 to index
        %get3A_685 = arith.constant 96 : index
        %get3A_686 = tpu.vector_load %arg14[%get3A_684, %get3A_685] {strides = array<i32>} : memref<128x128xf32, #tpu.memory_space<vmem>>, vector<16xf32>,
        %mul3A_687 = arith.mulf %get3A_683, %get3A_686 : vector<16xf32>
        %add3A_688 = arith.addf %add3A_680, %mul3A_687 : vector<16xf32>
        %get3A_689 = arith.index_cast %add3A_633 : i32 to index
        %get3A_690 = arith.constant 112 : index
        %get3A_691 = tpu.vector_load %arg13[%get3A_689, %get3A_690] {strides = array<i32>} : memref<128x128xf32, #tpu.memory_space<vmem>>, vector<16xf32>,
        %get3A_692 = arith.index_cast %add3A_633 : i32 to index
        %get3A_693 = arith.constant 112 : index
        %get3A_694 = tpu.vector_load %arg14[%get3A_692, %get3A_693] {strides = array<i32>} : memref<128x128xf32, #tpu.memory_space<vmem>>, vector<16xf32>,
        %mul3A_695 = arith.mulf %get3A_691, %get3A_694 : vector<16xf32>
        %add3A_696 = arith.addf %add3A_688, %mul3A_695 : vector<16xf32>
        %broadcast_in_dim3A_697 = arith.constant 8 : i32
        %broadcast_in_dim3A_698 = vector.broadcast %broadcast_in_dim3A_697 : i32 to vector<16xi32>
        tpu.vector_store_idx %arg16[%iota3A_69, %broadcast_in_dim3A_698], %add3A_696 : memref<16x128xf32, #tpu.memory_space<vmem>>[vector<16xi32>, vector<16xi32>], vector<16xf32>,
        %mul3A_699 = arith.constant 16 : i32
        %mul3A_700 = arith.muli %scan3A_79, %mul3A_699 : i32
        %add3A_701 = arith.constant 9 : i32
        %add3A_702 = arith.addi %mul3A_700, %add3A_701 : i32
        %get3A_703 = arith.index_cast %add3A_702 : i32 to index
        %get3A_704 = arith.constant 0 : index
        %get3A_705 = tpu.vector_load %arg13[%get3A_703, %get3A_704] {strides = array<i32>} : memref<128x128xf32, #tpu.memory_space<vmem>>, vector<16xf32>,
        %get3A_706 = arith.index_cast %add3A_702 : i32 to index
        %get3A_707 = arith.constant 0 : index
        %get3A_708 = tpu.vector_load %arg14[%get3A_706, %get3A_707] {strides = array<i32>} : memref<128x128xf32, #tpu.memory_space<vmem>>, vector<16xf32>,
        %mul3A_709 = arith.mulf %get3A_705, %get3A_708 : vector<16xf32>
        %get3A_710 = arith.index_cast %add3A_702 : i32 to index
        %get3A_711 = arith.constant 16 : index
        %get3A_712 = tpu.vector_load %arg13[%get3A_710, %get3A_711] {strides = array<i32>} : memref<128x128xf32, #tpu.memory_space<vmem>>, vector<16xf32>,
        %get3A_713 = arith.index_cast %add3A_702 : i32 to index
        %get3A_714 = arith.constant 16 : index
        %get3A_715 = tpu.vector_load %arg14[%get3A_713, %get3A_714] {strides = array<i32>} : memref<128x128xf32, #tpu.memory_space<vmem>>, vector<16xf32>,
        %mul3A_716 = arith.mulf %get3A_712, %get3A_715 : vector<16xf32>
        %add3A_717 = arith.addf %mul3A_709, %mul3A_716 : vector<16xf32>
        %get3A_718 = arith.index_cast %add3A_702 : i32 to index
        %get3A_719 = arith.constant 32 : index
        %get3A_720 = tpu.vector_load %arg13[%get3A_718, %get3A_719] {strides = array<i32>} : memref<128x128xf32, #tpu.memory_space<vmem>>, vector<16xf32>,
        %get3A_721 = arith.index_cast %add3A_702 : i32 to index
        %get3A_722 = arith.constant 32 : index
        %get3A_723 = tpu.vector_load %arg14[%get3A_721, %get3A_722] {strides = array<i32>} : memref<128x128xf32, #tpu.memory_space<vmem>>, vector<16xf32>,
        %mul3A_724 = arith.mulf %get3A_720, %get3A_723 : vector<16xf32>
        %add3A_725 = arith.addf %add3A_717, %mul3A_724 : vector<16xf32>
        %get3A_726 = arith.index_cast %add3A_702 : i32 to index
        %get3A_727 = arith.constant 48 : index
        %get3A_728 = tpu.vector_load %arg13[%get3A_726, %get3A_727] {strides = array<i32>} : memref<128x128xf32, #tpu.memory_space<vmem>>, vector<16xf32>,
        %get3A_729 = arith.index_cast %add3A_702 : i32 to index
        %get3A_730 = arith.constant 48 : index
        %get3A_731 = tpu.vector_load %arg14[%get3A_729, %get3A_730] {strides = array<i32>} : memref<128x128xf32, #tpu.memory_space<vmem>>, vector<16xf32>,
        %mul3A_732 = arith.mulf %get3A_728, %get3A_731 : vector<16xf32>
        %add3A_733 = arith.addf %add3A_725, %mul3A_732 : vector<16xf32>
        %get3A_734 = arith.index_cast %add3A_702 : i32 to index
        %get3A_735 = arith.constant 64 : index
        %get3A_736 = tpu.vector_load %arg13[%get3A_734, %get3A_735] {strides = array<i32>} : memref<128x128xf32, #tpu.memory_space<vmem>>, vector<16xf32>,
        %get3A_737 = arith.index_cast %add3A_702 : i32 to index
        %get3A_738 = arith.constant 64 : index
        %get3A_739 = tpu.vector_load %arg14[%get3A_737, %get3A_738] {strides = array<i32>} : memref<128x128xf32, #tpu.memory_space<vmem>>, vector<16xf32>,
        %mul3A_740 = arith.mulf %get3A_736, %get3A_739 : vector<16xf32>
        %add3A_741 = arith.addf %add3A_733, %mul3A_740 : vector<16xf32>
        %get3A_742 = arith.index_cast %add3A_702 : i32 to index
        %get3A_743 = arith.constant 80 : index
        %get3A_744 = tpu.vector_load %arg13[%get3A_742, %get3A_743] {strides = array<i32>} : memref<128x128xf32, #tpu.memory_space<vmem>>, vector<16xf32>,
        %get3A_745 = arith.index_cast %add3A_702 : i32 to index
        %get3A_746 = arith.constant 80 : index
        %get3A_747 = tpu.vector_load %arg14[%get3A_745, %get3A_746] {strides = array<i32>} : memref<128x128xf32, #tpu.memory_space<vmem>>, vector<16xf32>,
        %mul3A_748 = arith.mulf %get3A_744, %get3A_747 : vector<16xf32>
        %add3A_749 = arith.addf %add3A_741, %mul3A_748 : vector<16xf32>
        %get3A_750 = arith.index_cast %add3A_702 : i32 to index
        %get3A_751 = arith.constant 96 : index
        %get3A_752 = tpu.vector_load %arg13[%get3A_750, %get3A_751] {strides = array<i32>} : memref<128x128xf32, #tpu.memory_space<vmem>>, vector<16xf32>,
        %get3A_753 = arith.index_cast %add3A_702 : i32 to index
        %get3A_754 = arith.constant 96 : index
        %get3A_755 = tpu.vector_load %arg14[%get3A_753, %get3A_754] {strides = array<i32>} : memref<128x128xf32, #tpu.memory_space<vmem>>, vector<16xf32>,
        %mul3A_756 = arith.mulf %get3A_752, %get3A_755 : vector<16xf32>
        %add3A_757 = arith.addf %add3A_749, %mul3A_756 : vector<16xf32>
        %get3A_758 = arith.index_cast %add3A_702 : i32 to index
        %get3A_759 = arith.constant 112 : index
        %get3A_760 = tpu.vector_load %arg13[%get3A_758, %get3A_759] {strides = array<i32>} : memref<128x128xf32, #tpu.memory_space<vmem>>, vector<16xf32>,
        %get3A_761 = arith.index_cast %add3A_702 : i32 to index
        %get3A_762 = arith.constant 112 : index
        %get3A_763 = tpu.vector_load %arg14[%get3A_761, %get3A_762] {strides = array<i32>} : memref<128x128xf32, #tpu.memory_space<vmem>>, vector<16xf32>,
        %mul3A_764 = arith.mulf %get3A_760, %get3A_763 : vector<16xf32>
        %add3A_765 = arith.addf %add3A_757, %mul3A_764 : vector<16xf32>
        %broadcast_in_dim3A_766 = arith.constant 9 : i32
        %broadcast_in_dim3A_767 = vector.broadcast %broadcast_in_dim3A_766 : i32 to vector<16xi32>
        tpu.vector_store_idx %arg16[%iota3A_69, %broadcast_in_dim3A_767], %add3A_765 : memref<16x128xf32, #tpu.memory_space<vmem>>[vector<16xi32>, vector<16xi32>], vector<16xf32>,
        %mul3A_768 = arith.constant 16 : i32
        %mul3A_769 = arith.muli %scan3A_79, %mul3A_768 : i32
        %add3A_770 = arith.constant 10 : i32
        %add3A_771 = arith.addi %mul3A_769, %add3A_770 : i32
        %get3A_772 = arith.index_cast %add3A_771 : i32 to index
        %get3A_773 = arith.constant 0 : index
        %get3A_774 = tpu.vector_load %arg13[%get3A_772, %get3A_773] {strides = array<i32>} : memref<128x128xf32, #tpu.memory_space<vmem>>, vector<16xf32>,
        %get3A_775 = arith.index_cast %add3A_771 : i32 to index
        %get3A_776 = arith.constant 0 : index
        %get3A_777 = tpu.vector_load %arg14[%get3A_775, %get3A_776] {strides = array<i32>} : memref<128x128xf32, #tpu.memory_space<vmem>>, vector<16xf32>,
        %mul3A_778 = arith.mulf %get3A_774, %get3A_777 : vector<16xf32>
        %get3A_779 = arith.index_cast %add3A_771 : i32 to index
        %get3A_780 = arith.constant 16 : index
        %get3A_781 = tpu.vector_load %arg13[%get3A_779, %get3A_780] {strides = array<i32>} : memref<128x128xf32, #tpu.memory_space<vmem>>, vector<16xf32>,
        %get3A_782 = arith.index_cast %add3A_771 : i32 to index
        %get3A_783 = arith.constant 16 : index
        %get3A_784 = tpu.vector_load %arg14[%get3A_782, %get3A_783] {strides = array<i32>} : memref<128x128xf32, #tpu.memory_space<vmem>>, vector<16xf32>,
        %mul3A_785 = arith.mulf %get3A_781, %get3A_784 : vector<16xf32>
        %add3A_786 = arith.addf %mul3A_778, %mul3A_785 : vector<16xf32>
        %get3A_787 = arith.index_cast %add3A_771 : i32 to index
        %get3A_788 = arith.constant 32 : index
        %get3A_789 = tpu.vector_load %arg13[%get3A_787, %get3A_788] {strides = array<i32>} : memref<128x128xf32, #tpu.memory_space<vmem>>, vector<16xf32>,
        %get3A_790 = arith.index_cast %add3A_771 : i32 to index
        %get3A_791 = arith.constant 32 : index
        %get3A_792 = tpu.vector_load %arg14[%get3A_790, %get3A_791] {strides = array<i32>} : memref<128x128xf32, #tpu.memory_space<vmem>>, vector<16xf32>,
        %mul3A_793 = arith.mulf %get3A_789, %get3A_792 : vector<16xf32>
        %add3A_794 = arith.addf %add3A_786, %mul3A_793 : vector<16xf32>
        %get3A_795 = arith.index_cast %add3A_771 : i32 to index
        %get3A_796 = arith.constant 48 : index
        %get3A_797 = tpu.vector_load %arg13[%get3A_795, %get3A_796] {strides = array<i32>} : memref<128x128xf32, #tpu.memory_space<vmem>>, vector<16xf32>,
        %get3A_798 = arith.index_cast %add3A_771 : i32 to index
        %get3A_799 = arith.constant 48 : index
        %get3A_800 = tpu.vector_load %arg14[%get3A_798, %get3A_799] {strides = array<i32>} : memref<128x128xf32, #tpu.memory_space<vmem>>, vector<16xf32>,
        %mul3A_801 = arith.mulf %get3A_797, %get3A_800 : vector<16xf32>
        %add3A_802 = arith.addf %add3A_794, %mul3A_801 : vector<16xf32>
        %get3A_803 = arith.index_cast %add3A_771 : i32 to index
        %get3A_804 = arith.constant 64 : index
        %get3A_805 = tpu.vector_load %arg13[%get3A_803, %get3A_804] {strides = array<i32>} : memref<128x128xf32, #tpu.memory_space<vmem>>, vector<16xf32>,
        %get3A_806 = arith.index_cast %add3A_771 : i32 to index
        %get3A_807 = arith.constant 64 : index
        %get3A_808 = tpu.vector_load %arg14[%get3A_806, %get3A_807] {strides = array<i32>} : memref<128x128xf32, #tpu.memory_space<vmem>>, vector<16xf32>,
        %mul3A_809 = arith.mulf %get3A_805, %get3A_808 : vector<16xf32>
        %add3A_810 = arith.addf %add3A_802, %mul3A_809 : vector<16xf32>
        %get3A_811 = arith.index_cast %add3A_771 : i32 to index
        %get3A_812 = arith.constant 80 : index
        %get3A_813 = tpu.vector_load %arg13[%get3A_811, %get3A_812] {strides = array<i32>} : memref<128x128xf32, #tpu.memory_space<vmem>>, vector<16xf32>,
        %get3A_814 = arith.index_cast %add3A_771 : i32 to index
        %get3A_815 = arith.constant 80 : index
        %get3A_816 = tpu.vector_load %arg14[%get3A_814, %get3A_815] {strides = array<i32>} : memref<128x128xf32, #tpu.memory_space<vmem>>, vector<16xf32>,
        %mul3A_817 = arith.mulf %get3A_813, %get3A_816 : vector<16xf32>
        %add3A_818 = arith.addf %add3A_810, %mul3A_817 : vector<16xf32>
        %get3A_819 = arith.index_cast %add3A_771 : i32 to index
        %get3A_820 = arith.constant 96 : index
        %get3A_821 = tpu.vector_load %arg13[%get3A_819, %get3A_820] {strides = array<i32>} : memref<128x128xf32, #tpu.memory_space<vmem>>, vector<16xf32>,
        %get3A_822 = arith.index_cast %add3A_771 : i32 to index
        %get3A_823 = arith.constant 96 : index
        %get3A_824 = tpu.vector_load %arg14[%get3A_822, %get3A_823] {strides = array<i32>} : memref<128x128xf32, #tpu.memory_space<vmem>>, vector<16xf32>,
        %mul3A_825 = arith.mulf %get3A_821, %get3A_824 : vector<16xf32>
        %add3A_826 = arith.addf %add3A_818, %mul3A_825 : vector<16xf32>
        %get3A_827 = arith.index_cast %add3A_771 : i32 to index
        %get3A_828 = arith.constant 112 : index
        %get3A_829 = tpu.vector_load %arg13[%get3A_827, %get3A_828] {strides = array<i32>} : memref<128x128xf32, #tpu.memory_space<vmem>>, vector<16xf32>,
        %get3A_830 = arith.index_cast %add3A_771 : i32 to index
        %get3A_831 = arith.constant 112 : index
        %get3A_832 = tpu.vector_load %arg14[%get3A_830, %get3A_831] {strides = array<i32>} : memref<128x128xf32, #tpu.memory_space<vmem>>, vector<16xf32>,
        %mul3A_833 = arith.mulf %get3A_829, %get3A_832 : vector<16xf32>
        %add3A_834 = arith.addf %add3A_826, %mul3A_833 : vector<16xf32>
        %broadcast_in_dim3A_835 = arith.constant 10 : i32
        %broadcast_in_dim3A_836 = vector.broadcast %broadcast_in_dim3A_835 : i32 to vector<16xi32>
        tpu.vector_store_idx %arg16[%iota3A_69, %broadcast_in_dim3A_836], %add3A_834 : memref<16x128xf32, #tpu.memory_space<vmem>>[vector<16xi32>, vector<16xi32>], vector<16xf32>,
        %mul3A_837 = arith.constant 16 : i32
        %mul3A_838 = arith.muli %scan3A_79, %mul3A_837 : i32
        %add3A_839 = arith.constant 11 : i32
        %add3A_840 = arith.addi %mul3A_838, %add3A_839 : i32
        %get3A_841 = arith.index_cast %add3A_840 : i32 to index
        %get3A_842 = arith.constant 0 : index
        %get3A_843 = tpu.vector_load %arg13[%get3A_841, %get3A_842] {strides = array<i32>} : memref<128x128xf32, #tpu.memory_space<vmem>>, vector<16xf32>,
        %get3A_844 = arith.index_cast %add3A_840 : i32 to index
        %get3A_845 = arith.constant 0 : index
        %get3A_846 = tpu.vector_load %arg14[%get3A_844, %get3A_845] {strides = array<i32>} : memref<128x128xf32, #tpu.memory_space<vmem>>, vector<16xf32>,
        %mul3A_847 = arith.mulf %get3A_843, %get3A_846 : vector<16xf32>
        %get3A_848 = arith.index_cast %add3A_840 : i32 to index
        %get3A_849 = arith.constant 16 : index
        %get3A_850 = tpu.vector_load %arg13[%get3A_848, %get3A_849] {strides = array<i32>} : memref<128x128xf32, #tpu.memory_space<vmem>>, vector<16xf32>,
        %get3A_851 = arith.index_cast %add3A_840 : i32 to index
        %get3A_852 = arith.constant 16 : index
        %get3A_853 = tpu.vector_load %arg14[%get3A_851, %get3A_852] {strides = array<i32>} : memref<128x128xf32, #tpu.memory_space<vmem>>, vector<16xf32>,
        %mul3A_854 = arith.mulf %get3A_850, %get3A_853 : vector<16xf32>
        %add3A_855 = arith.addf %mul3A_847, %mul3A_854 : vector<16xf32>
        %get3A_856 = arith.index_cast %add3A_840 : i32 to index
        %get3A_857 = arith.constant 32 : index
        %get3A_858 = tpu.vector_load %arg13[%get3A_856, %get3A_857] {strides = array<i32>} : memref<128x128xf32, #tpu.memory_space<vmem>>, vector<16xf32>,
        %get3A_859 = arith.index_cast %add3A_840 : i32 to index
        %get3A_860 = arith.constant 32 : index
        %get3A_861 = tpu.vector_load %arg14[%get3A_859, %get3A_860] {strides = array<i32>} : memref<128x128xf32, #tpu.memory_space<vmem>>, vector<16xf32>,
        %mul3A_862 = arith.mulf %get3A_858, %get3A_861 : vector<16xf32>
        %add3A_863 = arith.addf %add3A_855, %mul3A_862 : vector<16xf32>
        %get3A_864 = arith.index_cast %add3A_840 : i32 to index
        %get3A_865 = arith.constant 48 : index
        %get3A_866 = tpu.vector_load %arg13[%get3A_864, %get3A_865] {strides = array<i32>} : memref<128x128xf32, #tpu.memory_space<vmem>>, vector<16xf32>,
        %get3A_867 = arith.index_cast %add3A_840 : i32 to index
        %get3A_868 = arith.constant 48 : index
        %get3A_869 = tpu.vector_load %arg14[%get3A_867, %get3A_868] {strides = array<i32>} : memref<128x128xf32, #tpu.memory_space<vmem>>, vector<16xf32>,
        %mul3A_870 = arith.mulf %get3A_866, %get3A_869 : vector<16xf32>
        %add3A_871 = arith.addf %add3A_863, %mul3A_870 : vector<16xf32>
        %get3A_872 = arith.index_cast %add3A_840 : i32 to index
        %get3A_873 = arith.constant 64 : index
        %get3A_874 = tpu.vector_load %arg13[%get3A_872, %get3A_873] {strides = array<i32>} : memref<128x128xf32, #tpu.memory_space<vmem>>, vector<16xf32>,
        %get3A_875 = arith.index_cast %add3A_840 : i32 to index
        %get3A_876 = arith.constant 64 : index
        %get3A_877 = tpu.vector_load %arg14[%get3A_875, %get3A_876] {strides = array<i32>} : memref<128x128xf32, #tpu.memory_space<vmem>>, vector<16xf32>,
        %mul3A_878 = arith.mulf %get3A_874, %get3A_877 : vector<16xf32>
        %add3A_879 = arith.addf %add3A_871, %mul3A_878 : vector<16xf32>
        %get3A_880 = arith.index_cast %add3A_840 : i32 to index
        %get3A_881 = arith.constant 80 : index
        %get3A_882 = tpu.vector_load %arg13[%get3A_880, %get3A_881] {strides = array<i32>} : memref<128x128xf32, #tpu.memory_space<vmem>>, vector<16xf32>,
        %get3A_883 = arith.index_cast %add3A_840 : i32 to index
        %get3A_884 = arith.constant 80 : index
        %get3A_885 = tpu.vector_load %arg14[%get3A_883, %get3A_884] {strides = array<i32>} : memref<128x128xf32, #tpu.memory_space<vmem>>, vector<16xf32>,
        %mul3A_886 = arith.mulf %get3A_882, %get3A_885 : vector<16xf32>
        %add3A_887 = arith.addf %add3A_879, %mul3A_886 : vector<16xf32>
        %get3A_888 = arith.index_cast %add3A_840 : i32 to index
        %get3A_889 = arith.constant 96 : index
        %get3A_890 = tpu.vector_load %arg13[%get3A_888, %get3A_889] {strides = array<i32>} : memref<128x128xf32, #tpu.memory_space<vmem>>, vector<16xf32>,
        %get3A_891 = arith.index_cast %add3A_840 : i32 to index
        %get3A_892 = arith.constant 96 : index
        %get3A_893 = tpu.vector_load %arg14[%get3A_891, %get3A_892] {strides = array<i32>} : memref<128x128xf32, #tpu.memory_space<vmem>>, vector<16xf32>,
        %mul3A_894 = arith.mulf %get3A_890, %get3A_893 : vector<16xf32>
        %add3A_895 = arith.addf %add3A_887, %mul3A_894 : vector<16xf32>
        %get3A_896 = arith.index_cast %add3A_840 : i32 to index
        %get3A_897 = arith.constant 112 : index
        %get3A_898 = tpu.vector_load %arg13[%get3A_896, %get3A_897] {strides = array<i32>} : memref<128x128xf32, #tpu.memory_space<vmem>>, vector<16xf32>,
        %get3A_899 = arith.index_cast %add3A_840 : i32 to index
        %get3A_900 = arith.constant 112 : index
        %get3A_901 = tpu.vector_load %arg14[%get3A_899, %get3A_900] {strides = array<i32>} : memref<128x128xf32, #tpu.memory_space<vmem>>, vector<16xf32>,
        %mul3A_902 = arith.mulf %get3A_898, %get3A_901 : vector<16xf32>
        %add3A_903 = arith.addf %add3A_895, %mul3A_902 : vector<16xf32>
        %broadcast_in_dim3A_904 = arith.constant 11 : i32
        %broadcast_in_dim3A_905 = vector.broadcast %broadcast_in_dim3A_904 : i32 to vector<16xi32>
        tpu.vector_store_idx %arg16[%iota3A_69, %broadcast_in_dim3A_905], %add3A_903 : memref<16x128xf32, #tpu.memory_space<vmem>>[vector<16xi32>, vector<16xi32>], vector<16xf32>,
        %mul3A_906 = arith.constant 16 : i32
        %mul3A_907 = arith.muli %scan3A_79, %mul3A_906 : i32
        %add3A_908 = arith.constant 12 : i32
        %add3A_909 = arith.addi %mul3A_907, %add3A_908 : i32
        %get3A_910 = arith.index_cast %add3A_909 : i32 to index
        %get3A_911 = arith.constant 0 : index
        %get3A_912 = tpu.vector_load %arg13[%get3A_910, %get3A_911] {strides = array<i32>} : memref<128x128xf32, #tpu.memory_space<vmem>>, vector<16xf32>,
        %get3A_913 = arith.index_cast %add3A_909 : i32 to index
        %get3A_914 = arith.constant 0 : index
        %get3A_915 = tpu.vector_load %arg14[%get3A_913, %get3A_914] {strides = array<i32>} : memref<128x128xf32, #tpu.memory_space<vmem>>, vector<16xf32>,
        %mul3A_916 = arith.mulf %get3A_912, %get3A_915 : vector<16xf32>
        %get3A_917 = arith.index_cast %add3A_909 : i32 to index
        %get3A_918 = arith.constant 16 : index
        %get3A_919 = tpu.vector_load %arg13[%get3A_917, %get3A_918] {strides = array<i32>} : memref<128x128xf32, #tpu.memory_space<vmem>>, vector<16xf32>,
        %get3A_920 = arith.index_cast %add3A_909 : i32 to index
        %get3A_921 = arith.constant 16 : index
        %get3A_922 = tpu.vector_load %arg14[%get3A_920, %get3A_921] {strides = array<i32>} : memref<128x128xf32, #tpu.memory_space<vmem>>, vector<16xf32>,
        %mul3A_923 = arith.mulf %get3A_919, %get3A_922 : vector<16xf32>
        %add3A_924 = arith.addf %mul3A_916, %mul3A_923 : vector<16xf32>
        %get3A_925 = arith.index_cast %add3A_909 : i32 to index
        %get3A_926 = arith.constant 32 : index
        %get3A_927 = tpu.vector_load %arg13[%get3A_925, %get3A_926] {strides = array<i32>} : memref<128x128xf32, #tpu.memory_space<vmem>>, vector<16xf32>,
        %get3A_928 = arith.index_cast %add3A_909 : i32 to index
        %get3A_929 = arith.constant 32 : index
        %get3A_930 = tpu.vector_load %arg14[%get3A_928, %get3A_929] {strides = array<i32>} : memref<128x128xf32, #tpu.memory_space<vmem>>, vector<16xf32>,
        %mul3A_931 = arith.mulf %get3A_927, %get3A_930 : vector<16xf32>
        %add3A_932 = arith.addf %add3A_924, %mul3A_931 : vector<16xf32>
        %get3A_933 = arith.index_cast %add3A_909 : i32 to index
        %get3A_934 = arith.constant 48 : index
        %get3A_935 = tpu.vector_load %arg13[%get3A_933, %get3A_934] {strides = array<i32>} : memref<128x128xf32, #tpu.memory_space<vmem>>, vector<16xf32>,
        %get3A_936 = arith.index_cast %add3A_909 : i32 to index
        %get3A_937 = arith.constant 48 : index
        %get3A_938 = tpu.vector_load %arg14[%get3A_936, %get3A_937] {strides = array<i32>} : memref<128x128xf32, #tpu.memory_space<vmem>>, vector<16xf32>,
        %mul3A_939 = arith.mulf %get3A_935, %get3A_938 : vector<16xf32>
        %add3A_940 = arith.addf %add3A_932, %mul3A_939 : vector<16xf32>
        %get3A_941 = arith.index_cast %add3A_909 : i32 to index
        %get3A_942 = arith.constant 64 : index
        %get3A_943 = tpu.vector_load %arg13[%get3A_941, %get3A_942] {strides = array<i32>} : memref<128x128xf32, #tpu.memory_space<vmem>>, vector<16xf32>,
        %get3A_944 = arith.index_cast %add3A_909 : i32 to index
        %get3A_945 = arith.constant 64 : index
        %get3A_946 = tpu.vector_load %arg14[%get3A_944, %get3A_945] {strides = array<i32>} : memref<128x128xf32, #tpu.memory_space<vmem>>, vector<16xf32>,
        %mul3A_947 = arith.mulf %get3A_943, %get3A_946 : vector<16xf32>
        %add3A_948 = arith.addf %add3A_940, %mul3A_947 : vector<16xf32>
        %get3A_949 = arith.index_cast %add3A_909 : i32 to index
        %get3A_950 = arith.constant 80 : index
        %get3A_951 = tpu.vector_load %arg13[%get3A_949, %get3A_950] {strides = array<i32>} : memref<128x128xf32, #tpu.memory_space<vmem>>, vector<16xf32>,
        %get3A_952 = arith.index_cast %add3A_909 : i32 to index
        %get3A_953 = arith.constant 80 : index
        %get3A_954 = tpu.vector_load %arg14[%get3A_952, %get3A_953] {strides = array<i32>} : memref<128x128xf32, #tpu.memory_space<vmem>>, vector<16xf32>,
        %mul3A_955 = arith.mulf %get3A_951, %get3A_954 : vector<16xf32>
        %add3A_956 = arith.addf %add3A_948, %mul3A_955 : vector<16xf32>
        %get3A_957 = arith.index_cast %add3A_909 : i32 to index
        %get3A_958 = arith.constant 96 : index
        %get3A_959 = tpu.vector_load %arg13[%get3A_957, %get3A_958] {strides = array<i32>} : memref<128x128xf32, #tpu.memory_space<vmem>>, vector<16xf32>,
        %get3A_960 = arith.index_cast %add3A_909 : i32 to index
        %get3A_961 = arith.constant 96 : index
        %get3A_962 = tpu.vector_load %arg14[%get3A_960, %get3A_961] {strides = array<i32>} : memref<128x128xf32, #tpu.memory_space<vmem>>, vector<16xf32>,
        %mul3A_963 = arith.mulf %get3A_959, %get3A_962 : vector<16xf32>
        %add3A_964 = arith.addf %add3A_956, %mul3A_963 : vector<16xf32>
        %get3A_965 = arith.index_cast %add3A_909 : i32 to index
        %get3A_966 = arith.constant 112 : index
        %get3A_967 = tpu.vector_load %arg13[%get3A_965, %get3A_966] {strides = array<i32>} : memref<128x128xf32, #tpu.memory_space<vmem>>, vector<16xf32>,
        %get3A_968 = arith.index_cast %add3A_909 : i32 to index
        %get3A_969 = arith.constant 112 : index
        %get3A_970 = tpu.vector_load %arg14[%get3A_968, %get3A_969] {strides = array<i32>} : memref<128x128xf32, #tpu.memory_space<vmem>>, vector<16xf32>,
        %mul3A_971 = arith.mulf %get3A_967, %get3A_970 : vector<16xf32>
        %add3A_972 = arith.addf %add3A_964, %mul3A_971 : vector<16xf32>
        %broadcast_in_dim3A_973 = arith.constant 12 : i32
        %broadcast_in_dim3A_974 = vector.broadcast %broadcast_in_dim3A_973 : i32 to vector<16xi32>
        tpu.vector_store_idx %arg16[%iota3A_69, %broadcast_in_dim3A_974], %add3A_972 : memref<16x128xf32, #tpu.memory_space<vmem>>[vector<16xi32>, vector<16xi32>], vector<16xf32>,
        %mul3A_975 = arith.constant 16 : i32
        %mul3A_976 = arith.muli %scan3A_79, %mul3A_975 : i32
        %add3A_977 = arith.constant 13 : i32
        %add3A_978 = arith.addi %mul3A_976, %add3A_977 : i32
        %get3A_979 = arith.index_cast %add3A_978 : i32 to index
        %get3A_980 = arith.constant 0 : index
        %get3A_981 = tpu.vector_load %arg13[%get3A_979, %get3A_980] {strides = array<i32>} : memref<128x128xf32, #tpu.memory_space<vmem>>, vector<16xf32>,
        %get3A_982 = arith.index_cast %add3A_978 : i32 to index
        %get3A_983 = arith.constant 0 : index
        %get3A_984 = tpu.vector_load %arg14[%get3A_982, %get3A_983] {strides = array<i32>} : memref<128x128xf32, #tpu.memory_space<vmem>>, vector<16xf32>,
        %mul3A_985 = arith.mulf %get3A_981, %get3A_984 : vector<16xf32>
        %get3A_986 = arith.index_cast %add3A_978 : i32 to index
        %get3A_987 = arith.constant 16 : index
        %get3A_988 = tpu.vector_load %arg13[%get3A_986, %get3A_987] {strides = array<i32>} : memref<128x128xf32, #tpu.memory_space<vmem>>, vector<16xf32>,
        %get3A_989 = arith.index_cast %add3A_978 : i32 to index
        %get3A_990 = arith.constant 16 : index
        %get3A_991 = tpu.vector_load %arg14[%get3A_989, %get3A_990] {strides = array<i32>} : memref<128x128xf32, #tpu.memory_space<vmem>>, vector<16xf32>,
        %mul3A_992 = arith.mulf %get3A_988, %get3A_991 : vector<16xf32>
        %add3A_993 = arith.addf %mul3A_985, %mul3A_992 : vector<16xf32>
        %get3A_994 = arith.index_cast %add3A_978 : i32 to index
        %get3A_995 = arith.constant 32 : index
        %get3A_996 = tpu.vector_load %arg13[%get3A_994, %get3A_995] {strides = array<i32>} : memref<128x128xf32, #tpu.memory_space<vmem>>, vector<16xf32>,
        %get3A_997 = arith.index_cast %add3A_978 : i32 to index
        %get3A_998 = arith.constant 32 : index
        %get3A_999 = tpu.vector_load %arg14[%get3A_997, %get3A_998] {strides = array<i32>} : memref<128x128xf32, #tpu.memory_space<vmem>>, vector<16xf32>,
        %mul3A_1000 = arith.mulf %get3A_996, %get3A_999 : vector<16xf32>
        %add3A_1001 = arith.addf %add3A_993, %mul3A_1000 : vector<16xf32>
        %get3A_1002 = arith.index_cast %add3A_978 : i32 to index
        %get3A_1003 = arith.constant 48 : index
        %get3A_1004 = tpu.vector_load %arg13[%get3A_1002, %get3A_1003] {strides = array<i32>} : memref<128x128xf32, #tpu.memory_space<vmem>>, vector<16xf32>,
        %get3A_1005 = arith.index_cast %add3A_978 : i32 to index
        %get3A_1006 = arith.constant 48 : index
        %get3A_1007 = tpu.vector_load %arg14[%get3A_1005, %get3A_1006] {strides = array<i32>} : memref<128x128xf32, #tpu.memory_space<vmem>>, vector<16xf32>,
        %mul3A_1008 = arith.mulf %get3A_1004, %get3A_1007 : vector<16xf32>
        %add3A_1009 = arith.addf %add3A_1001, %mul3A_1008 : vector<16xf32>
        %get3A_1010 = arith.index_cast %add3A_978 : i32 to index
        %get3A_1011 = arith.constant 64 : index
        %get3A_1012 = tpu.vector_load %arg13[%get3A_1010, %get3A_1011] {strides = array<i32>} : memref<128x128xf32, #tpu.memory_space<vmem>>, vector<16xf32>,
        %get3A_1013 = arith.index_cast %add3A_978 : i32 to index
        %get3A_1014 = arith.constant 64 : index
        %get3A_1015 = tpu.vector_load %arg14[%get3A_1013, %get3A_1014] {strides = array<i32>} : memref<128x128xf32, #tpu.memory_space<vmem>>, vector<16xf32>,
        %mul3A_1016 = arith.mulf %get3A_1012, %get3A_1015 : vector<16xf32>
        %add3A_1017 = arith.addf %add3A_1009, %mul3A_1016 : vector<16xf32>
        %get3A_1018 = arith.index_cast %add3A_978 : i32 to index
        %get3A_1019 = arith.constant 80 : index
        %get3A_1020 = tpu.vector_load %arg13[%get3A_1018, %get3A_1019] {strides = array<i32>} : memref<128x128xf32, #tpu.memory_space<vmem>>, vector<16xf32>,
        %get3A_1021 = arith.index_cast %add3A_978 : i32 to index
        %get3A_1022 = arith.constant 80 : index
        %get3A_1023 = tpu.vector_load %arg14[%get3A_1021, %get3A_1022] {strides = array<i32>} : memref<128x128xf32, #tpu.memory_space<vmem>>, vector<16xf32>,
        %mul3A_1024 = arith.mulf %get3A_1020, %get3A_1023 : vector<16xf32>
        %add3A_1025 = arith.addf %add3A_1017, %mul3A_1024 : vector<16xf32>
        %get3A_1026 = arith.index_cast %add3A_978 : i32 to index
        %get3A_1027 = arith.constant 96 : index
        %get3A_1028 = tpu.vector_load %arg13[%get3A_1026, %get3A_1027] {strides = array<i32>} : memref<128x128xf32, #tpu.memory_space<vmem>>, vector<16xf32>,
        %get3A_1029 = arith.index_cast %add3A_978 : i32 to index
        %get3A_1030 = arith.constant 96 : index
        %get3A_1031 = tpu.vector_load %arg14[%get3A_1029, %get3A_1030] {strides = array<i32>} : memref<128x128xf32, #tpu.memory_space<vmem>>, vector<16xf32>,
        %mul3A_1032 = arith.mulf %get3A_1028, %get3A_1031 : vector<16xf32>
        %add3A_1033 = arith.addf %add3A_1025, %mul3A_1032 : vector<16xf32>
        %get3A_1034 = arith.index_cast %add3A_978 : i32 to index
        %get3A_1035 = arith.constant 112 : index
        %get3A_1036 = tpu.vector_load %arg13[%get3A_1034, %get3A_1035] {strides = array<i32>} : memref<128x128xf32, #tpu.memory_space<vmem>>, vector<16xf32>,
        %get3A_1037 = arith.index_cast %add3A_978 : i32 to index
        %get3A_1038 = arith.constant 112 : index
        %get3A_1039 = tpu.vector_load %arg14[%get3A_1037, %get3A_1038] {strides = array<i32>} : memref<128x128xf32, #tpu.memory_space<vmem>>, vector<16xf32>,
        %mul3A_1040 = arith.mulf %get3A_1036, %get3A_1039 : vector<16xf32>
        %add3A_1041 = arith.addf %add3A_1033, %mul3A_1040 : vector<16xf32>
        %broadcast_in_dim3A_1042 = arith.constant 13 : i32
        %broadcast_in_dim3A_1043 = vector.broadcast %broadcast_in_dim3A_1042 : i32 to vector<16xi32>
        tpu.vector_store_idx %arg16[%iota3A_69, %broadcast_in_dim3A_1043], %add3A_1041 : memref<16x128xf32, #tpu.memory_space<vmem>>[vector<16xi32>, vector<16xi32>], vector<16xf32>,
        %mul3A_1044 = arith.constant 16 : i32
        %mul3A_1045 = arith.muli %scan3A_79, %mul3A_1044 : i32
        %add3A_1046 = arith.constant 14 : i32
        %add3A_1047 = arith.addi %mul3A_1045, %add3A_1046 : i32
        %get3A_1048 = arith.index_cast %add3A_1047 : i32 to index
        %get3A_1049 = arith.constant 0 : index
        %get3A_1050 = tpu.vector_load %arg13[%get3A_1048, %get3A_1049] {strides = array<i32>} : memref<128x128xf32, #tpu.memory_space<vmem>>, vector<16xf32>,
        %get3A_1051 = arith.index_cast %add3A_1047 : i32 to index
        %get3A_1052 = arith.constant 0 : index
        %get3A_1053 = tpu.vector_load %arg14[%get3A_1051, %get3A_1052] {strides = array<i32>} : memref<128x128xf32, #tpu.memory_space<vmem>>, vector<16xf32>,
        %mul3A_1054 = arith.mulf %get3A_1050, %get3A_1053 : vector<16xf32>
        %get3A_1055 = arith.index_cast %add3A_1047 : i32 to index
        %get3A_1056 = arith.constant 16 : index
        %get3A_1057 = tpu.vector_load %arg13[%get3A_1055, %get3A_1056] {strides = array<i32>} : memref<128x128xf32, #tpu.memory_space<vmem>>, vector<16xf32>,
        %get3A_1058 = arith.index_cast %add3A_1047 : i32 to index
        %get3A_1059 = arith.constant 16 : index
        %get3A_1060 = tpu.vector_load %arg14[%get3A_1058, %get3A_1059] {strides = array<i32>} : memref<128x128xf32, #tpu.memory_space<vmem>>, vector<16xf32>,
        %mul3A_1061 = arith.mulf %get3A_1057, %get3A_1060 : vector<16xf32>
        %add3A_1062 = arith.addf %mul3A_1054, %mul3A_1061 : vector<16xf32>
        %get3A_1063 = arith.index_cast %add3A_1047 : i32 to index
        %get3A_1064 = arith.constant 32 : index
        %get3A_1065 = tpu.vector_load %arg13[%get3A_1063, %get3A_1064] {strides = array<i32>} : memref<128x128xf32, #tpu.memory_space<vmem>>, vector<16xf32>,
        %get3A_1066 = arith.index_cast %add3A_1047 : i32 to index
        %get3A_1067 = arith.constant 32 : index
        %get3A_1068 = tpu.vector_load %arg14[%get3A_1066, %get3A_1067] {strides = array<i32>} : memref<128x128xf32, #tpu.memory_space<vmem>>, vector<16xf32>,
        %mul3A_1069 = arith.mulf %get3A_1065, %get3A_1068 : vector<16xf32>
        %add3A_1070 = arith.addf %add3A_1062, %mul3A_1069 : vector<16xf32>
        %get3A_1071 = arith.index_cast %add3A_1047 : i32 to index
        %get3A_1072 = arith.constant 48 : index
        %get3A_1073 = tpu.vector_load %arg13[%get3A_1071, %get3A_1072] {strides = array<i32>} : memref<128x128xf32, #tpu.memory_space<vmem>>, vector<16xf32>,
        %get3A_1074 = arith.index_cast %add3A_1047 : i32 to index
        %get3A_1075 = arith.constant 48 : index
        %get3A_1076 = tpu.vector_load %arg14[%get3A_1074, %get3A_1075] {strides = array<i32>} : memref<128x128xf32, #tpu.memory_space<vmem>>, vector<16xf32>,
        %mul3A_1077 = arith.mulf %get3A_1073, %get3A_1076 : vector<16xf32>
        %add3A_1078 = arith.addf %add3A_1070, %mul3A_1077 : vector<16xf32>
        %get3A_1079 = arith.index_cast %add3A_1047 : i32 to index
        %get3A_1080 = arith.constant 64 : index
        %get3A_1081 = tpu.vector_load %arg13[%get3A_1079, %get3A_1080] {strides = array<i32>} : memref<128x128xf32, #tpu.memory_space<vmem>>, vector<16xf32>,
        %get3A_1082 = arith.index_cast %add3A_1047 : i32 to index
        %get3A_1083 = arith.constant 64 : index
        %get3A_1084 = tpu.vector_load %arg14[%get3A_1082, %get3A_1083] {strides = array<i32>} : memref<128x128xf32, #tpu.memory_space<vmem>>, vector<16xf32>,
        %mul3A_1085 = arith.mulf %get3A_1081, %get3A_1084 : vector<16xf32>
        %add3A_1086 = arith.addf %add3A_1078, %mul3A_1085 : vector<16xf32>
        %get3A_1087 = arith.index_cast %add3A_1047 : i32 to index
        %get3A_1088 = arith.constant 80 : index
        %get3A_1089 = tpu.vector_load %arg13[%get3A_1087, %get3A_1088] {strides = array<i32>} : memref<128x128xf32, #tpu.memory_space<vmem>>, vector<16xf32>,
        %get3A_1090 = arith.index_cast %add3A_1047 : i32 to index
        %get3A_1091 = arith.constant 80 : index
        %get3A_1092 = tpu.vector_load %arg14[%get3A_1090, %get3A_1091] {strides = array<i32>} : memref<128x128xf32, #tpu.memory_space<vmem>>, vector<16xf32>,
        %mul3A_1093 = arith.mulf %get3A_1089, %get3A_1092 : vector<16xf32>
        %add3A_1094 = arith.addf %add3A_1086, %mul3A_1093 : vector<16xf32>
        %get3A_1095 = arith.index_cast %add3A_1047 : i32 to index
        %get3A_1096 = arith.constant 96 : index
        %get3A_1097 = tpu.vector_load %arg13[%get3A_1095, %get3A_1096] {strides = array<i32>} : memref<128x128xf32, #tpu.memory_space<vmem>>, vector<16xf32>,
        %get3A_1098 = arith.index_cast %add3A_1047 : i32 to index
        %get3A_1099 = arith.constant 96 : index
        %get3A_1100 = tpu.vector_load %arg14[%get3A_1098, %get3A_1099] {strides = array<i32>} : memref<128x128xf32, #tpu.memory_space<vmem>>, vector<16xf32>,
        %mul3A_1101 = arith.mulf %get3A_1097, %get3A_1100 : vector<16xf32>
        %add3A_1102 = arith.addf %add3A_1094, %mul3A_1101 : vector<16xf32>
        %get3A_1103 = arith.index_cast %add3A_1047 : i32 to index
        %get3A_1104 = arith.constant 112 : index
        %get3A_1105 = tpu.vector_load %arg13[%get3A_1103, %get3A_1104] {strides = array<i32>} : memref<128x128xf32, #tpu.memory_space<vmem>>, vector<16xf32>,
        %get3A_1106 = arith.index_cast %add3A_1047 : i32 to index
        %get3A_1107 = arith.constant 112 : index
        %get3A_1108 = tpu.vector_load %arg14[%get3A_1106, %get3A_1107] {strides = array<i32>} : memref<128x128xf32, #tpu.memory_space<vmem>>, vector<16xf32>,
        %mul3A_1109 = arith.mulf %get3A_1105, %get3A_1108 : vector<16xf32>
        %add3A_1110 = arith.addf %add3A_1102, %mul3A_1109 : vector<16xf32>
        %broadcast_in_dim3A_1111 = arith.constant 14 : i32
        %broadcast_in_dim3A_1112 = vector.broadcast %broadcast_in_dim3A_1111 : i32 to vector<16xi32>
        tpu.vector_store_idx %arg16[%iota3A_69, %broadcast_in_dim3A_1112], %add3A_1110 : memref<16x128xf32, #tpu.memory_space<vmem>>[vector<16xi32>, vector<16xi32>], vector<16xf32>,
        %mul3A_1113 = arith.constant 16 : i32
        %mul3A_1114 = arith.muli %scan3A_79, %mul3A_1113 : i32
        %add3A_1115 = arith.constant 15 : i32
        %add3A_1116 = arith.addi %mul3A_1114, %add3A_1115 : i32
        %get3A_1117 = arith.index_cast %add3A_1116 : i32 to index
        %get3A_1118 = arith.constant 0 : index
        %get3A_1119 = tpu.vector_load %arg13[%get3A_1117, %get3A_1118] {strides = array<i32>} : memref<128x128xf32, #tpu.memory_space<vmem>>, vector<16xf32>,
        %get3A_1120 = arith.index_cast %add3A_1116 : i32 to index
        %get3A_1121 = arith.constant 0 : index
        %get3A_1122 = tpu.vector_load %arg14[%get3A_1120, %get3A_1121] {strides = array<i32>} : memref<128x128xf32, #tpu.memory_space<vmem>>, vector<16xf32>,
        %mul3A_1123 = arith.mulf %get3A_1119, %get3A_1122 : vector<16xf32>
        %get3A_1124 = arith.index_cast %add3A_1116 : i32 to index
        %get3A_1125 = arith.constant 16 : index
        %get3A_1126 = tpu.vector_load %arg13[%get3A_1124, %get3A_1125] {strides = array<i32>} : memref<128x128xf32, #tpu.memory_space<vmem>>, vector<16xf32>,
        %get3A_1127 = arith.index_cast %add3A_1116 : i32 to index
        %get3A_1128 = arith.constant 16 : index
        %get3A_1129 = tpu.vector_load %arg14[%get3A_1127, %get3A_1128] {strides = array<i32>} : memref<128x128xf32, #tpu.memory_space<vmem>>, vector<16xf32>,
        %mul3A_1130 = arith.mulf %get3A_1126, %get3A_1129 : vector<16xf32>
        %add3A_1131 = arith.addf %mul3A_1123, %mul3A_1130 : vector<16xf32>
        %get3A_1132 = arith.index_cast %add3A_1116 : i32 to index
        %get3A_1133 = arith.constant 32 : index
        %get3A_1134 = tpu.vector_load %arg13[%get3A_1132, %get3A_1133] {strides = array<i32>} : memref<128x128xf32, #tpu.memory_space<vmem>>, vector<16xf32>,
        %get3A_1135 = arith.index_cast %add3A_1116 : i32 to index
        %get3A_1136 = arith.constant 32 : index
        %get3A_1137 = tpu.vector_load %arg14[%get3A_1135, %get3A_1136] {strides = array<i32>} : memref<128x128xf32, #tpu.memory_space<vmem>>, vector<16xf32>,
        %mul3A_1138 = arith.mulf %get3A_1134, %get3A_1137 : vector<16xf32>
        %add3A_1139 = arith.addf %add3A_1131, %mul3A_1138 : vector<16xf32>
        %get3A_1140 = arith.index_cast %add3A_1116 : i32 to index
        %get3A_1141 = arith.constant 48 : index
        %get3A_1142 = tpu.vector_load %arg13[%get3A_1140, %get3A_1141] {strides = array<i32>} : memref<128x128xf32, #tpu.memory_space<vmem>>, vector<16xf32>,
        %get3A_1143 = arith.index_cast %add3A_1116 : i32 to index
        %get3A_1144 = arith.constant 48 : index
        %get3A_1145 = tpu.vector_load %arg14[%get3A_1143, %get3A_1144] {strides = array<i32>} : memref<128x128xf32, #tpu.memory_space<vmem>>, vector<16xf32>,
        %mul3A_1146 = arith.mulf %get3A_1142, %get3A_1145 : vector<16xf32>
        %add3A_1147 = arith.addf %add3A_1139, %mul3A_1146 : vector<16xf32>
        %get3A_1148 = arith.index_cast %add3A_1116 : i32 to index
        %get3A_1149 = arith.constant 64 : index
        %get3A_1150 = tpu.vector_load %arg13[%get3A_1148, %get3A_1149] {strides = array<i32>} : memref<128x128xf32, #tpu.memory_space<vmem>>, vector<16xf32>,
        %get3A_1151 = arith.index_cast %add3A_1116 : i32 to index
        %get3A_1152 = arith.constant 64 : index
        %get3A_1153 = tpu.vector_load %arg14[%get3A_1151, %get3A_1152] {strides = array<i32>} : memref<128x128xf32, #tpu.memory_space<vmem>>, vector<16xf32>,
        %mul3A_1154 = arith.mulf %get3A_1150, %get3A_1153 : vector<16xf32>
        %add3A_1155 = arith.addf %add3A_1147, %mul3A_1154 : vector<16xf32>
        %get3A_1156 = arith.index_cast %add3A_1116 : i32 to index
        %get3A_1157 = arith.constant 80 : index
        %get3A_1158 = tpu.vector_load %arg13[%get3A_1156, %get3A_1157] {strides = array<i32>} : memref<128x128xf32, #tpu.memory_space<vmem>>, vector<16xf32>,
        %get3A_1159 = arith.index_cast %add3A_1116 : i32 to index
        %get3A_1160 = arith.constant 80 : index
        %get3A_1161 = tpu.vector_load %arg14[%get3A_1159, %get3A_1160] {strides = array<i32>} : memref<128x128xf32, #tpu.memory_space<vmem>>, vector<16xf32>,
        %mul3A_1162 = arith.mulf %get3A_1158, %get3A_1161 : vector<16xf32>
        %add3A_1163 = arith.addf %add3A_1155, %mul3A_1162 : vector<16xf32>
        %get3A_1164 = arith.index_cast %add3A_1116 : i32 to index
        %get3A_1165 = arith.constant 96 : index
        %get3A_1166 = tpu.vector_load %arg13[%get3A_1164, %get3A_1165] {strides = array<i32>} : memref<128x128xf32, #tpu.memory_space<vmem>>, vector<16xf32>,
        %get3A_1167 = arith.index_cast %add3A_1116 : i32 to index
        %get3A_1168 = arith.constant 96 : index
        %get3A_1169 = tpu.vector_load %arg14[%get3A_1167, %get3A_1168] {strides = array<i32>} : memref<128x128xf32, #tpu.memory_space<vmem>>, vector<16xf32>,
        %mul3A_1170 = arith.mulf %get3A_1166, %get3A_1169 : vector<16xf32>
        %add3A_1171 = arith.addf %add3A_1163, %mul3A_1170 : vector<16xf32>
        %get3A_1172 = arith.index_cast %add3A_1116 : i32 to index
        %get3A_1173 = arith.constant 112 : index
        %get3A_1174 = tpu.vector_load %arg13[%get3A_1172, %get3A_1173] {strides = array<i32>} : memref<128x128xf32, #tpu.memory_space<vmem>>, vector<16xf32>,
        %get3A_1175 = arith.index_cast %add3A_1116 : i32 to index
        %get3A_1176 = arith.constant 112 : index
        %get3A_1177 = tpu.vector_load %arg14[%get3A_1175, %get3A_1176] {strides = array<i32>} : memref<128x128xf32, #tpu.memory_space<vmem>>, vector<16xf32>,
        %mul3A_1178 = arith.mulf %get3A_1174, %get3A_1177 : vector<16xf32>
        %add3A_1179 = arith.addf %add3A_1171, %mul3A_1178 : vector<16xf32>
        %broadcast_in_dim3A_1180 = arith.constant 15 : i32
        %broadcast_in_dim3A_1181 = vector.broadcast %broadcast_in_dim3A_1180 : i32 to vector<16xi32>
        tpu.vector_store_idx %arg16[%iota3A_69, %broadcast_in_dim3A_1181], %add3A_1179 : memref<16x128xf32, #tpu.memory_space<vmem>>[vector<16xi32>, vector<16xi32>], vector<16xf32>,
        %get3A_1182 = arith.constant 0 : i32
        %get3A_1183 = arith.index_cast %get3A_1182 : i32 to index
        %get3A_1184 = arith.constant 0 : index
        %get3A_1185 = tpu.vector_load %arg16[%get3A_1183, %get3A_1184] {strides = array<i32>} : memref<16x128xf32, #tpu.memory_space<vmem>>, vector<16xf32>,
        %get3A_1186 = arith.constant 1 : i32
        %get3A_1187 = arith.index_cast %get3A_1186 : i32 to index
        %get3A_1188 = arith.constant 0 : index
        %get3A_1189 = tpu.vector_load %arg16[%get3A_1187, %get3A_1188] {strides = array<i32>} : memref<16x128xf32, #tpu.memory_space<vmem>>, vector<16xf32>,
        %add3A_1190 = arith.addf %get3A_1185, %get3A_1189 : vector<16xf32>
        %get3A_1191 = arith.constant 2 : i32
        %get3A_1192 = arith.index_cast %get3A_1191 : i32 to index
        %get3A_1193 = arith.constant 0 : index
        %get3A_1194 = tpu.vector_load %arg16[%get3A_1192, %get3A_1193] {strides = array<i32>} : memref<16x128xf32, #tpu.memory_space<vmem>>, vector<16xf32>,
        %add3A_1195 = arith.addf %add3A_1190, %get3A_1194 : vector<16xf32>
        %get3A_1196 = arith.constant 3 : i32
        %get3A_1197 = arith.index_cast %get3A_1196 : i32 to index
        %get3A_1198 = arith.constant 0 : index
        %get3A_1199 = tpu.vector_load %arg16[%get3A_1197, %get3A_1198] {strides = array<i32>} : memref<16x128xf32, #tpu.memory_space<vmem>>, vector<16xf32>,
        %add3A_1200 = arith.addf %add3A_1195, %get3A_1199 : vector<16xf32>
        %get3A_1201 = arith.constant 4 : i32
        %get3A_1202 = arith.index_cast %get3A_1201 : i32 to index
        %get3A_1203 = arith.constant 0 : index
        %get3A_1204 = tpu.vector_load %arg16[%get3A_1202, %get3A_1203] {strides = array<i32>} : memref<16x128xf32, #tpu.memory_space<vmem>>, vector<16xf32>,
        %add3A_1205 = arith.addf %add3A_1200, %get3A_1204 : vector<16xf32>
        %get3A_1206 = arith.constant 5 : i32
        %get3A_1207 = arith.index_cast %get3A_1206 : i32 to index
        %get3A_1208 = arith.constant 0 : index
        %get3A_1209 = tpu.vector_load %arg16[%get3A_1207, %get3A_1208] {strides = array<i32>} : memref<16x128xf32, #tpu.memory_space<vmem>>, vector<16xf32>,
        %add3A_1210 = arith.addf %add3A_1205, %get3A_1209 : vector<16xf32>
        %get3A_1211 = arith.constant 6 : i32
        %get3A_1212 = arith.index_cast %get3A_1211 : i32 to index
        %get3A_1213 = arith.constant 0 : index
        %get3A_1214 = tpu.vector_load %arg16[%get3A_1212, %get3A_1213] {strides = array<i32>} : memref<16x128xf32, #tpu.memory_space<vmem>>, vector<16xf32>,
        %add3A_1215 = arith.addf %add3A_1210, %get3A_1214 : vector<16xf32>
        %get3A_1216 = arith.constant 7 : i32
        %get3A_1217 = arith.index_cast %get3A_1216 : i32 to index
        %get3A_1218 = arith.constant 0 : index
        %get3A_1219 = tpu.vector_load %arg16[%get3A_1217, %get3A_1218] {strides = array<i32>} : memref<16x128xf32, #tpu.memory_space<vmem>>, vector<16xf32>,
        %add3A_1220 = arith.addf %add3A_1215, %get3A_1219 : vector<16xf32>
        %get3A_1221 = arith.constant 8 : i32
        %get3A_1222 = arith.index_cast %get3A_1221 : i32 to index
        %get3A_1223 = arith.constant 0 : index
        %get3A_1224 = tpu.vector_load %arg16[%get3A_1222, %get3A_1223] {strides = array<i32>} : memref<16x128xf32, #tpu.memory_space<vmem>>, vector<16xf32>,
        %add3A_1225 = arith.addf %add3A_1220, %get3A_1224 : vector<16xf32>
        %get3A_1226 = arith.constant 9 : i32
        %get3A_1227 = arith.index_cast %get3A_1226 : i32 to index
        %get3A_1228 = arith.constant 0 : index
        %get3A_1229 = tpu.vector_load %arg16[%get3A_1227, %get3A_1228] {strides = array<i32>} : memref<16x128xf32, #tpu.memory_space<vmem>>, vector<16xf32>,
        %add3A_1230 = arith.addf %add3A_1225, %get3A_1229 : vector<16xf32>
        %get3A_1231 = arith.constant 10 : i32
        %get3A_1232 = arith.index_cast %get3A_1231 : i32 to index
        %get3A_1233 = arith.constant 0 : index
        %get3A_1234 = tpu.vector_load %arg16[%get3A_1232, %get3A_1233] {strides = array<i32>} : memref<16x128xf32, #tpu.memory_space<vmem>>, vector<16xf32>,
        %add3A_1235 = arith.addf %add3A_1230, %get3A_1234 : vector<16xf32>
        %get3A_1236 = arith.constant 11 : i32
        %get3A_1237 = arith.index_cast %get3A_1236 : i32 to index
        %get3A_1238 = arith.constant 0 : index
        %get3A_1239 = tpu.vector_load %arg16[%get3A_1237, %get3A_1238] {strides = array<i32>} : memref<16x128xf32, #tpu.memory_space<vmem>>, vector<16xf32>,
        %add3A_1240 = arith.addf %add3A_1235, %get3A_1239 : vector<16xf32>
        %get3A_1241 = arith.constant 12 : i32
        %get3A_1242 = arith.index_cast %get3A_1241 : i32 to index
        %get3A_1243 = arith.constant 0 : index
        %get3A_1244 = tpu.vector_load %arg16[%get3A_1242, %get3A_1243] {strides = array<i32>} : memref<16x128xf32, #tpu.memory_space<vmem>>, vector<16xf32>,
        %add3A_1245 = arith.addf %add3A_1240, %get3A_1244 : vector<16xf32>
        %get3A_1246 = arith.constant 13 : i32
        %get3A_1247 = arith.index_cast %get3A_1246 : i32 to index
        %get3A_1248 = arith.constant 0 : index
        %get3A_1249 = tpu.vector_load %arg16[%get3A_1247, %get3A_1248] {strides = array<i32>} : memref<16x128xf32, #tpu.memory_space<vmem>>, vector<16xf32>,
        %add3A_1250 = arith.addf %add3A_1245, %get3A_1249 : vector<16xf32>
        %get3A_1251 = arith.constant 14 : i32
        %get3A_1252 = arith.index_cast %get3A_1251 : i32 to index
        %get3A_1253 = arith.constant 0 : index
        %get3A_1254 = tpu.vector_load %arg16[%get3A_1252, %get3A_1253] {strides = array<i32>} : memref<16x128xf32, #tpu.memory_space<vmem>>, vector<16xf32>,
        %add3A_1255 = arith.addf %add3A_1250, %get3A_1254 : vector<16xf32>
        %get3A_1256 = arith.constant 15 : i32
        %get3A_1257 = arith.index_cast %get3A_1256 : i32 to index
        %get3A_1258 = arith.constant 0 : index
        %get3A_1259 = tpu.vector_load %arg16[%get3A_1257, %get3A_1258] {strides = array<i32>} : memref<16x128xf32, #tpu.memory_space<vmem>>, vector<16xf32>,
        %add3A_1260 = arith.addf %add3A_1255, %get3A_1259 : vector<16xf32>
        %mul3A_1261 = arith.constant 16 : i32
        %mul3A_1262 = arith.muli %scan3A_79, %mul3A_1261 : i32
        %swap3A = arith.index_cast %mul3A_1262 : i32 to index
        %swap3A_1263 = tpu.vector_load %arg15[%swap3A] {strides = array<i32>} : memref<128xf32, #tpu.memory_space<vmem>>, vector<16xf32>,
        tpu.vector_store %arg15[%swap3A], %add3A_1260 {strides = array<i32>} : memref<128xf32, #tpu.memory_space<vmem>>, vector<16xf32>,
      }
      %scan3A_75 = arith.constant 8 : i32
      %mul3A_76 = arith.constant 128 : i32
      %mul3A_77 = arith.muli %add3A_68, %mul3A_76 : i32
      %add3A_78 = arith.addi %mul3A_2, %mul3A_77 : i32
      "tpu.region"() ({
        %run_scoped3A = tpu.sem_alloc : memref<!tpu.dma_semaphore, #tpu.memory_space<semaphore_mem>>
        %dma_start3A_79 = tpu.memref_slice %arg6[%add3A_78] : memref<327680xf32, #tpu.memory_space<hbm>> -> memref<128xf32, #tpu.memory_space<hbm>>
        %dma_start3A_80 = tpu.memref_slice %arg6[%add3A_78] : memref<327680xf32, #tpu.memory_space<hbm>> -> memref<128xf32, #tpu.memory_space<hbm>>
        tpu.enqueue_dma source(%arg15 : memref<128xf32, #tpu.memory_space<vmem>>) target(%dma_start3A_80 : memref<128xf32, #tpu.memory_space<hbm>>) target_semaphore(%run_scoped3A : memref<!tpu.dma_semaphore, #tpu.memory_space<semaphore_mem>>)
        %dma_wait3A_81 = tpu.memref_slice %arg6[%add3A_78] : memref<327680xf32, #tpu.memory_space<hbm>> -> memref<128xf32, #tpu.memory_space<hbm>>
        %dma_wait3A_82 = tpu.memref_slice %arg6[%add3A_78] : memref<327680xf32, #tpu.memory_space<hbm>> -> memref<128xf32, #tpu.memory_space<hbm>>
        tpu.wait_dma2 semaphore(%run_scoped3A : memref<!tpu.dma_semaphore, #tpu.memory_space<semaphore_mem>>) src(%arg15 : memref<128xf32, #tpu.memory_space<vmem>>) dst(%dma_wait3A_82 : memref<128xf32, #tpu.memory_space<hbm>>)
        tpu.yield
      }) : () -> ()
    }
    %scan3A_14 = arith.constant 40 : i32
    %dma_wait3A = arith.constant 0 : i32
    %dma_wait3A_15 = arith.constant 0 : i32
    %dma_wait3A_16 = tpu.memref_slice %arg2[%dma_wait3A, %dma_wait3A_15] : memref<10240x128xf32, #tpu.memory_space<hbm>> -> memref<10240x128xf32, #tpu.memory_space<hbm>>
    tpu.wait_indirect_dma semaphore(%arg17 : memref<!tpu.dma_semaphore, #tpu.memory_space<semaphore_mem>>) src(%dma_wait3A_16 : memref<10240x128xf32, #tpu.memory_space<hbm>>) dst(%arg11 : memref<128x128xf32, #tpu.memory_space<vmem>>)
    %dma_wait3A_17 = arith.constant 0 : i32
    %dma_wait3A_18 = arith.constant 0 : i32
    %dma_wait3A_19 = tpu.memref_slice %arg3[%dma_wait3A_17, %dma_wait3A_18] : memref<10240x128xf32, #tpu.memory_space<hbm>> -> memref<10240x128xf32, #tpu.memory_space<hbm>>
    tpu.wait_indirect_dma semaphore(%arg18 : memref<!tpu.dma_semaphore, #tpu.memory_space<semaphore_mem>>) src(%dma_wait3A_19 : memref<10240x128xf32, #tpu.memory_space<hbm>>) dst(%arg12 : memref<128x128xf32, #tpu.memory_space<vmem>>)
    return
  }
}

#map = affine_map<(d0, d1) -> (0, 0)>
#map1 = affine_map<(d0, d1) -> (0)>
module attributes {stable_mosaic.version = 14 : i64} {
  func.func @body(%arg0: i32, %arg1: i32, %arg2: memref<20480x128xf32, #tpu.memory_space<hbm>>, %arg3: memref<655360xi32, #tpu.memory_space<hbm>>, %arg4: memref<655360xi32, #tpu.memory_space<hbm>>, %arg5: memref<128x128xf32, #tpu.memory_space<hbm>>, %arg6: memref<80xi32, #tpu.memory_space<hbm>>, %arg7: memref<20480x128xf32, #tpu.memory_space<hbm>>, %arg8: memref<160x128xf32, #tpu.memory_space<hbm>>, %arg9: memref<10240x128xf32, #tpu.memory_space<vmem_shared>>, %arg10: memref<128xi32, #tpu.memory_space<vmem>>, %arg11: memref<128xi32, #tpu.memory_space<vmem>>, %arg12: memref<128xi32, #tpu.memory_space<vmem>>, %arg13: memref<128xi32, #tpu.memory_space<vmem>>, %arg14: memref<128x128xf32, #tpu.memory_space<vmem>>, %arg15: memref<128x128xf32, #tpu.memory_space<vmem>>, %arg16: memref<!tpu.dma_semaphore, #tpu.memory_space<semaphore_mem>>, %arg17: memref<!tpu.dma_semaphore, #tpu.memory_space<semaphore_mem>>, %arg18: memref<!tpu.dma_semaphore, #tpu.memory_space<semaphore_mem>>, %arg19: memref<!tpu.dma_semaphore, #tpu.memory_space<semaphore_mem>>, %arg20: memref<80x128xf32, #tpu.memory_space<vmem_shared>>, %arg21: memref<80x128xf32, #tpu.memory_space<vmem>>, %arg22: memref<80xi32, #tpu.memory_space<vmem>>) attributes {dimension_semantics = [#tpu.dimension_semantics<core_parallel>, #tpu.dimension_semantics<subcore_parallel>], iteration_bounds = array<i64: 2, 16>, scalar_prefetch = 0 : i64, scratch_operands = 14 : i64, tpu.core_type = #tpu.core_type<sc_vector_subcore>, window_params = [{transform_indices = #map}, {transform_indices = #map1}, {transform_indices = #map1}, {transform_indices = #map}, {transform_indices = #map1}, {transform_indices = #map}, {transform_indices = #map}]} {
    "tpu.region"() ({
      %run_scoped3A = tpu.sem_alloc : memref<!tpu.dma_semaphore, #tpu.memory_space<semaphore_mem>>
      tpu.enqueue_dma source(%arg5 : memref<128x128xf32, #tpu.memory_space<hbm>>) target(%arg14 : memref<128x128xf32, #tpu.memory_space<vmem>>) target_semaphore(%run_scoped3A : memref<!tpu.dma_semaphore, #tpu.memory_space<semaphore_mem>>)
      tpu.wait_dma2 semaphore(%run_scoped3A : memref<!tpu.dma_semaphore, #tpu.memory_space<semaphore_mem>>) src(%arg5 : memref<128x128xf32, #tpu.memory_space<hbm>>) dst(%arg14 : memref<128x128xf32, #tpu.memory_space<vmem>>)
      tpu.yield
    }) : () -> ()
    %mul3A = arith.constant 640 : i32
    %mul3A_0 = arith.muli %arg1, %mul3A : i32
    %add3A = arith.constant 0 : i32
    %add3A_1 = arith.addi %mul3A_0, %add3A : i32
    "tpu.region"() ({
      %run_scoped3A = tpu.sem_alloc : memref<!tpu.dma_semaphore, #tpu.memory_space<semaphore_mem>>
      %dma_start3A_77 = arith.constant 0 : i32
      %dma_start3A_78 = tpu.memref_slice %arg9[%add3A_1, %dma_start3A_77] : memref<10240x128xf32, #tpu.memory_space<vmem_shared>> -> memref<128x128xf32, #tpu.memory_space<vmem_shared>>
      %dma_start3A_79 = arith.constant 0 : i32
      %dma_start3A_80 = tpu.memref_slice %arg9[%add3A_1, %dma_start3A_79] : memref<10240x128xf32, #tpu.memory_space<vmem_shared>> -> memref<128x128xf32, #tpu.memory_space<vmem_shared>>
      tpu.enqueue_dma source(%arg14 : memref<128x128xf32, #tpu.memory_space<vmem>>) target(%dma_start3A_80 : memref<128x128xf32, #tpu.memory_space<vmem_shared>>) target_semaphore(%run_scoped3A : memref<!tpu.dma_semaphore, #tpu.memory_space<semaphore_mem>>)
      %dma_wait3A_81 = arith.constant 0 : i32
      %dma_wait3A_82 = tpu.memref_slice %arg9[%add3A_1, %dma_wait3A_81] : memref<10240x128xf32, #tpu.memory_space<vmem_shared>> -> memref<128x128xf32, #tpu.memory_space<vmem_shared>>
      %dma_wait3A_83 = arith.constant 0 : i32
      %dma_wait3A_84 = tpu.memref_slice %arg9[%add3A_1, %dma_wait3A_83] : memref<10240x128xf32, #tpu.memory_space<vmem_shared>> -> memref<128x128xf32, #tpu.memory_space<vmem_shared>>
      tpu.wait_dma2 semaphore(%run_scoped3A : memref<!tpu.dma_semaphore, #tpu.memory_space<semaphore_mem>>) src(%arg14 : memref<128x128xf32, #tpu.memory_space<vmem>>) dst(%dma_wait3A_84 : memref<128x128xf32, #tpu.memory_space<vmem_shared>>)
      tpu.yield
    }) : () -> ()
    %mul3A_2 = arith.constant 640 : i32
    %mul3A_3 = arith.muli %arg1, %mul3A_2 : i32
    %add3A_4 = arith.constant 128 : i32
    %add3A_5 = arith.addi %mul3A_3, %add3A_4 : i32
    "tpu.region"() ({
      %run_scoped3A = tpu.sem_alloc : memref<!tpu.dma_semaphore, #tpu.memory_space<semaphore_mem>>
      %dma_start3A_77 = arith.constant 0 : i32
      %dma_start3A_78 = tpu.memref_slice %arg9[%add3A_5, %dma_start3A_77] : memref<10240x128xf32, #tpu.memory_space<vmem_shared>> -> memref<128x128xf32, #tpu.memory_space<vmem_shared>>
      %dma_start3A_79 = arith.constant 0 : i32
      %dma_start3A_80 = tpu.memref_slice %arg9[%add3A_5, %dma_start3A_79] : memref<10240x128xf32, #tpu.memory_space<vmem_shared>> -> memref<128x128xf32, #tpu.memory_space<vmem_shared>>
      tpu.enqueue_dma source(%arg14 : memref<128x128xf32, #tpu.memory_space<vmem>>) target(%dma_start3A_80 : memref<128x128xf32, #tpu.memory_space<vmem_shared>>) target_semaphore(%run_scoped3A : memref<!tpu.dma_semaphore, #tpu.memory_space<semaphore_mem>>)
      %dma_wait3A_81 = arith.constant 0 : i32
      %dma_wait3A_82 = tpu.memref_slice %arg9[%add3A_5, %dma_wait3A_81] : memref<10240x128xf32, #tpu.memory_space<vmem_shared>> -> memref<128x128xf32, #tpu.memory_space<vmem_shared>>
      %dma_wait3A_83 = arith.constant 0 : i32
      %dma_wait3A_84 = tpu.memref_slice %arg9[%add3A_5, %dma_wait3A_83] : memref<10240x128xf32, #tpu.memory_space<vmem_shared>> -> memref<128x128xf32, #tpu.memory_space<vmem_shared>>
      tpu.wait_dma2 semaphore(%run_scoped3A : memref<!tpu.dma_semaphore, #tpu.memory_space<semaphore_mem>>) src(%arg14 : memref<128x128xf32, #tpu.memory_space<vmem>>) dst(%dma_wait3A_84 : memref<128x128xf32, #tpu.memory_space<vmem_shared>>)
      tpu.yield
    }) : () -> ()
    %mul3A_6 = arith.constant 640 : i32
    %mul3A_7 = arith.muli %arg1, %mul3A_6 : i32
    %add3A_8 = arith.constant 256 : i32
    %add3A_9 = arith.addi %mul3A_7, %add3A_8 : i32
    "tpu.region"() ({
      %run_scoped3A = tpu.sem_alloc : memref<!tpu.dma_semaphore, #tpu.memory_space<semaphore_mem>>
      %dma_start3A_77 = arith.constant 0 : i32
      %dma_start3A_78 = tpu.memref_slice %arg9[%add3A_9, %dma_start3A_77] : memref<10240x128xf32, #tpu.memory_space<vmem_shared>> -> memref<128x128xf32, #tpu.memory_space<vmem_shared>>
      %dma_start3A_79 = arith.constant 0 : i32
      %dma_start3A_80 = tpu.memref_slice %arg9[%add3A_9, %dma_start3A_79] : memref<10240x128xf32, #tpu.memory_space<vmem_shared>> -> memref<128x128xf32, #tpu.memory_space<vmem_shared>>
      tpu.enqueue_dma source(%arg14 : memref<128x128xf32, #tpu.memory_space<vmem>>) target(%dma_start3A_80 : memref<128x128xf32, #tpu.memory_space<vmem_shared>>) target_semaphore(%run_scoped3A : memref<!tpu.dma_semaphore, #tpu.memory_space<semaphore_mem>>)
      %dma_wait3A_81 = arith.constant 0 : i32
      %dma_wait3A_82 = tpu.memref_slice %arg9[%add3A_9, %dma_wait3A_81] : memref<10240x128xf32, #tpu.memory_space<vmem_shared>> -> memref<128x128xf32, #tpu.memory_space<vmem_shared>>
      %dma_wait3A_83 = arith.constant 0 : i32
      %dma_wait3A_84 = tpu.memref_slice %arg9[%add3A_9, %dma_wait3A_83] : memref<10240x128xf32, #tpu.memory_space<vmem_shared>> -> memref<128x128xf32, #tpu.memory_space<vmem_shared>>
      tpu.wait_dma2 semaphore(%run_scoped3A : memref<!tpu.dma_semaphore, #tpu.memory_space<semaphore_mem>>) src(%arg14 : memref<128x128xf32, #tpu.memory_space<vmem>>) dst(%dma_wait3A_84 : memref<128x128xf32, #tpu.memory_space<vmem_shared>>)
      tpu.yield
    }) : () -> ()
    %mul3A_10 = arith.constant 640 : i32
    %mul3A_11 = arith.muli %arg1, %mul3A_10 : i32
    %add3A_12 = arith.constant 384 : i32
    %add3A_13 = arith.addi %mul3A_11, %add3A_12 : i32
    "tpu.region"() ({
      %run_scoped3A = tpu.sem_alloc : memref<!tpu.dma_semaphore, #tpu.memory_space<semaphore_mem>>
      %dma_start3A_77 = arith.constant 0 : i32
      %dma_start3A_78 = tpu.memref_slice %arg9[%add3A_13, %dma_start3A_77] : memref<10240x128xf32, #tpu.memory_space<vmem_shared>> -> memref<128x128xf32, #tpu.memory_space<vmem_shared>>
      %dma_start3A_79 = arith.constant 0 : i32
      %dma_start3A_80 = tpu.memref_slice %arg9[%add3A_13, %dma_start3A_79] : memref<10240x128xf32, #tpu.memory_space<vmem_shared>> -> memref<128x128xf32, #tpu.memory_space<vmem_shared>>
      tpu.enqueue_dma source(%arg14 : memref<128x128xf32, #tpu.memory_space<vmem>>) target(%dma_start3A_80 : memref<128x128xf32, #tpu.memory_space<vmem_shared>>) target_semaphore(%run_scoped3A : memref<!tpu.dma_semaphore, #tpu.memory_space<semaphore_mem>>)
      %dma_wait3A_81 = arith.constant 0 : i32
      %dma_wait3A_82 = tpu.memref_slice %arg9[%add3A_13, %dma_wait3A_81] : memref<10240x128xf32, #tpu.memory_space<vmem_shared>> -> memref<128x128xf32, #tpu.memory_space<vmem_shared>>
      %dma_wait3A_83 = arith.constant 0 : i32
      %dma_wait3A_84 = tpu.memref_slice %arg9[%add3A_13, %dma_wait3A_83] : memref<10240x128xf32, #tpu.memory_space<vmem_shared>> -> memref<128x128xf32, #tpu.memory_space<vmem_shared>>
      tpu.wait_dma2 semaphore(%run_scoped3A : memref<!tpu.dma_semaphore, #tpu.memory_space<semaphore_mem>>) src(%arg14 : memref<128x128xf32, #tpu.memory_space<vmem>>) dst(%dma_wait3A_84 : memref<128x128xf32, #tpu.memory_space<vmem_shared>>)
      tpu.yield
    }) : () -> ()
    %mul3A_14 = arith.constant 640 : i32
    %mul3A_15 = arith.muli %arg1, %mul3A_14 : i32
    %add3A_16 = arith.constant 512 : i32
    %add3A_17 = arith.addi %mul3A_15, %add3A_16 : i32
    "tpu.region"() ({
      %run_scoped3A = tpu.sem_alloc : memref<!tpu.dma_semaphore, #tpu.memory_space<semaphore_mem>>
      %dma_start3A_77 = arith.constant 0 : i32
      %dma_start3A_78 = tpu.memref_slice %arg9[%add3A_17, %dma_start3A_77] : memref<10240x128xf32, #tpu.memory_space<vmem_shared>> -> memref<128x128xf32, #tpu.memory_space<vmem_shared>>
      %dma_start3A_79 = arith.constant 0 : i32
      %dma_start3A_80 = tpu.memref_slice %arg9[%add3A_17, %dma_start3A_79] : memref<10240x128xf32, #tpu.memory_space<vmem_shared>> -> memref<128x128xf32, #tpu.memory_space<vmem_shared>>
      tpu.enqueue_dma source(%arg14 : memref<128x128xf32, #tpu.memory_space<vmem>>) target(%dma_start3A_80 : memref<128x128xf32, #tpu.memory_space<vmem_shared>>) target_semaphore(%run_scoped3A : memref<!tpu.dma_semaphore, #tpu.memory_space<semaphore_mem>>)
      %dma_wait3A_81 = arith.constant 0 : i32
      %dma_wait3A_82 = tpu.memref_slice %arg9[%add3A_17, %dma_wait3A_81] : memref<10240x128xf32, #tpu.memory_space<vmem_shared>> -> memref<128x128xf32, #tpu.memory_space<vmem_shared>>
      %dma_wait3A_83 = arith.constant 0 : i32
      %dma_wait3A_84 = tpu.memref_slice %arg9[%add3A_17, %dma_wait3A_83] : memref<10240x128xf32, #tpu.memory_space<vmem_shared>> -> memref<128x128xf32, #tpu.memory_space<vmem_shared>>
      tpu.wait_dma2 semaphore(%run_scoped3A : memref<!tpu.dma_semaphore, #tpu.memory_space<semaphore_mem>>) src(%arg14 : memref<128x128xf32, #tpu.memory_space<vmem>>) dst(%dma_wait3A_84 : memref<128x128xf32, #tpu.memory_space<vmem_shared>>)
      tpu.yield
    }) : () -> ()
    "tpu.region"() ({
      %run_scoped3A = tpu.sem_alloc : memref<!tpu.dma_semaphore, #tpu.memory_space<semaphore_mem>>
      %dma_start3A_77 = arith.constant 0 : i32
      %dma_start3A_78 = arith.constant 0 : i32
      %dma_start3A_79 = tpu.memref_slice %arg5[%dma_start3A_77, %dma_start3A_78] : memref<128x128xf32, #tpu.memory_space<hbm>> -> memref<80x128xf32, #tpu.memory_space<hbm>>
      %dma_start3A_80 = arith.constant 0 : i32
      %dma_start3A_81 = arith.constant 0 : i32
      %dma_start3A_82 = tpu.memref_slice %arg5[%dma_start3A_80, %dma_start3A_81] : memref<128x128xf32, #tpu.memory_space<hbm>> -> memref<80x128xf32, #tpu.memory_space<hbm>>
      tpu.enqueue_dma source(%dma_start3A_82 : memref<80x128xf32, #tpu.memory_space<hbm>>) target(%arg21 : memref<80x128xf32, #tpu.memory_space<vmem>>) target_semaphore(%run_scoped3A : memref<!tpu.dma_semaphore, #tpu.memory_space<semaphore_mem>>)
      %dma_wait3A_83 = arith.constant 0 : i32
      %dma_wait3A_84 = arith.constant 0 : i32
      %dma_wait3A_85 = tpu.memref_slice %arg5[%dma_wait3A_83, %dma_wait3A_84] : memref<128x128xf32, #tpu.memory_space<hbm>> -> memref<80x128xf32, #tpu.memory_space<hbm>>
      %dma_wait3A_86 = arith.constant 0 : i32
      %dma_wait3A_87 = arith.constant 0 : i32
      %dma_wait3A_88 = tpu.memref_slice %arg5[%dma_wait3A_86, %dma_wait3A_87] : memref<128x128xf32, #tpu.memory_space<hbm>> -> memref<80x128xf32, #tpu.memory_space<hbm>>
      tpu.wait_dma2 semaphore(%run_scoped3A : memref<!tpu.dma_semaphore, #tpu.memory_space<semaphore_mem>>) src(%dma_wait3A_88 : memref<80x128xf32, #tpu.memory_space<hbm>>) dst(%arg21 : memref<80x128xf32, #tpu.memory_space<vmem>>)
      tpu.yield
    }) : () -> ()
    %lt3A = arith.constant 10 : i32
    %lt3A_18 = arith.cmpi slt, %arg1, %lt3A : i32
    %convert_element_type3A = arith.extui %lt3A_18 : i1 to i32
    %cond3A = arith.constant 0 : i32
    %cond3A_19 = arith.cmpi ne, %convert_element_type3A, %cond3A : i32
    scf.if %cond3A_19 {
      %mul3A_77 = arith.constant 8 : i32
      %mul3A_78 = arith.muli %arg1, %mul3A_77 : i32
      "tpu.region"() ({
        %run_scoped3A = tpu.sem_alloc : memref<!tpu.dma_semaphore, #tpu.memory_space<semaphore_mem>>
        %dma_start3A_79 = arith.constant 0 : i32
        %dma_start3A_80 = arith.constant 0 : i32
        %dma_start3A_81 = tpu.memref_slice %arg14[%dma_start3A_79, %dma_start3A_80] : memref<128x128xf32, #tpu.memory_space<vmem>> -> memref<8x128xf32, #tpu.memory_space<vmem>>
        %dma_start3A_82 = arith.constant 0 : i32
        %dma_start3A_83 = tpu.memref_slice %arg20[%mul3A_78, %dma_start3A_82] : memref<80x128xf32, #tpu.memory_space<vmem_shared>> -> memref<8x128xf32, #tpu.memory_space<vmem_shared>>
        %dma_start3A_84 = arith.constant 0 : i32
        %dma_start3A_85 = tpu.memref_slice %arg20[%mul3A_78, %dma_start3A_84] : memref<80x128xf32, #tpu.memory_space<vmem_shared>> -> memref<8x128xf32, #tpu.memory_space<vmem_shared>>
        %dma_start3A_86 = arith.constant 0 : i32
        %dma_start3A_87 = arith.constant 0 : i32
        %dma_start3A_88 = tpu.memref_slice %arg14[%dma_start3A_86, %dma_start3A_87] : memref<128x128xf32, #tpu.memory_space<vmem>> -> memref<8x128xf32, #tpu.memory_space<vmem>>
        tpu.enqueue_dma source(%dma_start3A_88 : memref<8x128xf32, #tpu.memory_space<vmem>>) target(%dma_start3A_85 : memref<8x128xf32, #tpu.memory_space<vmem_shared>>) target_semaphore(%run_scoped3A : memref<!tpu.dma_semaphore, #tpu.memory_space<semaphore_mem>>)
        %dma_wait3A_89 = arith.constant 0 : i32
        %dma_wait3A_90 = arith.constant 0 : i32
        %dma_wait3A_91 = tpu.memref_slice %arg14[%dma_wait3A_89, %dma_wait3A_90] : memref<128x128xf32, #tpu.memory_space<vmem>> -> memref<8x128xf32, #tpu.memory_space<vmem>>
        %dma_wait3A_92 = arith.constant 0 : i32
        %dma_wait3A_93 = tpu.memref_slice %arg20[%mul3A_78, %dma_wait3A_92] : memref<80x128xf32, #tpu.memory_space<vmem_shared>> -> memref<8x128xf32, #tpu.memory_space<vmem_shared>>
        %dma_wait3A_94 = arith.constant 0 : i32
        %dma_wait3A_95 = tpu.memref_slice %arg20[%mul3A_78, %dma_wait3A_94] : memref<80x128xf32, #tpu.memory_space<vmem_shared>> -> memref<8x128xf32, #tpu.memory_space<vmem_shared>>
        %dma_wait3A_96 = arith.constant 0 : i32
        %dma_wait3A_97 = arith.constant 0 : i32
        %dma_wait3A_98 = tpu.memref_slice %arg14[%dma_wait3A_96, %dma_wait3A_97] : memref<128x128xf32, #tpu.memory_space<vmem>> -> memref<8x128xf32, #tpu.memory_space<vmem>>
        tpu.wait_dma2 semaphore(%run_scoped3A : memref<!tpu.dma_semaphore, #tpu.memory_space<semaphore_mem>>) src(%dma_wait3A_98 : memref<8x128xf32, #tpu.memory_space<vmem>>) dst(%dma_wait3A_95 : memref<8x128xf32, #tpu.memory_space<vmem_shared>>)
        tpu.yield
      }) : () -> ()
    } else {
    }
    "tpu.region"() ({
      %run_scoped3A = tpu.sem_alloc : memref<!tpu.dma_semaphore, #tpu.memory_space<semaphore_mem>>
      tpu.enqueue_dma source(%arg6 : memref<80xi32, #tpu.memory_space<hbm>>) target(%arg22 : memref<80xi32, #tpu.memory_space<vmem>>) target_semaphore(%run_scoped3A : memref<!tpu.dma_semaphore, #tpu.memory_space<semaphore_mem>>)
      tpu.wait_dma2 semaphore(%run_scoped3A : memref<!tpu.dma_semaphore, #tpu.memory_space<semaphore_mem>>) src(%arg6 : memref<80xi32, #tpu.memory_space<hbm>>) dst(%arg22 : memref<80xi32, #tpu.memory_space<vmem>>)
      tpu.yield
    }) : () -> ()
    %barrier3A = arith.constant 0 : index
    tpu.barrier barrier_id(%barrier3A)
    %mul3A_20 = arith.constant 327680 : i32
    %mul3A_21 = arith.muli %arg0, %mul3A_20 : i32
    %mul3A_22 = arith.constant 20480 : i32
    %mul3A_23 = arith.muli %arg1, %mul3A_22 : i32
    %add3A_24 = arith.addi %mul3A_21, %mul3A_23 : i32
    %mul3A_25 = arith.constant 10240 : i32
    %mul3A_26 = arith.muli %arg0, %mul3A_25 : i32
    %add3A_27 = arith.constant 0 : i32
    %add3A_28 = arith.addi %add3A_24, %add3A_27 : i32
    "tpu.region"() ({
      %run_scoped3A = tpu.sem_alloc : memref<!tpu.dma_semaphore, #tpu.memory_space<semaphore_mem>>
      %dma_start3A_77 = tpu.memref_slice %arg3[%add3A_28] : memref<655360xi32, #tpu.memory_space<hbm>> -> memref<128xi32, #tpu.memory_space<hbm>>
      %dma_start3A_78 = tpu.memref_slice %arg3[%add3A_28] : memref<655360xi32, #tpu.memory_space<hbm>> -> memref<128xi32, #tpu.memory_space<hbm>>
      tpu.enqueue_dma source(%dma_start3A_78 : memref<128xi32, #tpu.memory_space<hbm>>) target(%arg10 : memref<128xi32, #tpu.memory_space<vmem>>) target_semaphore(%run_scoped3A : memref<!tpu.dma_semaphore, #tpu.memory_space<semaphore_mem>>)
      %dma_wait3A_79 = tpu.memref_slice %arg3[%add3A_28] : memref<655360xi32, #tpu.memory_space<hbm>> -> memref<128xi32, #tpu.memory_space<hbm>>
      %dma_wait3A_80 = tpu.memref_slice %arg3[%add3A_28] : memref<655360xi32, #tpu.memory_space<hbm>> -> memref<128xi32, #tpu.memory_space<hbm>>
      tpu.wait_dma2 semaphore(%run_scoped3A : memref<!tpu.dma_semaphore, #tpu.memory_space<semaphore_mem>>) src(%dma_wait3A_80 : memref<128xi32, #tpu.memory_space<hbm>>) dst(%arg10 : memref<128xi32, #tpu.memory_space<vmem>>)
      tpu.yield
    }) : () -> ()
    "tpu.region"() ({
      %run_scoped3A = tpu.sem_alloc : memref<!tpu.dma_semaphore, #tpu.memory_space<semaphore_mem>>
      %dma_start3A_77 = tpu.memref_slice %arg4[%add3A_28] : memref<655360xi32, #tpu.memory_space<hbm>> -> memref<128xi32, #tpu.memory_space<hbm>>
      %dma_start3A_78 = tpu.memref_slice %arg4[%add3A_28] : memref<655360xi32, #tpu.memory_space<hbm>> -> memref<128xi32, #tpu.memory_space<hbm>>
      tpu.enqueue_dma source(%dma_start3A_78 : memref<128xi32, #tpu.memory_space<hbm>>) target(%arg11 : memref<128xi32, #tpu.memory_space<vmem>>) target_semaphore(%run_scoped3A : memref<!tpu.dma_semaphore, #tpu.memory_space<semaphore_mem>>)
      %dma_wait3A_79 = tpu.memref_slice %arg4[%add3A_28] : memref<655360xi32, #tpu.memory_space<hbm>> -> memref<128xi32, #tpu.memory_space<hbm>>
      %dma_wait3A_80 = tpu.memref_slice %arg4[%add3A_28] : memref<655360xi32, #tpu.memory_space<hbm>> -> memref<128xi32, #tpu.memory_space<hbm>>
      tpu.wait_dma2 semaphore(%run_scoped3A : memref<!tpu.dma_semaphore, #tpu.memory_space<semaphore_mem>>) src(%dma_wait3A_80 : memref<128xi32, #tpu.memory_space<hbm>>) dst(%arg11 : memref<128xi32, #tpu.memory_space<vmem>>)
      tpu.yield
    }) : () -> ()
    %dma_start3A = arith.constant 0 : i32
    %dma_start3A_29 = arith.constant 0 : i32
    %dma_start3A_30 = tpu.memref_slice %arg2[%dma_start3A, %dma_start3A_29] : memref<20480x128xf32, #tpu.memory_space<hbm>> -> memref<20480x128xf32, #tpu.memory_space<hbm>>
    tpu.enqueue_indirect_dma source(%dma_start3A_30 : memref<20480x128xf32, #tpu.memory_space<hbm>>) target(%arg14 : memref<128x128xf32, #tpu.memory_space<vmem>>) offsets(%arg10 : memref<128xi32, #tpu.memory_space<vmem>>) semaphore(%arg16 : memref<!tpu.dma_semaphore, #tpu.memory_space<semaphore_mem>>)
    "tpu.region"() ({
      %run_scoped3A = tpu.sem_alloc : memref<!tpu.dma_semaphore, #tpu.memory_space<semaphore_mem>>
      tpu.enqueue_dma source(%arg5 : memref<128x128xf32, #tpu.memory_space<hbm>>) target(%arg15 : memref<128x128xf32, #tpu.memory_space<vmem>>) target_semaphore(%run_scoped3A : memref<!tpu.dma_semaphore, #tpu.memory_space<semaphore_mem>>)
      tpu.wait_dma2 semaphore(%run_scoped3A : memref<!tpu.dma_semaphore, #tpu.memory_space<semaphore_mem>>) src(%arg5 : memref<128x128xf32, #tpu.memory_space<hbm>>) dst(%arg15 : memref<128x128xf32, #tpu.memory_space<vmem>>)
      tpu.yield
    }) : () -> ()
    %add3A_31 = arith.constant 0 : i32
    %add3A_32 = arith.addi %add3A_24, %add3A_31 : i32
    "tpu.region"() ({
      %run_scoped3A = tpu.sem_alloc : memref<!tpu.dma_semaphore, #tpu.memory_space<semaphore_mem>>
      %dma_start3A_77 = tpu.memref_slice %arg3[%add3A_32] : memref<655360xi32, #tpu.memory_space<hbm>> -> memref<128xi32, #tpu.memory_space<hbm>>
      %dma_start3A_78 = tpu.memref_slice %arg3[%add3A_32] : memref<655360xi32, #tpu.memory_space<hbm>> -> memref<128xi32, #tpu.memory_space<hbm>>
      tpu.enqueue_dma source(%dma_start3A_78 : memref<128xi32, #tpu.memory_space<hbm>>) target(%arg12 : memref<128xi32, #tpu.memory_space<vmem>>) target_semaphore(%run_scoped3A : memref<!tpu.dma_semaphore, #tpu.memory_space<semaphore_mem>>)
      %dma_wait3A_79 = tpu.memref_slice %arg3[%add3A_32] : memref<655360xi32, #tpu.memory_space<hbm>> -> memref<128xi32, #tpu.memory_space<hbm>>
      %dma_wait3A_80 = tpu.memref_slice %arg3[%add3A_32] : memref<655360xi32, #tpu.memory_space<hbm>> -> memref<128xi32, #tpu.memory_space<hbm>>
      tpu.wait_dma2 semaphore(%run_scoped3A : memref<!tpu.dma_semaphore, #tpu.memory_space<semaphore_mem>>) src(%dma_wait3A_80 : memref<128xi32, #tpu.memory_space<hbm>>) dst(%arg12 : memref<128xi32, #tpu.memory_space<vmem>>)
      tpu.yield
    }) : () -> ()
    "tpu.region"() ({
      %run_scoped3A = tpu.sem_alloc : memref<!tpu.dma_semaphore, #tpu.memory_space<semaphore_mem>>
      %dma_start3A_77 = tpu.memref_slice %arg4[%add3A_32] : memref<655360xi32, #tpu.memory_space<hbm>> -> memref<128xi32, #tpu.memory_space<hbm>>
      %dma_start3A_78 = tpu.memref_slice %arg4[%add3A_32] : memref<655360xi32, #tpu.memory_space<hbm>> -> memref<128xi32, #tpu.memory_space<hbm>>
      tpu.enqueue_dma source(%dma_start3A_78 : memref<128xi32, #tpu.memory_space<hbm>>) target(%arg13 : memref<128xi32, #tpu.memory_space<vmem>>) target_semaphore(%run_scoped3A : memref<!tpu.dma_semaphore, #tpu.memory_space<semaphore_mem>>)
      %dma_wait3A_79 = tpu.memref_slice %arg4[%add3A_32] : memref<655360xi32, #tpu.memory_space<hbm>> -> memref<128xi32, #tpu.memory_space<hbm>>
      %dma_wait3A_80 = tpu.memref_slice %arg4[%add3A_32] : memref<655360xi32, #tpu.memory_space<hbm>> -> memref<128xi32, #tpu.memory_space<hbm>>
      tpu.wait_dma2 semaphore(%run_scoped3A : memref<!tpu.dma_semaphore, #tpu.memory_space<semaphore_mem>>) src(%dma_wait3A_80 : memref<128xi32, #tpu.memory_space<hbm>>) dst(%arg13 : memref<128xi32, #tpu.memory_space<vmem>>)
      tpu.yield
    }) : () -> ()
    %dma_start3A_33 = arith.constant 0 : i32
    %dma_start3A_34 = arith.constant 0 : i32
    %dma_start3A_35 = tpu.memref_slice %arg9[%dma_start3A_33, %dma_start3A_34] : memref<10240x128xf32, #tpu.memory_space<vmem_shared>> -> memref<10240x128xf32, #tpu.memory_space<vmem_shared>>
    tpu.enqueue_indirect_dma source(%arg15 : memref<128x128xf32, #tpu.memory_space<vmem>>) target(%dma_start3A_35 : memref<10240x128xf32, #tpu.memory_space<vmem_shared>>) offsets(%arg13 : memref<128xi32, #tpu.memory_space<vmem>>) semaphore(%arg19 : memref<!tpu.dma_semaphore, #tpu.memory_space<semaphore_mem>>) {add = true}
    %scan3A = arith.constant 0 : i32
    %scan3A_36 = arith.constant 0 : i32
    %scan3A_37 = arith.constant 80 : i32
    %scan3A_38 = arith.addi %scan3A_36, %scan3A_37 : i32
    %scan3A_39 = arith.constant 1 : i32
    scf.for %scan3A_77 = %scan3A_36 to %scan3A_38 step %scan3A_39  : i32 {
      %mul3A_78 = arith.constant 2 : i32
      %mul3A_79 = arith.muli %mul3A_78, %scan3A_77 : i32
      %dma_wait3A_80 = arith.constant 0 : i32
      %dma_wait3A_81 = arith.constant 0 : i32
      %dma_wait3A_82 = tpu.memref_slice %arg9[%dma_wait3A_80, %dma_wait3A_81] : memref<10240x128xf32, #tpu.memory_space<vmem_shared>> -> memref<10240x128xf32, #tpu.memory_space<vmem_shared>>
      tpu.wait_indirect_dma semaphore(%arg19 : memref<!tpu.dma_semaphore, #tpu.memory_space<semaphore_mem>>) src(%arg15 : memref<128x128xf32, #tpu.memory_space<vmem>>) dst(%dma_wait3A_82 : memref<10240x128xf32, #tpu.memory_space<vmem_shared>>)
      %add3A_83 = arith.constant 1 : i32
      %add3A_84 = arith.addi %mul3A_79, %add3A_83 : i32
      %mul3A_85 = arith.constant 128 : i32
      %mul3A_86 = arith.muli %add3A_84, %mul3A_85 : i32
      %add3A_87 = arith.addi %add3A_24, %mul3A_86 : i32
      "tpu.region"() ({
        %run_scoped3A = tpu.sem_alloc : memref<!tpu.dma_semaphore, #tpu.memory_space<semaphore_mem>>
        %dma_start3A_243 = tpu.memref_slice %arg3[%add3A_87] : memref<655360xi32, #tpu.memory_space<hbm>> -> memref<128xi32, #tpu.memory_space<hbm>>
        %dma_start3A_244 = tpu.memref_slice %arg3[%add3A_87] : memref<655360xi32, #tpu.memory_space<hbm>> -> memref<128xi32, #tpu.memory_space<hbm>>
        tpu.enqueue_dma source(%dma_start3A_244 : memref<128xi32, #tpu.memory_space<hbm>>) target(%arg12 : memref<128xi32, #tpu.memory_space<vmem>>) target_semaphore(%run_scoped3A : memref<!tpu.dma_semaphore, #tpu.memory_space<semaphore_mem>>)
        %dma_wait3A_245 = tpu.memref_slice %arg3[%add3A_87] : memref<655360xi32, #tpu.memory_space<hbm>> -> memref<128xi32, #tpu.memory_space<hbm>>
        %dma_wait3A_246 = tpu.memref_slice %arg3[%add3A_87] : memref<655360xi32, #tpu.memory_space<hbm>> -> memref<128xi32, #tpu.memory_space<hbm>>
        tpu.wait_dma2 semaphore(%run_scoped3A : memref<!tpu.dma_semaphore, #tpu.memory_space<semaphore_mem>>) src(%dma_wait3A_246 : memref<128xi32, #tpu.memory_space<hbm>>) dst(%arg12 : memref<128xi32, #tpu.memory_space<vmem>>)
        tpu.yield
      }) : () -> ()
      "tpu.region"() ({
        %run_scoped3A = tpu.sem_alloc : memref<!tpu.dma_semaphore, #tpu.memory_space<semaphore_mem>>
        %dma_start3A_243 = tpu.memref_slice %arg4[%add3A_87] : memref<655360xi32, #tpu.memory_space<hbm>> -> memref<128xi32, #tpu.memory_space<hbm>>
        %dma_start3A_244 = tpu.memref_slice %arg4[%add3A_87] : memref<655360xi32, #tpu.memory_space<hbm>> -> memref<128xi32, #tpu.memory_space<hbm>>
        tpu.enqueue_dma source(%dma_start3A_244 : memref<128xi32, #tpu.memory_space<hbm>>) target(%arg13 : memref<128xi32, #tpu.memory_space<vmem>>) target_semaphore(%run_scoped3A : memref<!tpu.dma_semaphore, #tpu.memory_space<semaphore_mem>>)
        %dma_wait3A_245 = tpu.memref_slice %arg4[%add3A_87] : memref<655360xi32, #tpu.memory_space<hbm>> -> memref<128xi32, #tpu.memory_space<hbm>>
        %dma_wait3A_246 = tpu.memref_slice %arg4[%add3A_87] : memref<655360xi32, #tpu.memory_space<hbm>> -> memref<128xi32, #tpu.memory_space<hbm>>
        tpu.wait_dma2 semaphore(%run_scoped3A : memref<!tpu.dma_semaphore, #tpu.memory_space<semaphore_mem>>) src(%dma_wait3A_246 : memref<128xi32, #tpu.memory_space<hbm>>) dst(%arg13 : memref<128xi32, #tpu.memory_space<vmem>>)
        tpu.yield
      }) : () -> ()
      %dma_start3A_88 = arith.constant 0 : i32
      %dma_start3A_89 = arith.constant 0 : i32
      %dma_start3A_90 = tpu.memref_slice %arg2[%dma_start3A_88, %dma_start3A_89] : memref<20480x128xf32, #tpu.memory_space<hbm>> -> memref<20480x128xf32, #tpu.memory_space<hbm>>
      tpu.enqueue_indirect_dma source(%dma_start3A_90 : memref<20480x128xf32, #tpu.memory_space<hbm>>) target(%arg15 : memref<128x128xf32, #tpu.memory_space<vmem>>) offsets(%arg12 : memref<128xi32, #tpu.memory_space<vmem>>) semaphore(%arg17 : memref<!tpu.dma_semaphore, #tpu.memory_space<semaphore_mem>>)
      %dma_wait3A_91 = arith.constant 0 : i32
      %dma_wait3A_92 = arith.constant 0 : i32
      %dma_wait3A_93 = tpu.memref_slice %arg2[%dma_wait3A_91, %dma_wait3A_92] : memref<20480x128xf32, #tpu.memory_space<hbm>> -> memref<20480x128xf32, #tpu.memory_space<hbm>>
      tpu.wait_indirect_dma semaphore(%arg16 : memref<!tpu.dma_semaphore, #tpu.memory_space<semaphore_mem>>) src(%dma_wait3A_93 : memref<20480x128xf32, #tpu.memory_space<hbm>>) dst(%arg14 : memref<128x128xf32, #tpu.memory_space<vmem>>)
      %dma_start3A_94 = arith.constant 0 : i32
      %dma_start3A_95 = arith.constant 0 : i32
      %dma_start3A_96 = tpu.memref_slice %arg9[%dma_start3A_94, %dma_start3A_95] : memref<10240x128xf32, #tpu.memory_space<vmem_shared>> -> memref<10240x128xf32, #tpu.memory_space<vmem_shared>>
      tpu.enqueue_indirect_dma source(%arg14 : memref<128x128xf32, #tpu.memory_space<vmem>>) target(%dma_start3A_96 : memref<10240x128xf32, #tpu.memory_space<vmem_shared>>) offsets(%arg11 : memref<128xi32, #tpu.memory_space<vmem>>) semaphore(%arg18 : memref<!tpu.dma_semaphore, #tpu.memory_space<semaphore_mem>>) {add = true}
      %broadcast_in_dim3A = arith.constant 1.000000e+00 : f32
      %broadcast_in_dim3A_97 = vector.broadcast %broadcast_in_dim3A : f32 to vector<16xf32>
      %get3A = arith.constant 0 : index
      %get3A_98 = tpu.vector_load %arg11[%get3A] {strides = array<i32>} : memref<128xi32, #tpu.memory_space<vmem>>, vector<16xi32>,
      %shift_right_logical3A = arith.constant 7 : i32
      %shift_right_logical3A_99 = vector.broadcast %shift_right_logical3A : i32 to vector<16xi32>
      %shift_right_logical3A_100 = arith.shrui %get3A_98, %shift_right_logical3A_99 : vector<16xi32>
      %and3A = arith.constant 127 : i32
      %and3A_101 = vector.broadcast %and3A : i32 to vector<16xi32>
      %and3A_102 = arith.andi %get3A_98, %and3A_101 : vector<16xi32>
      tpu.vector_store_idx %arg21[%shift_right_logical3A_100, %and3A_102], %broadcast_in_dim3A_97 {add = true} : memref<80x128xf32, #tpu.memory_space<vmem>>[vector<16xi32>, vector<16xi32>], vector<16xf32>,
      %get3A_103 = arith.constant 16 : index
      %get3A_104 = tpu.vector_load %arg11[%get3A_103] {strides = array<i32>} : memref<128xi32, #tpu.memory_space<vmem>>, vector<16xi32>,
      %shift_right_logical3A_105 = arith.constant 7 : i32
      %shift_right_logical3A_106 = vector.broadcast %shift_right_logical3A_105 : i32 to vector<16xi32>
      %shift_right_logical3A_107 = arith.shrui %get3A_104, %shift_right_logical3A_106 : vector<16xi32>
      %and3A_108 = arith.constant 127 : i32
      %and3A_109 = vector.broadcast %and3A_108 : i32 to vector<16xi32>
      %and3A_110 = arith.andi %get3A_104, %and3A_109 : vector<16xi32>
      tpu.vector_store_idx %arg21[%shift_right_logical3A_107, %and3A_110], %broadcast_in_dim3A_97 {add = true} : memref<80x128xf32, #tpu.memory_space<vmem>>[vector<16xi32>, vector<16xi32>], vector<16xf32>,
      %get3A_111 = arith.constant 32 : index
      %get3A_112 = tpu.vector_load %arg11[%get3A_111] {strides = array<i32>} : memref<128xi32, #tpu.memory_space<vmem>>, vector<16xi32>,
      %shift_right_logical3A_113 = arith.constant 7 : i32
      %shift_right_logical3A_114 = vector.broadcast %shift_right_logical3A_113 : i32 to vector<16xi32>
      %shift_right_logical3A_115 = arith.shrui %get3A_112, %shift_right_logical3A_114 : vector<16xi32>
      %and3A_116 = arith.constant 127 : i32
      %and3A_117 = vector.broadcast %and3A_116 : i32 to vector<16xi32>
      %and3A_118 = arith.andi %get3A_112, %and3A_117 : vector<16xi32>
      tpu.vector_store_idx %arg21[%shift_right_logical3A_115, %and3A_118], %broadcast_in_dim3A_97 {add = true} : memref<80x128xf32, #tpu.memory_space<vmem>>[vector<16xi32>, vector<16xi32>], vector<16xf32>,
      %get3A_119 = arith.constant 48 : index
      %get3A_120 = tpu.vector_load %arg11[%get3A_119] {strides = array<i32>} : memref<128xi32, #tpu.memory_space<vmem>>, vector<16xi32>,
      %shift_right_logical3A_121 = arith.constant 7 : i32
      %shift_right_logical3A_122 = vector.broadcast %shift_right_logical3A_121 : i32 to vector<16xi32>
      %shift_right_logical3A_123 = arith.shrui %get3A_120, %shift_right_logical3A_122 : vector<16xi32>
      %and3A_124 = arith.constant 127 : i32
      %and3A_125 = vector.broadcast %and3A_124 : i32 to vector<16xi32>
      %and3A_126 = arith.andi %get3A_120, %and3A_125 : vector<16xi32>
      tpu.vector_store_idx %arg21[%shift_right_logical3A_123, %and3A_126], %broadcast_in_dim3A_97 {add = true} : memref<80x128xf32, #tpu.memory_space<vmem>>[vector<16xi32>, vector<16xi32>], vector<16xf32>,
      %get3A_127 = arith.constant 64 : index
      %get3A_128 = tpu.vector_load %arg11[%get3A_127] {strides = array<i32>} : memref<128xi32, #tpu.memory_space<vmem>>, vector<16xi32>,
      %shift_right_logical3A_129 = arith.constant 7 : i32
      %shift_right_logical3A_130 = vector.broadcast %shift_right_logical3A_129 : i32 to vector<16xi32>
      %shift_right_logical3A_131 = arith.shrui %get3A_128, %shift_right_logical3A_130 : vector<16xi32>
      %and3A_132 = arith.constant 127 : i32
      %and3A_133 = vector.broadcast %and3A_132 : i32 to vector<16xi32>
      %and3A_134 = arith.andi %get3A_128, %and3A_133 : vector<16xi32>
      tpu.vector_store_idx %arg21[%shift_right_logical3A_131, %and3A_134], %broadcast_in_dim3A_97 {add = true} : memref<80x128xf32, #tpu.memory_space<vmem>>[vector<16xi32>, vector<16xi32>], vector<16xf32>,
      %get3A_135 = arith.constant 80 : index
      %get3A_136 = tpu.vector_load %arg11[%get3A_135] {strides = array<i32>} : memref<128xi32, #tpu.memory_space<vmem>>, vector<16xi32>,
      %shift_right_logical3A_137 = arith.constant 7 : i32
      %shift_right_logical3A_138 = vector.broadcast %shift_right_logical3A_137 : i32 to vector<16xi32>
      %shift_right_logical3A_139 = arith.shrui %get3A_136, %shift_right_logical3A_138 : vector<16xi32>
      %and3A_140 = arith.constant 127 : i32
      %and3A_141 = vector.broadcast %and3A_140 : i32 to vector<16xi32>
      %and3A_142 = arith.andi %get3A_136, %and3A_141 : vector<16xi32>
      tpu.vector_store_idx %arg21[%shift_right_logical3A_139, %and3A_142], %broadcast_in_dim3A_97 {add = true} : memref<80x128xf32, #tpu.memory_space<vmem>>[vector<16xi32>, vector<16xi32>], vector<16xf32>,
      %get3A_143 = arith.constant 96 : index
      %get3A_144 = tpu.vector_load %arg11[%get3A_143] {strides = array<i32>} : memref<128xi32, #tpu.memory_space<vmem>>, vector<16xi32>,
      %shift_right_logical3A_145 = arith.constant 7 : i32
      %shift_right_logical3A_146 = vector.broadcast %shift_right_logical3A_145 : i32 to vector<16xi32>
      %shift_right_logical3A_147 = arith.shrui %get3A_144, %shift_right_logical3A_146 : vector<16xi32>
      %and3A_148 = arith.constant 127 : i32
      %and3A_149 = vector.broadcast %and3A_148 : i32 to vector<16xi32>
      %and3A_150 = arith.andi %get3A_144, %and3A_149 : vector<16xi32>
      tpu.vector_store_idx %arg21[%shift_right_logical3A_147, %and3A_150], %broadcast_in_dim3A_97 {add = true} : memref<80x128xf32, #tpu.memory_space<vmem>>[vector<16xi32>, vector<16xi32>], vector<16xf32>,
      %get3A_151 = arith.constant 112 : index
      %get3A_152 = tpu.vector_load %arg11[%get3A_151] {strides = array<i32>} : memref<128xi32, #tpu.memory_space<vmem>>, vector<16xi32>,
      %shift_right_logical3A_153 = arith.constant 7 : i32
      %shift_right_logical3A_154 = vector.broadcast %shift_right_logical3A_153 : i32 to vector<16xi32>
      %shift_right_logical3A_155 = arith.shrui %get3A_152, %shift_right_logical3A_154 : vector<16xi32>
      %and3A_156 = arith.constant 127 : i32
      %and3A_157 = vector.broadcast %and3A_156 : i32 to vector<16xi32>
      %and3A_158 = arith.andi %get3A_152, %and3A_157 : vector<16xi32>
      tpu.vector_store_idx %arg21[%shift_right_logical3A_155, %and3A_158], %broadcast_in_dim3A_97 {add = true} : memref<80x128xf32, #tpu.memory_space<vmem>>[vector<16xi32>, vector<16xi32>], vector<16xf32>,
      %dma_wait3A_159 = arith.constant 0 : i32
      %dma_wait3A_160 = arith.constant 0 : i32
      %dma_wait3A_161 = tpu.memref_slice %arg9[%dma_wait3A_159, %dma_wait3A_160] : memref<10240x128xf32, #tpu.memory_space<vmem_shared>> -> memref<10240x128xf32, #tpu.memory_space<vmem_shared>>
      tpu.wait_indirect_dma semaphore(%arg18 : memref<!tpu.dma_semaphore, #tpu.memory_space<semaphore_mem>>) src(%arg14 : memref<128x128xf32, #tpu.memory_space<vmem>>) dst(%dma_wait3A_161 : memref<10240x128xf32, #tpu.memory_space<vmem_shared>>)
      %add3A_162 = arith.constant 2 : i32
      %add3A_163 = arith.addi %mul3A_79, %add3A_162 : i32
      %rem3A = arith.constant 160 : i32
      %rem3A_164 = arith.remsi %add3A_163, %rem3A : i32
      %mul3A_165 = arith.constant 128 : i32
      %mul3A_166 = arith.muli %rem3A_164, %mul3A_165 : i32
      %add3A_167 = arith.addi %add3A_24, %mul3A_166 : i32
      "tpu.region"() ({
        %run_scoped3A = tpu.sem_alloc : memref<!tpu.dma_semaphore, #tpu.memory_space<semaphore_mem>>
        %dma_start3A_243 = tpu.memref_slice %arg3[%add3A_167] : memref<655360xi32, #tpu.memory_space<hbm>> -> memref<128xi32, #tpu.memory_space<hbm>>
        %dma_start3A_244 = tpu.memref_slice %arg3[%add3A_167] : memref<655360xi32, #tpu.memory_space<hbm>> -> memref<128xi32, #tpu.memory_space<hbm>>
        tpu.enqueue_dma source(%dma_start3A_244 : memref<128xi32, #tpu.memory_space<hbm>>) target(%arg10 : memref<128xi32, #tpu.memory_space<vmem>>) target_semaphore(%run_scoped3A : memref<!tpu.dma_semaphore, #tpu.memory_space<semaphore_mem>>)
        %dma_wait3A_245 = tpu.memref_slice %arg3[%add3A_167] : memref<655360xi32, #tpu.memory_space<hbm>> -> memref<128xi32, #tpu.memory_space<hbm>>
        %dma_wait3A_246 = tpu.memref_slice %arg3[%add3A_167] : memref<655360xi32, #tpu.memory_space<hbm>> -> memref<128xi32, #tpu.memory_space<hbm>>
        tpu.wait_dma2 semaphore(%run_scoped3A : memref<!tpu.dma_semaphore, #tpu.memory_space<semaphore_mem>>) src(%dma_wait3A_246 : memref<128xi32, #tpu.memory_space<hbm>>) dst(%arg10 : memref<128xi32, #tpu.memory_space<vmem>>)
        tpu.yield
      }) : () -> ()
      "tpu.region"() ({
        %run_scoped3A = tpu.sem_alloc : memref<!tpu.dma_semaphore, #tpu.memory_space<semaphore_mem>>
        %dma_start3A_243 = tpu.memref_slice %arg4[%add3A_167] : memref<655360xi32, #tpu.memory_space<hbm>> -> memref<128xi32, #tpu.memory_space<hbm>>
        %dma_start3A_244 = tpu.memref_slice %arg4[%add3A_167] : memref<655360xi32, #tpu.memory_space<hbm>> -> memref<128xi32, #tpu.memory_space<hbm>>
        tpu.enqueue_dma source(%dma_start3A_244 : memref<128xi32, #tpu.memory_space<hbm>>) target(%arg11 : memref<128xi32, #tpu.memory_space<vmem>>) target_semaphore(%run_scoped3A : memref<!tpu.dma_semaphore, #tpu.memory_space<semaphore_mem>>)
        %dma_wait3A_245 = tpu.memref_slice %arg4[%add3A_167] : memref<655360xi32, #tpu.memory_space<hbm>> -> memref<128xi32, #tpu.memory_space<hbm>>
        %dma_wait3A_246 = tpu.memref_slice %arg4[%add3A_167] : memref<655360xi32, #tpu.memory_space<hbm>> -> memref<128xi32, #tpu.memory_space<hbm>>
        tpu.wait_dma2 semaphore(%run_scoped3A : memref<!tpu.dma_semaphore, #tpu.memory_space<semaphore_mem>>) src(%dma_wait3A_246 : memref<128xi32, #tpu.memory_space<hbm>>) dst(%arg11 : memref<128xi32, #tpu.memory_space<vmem>>)
        tpu.yield
      }) : () -> ()
      %dma_start3A_168 = arith.constant 0 : i32
      %dma_start3A_169 = arith.constant 0 : i32
      %dma_start3A_170 = tpu.memref_slice %arg2[%dma_start3A_168, %dma_start3A_169] : memref<20480x128xf32, #tpu.memory_space<hbm>> -> memref<20480x128xf32, #tpu.memory_space<hbm>>
      tpu.enqueue_indirect_dma source(%dma_start3A_170 : memref<20480x128xf32, #tpu.memory_space<hbm>>) target(%arg14 : memref<128x128xf32, #tpu.memory_space<vmem>>) offsets(%arg10 : memref<128xi32, #tpu.memory_space<vmem>>) semaphore(%arg16 : memref<!tpu.dma_semaphore, #tpu.memory_space<semaphore_mem>>)
      %dma_wait3A_171 = arith.constant 0 : i32
      %dma_wait3A_172 = arith.constant 0 : i32
      %dma_wait3A_173 = tpu.memref_slice %arg2[%dma_wait3A_171, %dma_wait3A_172] : memref<20480x128xf32, #tpu.memory_space<hbm>> -> memref<20480x128xf32, #tpu.memory_space<hbm>>
      tpu.wait_indirect_dma semaphore(%arg17 : memref<!tpu.dma_semaphore, #tpu.memory_space<semaphore_mem>>) src(%dma_wait3A_173 : memref<20480x128xf32, #tpu.memory_space<hbm>>) dst(%arg15 : memref<128x128xf32, #tpu.memory_space<vmem>>)
      %dma_start3A_174 = arith.constant 0 : i32
      %dma_start3A_175 = arith.constant 0 : i32
      %dma_start3A_176 = tpu.memref_slice %arg9[%dma_start3A_174, %dma_start3A_175] : memref<10240x128xf32, #tpu.memory_space<vmem_shared>> -> memref<10240x128xf32, #tpu.memory_space<vmem_shared>>
      tpu.enqueue_indirect_dma source(%arg15 : memref<128x128xf32, #tpu.memory_space<vmem>>) target(%dma_start3A_176 : memref<10240x128xf32, #tpu.memory_space<vmem_shared>>) offsets(%arg13 : memref<128xi32, #tpu.memory_space<vmem>>) semaphore(%arg19 : memref<!tpu.dma_semaphore, #tpu.memory_space<semaphore_mem>>) {add = true}
      %broadcast_in_dim3A_177 = arith.constant 1.000000e+00 : f32
      %broadcast_in_dim3A_178 = vector.broadcast %broadcast_in_dim3A_177 : f32 to vector<16xf32>
      %get3A_179 = arith.constant 0 : index
      %get3A_180 = tpu.vector_load %arg13[%get3A_179] {strides = array<i32>} : memref<128xi32, #tpu.memory_space<vmem>>, vector<16xi32>,
      %shift_right_logical3A_181 = arith.constant 7 : i32
      %shift_right_logical3A_182 = vector.broadcast %shift_right_logical3A_181 : i32 to vector<16xi32>
      %shift_right_logical3A_183 = arith.shrui %get3A_180, %shift_right_logical3A_182 : vector<16xi32>
      %and3A_184 = arith.constant 127 : i32
      %and3A_185 = vector.broadcast %and3A_184 : i32 to vector<16xi32>
      %and3A_186 = arith.andi %get3A_180, %and3A_185 : vector<16xi32>
      tpu.vector_store_idx %arg21[%shift_right_logical3A_183, %and3A_186], %broadcast_in_dim3A_178 {add = true} : memref<80x128xf32, #tpu.memory_space<vmem>>[vector<16xi32>, vector<16xi32>], vector<16xf32>,
      %get3A_187 = arith.constant 16 : index
      %get3A_188 = tpu.vector_load %arg13[%get3A_187] {strides = array<i32>} : memref<128xi32, #tpu.memory_space<vmem>>, vector<16xi32>,
      %shift_right_logical3A_189 = arith.constant 7 : i32
      %shift_right_logical3A_190 = vector.broadcast %shift_right_logical3A_189 : i32 to vector<16xi32>
      %shift_right_logical3A_191 = arith.shrui %get3A_188, %shift_right_logical3A_190 : vector<16xi32>
      %and3A_192 = arith.constant 127 : i32
      %and3A_193 = vector.broadcast %and3A_192 : i32 to vector<16xi32>
      %and3A_194 = arith.andi %get3A_188, %and3A_193 : vector<16xi32>
      tpu.vector_store_idx %arg21[%shift_right_logical3A_191, %and3A_194], %broadcast_in_dim3A_178 {add = true} : memref<80x128xf32, #tpu.memory_space<vmem>>[vector<16xi32>, vector<16xi32>], vector<16xf32>,
      %get3A_195 = arith.constant 32 : index
      %get3A_196 = tpu.vector_load %arg13[%get3A_195] {strides = array<i32>} : memref<128xi32, #tpu.memory_space<vmem>>, vector<16xi32>,
      %shift_right_logical3A_197 = arith.constant 7 : i32
      %shift_right_logical3A_198 = vector.broadcast %shift_right_logical3A_197 : i32 to vector<16xi32>
      %shift_right_logical3A_199 = arith.shrui %get3A_196, %shift_right_logical3A_198 : vector<16xi32>
      %and3A_200 = arith.constant 127 : i32
      %and3A_201 = vector.broadcast %and3A_200 : i32 to vector<16xi32>
      %and3A_202 = arith.andi %get3A_196, %and3A_201 : vector<16xi32>
      tpu.vector_store_idx %arg21[%shift_right_logical3A_199, %and3A_202], %broadcast_in_dim3A_178 {add = true} : memref<80x128xf32, #tpu.memory_space<vmem>>[vector<16xi32>, vector<16xi32>], vector<16xf32>,
      %get3A_203 = arith.constant 48 : index
      %get3A_204 = tpu.vector_load %arg13[%get3A_203] {strides = array<i32>} : memref<128xi32, #tpu.memory_space<vmem>>, vector<16xi32>,
      %shift_right_logical3A_205 = arith.constant 7 : i32
      %shift_right_logical3A_206 = vector.broadcast %shift_right_logical3A_205 : i32 to vector<16xi32>
      %shift_right_logical3A_207 = arith.shrui %get3A_204, %shift_right_logical3A_206 : vector<16xi32>
      %and3A_208 = arith.constant 127 : i32
      %and3A_209 = vector.broadcast %and3A_208 : i32 to vector<16xi32>
      %and3A_210 = arith.andi %get3A_204, %and3A_209 : vector<16xi32>
      tpu.vector_store_idx %arg21[%shift_right_logical3A_207, %and3A_210], %broadcast_in_dim3A_178 {add = true} : memref<80x128xf32, #tpu.memory_space<vmem>>[vector<16xi32>, vector<16xi32>], vector<16xf32>,
      %get3A_211 = arith.constant 64 : index
      %get3A_212 = tpu.vector_load %arg13[%get3A_211] {strides = array<i32>} : memref<128xi32, #tpu.memory_space<vmem>>, vector<16xi32>,
      %shift_right_logical3A_213 = arith.constant 7 : i32
      %shift_right_logical3A_214 = vector.broadcast %shift_right_logical3A_213 : i32 to vector<16xi32>
      %shift_right_logical3A_215 = arith.shrui %get3A_212, %shift_right_logical3A_214 : vector<16xi32>
      %and3A_216 = arith.constant 127 : i32
      %and3A_217 = vector.broadcast %and3A_216 : i32 to vector<16xi32>
      %and3A_218 = arith.andi %get3A_212, %and3A_217 : vector<16xi32>
      tpu.vector_store_idx %arg21[%shift_right_logical3A_215, %and3A_218], %broadcast_in_dim3A_178 {add = true} : memref<80x128xf32, #tpu.memory_space<vmem>>[vector<16xi32>, vector<16xi32>], vector<16xf32>,
      %get3A_219 = arith.constant 80 : index
      %get3A_220 = tpu.vector_load %arg13[%get3A_219] {strides = array<i32>} : memref<128xi32, #tpu.memory_space<vmem>>, vector<16xi32>,
      %shift_right_logical3A_221 = arith.constant 7 : i32
      %shift_right_logical3A_222 = vector.broadcast %shift_right_logical3A_221 : i32 to vector<16xi32>
      %shift_right_logical3A_223 = arith.shrui %get3A_220, %shift_right_logical3A_222 : vector<16xi32>
      %and3A_224 = arith.constant 127 : i32
      %and3A_225 = vector.broadcast %and3A_224 : i32 to vector<16xi32>
      %and3A_226 = arith.andi %get3A_220, %and3A_225 : vector<16xi32>
      tpu.vector_store_idx %arg21[%shift_right_logical3A_223, %and3A_226], %broadcast_in_dim3A_178 {add = true} : memref<80x128xf32, #tpu.memory_space<vmem>>[vector<16xi32>, vector<16xi32>], vector<16xf32>,
      %get3A_227 = arith.constant 96 : index
      %get3A_228 = tpu.vector_load %arg13[%get3A_227] {strides = array<i32>} : memref<128xi32, #tpu.memory_space<vmem>>, vector<16xi32>,
      %shift_right_logical3A_229 = arith.constant 7 : i32
      %shift_right_logical3A_230 = vector.broadcast %shift_right_logical3A_229 : i32 to vector<16xi32>
      %shift_right_logical3A_231 = arith.shrui %get3A_228, %shift_right_logical3A_230 : vector<16xi32>
      %and3A_232 = arith.constant 127 : i32
      %and3A_233 = vector.broadcast %and3A_232 : i32 to vector<16xi32>
      %and3A_234 = arith.andi %get3A_228, %and3A_233 : vector<16xi32>
      tpu.vector_store_idx %arg21[%shift_right_logical3A_231, %and3A_234], %broadcast_in_dim3A_178 {add = true} : memref<80x128xf32, #tpu.memory_space<vmem>>[vector<16xi32>, vector<16xi32>], vector<16xf32>,
      %get3A_235 = arith.constant 112 : index
      %get3A_236 = tpu.vector_load %arg13[%get3A_235] {strides = array<i32>} : memref<128xi32, #tpu.memory_space<vmem>>, vector<16xi32>,
      %shift_right_logical3A_237 = arith.constant 7 : i32
      %shift_right_logical3A_238 = vector.broadcast %shift_right_logical3A_237 : i32 to vector<16xi32>
      %shift_right_logical3A_239 = arith.shrui %get3A_236, %shift_right_logical3A_238 : vector<16xi32>
      %and3A_240 = arith.constant 127 : i32
      %and3A_241 = vector.broadcast %and3A_240 : i32 to vector<16xi32>
      %and3A_242 = arith.andi %get3A_236, %and3A_241 : vector<16xi32>
      tpu.vector_store_idx %arg21[%shift_right_logical3A_239, %and3A_242], %broadcast_in_dim3A_178 {add = true} : memref<80x128xf32, #tpu.memory_space<vmem>>[vector<16xi32>, vector<16xi32>], vector<16xf32>,
    }
    %scan3A_40 = arith.constant 80 : i32
    %dma_wait3A = arith.constant 0 : i32
    %dma_wait3A_41 = arith.constant 0 : i32
    %dma_wait3A_42 = tpu.memref_slice %arg2[%dma_wait3A, %dma_wait3A_41] : memref<20480x128xf32, #tpu.memory_space<hbm>> -> memref<20480x128xf32, #tpu.memory_space<hbm>>
    tpu.wait_indirect_dma semaphore(%arg16 : memref<!tpu.dma_semaphore, #tpu.memory_space<semaphore_mem>>) src(%dma_wait3A_42 : memref<20480x128xf32, #tpu.memory_space<hbm>>) dst(%arg14 : memref<128x128xf32, #tpu.memory_space<vmem>>)
    %dma_wait3A_43 = arith.constant 0 : i32
    %dma_wait3A_44 = arith.constant 0 : i32
    %dma_wait3A_45 = tpu.memref_slice %arg9[%dma_wait3A_43, %dma_wait3A_44] : memref<10240x128xf32, #tpu.memory_space<vmem_shared>> -> memref<10240x128xf32, #tpu.memory_space<vmem_shared>>
    tpu.wait_indirect_dma semaphore(%arg19 : memref<!tpu.dma_semaphore, #tpu.memory_space<semaphore_mem>>) src(%arg15 : memref<128x128xf32, #tpu.memory_space<vmem>>) dst(%dma_wait3A_45 : memref<10240x128xf32, #tpu.memory_space<vmem_shared>>)
    "tpu.region"() ({
      %run_scoped3A = tpu.sem_alloc : memref<!tpu.dma_semaphore, #tpu.memory_space<semaphore_mem>>
      %dma_start3A_77 = arith.constant 0 : i32
      %dma_start3A_78 = arith.constant 0 : i32
      %dma_start3A_79 = tpu.memref_slice %arg20[%dma_start3A_77, %dma_start3A_78] : memref<80x128xf32, #tpu.memory_space<vmem_shared>> -> memref<80x128xf32, #tpu.memory_space<vmem_shared>>
      tpu.enqueue_indirect_dma source(%arg21 : memref<80x128xf32, #tpu.memory_space<vmem>>) target(%dma_start3A_79 : memref<80x128xf32, #tpu.memory_space<vmem_shared>>) offsets(%arg22 : memref<80xi32, #tpu.memory_space<vmem>>) semaphore(%run_scoped3A : memref<!tpu.dma_semaphore, #tpu.memory_space<semaphore_mem>>) {add = true}
      %dma_wait3A_80 = arith.constant 0 : i32
      %dma_wait3A_81 = arith.constant 0 : i32
      %dma_wait3A_82 = tpu.memref_slice %arg20[%dma_wait3A_80, %dma_wait3A_81] : memref<80x128xf32, #tpu.memory_space<vmem_shared>> -> memref<80x128xf32, #tpu.memory_space<vmem_shared>>
      tpu.wait_indirect_dma semaphore(%run_scoped3A : memref<!tpu.dma_semaphore, #tpu.memory_space<semaphore_mem>>) src(%arg21 : memref<80x128xf32, #tpu.memory_space<vmem>>) dst(%dma_wait3A_82 : memref<80x128xf32, #tpu.memory_space<vmem_shared>>)
      tpu.yield
    }) : () -> ()
    %barrier3A_46 = arith.constant 0 : index
    tpu.barrier barrier_id(%barrier3A_46)
    %mul3A_47 = arith.constant 640 : i32
    %mul3A_48 = arith.muli %arg1, %mul3A_47 : i32
    %add3A_49 = arith.constant 0 : i32
    %add3A_50 = arith.addi %mul3A_48, %add3A_49 : i32
    "tpu.region"() ({
      %run_scoped3A = tpu.sem_alloc : memref<!tpu.dma_semaphore, #tpu.memory_space<semaphore_mem>>
      %dma_start3A_77 = arith.constant 0 : i32
      %dma_start3A_78 = tpu.memref_slice %arg9[%add3A_50, %dma_start3A_77] : memref<10240x128xf32, #tpu.memory_space<vmem_shared>> -> memref<128x128xf32, #tpu.memory_space<vmem_shared>>
      %dma_start3A_79 = arith.constant 0 : i32
      %dma_start3A_80 = tpu.memref_slice %arg9[%add3A_50, %dma_start3A_79] : memref<10240x128xf32, #tpu.memory_space<vmem_shared>> -> memref<128x128xf32, #tpu.memory_space<vmem_shared>>
      tpu.enqueue_dma source(%dma_start3A_80 : memref<128x128xf32, #tpu.memory_space<vmem_shared>>) target(%arg14 : memref<128x128xf32, #tpu.memory_space<vmem>>) target_semaphore(%run_scoped3A : memref<!tpu.dma_semaphore, #tpu.memory_space<semaphore_mem>>)
      %dma_wait3A_81 = arith.constant 0 : i32
      %dma_wait3A_82 = tpu.memref_slice %arg9[%add3A_50, %dma_wait3A_81] : memref<10240x128xf32, #tpu.memory_space<vmem_shared>> -> memref<128x128xf32, #tpu.memory_space<vmem_shared>>
      %dma_wait3A_83 = arith.constant 0 : i32
      %dma_wait3A_84 = tpu.memref_slice %arg9[%add3A_50, %dma_wait3A_83] : memref<10240x128xf32, #tpu.memory_space<vmem_shared>> -> memref<128x128xf32, #tpu.memory_space<vmem_shared>>
      tpu.wait_dma2 semaphore(%run_scoped3A : memref<!tpu.dma_semaphore, #tpu.memory_space<semaphore_mem>>) src(%dma_wait3A_84 : memref<128x128xf32, #tpu.memory_space<vmem_shared>>) dst(%arg14 : memref<128x128xf32, #tpu.memory_space<vmem>>)
      tpu.yield
    }) : () -> ()
    %add3A_51 = arith.addi %mul3A_26, %add3A_50 : i32
    "tpu.region"() ({
      %run_scoped3A = tpu.sem_alloc : memref<!tpu.dma_semaphore, #tpu.memory_space<semaphore_mem>>
      %dma_start3A_77 = arith.constant 0 : i32
      %dma_start3A_78 = tpu.memref_slice %arg7[%add3A_51, %dma_start3A_77] : memref<20480x128xf32, #tpu.memory_space<hbm>> -> memref<128x128xf32, #tpu.memory_space<hbm>>
      %dma_start3A_79 = arith.constant 0 : i32
      %dma_start3A_80 = tpu.memref_slice %arg7[%add3A_51, %dma_start3A_79] : memref<20480x128xf32, #tpu.memory_space<hbm>> -> memref<128x128xf32, #tpu.memory_space<hbm>>
      tpu.enqueue_dma source(%arg14 : memref<128x128xf32, #tpu.memory_space<vmem>>) target(%dma_start3A_80 : memref<128x128xf32, #tpu.memory_space<hbm>>) target_semaphore(%run_scoped3A : memref<!tpu.dma_semaphore, #tpu.memory_space<semaphore_mem>>)
      %dma_wait3A_81 = arith.constant 0 : i32
      %dma_wait3A_82 = tpu.memref_slice %arg7[%add3A_51, %dma_wait3A_81] : memref<20480x128xf32, #tpu.memory_space<hbm>> -> memref<128x128xf32, #tpu.memory_space<hbm>>
      %dma_wait3A_83 = arith.constant 0 : i32
      %dma_wait3A_84 = tpu.memref_slice %arg7[%add3A_51, %dma_wait3A_83] : memref<20480x128xf32, #tpu.memory_space<hbm>> -> memref<128x128xf32, #tpu.memory_space<hbm>>
      tpu.wait_dma2 semaphore(%run_scoped3A : memref<!tpu.dma_semaphore, #tpu.memory_space<semaphore_mem>>) src(%arg14 : memref<128x128xf32, #tpu.memory_space<vmem>>) dst(%dma_wait3A_84 : memref<128x128xf32, #tpu.memory_space<hbm>>)
      tpu.yield
    }) : () -> ()
    %mul3A_52 = arith.constant 640 : i32
    %mul3A_53 = arith.muli %arg1, %mul3A_52 : i32
    %add3A_54 = arith.constant 128 : i32
    %add3A_55 = arith.addi %mul3A_53, %add3A_54 : i32
    "tpu.region"() ({
      %run_scoped3A = tpu.sem_alloc : memref<!tpu.dma_semaphore, #tpu.memory_space<semaphore_mem>>
      %dma_start3A_77 = arith.constant 0 : i32
      %dma_start3A_78 = tpu.memref_slice %arg9[%add3A_55, %dma_start3A_77] : memref<10240x128xf32, #tpu.memory_space<vmem_shared>> -> memref<128x128xf32, #tpu.memory_space<vmem_shared>>
      %dma_start3A_79 = arith.constant 0 : i32
      %dma_start3A_80 = tpu.memref_slice %arg9[%add3A_55, %dma_start3A_79] : memref<10240x128xf32, #tpu.memory_space<vmem_shared>> -> memref<128x128xf32, #tpu.memory_space<vmem_shared>>
      tpu.enqueue_dma source(%dma_start3A_80 : memref<128x128xf32, #tpu.memory_space<vmem_shared>>) target(%arg14 : memref<128x128xf32, #tpu.memory_space<vmem>>) target_semaphore(%run_scoped3A : memref<!tpu.dma_semaphore, #tpu.memory_space<semaphore_mem>>)
      %dma_wait3A_81 = arith.constant 0 : i32
      %dma_wait3A_82 = tpu.memref_slice %arg9[%add3A_55, %dma_wait3A_81] : memref<10240x128xf32, #tpu.memory_space<vmem_shared>> -> memref<128x128xf32, #tpu.memory_space<vmem_shared>>
      %dma_wait3A_83 = arith.constant 0 : i32
      %dma_wait3A_84 = tpu.memref_slice %arg9[%add3A_55, %dma_wait3A_83] : memref<10240x128xf32, #tpu.memory_space<vmem_shared>> -> memref<128x128xf32, #tpu.memory_space<vmem_shared>>
      tpu.wait_dma2 semaphore(%run_scoped3A : memref<!tpu.dma_semaphore, #tpu.memory_space<semaphore_mem>>) src(%dma_wait3A_84 : memref<128x128xf32, #tpu.memory_space<vmem_shared>>) dst(%arg14 : memref<128x128xf32, #tpu.memory_space<vmem>>)
      tpu.yield
    }) : () -> ()
    %add3A_56 = arith.addi %mul3A_26, %add3A_55 : i32
    "tpu.region"() ({
      %run_scoped3A = tpu.sem_alloc : memref<!tpu.dma_semaphore, #tpu.memory_space<semaphore_mem>>
      %dma_start3A_77 = arith.constant 0 : i32
      %dma_start3A_78 = tpu.memref_slice %arg7[%add3A_56, %dma_start3A_77] : memref<20480x128xf32, #tpu.memory_space<hbm>> -> memref<128x128xf32, #tpu.memory_space<hbm>>
      %dma_start3A_79 = arith.constant 0 : i32
      %dma_start3A_80 = tpu.memref_slice %arg7[%add3A_56, %dma_start3A_79] : memref<20480x128xf32, #tpu.memory_space<hbm>> -> memref<128x128xf32, #tpu.memory_space<hbm>>
      tpu.enqueue_dma source(%arg14 : memref<128x128xf32, #tpu.memory_space<vmem>>) target(%dma_start3A_80 : memref<128x128xf32, #tpu.memory_space<hbm>>) target_semaphore(%run_scoped3A : memref<!tpu.dma_semaphore, #tpu.memory_space<semaphore_mem>>)
      %dma_wait3A_81 = arith.constant 0 : i32
      %dma_wait3A_82 = tpu.memref_slice %arg7[%add3A_56, %dma_wait3A_81] : memref<20480x128xf32, #tpu.memory_space<hbm>> -> memref<128x128xf32, #tpu.memory_space<hbm>>
      %dma_wait3A_83 = arith.constant 0 : i32
      %dma_wait3A_84 = tpu.memref_slice %arg7[%add3A_56, %dma_wait3A_83] : memref<20480x128xf32, #tpu.memory_space<hbm>> -> memref<128x128xf32, #tpu.memory_space<hbm>>
      tpu.wait_dma2 semaphore(%run_scoped3A : memref<!tpu.dma_semaphore, #tpu.memory_space<semaphore_mem>>) src(%arg14 : memref<128x128xf32, #tpu.memory_space<vmem>>) dst(%dma_wait3A_84 : memref<128x128xf32, #tpu.memory_space<hbm>>)
      tpu.yield
    }) : () -> ()
    %mul3A_57 = arith.constant 640 : i32
    %mul3A_58 = arith.muli %arg1, %mul3A_57 : i32
    %add3A_59 = arith.constant 256 : i32
    %add3A_60 = arith.addi %mul3A_58, %add3A_59 : i32
    "tpu.region"() ({
      %run_scoped3A = tpu.sem_alloc : memref<!tpu.dma_semaphore, #tpu.memory_space<semaphore_mem>>
      %dma_start3A_77 = arith.constant 0 : i32
      %dma_start3A_78 = tpu.memref_slice %arg9[%add3A_60, %dma_start3A_77] : memref<10240x128xf32, #tpu.memory_space<vmem_shared>> -> memref<128x128xf32, #tpu.memory_space<vmem_shared>>
      %dma_start3A_79 = arith.constant 0 : i32
      %dma_start3A_80 = tpu.memref_slice %arg9[%add3A_60, %dma_start3A_79] : memref<10240x128xf32, #tpu.memory_space<vmem_shared>> -> memref<128x128xf32, #tpu.memory_space<vmem_shared>>
      tpu.enqueue_dma source(%dma_start3A_80 : memref<128x128xf32, #tpu.memory_space<vmem_shared>>) target(%arg14 : memref<128x128xf32, #tpu.memory_space<vmem>>) target_semaphore(%run_scoped3A : memref<!tpu.dma_semaphore, #tpu.memory_space<semaphore_mem>>)
      %dma_wait3A_81 = arith.constant 0 : i32
      %dma_wait3A_82 = tpu.memref_slice %arg9[%add3A_60, %dma_wait3A_81] : memref<10240x128xf32, #tpu.memory_space<vmem_shared>> -> memref<128x128xf32, #tpu.memory_space<vmem_shared>>
      %dma_wait3A_83 = arith.constant 0 : i32
      %dma_wait3A_84 = tpu.memref_slice %arg9[%add3A_60, %dma_wait3A_83] : memref<10240x128xf32, #tpu.memory_space<vmem_shared>> -> memref<128x128xf32, #tpu.memory_space<vmem_shared>>
      tpu.wait_dma2 semaphore(%run_scoped3A : memref<!tpu.dma_semaphore, #tpu.memory_space<semaphore_mem>>) src(%dma_wait3A_84 : memref<128x128xf32, #tpu.memory_space<vmem_shared>>) dst(%arg14 : memref<128x128xf32, #tpu.memory_space<vmem>>)
      tpu.yield
    }) : () -> ()
    %add3A_61 = arith.addi %mul3A_26, %add3A_60 : i32
    "tpu.region"() ({
      %run_scoped3A = tpu.sem_alloc : memref<!tpu.dma_semaphore, #tpu.memory_space<semaphore_mem>>
      %dma_start3A_77 = arith.constant 0 : i32
      %dma_start3A_78 = tpu.memref_slice %arg7[%add3A_61, %dma_start3A_77] : memref<20480x128xf32, #tpu.memory_space<hbm>> -> memref<128x128xf32, #tpu.memory_space<hbm>>
      %dma_start3A_79 = arith.constant 0 : i32
      %dma_start3A_80 = tpu.memref_slice %arg7[%add3A_61, %dma_start3A_79] : memref<20480x128xf32, #tpu.memory_space<hbm>> -> memref<128x128xf32, #tpu.memory_space<hbm>>
      tpu.enqueue_dma source(%arg14 : memref<128x128xf32, #tpu.memory_space<vmem>>) target(%dma_start3A_80 : memref<128x128xf32, #tpu.memory_space<hbm>>) target_semaphore(%run_scoped3A : memref<!tpu.dma_semaphore, #tpu.memory_space<semaphore_mem>>)
      %dma_wait3A_81 = arith.constant 0 : i32
      %dma_wait3A_82 = tpu.memref_slice %arg7[%add3A_61, %dma_wait3A_81] : memref<20480x128xf32, #tpu.memory_space<hbm>> -> memref<128x128xf32, #tpu.memory_space<hbm>>
      %dma_wait3A_83 = arith.constant 0 : i32
      %dma_wait3A_84 = tpu.memref_slice %arg7[%add3A_61, %dma_wait3A_83] : memref<20480x128xf32, #tpu.memory_space<hbm>> -> memref<128x128xf32, #tpu.memory_space<hbm>>
      tpu.wait_dma2 semaphore(%run_scoped3A : memref<!tpu.dma_semaphore, #tpu.memory_space<semaphore_mem>>) src(%arg14 : memref<128x128xf32, #tpu.memory_space<vmem>>) dst(%dma_wait3A_84 : memref<128x128xf32, #tpu.memory_space<hbm>>)
      tpu.yield
    }) : () -> ()
    %mul3A_62 = arith.constant 640 : i32
    %mul3A_63 = arith.muli %arg1, %mul3A_62 : i32
    %add3A_64 = arith.constant 384 : i32
    %add3A_65 = arith.addi %mul3A_63, %add3A_64 : i32
    "tpu.region"() ({
      %run_scoped3A = tpu.sem_alloc : memref<!tpu.dma_semaphore, #tpu.memory_space<semaphore_mem>>
      %dma_start3A_77 = arith.constant 0 : i32
      %dma_start3A_78 = tpu.memref_slice %arg9[%add3A_65, %dma_start3A_77] : memref<10240x128xf32, #tpu.memory_space<vmem_shared>> -> memref<128x128xf32, #tpu.memory_space<vmem_shared>>
      %dma_start3A_79 = arith.constant 0 : i32
      %dma_start3A_80 = tpu.memref_slice %arg9[%add3A_65, %dma_start3A_79] : memref<10240x128xf32, #tpu.memory_space<vmem_shared>> -> memref<128x128xf32, #tpu.memory_space<vmem_shared>>
      tpu.enqueue_dma source(%dma_start3A_80 : memref<128x128xf32, #tpu.memory_space<vmem_shared>>) target(%arg14 : memref<128x128xf32, #tpu.memory_space<vmem>>) target_semaphore(%run_scoped3A : memref<!tpu.dma_semaphore, #tpu.memory_space<semaphore_mem>>)
      %dma_wait3A_81 = arith.constant 0 : i32
      %dma_wait3A_82 = tpu.memref_slice %arg9[%add3A_65, %dma_wait3A_81] : memref<10240x128xf32, #tpu.memory_space<vmem_shared>> -> memref<128x128xf32, #tpu.memory_space<vmem_shared>>
      %dma_wait3A_83 = arith.constant 0 : i32
      %dma_wait3A_84 = tpu.memref_slice %arg9[%add3A_65, %dma_wait3A_83] : memref<10240x128xf32, #tpu.memory_space<vmem_shared>> -> memref<128x128xf32, #tpu.memory_space<vmem_shared>>
      tpu.wait_dma2 semaphore(%run_scoped3A : memref<!tpu.dma_semaphore, #tpu.memory_space<semaphore_mem>>) src(%dma_wait3A_84 : memref<128x128xf32, #tpu.memory_space<vmem_shared>>) dst(%arg14 : memref<128x128xf32, #tpu.memory_space<vmem>>)
      tpu.yield
    }) : () -> ()
    %add3A_66 = arith.addi %mul3A_26, %add3A_65 : i32
    "tpu.region"() ({
      %run_scoped3A = tpu.sem_alloc : memref<!tpu.dma_semaphore, #tpu.memory_space<semaphore_mem>>
      %dma_start3A_77 = arith.constant 0 : i32
      %dma_start3A_78 = tpu.memref_slice %arg7[%add3A_66, %dma_start3A_77] : memref<20480x128xf32, #tpu.memory_space<hbm>> -> memref<128x128xf32, #tpu.memory_space<hbm>>
      %dma_start3A_79 = arith.constant 0 : i32
      %dma_start3A_80 = tpu.memref_slice %arg7[%add3A_66, %dma_start3A_79] : memref<20480x128xf32, #tpu.memory_space<hbm>> -> memref<128x128xf32, #tpu.memory_space<hbm>>
      tpu.enqueue_dma source(%arg14 : memref<128x128xf32, #tpu.memory_space<vmem>>) target(%dma_start3A_80 : memref<128x128xf32, #tpu.memory_space<hbm>>) target_semaphore(%run_scoped3A : memref<!tpu.dma_semaphore, #tpu.memory_space<semaphore_mem>>)
      %dma_wait3A_81 = arith.constant 0 : i32
      %dma_wait3A_82 = tpu.memref_slice %arg7[%add3A_66, %dma_wait3A_81] : memref<20480x128xf32, #tpu.memory_space<hbm>> -> memref<128x128xf32, #tpu.memory_space<hbm>>
      %dma_wait3A_83 = arith.constant 0 : i32
      %dma_wait3A_84 = tpu.memref_slice %arg7[%add3A_66, %dma_wait3A_83] : memref<20480x128xf32, #tpu.memory_space<hbm>> -> memref<128x128xf32, #tpu.memory_space<hbm>>
      tpu.wait_dma2 semaphore(%run_scoped3A : memref<!tpu.dma_semaphore, #tpu.memory_space<semaphore_mem>>) src(%arg14 : memref<128x128xf32, #tpu.memory_space<vmem>>) dst(%dma_wait3A_84 : memref<128x128xf32, #tpu.memory_space<hbm>>)
      tpu.yield
    }) : () -> ()
    %mul3A_67 = arith.constant 640 : i32
    %mul3A_68 = arith.muli %arg1, %mul3A_67 : i32
    %add3A_69 = arith.constant 512 : i32
    %add3A_70 = arith.addi %mul3A_68, %add3A_69 : i32
    "tpu.region"() ({
      %run_scoped3A = tpu.sem_alloc : memref<!tpu.dma_semaphore, #tpu.memory_space<semaphore_mem>>
      %dma_start3A_77 = arith.constant 0 : i32
      %dma_start3A_78 = tpu.memref_slice %arg9[%add3A_70, %dma_start3A_77] : memref<10240x128xf32, #tpu.memory_space<vmem_shared>> -> memref<128x128xf32, #tpu.memory_space<vmem_shared>>
      %dma_start3A_79 = arith.constant 0 : i32
      %dma_start3A_80 = tpu.memref_slice %arg9[%add3A_70, %dma_start3A_79] : memref<10240x128xf32, #tpu.memory_space<vmem_shared>> -> memref<128x128xf32, #tpu.memory_space<vmem_shared>>
      tpu.enqueue_dma source(%dma_start3A_80 : memref<128x128xf32, #tpu.memory_space<vmem_shared>>) target(%arg14 : memref<128x128xf32, #tpu.memory_space<vmem>>) target_semaphore(%run_scoped3A : memref<!tpu.dma_semaphore, #tpu.memory_space<semaphore_mem>>)
      %dma_wait3A_81 = arith.constant 0 : i32
      %dma_wait3A_82 = tpu.memref_slice %arg9[%add3A_70, %dma_wait3A_81] : memref<10240x128xf32, #tpu.memory_space<vmem_shared>> -> memref<128x128xf32, #tpu.memory_space<vmem_shared>>
      %dma_wait3A_83 = arith.constant 0 : i32
      %dma_wait3A_84 = tpu.memref_slice %arg9[%add3A_70, %dma_wait3A_83] : memref<10240x128xf32, #tpu.memory_space<vmem_shared>> -> memref<128x128xf32, #tpu.memory_space<vmem_shared>>
      tpu.wait_dma2 semaphore(%run_scoped3A : memref<!tpu.dma_semaphore, #tpu.memory_space<semaphore_mem>>) src(%dma_wait3A_84 : memref<128x128xf32, #tpu.memory_space<vmem_shared>>) dst(%arg14 : memref<128x128xf32, #tpu.memory_space<vmem>>)
      tpu.yield
    }) : () -> ()
    %add3A_71 = arith.addi %mul3A_26, %add3A_70 : i32
    "tpu.region"() ({
      %run_scoped3A = tpu.sem_alloc : memref<!tpu.dma_semaphore, #tpu.memory_space<semaphore_mem>>
      %dma_start3A_77 = arith.constant 0 : i32
      %dma_start3A_78 = tpu.memref_slice %arg7[%add3A_71, %dma_start3A_77] : memref<20480x128xf32, #tpu.memory_space<hbm>> -> memref<128x128xf32, #tpu.memory_space<hbm>>
      %dma_start3A_79 = arith.constant 0 : i32
      %dma_start3A_80 = tpu.memref_slice %arg7[%add3A_71, %dma_start3A_79] : memref<20480x128xf32, #tpu.memory_space<hbm>> -> memref<128x128xf32, #tpu.memory_space<hbm>>
      tpu.enqueue_dma source(%arg14 : memref<128x128xf32, #tpu.memory_space<vmem>>) target(%dma_start3A_80 : memref<128x128xf32, #tpu.memory_space<hbm>>) target_semaphore(%run_scoped3A : memref<!tpu.dma_semaphore, #tpu.memory_space<semaphore_mem>>)
      %dma_wait3A_81 = arith.constant 0 : i32
      %dma_wait3A_82 = tpu.memref_slice %arg7[%add3A_71, %dma_wait3A_81] : memref<20480x128xf32, #tpu.memory_space<hbm>> -> memref<128x128xf32, #tpu.memory_space<hbm>>
      %dma_wait3A_83 = arith.constant 0 : i32
      %dma_wait3A_84 = tpu.memref_slice %arg7[%add3A_71, %dma_wait3A_83] : memref<20480x128xf32, #tpu.memory_space<hbm>> -> memref<128x128xf32, #tpu.memory_space<hbm>>
      tpu.wait_dma2 semaphore(%run_scoped3A : memref<!tpu.dma_semaphore, #tpu.memory_space<semaphore_mem>>) src(%arg14 : memref<128x128xf32, #tpu.memory_space<vmem>>) dst(%dma_wait3A_84 : memref<128x128xf32, #tpu.memory_space<hbm>>)
      tpu.yield
    }) : () -> ()
    %lt3A_72 = arith.constant 10 : i32
    %lt3A_73 = arith.cmpi slt, %arg1, %lt3A_72 : i32
    %convert_element_type3A_74 = arith.extui %lt3A_73 : i1 to i32
    %cond3A_75 = arith.constant 0 : i32
    %cond3A_76 = arith.cmpi ne, %convert_element_type3A_74, %cond3A_75 : i32
    scf.if %cond3A_76 {
      %mul3A_77 = arith.constant 8 : i32
      %mul3A_78 = arith.muli %arg1, %mul3A_77 : i32
      "tpu.region"() ({
        %run_scoped3A = tpu.sem_alloc : memref<!tpu.dma_semaphore, #tpu.memory_space<semaphore_mem>>
        %dma_start3A_84 = arith.constant 0 : i32
        %dma_start3A_85 = arith.constant 0 : i32
        %dma_start3A_86 = tpu.memref_slice %arg14[%dma_start3A_84, %dma_start3A_85] : memref<128x128xf32, #tpu.memory_space<vmem>> -> memref<8x128xf32, #tpu.memory_space<vmem>>
        %dma_start3A_87 = arith.constant 0 : i32
        %dma_start3A_88 = tpu.memref_slice %arg20[%mul3A_78, %dma_start3A_87] : memref<80x128xf32, #tpu.memory_space<vmem_shared>> -> memref<8x128xf32, #tpu.memory_space<vmem_shared>>
        %dma_start3A_89 = arith.constant 0 : i32
        %dma_start3A_90 = arith.constant 0 : i32
        %dma_start3A_91 = tpu.memref_slice %arg14[%dma_start3A_89, %dma_start3A_90] : memref<128x128xf32, #tpu.memory_space<vmem>> -> memref<8x128xf32, #tpu.memory_space<vmem>>
        %dma_start3A_92 = arith.constant 0 : i32
        %dma_start3A_93 = tpu.memref_slice %arg20[%mul3A_78, %dma_start3A_92] : memref<80x128xf32, #tpu.memory_space<vmem_shared>> -> memref<8x128xf32, #tpu.memory_space<vmem_shared>>
        tpu.enqueue_dma source(%dma_start3A_93 : memref<8x128xf32, #tpu.memory_space<vmem_shared>>) target(%dma_start3A_91 : memref<8x128xf32, #tpu.memory_space<vmem>>) target_semaphore(%run_scoped3A : memref<!tpu.dma_semaphore, #tpu.memory_space<semaphore_mem>>)
        %dma_wait3A_94 = arith.constant 0 : i32
        %dma_wait3A_95 = arith.constant 0 : i32
        %dma_wait3A_96 = tpu.memref_slice %arg14[%dma_wait3A_94, %dma_wait3A_95] : memref<128x128xf32, #tpu.memory_space<vmem>> -> memref<8x128xf32, #tpu.memory_space<vmem>>
        %dma_wait3A_97 = arith.constant 0 : i32
        %dma_wait3A_98 = tpu.memref_slice %arg20[%mul3A_78, %dma_wait3A_97] : memref<80x128xf32, #tpu.memory_space<vmem_shared>> -> memref<8x128xf32, #tpu.memory_space<vmem_shared>>
        %dma_wait3A_99 = arith.constant 0 : i32
        %dma_wait3A_100 = arith.constant 0 : i32
        %dma_wait3A_101 = tpu.memref_slice %arg14[%dma_wait3A_99, %dma_wait3A_100] : memref<128x128xf32, #tpu.memory_space<vmem>> -> memref<8x128xf32, #tpu.memory_space<vmem>>
        %dma_wait3A_102 = arith.constant 0 : i32
        %dma_wait3A_103 = tpu.memref_slice %arg20[%mul3A_78, %dma_wait3A_102] : memref<80x128xf32, #tpu.memory_space<vmem_shared>> -> memref<8x128xf32, #tpu.memory_space<vmem_shared>>
        tpu.wait_dma2 semaphore(%run_scoped3A : memref<!tpu.dma_semaphore, #tpu.memory_space<semaphore_mem>>) src(%dma_wait3A_103 : memref<8x128xf32, #tpu.memory_space<vmem_shared>>) dst(%dma_wait3A_101 : memref<8x128xf32, #tpu.memory_space<vmem>>)
        tpu.yield
      }) : () -> ()
      %mul3A_79 = arith.constant 80 : i32
      %mul3A_80 = arith.muli %arg0, %mul3A_79 : i32
      %mul3A_81 = arith.constant 8 : i32
      %mul3A_82 = arith.muli %arg1, %mul3A_81 : i32
      %add3A_83 = arith.addi %mul3A_80, %mul3A_82 : i32
      "tpu.region"() ({
        %run_scoped3A = tpu.sem_alloc : memref<!tpu.dma_semaphore, #tpu.memory_space<semaphore_mem>>
        %dma_start3A_84 = arith.constant 0 : i32
        %dma_start3A_85 = arith.constant 0 : i32
        %dma_start3A_86 = tpu.memref_slice %arg14[%dma_start3A_84, %dma_start3A_85] : memref<128x128xf32, #tpu.memory_space<vmem>> -> memref<8x128xf32, #tpu.memory_space<vmem>>
        %dma_start3A_87 = arith.constant 0 : i32
        %dma_start3A_88 = tpu.memref_slice %arg8[%add3A_83, %dma_start3A_87] : memref<160x128xf32, #tpu.memory_space<hbm>> -> memref<8x128xf32, #tpu.memory_space<hbm>>
        %dma_start3A_89 = arith.constant 0 : i32
        %dma_start3A_90 = tpu.memref_slice %arg8[%add3A_83, %dma_start3A_89] : memref<160x128xf32, #tpu.memory_space<hbm>> -> memref<8x128xf32, #tpu.memory_space<hbm>>
        %dma_start3A_91 = arith.constant 0 : i32
        %dma_start3A_92 = arith.constant 0 : i32
        %dma_start3A_93 = tpu.memref_slice %arg14[%dma_start3A_91, %dma_start3A_92] : memref<128x128xf32, #tpu.memory_space<vmem>> -> memref<8x128xf32, #tpu.memory_space<vmem>>
        tpu.enqueue_dma source(%dma_start3A_93 : memref<8x128xf32, #tpu.memory_space<vmem>>) target(%dma_start3A_90 : memref<8x128xf32, #tpu.memory_space<hbm>>) target_semaphore(%run_scoped3A : memref<!tpu.dma_semaphore, #tpu.memory_space<semaphore_mem>>)
        %dma_wait3A_94 = arith.constant 0 : i32
        %dma_wait3A_95 = arith.constant 0 : i32
        %dma_wait3A_96 = tpu.memref_slice %arg14[%dma_wait3A_94, %dma_wait3A_95] : memref<128x128xf32, #tpu.memory_space<vmem>> -> memref<8x128xf32, #tpu.memory_space<vmem>>
        %dma_wait3A_97 = arith.constant 0 : i32
        %dma_wait3A_98 = tpu.memref_slice %arg8[%add3A_83, %dma_wait3A_97] : memref<160x128xf32, #tpu.memory_space<hbm>> -> memref<8x128xf32, #tpu.memory_space<hbm>>
        %dma_wait3A_99 = arith.constant 0 : i32
        %dma_wait3A_100 = tpu.memref_slice %arg8[%add3A_83, %dma_wait3A_99] : memref<160x128xf32, #tpu.memory_space<hbm>> -> memref<8x128xf32, #tpu.memory_space<hbm>>
        %dma_wait3A_101 = arith.constant 0 : i32
        %dma_wait3A_102 = arith.constant 0 : i32
        %dma_wait3A_103 = tpu.memref_slice %arg14[%dma_wait3A_101, %dma_wait3A_102] : memref<128x128xf32, #tpu.memory_space<vmem>> -> memref<8x128xf32, #tpu.memory_space<vmem>>
        tpu.wait_dma2 semaphore(%run_scoped3A : memref<!tpu.dma_semaphore, #tpu.memory_space<semaphore_mem>>) src(%dma_wait3A_103 : memref<8x128xf32, #tpu.memory_space<vmem>>) dst(%dma_wait3A_100 : memref<8x128xf32, #tpu.memory_space<hbm>>)
        tpu.yield
      }) : () -> ()
    } else {
    }
    return
  }
}

#map = affine_map<(d0, d1) -> (0, 0)>
#map1 = affine_map<(d0, d1) -> (0)>
module attributes {stable_mosaic.version = 14 : i64} {
  func.func @body(%arg0: i32, %arg1: i32, %arg2: memref<20480x128xf32, #tpu.memory_space<hbm>>, %arg3: memref<655360xi32, #tpu.memory_space<hbm>>, %arg4: memref<655360xi32, #tpu.memory_space<hbm>>, %arg5: memref<128x128xf32, #tpu.memory_space<hbm>>, %arg6: memref<80xi32, #tpu.memory_space<hbm>>, %arg7: memref<20480x128xf32, #tpu.memory_space<hbm>>, %arg8: memref<10240x128xf32, #tpu.memory_space<vmem_shared>>, %arg9: memref<128xi32, #tpu.memory_space<vmem>>, %arg10: memref<128xi32, #tpu.memory_space<vmem>>, %arg11: memref<128xi32, #tpu.memory_space<vmem>>, %arg12: memref<128xi32, #tpu.memory_space<vmem>>, %arg13: memref<128x128xf32, #tpu.memory_space<vmem>>, %arg14: memref<128x128xf32, #tpu.memory_space<vmem>>, %arg15: memref<!tpu.dma_semaphore, #tpu.memory_space<semaphore_mem>>, %arg16: memref<!tpu.dma_semaphore, #tpu.memory_space<semaphore_mem>>, %arg17: memref<!tpu.dma_semaphore, #tpu.memory_space<semaphore_mem>>, %arg18: memref<!tpu.dma_semaphore, #tpu.memory_space<semaphore_mem>>) attributes {dimension_semantics = [#tpu.dimension_semantics<core_parallel>, #tpu.dimension_semantics<subcore_parallel>], iteration_bounds = array<i64: 2, 16>, scalar_prefetch = 0 : i64, scratch_operands = 11 : i64, tpu.core_type = #tpu.core_type<sc_vector_subcore>, window_params = [{transform_indices = #map}, {transform_indices = #map1}, {transform_indices = #map1}, {transform_indices = #map}, {transform_indices = #map1}, {transform_indices = #map}]} {
    "tpu.region"() ({
      %run_scoped3A = tpu.sem_alloc : memref<!tpu.dma_semaphore, #tpu.memory_space<semaphore_mem>>
      tpu.enqueue_dma source(%arg5 : memref<128x128xf32, #tpu.memory_space<hbm>>) target(%arg13 : memref<128x128xf32, #tpu.memory_space<vmem>>) target_semaphore(%run_scoped3A : memref<!tpu.dma_semaphore, #tpu.memory_space<semaphore_mem>>)
      tpu.wait_dma2 semaphore(%run_scoped3A : memref<!tpu.dma_semaphore, #tpu.memory_space<semaphore_mem>>) src(%arg5 : memref<128x128xf32, #tpu.memory_space<hbm>>) dst(%arg13 : memref<128x128xf32, #tpu.memory_space<vmem>>)
      tpu.yield
    }) : () -> ()
    %mul3A = arith.constant 640 : i32
    %mul3A_0 = arith.muli %arg1, %mul3A : i32
    %add3A = arith.constant 0 : i32
    %add3A_1 = arith.addi %mul3A_0, %add3A : i32
    "tpu.region"() ({
      %run_scoped3A = tpu.sem_alloc : memref<!tpu.dma_semaphore, #tpu.memory_space<semaphore_mem>>
      %dma_start3A_70 = arith.constant 0 : i32
      %dma_start3A_71 = tpu.memref_slice %arg8[%add3A_1, %dma_start3A_70] : memref<10240x128xf32, #tpu.memory_space<vmem_shared>> -> memref<128x128xf32, #tpu.memory_space<vmem_shared>>
      %dma_start3A_72 = arith.constant 0 : i32
      %dma_start3A_73 = tpu.memref_slice %arg8[%add3A_1, %dma_start3A_72] : memref<10240x128xf32, #tpu.memory_space<vmem_shared>> -> memref<128x128xf32, #tpu.memory_space<vmem_shared>>
      tpu.enqueue_dma source(%arg13 : memref<128x128xf32, #tpu.memory_space<vmem>>) target(%dma_start3A_73 : memref<128x128xf32, #tpu.memory_space<vmem_shared>>) target_semaphore(%run_scoped3A : memref<!tpu.dma_semaphore, #tpu.memory_space<semaphore_mem>>)
      %dma_wait3A_74 = arith.constant 0 : i32
      %dma_wait3A_75 = tpu.memref_slice %arg8[%add3A_1, %dma_wait3A_74] : memref<10240x128xf32, #tpu.memory_space<vmem_shared>> -> memref<128x128xf32, #tpu.memory_space<vmem_shared>>
      %dma_wait3A_76 = arith.constant 0 : i32
      %dma_wait3A_77 = tpu.memref_slice %arg8[%add3A_1, %dma_wait3A_76] : memref<10240x128xf32, #tpu.memory_space<vmem_shared>> -> memref<128x128xf32, #tpu.memory_space<vmem_shared>>
      tpu.wait_dma2 semaphore(%run_scoped3A : memref<!tpu.dma_semaphore, #tpu.memory_space<semaphore_mem>>) src(%arg13 : memref<128x128xf32, #tpu.memory_space<vmem>>) dst(%dma_wait3A_77 : memref<128x128xf32, #tpu.memory_space<vmem_shared>>)
      tpu.yield
    }) : () -> ()
    %mul3A_2 = arith.constant 640 : i32
    %mul3A_3 = arith.muli %arg1, %mul3A_2 : i32
    %add3A_4 = arith.constant 128 : i32
    %add3A_5 = arith.addi %mul3A_3, %add3A_4 : i32
    "tpu.region"() ({
      %run_scoped3A = tpu.sem_alloc : memref<!tpu.dma_semaphore, #tpu.memory_space<semaphore_mem>>
      %dma_start3A_70 = arith.constant 0 : i32
      %dma_start3A_71 = tpu.memref_slice %arg8[%add3A_5, %dma_start3A_70] : memref<10240x128xf32, #tpu.memory_space<vmem_shared>> -> memref<128x128xf32, #tpu.memory_space<vmem_shared>>
      %dma_start3A_72 = arith.constant 0 : i32
      %dma_start3A_73 = tpu.memref_slice %arg8[%add3A_5, %dma_start3A_72] : memref<10240x128xf32, #tpu.memory_space<vmem_shared>> -> memref<128x128xf32, #tpu.memory_space<vmem_shared>>
      tpu.enqueue_dma source(%arg13 : memref<128x128xf32, #tpu.memory_space<vmem>>) target(%dma_start3A_73 : memref<128x128xf32, #tpu.memory_space<vmem_shared>>) target_semaphore(%run_scoped3A : memref<!tpu.dma_semaphore, #tpu.memory_space<semaphore_mem>>)
      %dma_wait3A_74 = arith.constant 0 : i32
      %dma_wait3A_75 = tpu.memref_slice %arg8[%add3A_5, %dma_wait3A_74] : memref<10240x128xf32, #tpu.memory_space<vmem_shared>> -> memref<128x128xf32, #tpu.memory_space<vmem_shared>>
      %dma_wait3A_76 = arith.constant 0 : i32
      %dma_wait3A_77 = tpu.memref_slice %arg8[%add3A_5, %dma_wait3A_76] : memref<10240x128xf32, #tpu.memory_space<vmem_shared>> -> memref<128x128xf32, #tpu.memory_space<vmem_shared>>
      tpu.wait_dma2 semaphore(%run_scoped3A : memref<!tpu.dma_semaphore, #tpu.memory_space<semaphore_mem>>) src(%arg13 : memref<128x128xf32, #tpu.memory_space<vmem>>) dst(%dma_wait3A_77 : memref<128x128xf32, #tpu.memory_space<vmem_shared>>)
      tpu.yield
    }) : () -> ()
    %mul3A_6 = arith.constant 640 : i32
    %mul3A_7 = arith.muli %arg1, %mul3A_6 : i32
    %add3A_8 = arith.constant 256 : i32
    %add3A_9 = arith.addi %mul3A_7, %add3A_8 : i32
    "tpu.region"() ({
      %run_scoped3A = tpu.sem_alloc : memref<!tpu.dma_semaphore, #tpu.memory_space<semaphore_mem>>
      %dma_start3A_70 = arith.constant 0 : i32
      %dma_start3A_71 = tpu.memref_slice %arg8[%add3A_9, %dma_start3A_70] : memref<10240x128xf32, #tpu.memory_space<vmem_shared>> -> memref<128x128xf32, #tpu.memory_space<vmem_shared>>
      %dma_start3A_72 = arith.constant 0 : i32
      %dma_start3A_73 = tpu.memref_slice %arg8[%add3A_9, %dma_start3A_72] : memref<10240x128xf32, #tpu.memory_space<vmem_shared>> -> memref<128x128xf32, #tpu.memory_space<vmem_shared>>
      tpu.enqueue_dma source(%arg13 : memref<128x128xf32, #tpu.memory_space<vmem>>) target(%dma_start3A_73 : memref<128x128xf32, #tpu.memory_space<vmem_shared>>) target_semaphore(%run_scoped3A : memref<!tpu.dma_semaphore, #tpu.memory_space<semaphore_mem>>)
      %dma_wait3A_74 = arith.constant 0 : i32
      %dma_wait3A_75 = tpu.memref_slice %arg8[%add3A_9, %dma_wait3A_74] : memref<10240x128xf32, #tpu.memory_space<vmem_shared>> -> memref<128x128xf32, #tpu.memory_space<vmem_shared>>
      %dma_wait3A_76 = arith.constant 0 : i32
      %dma_wait3A_77 = tpu.memref_slice %arg8[%add3A_9, %dma_wait3A_76] : memref<10240x128xf32, #tpu.memory_space<vmem_shared>> -> memref<128x128xf32, #tpu.memory_space<vmem_shared>>
      tpu.wait_dma2 semaphore(%run_scoped3A : memref<!tpu.dma_semaphore, #tpu.memory_space<semaphore_mem>>) src(%arg13 : memref<128x128xf32, #tpu.memory_space<vmem>>) dst(%dma_wait3A_77 : memref<128x128xf32, #tpu.memory_space<vmem_shared>>)
      tpu.yield
    }) : () -> ()
    %mul3A_10 = arith.constant 640 : i32
    %mul3A_11 = arith.muli %arg1, %mul3A_10 : i32
    %add3A_12 = arith.constant 384 : i32
    %add3A_13 = arith.addi %mul3A_11, %add3A_12 : i32
    "tpu.region"() ({
      %run_scoped3A = tpu.sem_alloc : memref<!tpu.dma_semaphore, #tpu.memory_space<semaphore_mem>>
      %dma_start3A_70 = arith.constant 0 : i32
      %dma_start3A_71 = tpu.memref_slice %arg8[%add3A_13, %dma_start3A_70] : memref<10240x128xf32, #tpu.memory_space<vmem_shared>> -> memref<128x128xf32, #tpu.memory_space<vmem_shared>>
      %dma_start3A_72 = arith.constant 0 : i32
      %dma_start3A_73 = tpu.memref_slice %arg8[%add3A_13, %dma_start3A_72] : memref<10240x128xf32, #tpu.memory_space<vmem_shared>> -> memref<128x128xf32, #tpu.memory_space<vmem_shared>>
      tpu.enqueue_dma source(%arg13 : memref<128x128xf32, #tpu.memory_space<vmem>>) target(%dma_start3A_73 : memref<128x128xf32, #tpu.memory_space<vmem_shared>>) target_semaphore(%run_scoped3A : memref<!tpu.dma_semaphore, #tpu.memory_space<semaphore_mem>>)
      %dma_wait3A_74 = arith.constant 0 : i32
      %dma_wait3A_75 = tpu.memref_slice %arg8[%add3A_13, %dma_wait3A_74] : memref<10240x128xf32, #tpu.memory_space<vmem_shared>> -> memref<128x128xf32, #tpu.memory_space<vmem_shared>>
      %dma_wait3A_76 = arith.constant 0 : i32
      %dma_wait3A_77 = tpu.memref_slice %arg8[%add3A_13, %dma_wait3A_76] : memref<10240x128xf32, #tpu.memory_space<vmem_shared>> -> memref<128x128xf32, #tpu.memory_space<vmem_shared>>
      tpu.wait_dma2 semaphore(%run_scoped3A : memref<!tpu.dma_semaphore, #tpu.memory_space<semaphore_mem>>) src(%arg13 : memref<128x128xf32, #tpu.memory_space<vmem>>) dst(%dma_wait3A_77 : memref<128x128xf32, #tpu.memory_space<vmem_shared>>)
      tpu.yield
    }) : () -> ()
    %mul3A_14 = arith.constant 640 : i32
    %mul3A_15 = arith.muli %arg1, %mul3A_14 : i32
    %add3A_16 = arith.constant 512 : i32
    %add3A_17 = arith.addi %mul3A_15, %add3A_16 : i32
    "tpu.region"() ({
      %run_scoped3A = tpu.sem_alloc : memref<!tpu.dma_semaphore, #tpu.memory_space<semaphore_mem>>
      %dma_start3A_70 = arith.constant 0 : i32
      %dma_start3A_71 = tpu.memref_slice %arg8[%add3A_17, %dma_start3A_70] : memref<10240x128xf32, #tpu.memory_space<vmem_shared>> -> memref<128x128xf32, #tpu.memory_space<vmem_shared>>
      %dma_start3A_72 = arith.constant 0 : i32
      %dma_start3A_73 = tpu.memref_slice %arg8[%add3A_17, %dma_start3A_72] : memref<10240x128xf32, #tpu.memory_space<vmem_shared>> -> memref<128x128xf32, #tpu.memory_space<vmem_shared>>
      tpu.enqueue_dma source(%arg13 : memref<128x128xf32, #tpu.memory_space<vmem>>) target(%dma_start3A_73 : memref<128x128xf32, #tpu.memory_space<vmem_shared>>) target_semaphore(%run_scoped3A : memref<!tpu.dma_semaphore, #tpu.memory_space<semaphore_mem>>)
      %dma_wait3A_74 = arith.constant 0 : i32
      %dma_wait3A_75 = tpu.memref_slice %arg8[%add3A_17, %dma_wait3A_74] : memref<10240x128xf32, #tpu.memory_space<vmem_shared>> -> memref<128x128xf32, #tpu.memory_space<vmem_shared>>
      %dma_wait3A_76 = arith.constant 0 : i32
      %dma_wait3A_77 = tpu.memref_slice %arg8[%add3A_17, %dma_wait3A_76] : memref<10240x128xf32, #tpu.memory_space<vmem_shared>> -> memref<128x128xf32, #tpu.memory_space<vmem_shared>>
      tpu.wait_dma2 semaphore(%run_scoped3A : memref<!tpu.dma_semaphore, #tpu.memory_space<semaphore_mem>>) src(%arg13 : memref<128x128xf32, #tpu.memory_space<vmem>>) dst(%dma_wait3A_77 : memref<128x128xf32, #tpu.memory_space<vmem_shared>>)
      tpu.yield
    }) : () -> ()
    %barrier3A = arith.constant 0 : index
    tpu.barrier barrier_id(%barrier3A)
    %mul3A_18 = arith.constant 327680 : i32
    %mul3A_19 = arith.muli %arg0, %mul3A_18 : i32
    %mul3A_20 = arith.constant 20480 : i32
    %mul3A_21 = arith.muli %arg1, %mul3A_20 : i32
    %add3A_22 = arith.addi %mul3A_19, %mul3A_21 : i32
    %mul3A_23 = arith.constant 10240 : i32
    %mul3A_24 = arith.muli %arg0, %mul3A_23 : i32
    %add3A_25 = arith.constant 0 : i32
    %add3A_26 = arith.addi %add3A_22, %add3A_25 : i32
    "tpu.region"() ({
      %run_scoped3A = tpu.sem_alloc : memref<!tpu.dma_semaphore, #tpu.memory_space<semaphore_mem>>
      %dma_start3A_70 = tpu.memref_slice %arg3[%add3A_26] : memref<655360xi32, #tpu.memory_space<hbm>> -> memref<128xi32, #tpu.memory_space<hbm>>
      %dma_start3A_71 = tpu.memref_slice %arg3[%add3A_26] : memref<655360xi32, #tpu.memory_space<hbm>> -> memref<128xi32, #tpu.memory_space<hbm>>
      tpu.enqueue_dma source(%dma_start3A_71 : memref<128xi32, #tpu.memory_space<hbm>>) target(%arg9 : memref<128xi32, #tpu.memory_space<vmem>>) target_semaphore(%run_scoped3A : memref<!tpu.dma_semaphore, #tpu.memory_space<semaphore_mem>>)
      %dma_wait3A_72 = tpu.memref_slice %arg3[%add3A_26] : memref<655360xi32, #tpu.memory_space<hbm>> -> memref<128xi32, #tpu.memory_space<hbm>>
      %dma_wait3A_73 = tpu.memref_slice %arg3[%add3A_26] : memref<655360xi32, #tpu.memory_space<hbm>> -> memref<128xi32, #tpu.memory_space<hbm>>
      tpu.wait_dma2 semaphore(%run_scoped3A : memref<!tpu.dma_semaphore, #tpu.memory_space<semaphore_mem>>) src(%dma_wait3A_73 : memref<128xi32, #tpu.memory_space<hbm>>) dst(%arg9 : memref<128xi32, #tpu.memory_space<vmem>>)
      tpu.yield
    }) : () -> ()
    "tpu.region"() ({
      %run_scoped3A = tpu.sem_alloc : memref<!tpu.dma_semaphore, #tpu.memory_space<semaphore_mem>>
      %dma_start3A_70 = tpu.memref_slice %arg4[%add3A_26] : memref<655360xi32, #tpu.memory_space<hbm>> -> memref<128xi32, #tpu.memory_space<hbm>>
      %dma_start3A_71 = tpu.memref_slice %arg4[%add3A_26] : memref<655360xi32, #tpu.memory_space<hbm>> -> memref<128xi32, #tpu.memory_space<hbm>>
      tpu.enqueue_dma source(%dma_start3A_71 : memref<128xi32, #tpu.memory_space<hbm>>) target(%arg10 : memref<128xi32, #tpu.memory_space<vmem>>) target_semaphore(%run_scoped3A : memref<!tpu.dma_semaphore, #tpu.memory_space<semaphore_mem>>)
      %dma_wait3A_72 = tpu.memref_slice %arg4[%add3A_26] : memref<655360xi32, #tpu.memory_space<hbm>> -> memref<128xi32, #tpu.memory_space<hbm>>
      %dma_wait3A_73 = tpu.memref_slice %arg4[%add3A_26] : memref<655360xi32, #tpu.memory_space<hbm>> -> memref<128xi32, #tpu.memory_space<hbm>>
      tpu.wait_dma2 semaphore(%run_scoped3A : memref<!tpu.dma_semaphore, #tpu.memory_space<semaphore_mem>>) src(%dma_wait3A_73 : memref<128xi32, #tpu.memory_space<hbm>>) dst(%arg10 : memref<128xi32, #tpu.memory_space<vmem>>)
      tpu.yield
    }) : () -> ()
    %dma_start3A = arith.constant 0 : i32
    %dma_start3A_27 = arith.constant 0 : i32
    %dma_start3A_28 = tpu.memref_slice %arg2[%dma_start3A, %dma_start3A_27] : memref<20480x128xf32, #tpu.memory_space<hbm>> -> memref<20480x128xf32, #tpu.memory_space<hbm>>
    tpu.enqueue_indirect_dma source(%dma_start3A_28 : memref<20480x128xf32, #tpu.memory_space<hbm>>) target(%arg13 : memref<128x128xf32, #tpu.memory_space<vmem>>) offsets(%arg9 : memref<128xi32, #tpu.memory_space<vmem>>) semaphore(%arg15 : memref<!tpu.dma_semaphore, #tpu.memory_space<semaphore_mem>>)
    "tpu.region"() ({
      %run_scoped3A = tpu.sem_alloc : memref<!tpu.dma_semaphore, #tpu.memory_space<semaphore_mem>>
      tpu.enqueue_dma source(%arg5 : memref<128x128xf32, #tpu.memory_space<hbm>>) target(%arg14 : memref<128x128xf32, #tpu.memory_space<vmem>>) target_semaphore(%run_scoped3A : memref<!tpu.dma_semaphore, #tpu.memory_space<semaphore_mem>>)
      tpu.wait_dma2 semaphore(%run_scoped3A : memref<!tpu.dma_semaphore, #tpu.memory_space<semaphore_mem>>) src(%arg5 : memref<128x128xf32, #tpu.memory_space<hbm>>) dst(%arg14 : memref<128x128xf32, #tpu.memory_space<vmem>>)
      tpu.yield
    }) : () -> ()
    %add3A_29 = arith.constant 0 : i32
    %add3A_30 = arith.addi %add3A_22, %add3A_29 : i32
    "tpu.region"() ({
      %run_scoped3A = tpu.sem_alloc : memref<!tpu.dma_semaphore, #tpu.memory_space<semaphore_mem>>
      %dma_start3A_70 = tpu.memref_slice %arg3[%add3A_30] : memref<655360xi32, #tpu.memory_space<hbm>> -> memref<128xi32, #tpu.memory_space<hbm>>
      %dma_start3A_71 = tpu.memref_slice %arg3[%add3A_30] : memref<655360xi32, #tpu.memory_space<hbm>> -> memref<128xi32, #tpu.memory_space<hbm>>
      tpu.enqueue_dma source(%dma_start3A_71 : memref<128xi32, #tpu.memory_space<hbm>>) target(%arg11 : memref<128xi32, #tpu.memory_space<vmem>>) target_semaphore(%run_scoped3A : memref<!tpu.dma_semaphore, #tpu.memory_space<semaphore_mem>>)
      %dma_wait3A_72 = tpu.memref_slice %arg3[%add3A_30] : memref<655360xi32, #tpu.memory_space<hbm>> -> memref<128xi32, #tpu.memory_space<hbm>>
      %dma_wait3A_73 = tpu.memref_slice %arg3[%add3A_30] : memref<655360xi32, #tpu.memory_space<hbm>> -> memref<128xi32, #tpu.memory_space<hbm>>
      tpu.wait_dma2 semaphore(%run_scoped3A : memref<!tpu.dma_semaphore, #tpu.memory_space<semaphore_mem>>) src(%dma_wait3A_73 : memref<128xi32, #tpu.memory_space<hbm>>) dst(%arg11 : memref<128xi32, #tpu.memory_space<vmem>>)
      tpu.yield
    }) : () -> ()
    "tpu.region"() ({
      %run_scoped3A = tpu.sem_alloc : memref<!tpu.dma_semaphore, #tpu.memory_space<semaphore_mem>>
      %dma_start3A_70 = tpu.memref_slice %arg4[%add3A_30] : memref<655360xi32, #tpu.memory_space<hbm>> -> memref<128xi32, #tpu.memory_space<hbm>>
      %dma_start3A_71 = tpu.memref_slice %arg4[%add3A_30] : memref<655360xi32, #tpu.memory_space<hbm>> -> memref<128xi32, #tpu.memory_space<hbm>>
      tpu.enqueue_dma source(%dma_start3A_71 : memref<128xi32, #tpu.memory_space<hbm>>) target(%arg12 : memref<128xi32, #tpu.memory_space<vmem>>) target_semaphore(%run_scoped3A : memref<!tpu.dma_semaphore, #tpu.memory_space<semaphore_mem>>)
      %dma_wait3A_72 = tpu.memref_slice %arg4[%add3A_30] : memref<655360xi32, #tpu.memory_space<hbm>> -> memref<128xi32, #tpu.memory_space<hbm>>
      %dma_wait3A_73 = tpu.memref_slice %arg4[%add3A_30] : memref<655360xi32, #tpu.memory_space<hbm>> -> memref<128xi32, #tpu.memory_space<hbm>>
      tpu.wait_dma2 semaphore(%run_scoped3A : memref<!tpu.dma_semaphore, #tpu.memory_space<semaphore_mem>>) src(%dma_wait3A_73 : memref<128xi32, #tpu.memory_space<hbm>>) dst(%arg12 : memref<128xi32, #tpu.memory_space<vmem>>)
      tpu.yield
    }) : () -> ()
    %dma_start3A_31 = arith.constant 0 : i32
    %dma_start3A_32 = arith.constant 0 : i32
    %dma_start3A_33 = tpu.memref_slice %arg8[%dma_start3A_31, %dma_start3A_32] : memref<10240x128xf32, #tpu.memory_space<vmem_shared>> -> memref<10240x128xf32, #tpu.memory_space<vmem_shared>>
    tpu.enqueue_indirect_dma source(%arg14 : memref<128x128xf32, #tpu.memory_space<vmem>>) target(%dma_start3A_33 : memref<10240x128xf32, #tpu.memory_space<vmem_shared>>) offsets(%arg12 : memref<128xi32, #tpu.memory_space<vmem>>) semaphore(%arg18 : memref<!tpu.dma_semaphore, #tpu.memory_space<semaphore_mem>>) {add = true}
    %scan3A = arith.constant 0 : i32
    %scan3A_34 = arith.constant 0 : i32
    %scan3A_35 = arith.constant 80 : i32
    %scan3A_36 = arith.addi %scan3A_34, %scan3A_35 : i32
    %scan3A_37 = arith.constant 1 : i32
    scf.for %scan3A_70 = %scan3A_34 to %scan3A_36 step %scan3A_37  : i32 {
      %mul3A_71 = arith.constant 2 : i32
      %mul3A_72 = arith.muli %mul3A_71, %scan3A_70 : i32
      %dma_wait3A_73 = arith.constant 0 : i32
      %dma_wait3A_74 = arith.constant 0 : i32
      %dma_wait3A_75 = tpu.memref_slice %arg8[%dma_wait3A_73, %dma_wait3A_74] : memref<10240x128xf32, #tpu.memory_space<vmem_shared>> -> memref<10240x128xf32, #tpu.memory_space<vmem_shared>>
      tpu.wait_indirect_dma semaphore(%arg18 : memref<!tpu.dma_semaphore, #tpu.memory_space<semaphore_mem>>) src(%arg14 : memref<128x128xf32, #tpu.memory_space<vmem>>) dst(%dma_wait3A_75 : memref<10240x128xf32, #tpu.memory_space<vmem_shared>>)
      %add3A_76 = arith.constant 1 : i32
      %add3A_77 = arith.addi %mul3A_72, %add3A_76 : i32
      %mul3A_78 = arith.constant 128 : i32
      %mul3A_79 = arith.muli %add3A_77, %mul3A_78 : i32
      %add3A_80 = arith.addi %add3A_22, %mul3A_79 : i32
      "tpu.region"() ({
        %run_scoped3A = tpu.sem_alloc : memref<!tpu.dma_semaphore, #tpu.memory_space<semaphore_mem>>
        %dma_start3A_108 = tpu.memref_slice %arg3[%add3A_80] : memref<655360xi32, #tpu.memory_space<hbm>> -> memref<128xi32, #tpu.memory_space<hbm>>
        %dma_start3A_109 = tpu.memref_slice %arg3[%add3A_80] : memref<655360xi32, #tpu.memory_space<hbm>> -> memref<128xi32, #tpu.memory_space<hbm>>
        tpu.enqueue_dma source(%dma_start3A_109 : memref<128xi32, #tpu.memory_space<hbm>>) target(%arg11 : memref<128xi32, #tpu.memory_space<vmem>>) target_semaphore(%run_scoped3A : memref<!tpu.dma_semaphore, #tpu.memory_space<semaphore_mem>>)
        %dma_wait3A_110 = tpu.memref_slice %arg3[%add3A_80] : memref<655360xi32, #tpu.memory_space<hbm>> -> memref<128xi32, #tpu.memory_space<hbm>>
        %dma_wait3A_111 = tpu.memref_slice %arg3[%add3A_80] : memref<655360xi32, #tpu.memory_space<hbm>> -> memref<128xi32, #tpu.memory_space<hbm>>
        tpu.wait_dma2 semaphore(%run_scoped3A : memref<!tpu.dma_semaphore, #tpu.memory_space<semaphore_mem>>) src(%dma_wait3A_111 : memref<128xi32, #tpu.memory_space<hbm>>) dst(%arg11 : memref<128xi32, #tpu.memory_space<vmem>>)
        tpu.yield
      }) : () -> ()
      "tpu.region"() ({
        %run_scoped3A = tpu.sem_alloc : memref<!tpu.dma_semaphore, #tpu.memory_space<semaphore_mem>>
        %dma_start3A_108 = tpu.memref_slice %arg4[%add3A_80] : memref<655360xi32, #tpu.memory_space<hbm>> -> memref<128xi32, #tpu.memory_space<hbm>>
        %dma_start3A_109 = tpu.memref_slice %arg4[%add3A_80] : memref<655360xi32, #tpu.memory_space<hbm>> -> memref<128xi32, #tpu.memory_space<hbm>>
        tpu.enqueue_dma source(%dma_start3A_109 : memref<128xi32, #tpu.memory_space<hbm>>) target(%arg12 : memref<128xi32, #tpu.memory_space<vmem>>) target_semaphore(%run_scoped3A : memref<!tpu.dma_semaphore, #tpu.memory_space<semaphore_mem>>)
        %dma_wait3A_110 = tpu.memref_slice %arg4[%add3A_80] : memref<655360xi32, #tpu.memory_space<hbm>> -> memref<128xi32, #tpu.memory_space<hbm>>
        %dma_wait3A_111 = tpu.memref_slice %arg4[%add3A_80] : memref<655360xi32, #tpu.memory_space<hbm>> -> memref<128xi32, #tpu.memory_space<hbm>>
        tpu.wait_dma2 semaphore(%run_scoped3A : memref<!tpu.dma_semaphore, #tpu.memory_space<semaphore_mem>>) src(%dma_wait3A_111 : memref<128xi32, #tpu.memory_space<hbm>>) dst(%arg12 : memref<128xi32, #tpu.memory_space<vmem>>)
        tpu.yield
      }) : () -> ()
      %dma_start3A_81 = arith.constant 0 : i32
      %dma_start3A_82 = arith.constant 0 : i32
      %dma_start3A_83 = tpu.memref_slice %arg2[%dma_start3A_81, %dma_start3A_82] : memref<20480x128xf32, #tpu.memory_space<hbm>> -> memref<20480x128xf32, #tpu.memory_space<hbm>>
      tpu.enqueue_indirect_dma source(%dma_start3A_83 : memref<20480x128xf32, #tpu.memory_space<hbm>>) target(%arg14 : memref<128x128xf32, #tpu.memory_space<vmem>>) offsets(%arg11 : memref<128xi32, #tpu.memory_space<vmem>>) semaphore(%arg16 : memref<!tpu.dma_semaphore, #tpu.memory_space<semaphore_mem>>)
      %dma_wait3A_84 = arith.constant 0 : i32
      %dma_wait3A_85 = arith.constant 0 : i32
      %dma_wait3A_86 = tpu.memref_slice %arg2[%dma_wait3A_84, %dma_wait3A_85] : memref<20480x128xf32, #tpu.memory_space<hbm>> -> memref<20480x128xf32, #tpu.memory_space<hbm>>
      tpu.wait_indirect_dma semaphore(%arg15 : memref<!tpu.dma_semaphore, #tpu.memory_space<semaphore_mem>>) src(%dma_wait3A_86 : memref<20480x128xf32, #tpu.memory_space<hbm>>) dst(%arg13 : memref<128x128xf32, #tpu.memory_space<vmem>>)
      %dma_start3A_87 = arith.constant 0 : i32
      %dma_start3A_88 = arith.constant 0 : i32
      %dma_start3A_89 = tpu.memref_slice %arg8[%dma_start3A_87, %dma_start3A_88] : memref<10240x128xf32, #tpu.memory_space<vmem_shared>> -> memref<10240x128xf32, #tpu.memory_space<vmem_shared>>
      tpu.enqueue_indirect_dma source(%arg13 : memref<128x128xf32, #tpu.memory_space<vmem>>) target(%dma_start3A_89 : memref<10240x128xf32, #tpu.memory_space<vmem_shared>>) offsets(%arg10 : memref<128xi32, #tpu.memory_space<vmem>>) semaphore(%arg17 : memref<!tpu.dma_semaphore, #tpu.memory_space<semaphore_mem>>) {add = true}
      %dma_wait3A_90 = arith.constant 0 : i32
      %dma_wait3A_91 = arith.constant 0 : i32
      %dma_wait3A_92 = tpu.memref_slice %arg8[%dma_wait3A_90, %dma_wait3A_91] : memref<10240x128xf32, #tpu.memory_space<vmem_shared>> -> memref<10240x128xf32, #tpu.memory_space<vmem_shared>>
      tpu.wait_indirect_dma semaphore(%arg17 : memref<!tpu.dma_semaphore, #tpu.memory_space<semaphore_mem>>) src(%arg13 : memref<128x128xf32, #tpu.memory_space<vmem>>) dst(%dma_wait3A_92 : memref<10240x128xf32, #tpu.memory_space<vmem_shared>>)
      %add3A_93 = arith.constant 2 : i32
      %add3A_94 = arith.addi %mul3A_72, %add3A_93 : i32
      %rem3A = arith.constant 160 : i32
      %rem3A_95 = arith.remsi %add3A_94, %rem3A : i32
      %mul3A_96 = arith.constant 128 : i32
      %mul3A_97 = arith.muli %rem3A_95, %mul3A_96 : i32
      %add3A_98 = arith.addi %add3A_22, %mul3A_97 : i32
      "tpu.region"() ({
        %run_scoped3A = tpu.sem_alloc : memref<!tpu.dma_semaphore, #tpu.memory_space<semaphore_mem>>
        %dma_start3A_108 = tpu.memref_slice %arg3[%add3A_98] : memref<655360xi32, #tpu.memory_space<hbm>> -> memref<128xi32, #tpu.memory_space<hbm>>
        %dma_start3A_109 = tpu.memref_slice %arg3[%add3A_98] : memref<655360xi32, #tpu.memory_space<hbm>> -> memref<128xi32, #tpu.memory_space<hbm>>
        tpu.enqueue_dma source(%dma_start3A_109 : memref<128xi32, #tpu.memory_space<hbm>>) target(%arg9 : memref<128xi32, #tpu.memory_space<vmem>>) target_semaphore(%run_scoped3A : memref<!tpu.dma_semaphore, #tpu.memory_space<semaphore_mem>>)
        %dma_wait3A_110 = tpu.memref_slice %arg3[%add3A_98] : memref<655360xi32, #tpu.memory_space<hbm>> -> memref<128xi32, #tpu.memory_space<hbm>>
        %dma_wait3A_111 = tpu.memref_slice %arg3[%add3A_98] : memref<655360xi32, #tpu.memory_space<hbm>> -> memref<128xi32, #tpu.memory_space<hbm>>
        tpu.wait_dma2 semaphore(%run_scoped3A : memref<!tpu.dma_semaphore, #tpu.memory_space<semaphore_mem>>) src(%dma_wait3A_111 : memref<128xi32, #tpu.memory_space<hbm>>) dst(%arg9 : memref<128xi32, #tpu.memory_space<vmem>>)
        tpu.yield
      }) : () -> ()
      "tpu.region"() ({
        %run_scoped3A = tpu.sem_alloc : memref<!tpu.dma_semaphore, #tpu.memory_space<semaphore_mem>>
        %dma_start3A_108 = tpu.memref_slice %arg4[%add3A_98] : memref<655360xi32, #tpu.memory_space<hbm>> -> memref<128xi32, #tpu.memory_space<hbm>>
        %dma_start3A_109 = tpu.memref_slice %arg4[%add3A_98] : memref<655360xi32, #tpu.memory_space<hbm>> -> memref<128xi32, #tpu.memory_space<hbm>>
        tpu.enqueue_dma source(%dma_start3A_109 : memref<128xi32, #tpu.memory_space<hbm>>) target(%arg10 : memref<128xi32, #tpu.memory_space<vmem>>) target_semaphore(%run_scoped3A : memref<!tpu.dma_semaphore, #tpu.memory_space<semaphore_mem>>)
        %dma_wait3A_110 = tpu.memref_slice %arg4[%add3A_98] : memref<655360xi32, #tpu.memory_space<hbm>> -> memref<128xi32, #tpu.memory_space<hbm>>
        %dma_wait3A_111 = tpu.memref_slice %arg4[%add3A_98] : memref<655360xi32, #tpu.memory_space<hbm>> -> memref<128xi32, #tpu.memory_space<hbm>>
        tpu.wait_dma2 semaphore(%run_scoped3A : memref<!tpu.dma_semaphore, #tpu.memory_space<semaphore_mem>>) src(%dma_wait3A_111 : memref<128xi32, #tpu.memory_space<hbm>>) dst(%arg10 : memref<128xi32, #tpu.memory_space<vmem>>)
        tpu.yield
      }) : () -> ()
      %dma_start3A_99 = arith.constant 0 : i32
      %dma_start3A_100 = arith.constant 0 : i32
      %dma_start3A_101 = tpu.memref_slice %arg2[%dma_start3A_99, %dma_start3A_100] : memref<20480x128xf32, #tpu.memory_space<hbm>> -> memref<20480x128xf32, #tpu.memory_space<hbm>>
      tpu.enqueue_indirect_dma source(%dma_start3A_101 : memref<20480x128xf32, #tpu.memory_space<hbm>>) target(%arg13 : memref<128x128xf32, #tpu.memory_space<vmem>>) offsets(%arg9 : memref<128xi32, #tpu.memory_space<vmem>>) semaphore(%arg15 : memref<!tpu.dma_semaphore, #tpu.memory_space<semaphore_mem>>)
      %dma_wait3A_102 = arith.constant 0 : i32
      %dma_wait3A_103 = arith.constant 0 : i32
      %dma_wait3A_104 = tpu.memref_slice %arg2[%dma_wait3A_102, %dma_wait3A_103] : memref<20480x128xf32, #tpu.memory_space<hbm>> -> memref<20480x128xf32, #tpu.memory_space<hbm>>
      tpu.wait_indirect_dma semaphore(%arg16 : memref<!tpu.dma_semaphore, #tpu.memory_space<semaphore_mem>>) src(%dma_wait3A_104 : memref<20480x128xf32, #tpu.memory_space<hbm>>) dst(%arg14 : memref<128x128xf32, #tpu.memory_space<vmem>>)
      %dma_start3A_105 = arith.constant 0 : i32
      %dma_start3A_106 = arith.constant 0 : i32
      %dma_start3A_107 = tpu.memref_slice %arg8[%dma_start3A_105, %dma_start3A_106] : memref<10240x128xf32, #tpu.memory_space<vmem_shared>> -> memref<10240x128xf32, #tpu.memory_space<vmem_shared>>
      tpu.enqueue_indirect_dma source(%arg14 : memref<128x128xf32, #tpu.memory_space<vmem>>) target(%dma_start3A_107 : memref<10240x128xf32, #tpu.memory_space<vmem_shared>>) offsets(%arg12 : memref<128xi32, #tpu.memory_space<vmem>>) semaphore(%arg18 : memref<!tpu.dma_semaphore, #tpu.memory_space<semaphore_mem>>) {add = true}
    }
    %scan3A_38 = arith.constant 80 : i32
    %dma_wait3A = arith.constant 0 : i32
    %dma_wait3A_39 = arith.constant 0 : i32
    %dma_wait3A_40 = tpu.memref_slice %arg2[%dma_wait3A, %dma_wait3A_39] : memref<20480x128xf32, #tpu.memory_space<hbm>> -> memref<20480x128xf32, #tpu.memory_space<hbm>>
    tpu.wait_indirect_dma semaphore(%arg15 : memref<!tpu.dma_semaphore, #tpu.memory_space<semaphore_mem>>) src(%dma_wait3A_40 : memref<20480x128xf32, #tpu.memory_space<hbm>>) dst(%arg13 : memref<128x128xf32, #tpu.memory_space<vmem>>)
    %dma_wait3A_41 = arith.constant 0 : i32
    %dma_wait3A_42 = arith.constant 0 : i32
    %dma_wait3A_43 = tpu.memref_slice %arg8[%dma_wait3A_41, %dma_wait3A_42] : memref<10240x128xf32, #tpu.memory_space<vmem_shared>> -> memref<10240x128xf32, #tpu.memory_space<vmem_shared>>
    tpu.wait_indirect_dma semaphore(%arg18 : memref<!tpu.dma_semaphore, #tpu.memory_space<semaphore_mem>>) src(%arg14 : memref<128x128xf32, #tpu.memory_space<vmem>>) dst(%dma_wait3A_43 : memref<10240x128xf32, #tpu.memory_space<vmem_shared>>)
    %barrier3A_44 = arith.constant 0 : index
    tpu.barrier barrier_id(%barrier3A_44)
    %mul3A_45 = arith.constant 640 : i32
    %mul3A_46 = arith.muli %arg1, %mul3A_45 : i32
    %add3A_47 = arith.constant 0 : i32
    %add3A_48 = arith.addi %mul3A_46, %add3A_47 : i32
    "tpu.region"() ({
      %run_scoped3A = tpu.sem_alloc : memref<!tpu.dma_semaphore, #tpu.memory_space<semaphore_mem>>
      %dma_start3A_70 = arith.constant 0 : i32
      %dma_start3A_71 = tpu.memref_slice %arg8[%add3A_48, %dma_start3A_70] : memref<10240x128xf32, #tpu.memory_space<vmem_shared>> -> memref<128x128xf32, #tpu.memory_space<vmem_shared>>
      %dma_start3A_72 = arith.constant 0 : i32
      %dma_start3A_73 = tpu.memref_slice %arg8[%add3A_48, %dma_start3A_72] : memref<10240x128xf32, #tpu.memory_space<vmem_shared>> -> memref<128x128xf32, #tpu.memory_space<vmem_shared>>
      tpu.enqueue_dma source(%dma_start3A_73 : memref<128x128xf32, #tpu.memory_space<vmem_shared>>) target(%arg13 : memref<128x128xf32, #tpu.memory_space<vmem>>) target_semaphore(%run_scoped3A : memref<!tpu.dma_semaphore, #tpu.memory_space<semaphore_mem>>)
      %dma_wait3A_74 = arith.constant 0 : i32
      %dma_wait3A_75 = tpu.memref_slice %arg8[%add3A_48, %dma_wait3A_74] : memref<10240x128xf32, #tpu.memory_space<vmem_shared>> -> memref<128x128xf32, #tpu.memory_space<vmem_shared>>
      %dma_wait3A_76 = arith.constant 0 : i32
      %dma_wait3A_77 = tpu.memref_slice %arg8[%add3A_48, %dma_wait3A_76] : memref<10240x128xf32, #tpu.memory_space<vmem_shared>> -> memref<128x128xf32, #tpu.memory_space<vmem_shared>>
      tpu.wait_dma2 semaphore(%run_scoped3A : memref<!tpu.dma_semaphore, #tpu.memory_space<semaphore_mem>>) src(%dma_wait3A_77 : memref<128x128xf32, #tpu.memory_space<vmem_shared>>) dst(%arg13 : memref<128x128xf32, #tpu.memory_space<vmem>>)
      tpu.yield
    }) : () -> ()
    %add3A_49 = arith.addi %mul3A_24, %add3A_48 : i32
    "tpu.region"() ({
      %run_scoped3A = tpu.sem_alloc : memref<!tpu.dma_semaphore, #tpu.memory_space<semaphore_mem>>
      %dma_start3A_70 = arith.constant 0 : i32
      %dma_start3A_71 = tpu.memref_slice %arg7[%add3A_49, %dma_start3A_70] : memref<20480x128xf32, #tpu.memory_space<hbm>> -> memref<128x128xf32, #tpu.memory_space<hbm>>
      %dma_start3A_72 = arith.constant 0 : i32
      %dma_start3A_73 = tpu.memref_slice %arg7[%add3A_49, %dma_start3A_72] : memref<20480x128xf32, #tpu.memory_space<hbm>> -> memref<128x128xf32, #tpu.memory_space<hbm>>
      tpu.enqueue_dma source(%arg13 : memref<128x128xf32, #tpu.memory_space<vmem>>) target(%dma_start3A_73 : memref<128x128xf32, #tpu.memory_space<hbm>>) target_semaphore(%run_scoped3A : memref<!tpu.dma_semaphore, #tpu.memory_space<semaphore_mem>>)
      %dma_wait3A_74 = arith.constant 0 : i32
      %dma_wait3A_75 = tpu.memref_slice %arg7[%add3A_49, %dma_wait3A_74] : memref<20480x128xf32, #tpu.memory_space<hbm>> -> memref<128x128xf32, #tpu.memory_space<hbm>>
      %dma_wait3A_76 = arith.constant 0 : i32
      %dma_wait3A_77 = tpu.memref_slice %arg7[%add3A_49, %dma_wait3A_76] : memref<20480x128xf32, #tpu.memory_space<hbm>> -> memref<128x128xf32, #tpu.memory_space<hbm>>
      tpu.wait_dma2 semaphore(%run_scoped3A : memref<!tpu.dma_semaphore, #tpu.memory_space<semaphore_mem>>) src(%arg13 : memref<128x128xf32, #tpu.memory_space<vmem>>) dst(%dma_wait3A_77 : memref<128x128xf32, #tpu.memory_space<hbm>>)
      tpu.yield
    }) : () -> ()
    %mul3A_50 = arith.constant 640 : i32
    %mul3A_51 = arith.muli %arg1, %mul3A_50 : i32
    %add3A_52 = arith.constant 128 : i32
    %add3A_53 = arith.addi %mul3A_51, %add3A_52 : i32
    "tpu.region"() ({
      %run_scoped3A = tpu.sem_alloc : memref<!tpu.dma_semaphore, #tpu.memory_space<semaphore_mem>>
      %dma_start3A_70 = arith.constant 0 : i32
      %dma_start3A_71 = tpu.memref_slice %arg8[%add3A_53, %dma_start3A_70] : memref<10240x128xf32, #tpu.memory_space<vmem_shared>> -> memref<128x128xf32, #tpu.memory_space<vmem_shared>>
      %dma_start3A_72 = arith.constant 0 : i32
      %dma_start3A_73 = tpu.memref_slice %arg8[%add3A_53, %dma_start3A_72] : memref<10240x128xf32, #tpu.memory_space<vmem_shared>> -> memref<128x128xf32, #tpu.memory_space<vmem_shared>>
      tpu.enqueue_dma source(%dma_start3A_73 : memref<128x128xf32, #tpu.memory_space<vmem_shared>>) target(%arg13 : memref<128x128xf32, #tpu.memory_space<vmem>>) target_semaphore(%run_scoped3A : memref<!tpu.dma_semaphore, #tpu.memory_space<semaphore_mem>>)
      %dma_wait3A_74 = arith.constant 0 : i32
      %dma_wait3A_75 = tpu.memref_slice %arg8[%add3A_53, %dma_wait3A_74] : memref<10240x128xf32, #tpu.memory_space<vmem_shared>> -> memref<128x128xf32, #tpu.memory_space<vmem_shared>>
      %dma_wait3A_76 = arith.constant 0 : i32
      %dma_wait3A_77 = tpu.memref_slice %arg8[%add3A_53, %dma_wait3A_76] : memref<10240x128xf32, #tpu.memory_space<vmem_shared>> -> memref<128x128xf32, #tpu.memory_space<vmem_shared>>
      tpu.wait_dma2 semaphore(%run_scoped3A : memref<!tpu.dma_semaphore, #tpu.memory_space<semaphore_mem>>) src(%dma_wait3A_77 : memref<128x128xf32, #tpu.memory_space<vmem_shared>>) dst(%arg13 : memref<128x128xf32, #tpu.memory_space<vmem>>)
      tpu.yield
    }) : () -> ()
    %add3A_54 = arith.addi %mul3A_24, %add3A_53 : i32
    "tpu.region"() ({
      %run_scoped3A = tpu.sem_alloc : memref<!tpu.dma_semaphore, #tpu.memory_space<semaphore_mem>>
      %dma_start3A_70 = arith.constant 0 : i32
      %dma_start3A_71 = tpu.memref_slice %arg7[%add3A_54, %dma_start3A_70] : memref<20480x128xf32, #tpu.memory_space<hbm>> -> memref<128x128xf32, #tpu.memory_space<hbm>>
      %dma_start3A_72 = arith.constant 0 : i32
      %dma_start3A_73 = tpu.memref_slice %arg7[%add3A_54, %dma_start3A_72] : memref<20480x128xf32, #tpu.memory_space<hbm>> -> memref<128x128xf32, #tpu.memory_space<hbm>>
      tpu.enqueue_dma source(%arg13 : memref<128x128xf32, #tpu.memory_space<vmem>>) target(%dma_start3A_73 : memref<128x128xf32, #tpu.memory_space<hbm>>) target_semaphore(%run_scoped3A : memref<!tpu.dma_semaphore, #tpu.memory_space<semaphore_mem>>)
      %dma_wait3A_74 = arith.constant 0 : i32
      %dma_wait3A_75 = tpu.memref_slice %arg7[%add3A_54, %dma_wait3A_74] : memref<20480x128xf32, #tpu.memory_space<hbm>> -> memref<128x128xf32, #tpu.memory_space<hbm>>
      %dma_wait3A_76 = arith.constant 0 : i32
      %dma_wait3A_77 = tpu.memref_slice %arg7[%add3A_54, %dma_wait3A_76] : memref<20480x128xf32, #tpu.memory_space<hbm>> -> memref<128x128xf32, #tpu.memory_space<hbm>>
      tpu.wait_dma2 semaphore(%run_scoped3A : memref<!tpu.dma_semaphore, #tpu.memory_space<semaphore_mem>>) src(%arg13 : memref<128x128xf32, #tpu.memory_space<vmem>>) dst(%dma_wait3A_77 : memref<128x128xf32, #tpu.memory_space<hbm>>)
      tpu.yield
    }) : () -> ()
    %mul3A_55 = arith.constant 640 : i32
    %mul3A_56 = arith.muli %arg1, %mul3A_55 : i32
    %add3A_57 = arith.constant 256 : i32
    %add3A_58 = arith.addi %mul3A_56, %add3A_57 : i32
    "tpu.region"() ({
      %run_scoped3A = tpu.sem_alloc : memref<!tpu.dma_semaphore, #tpu.memory_space<semaphore_mem>>
      %dma_start3A_70 = arith.constant 0 : i32
      %dma_start3A_71 = tpu.memref_slice %arg8[%add3A_58, %dma_start3A_70] : memref<10240x128xf32, #tpu.memory_space<vmem_shared>> -> memref<128x128xf32, #tpu.memory_space<vmem_shared>>
      %dma_start3A_72 = arith.constant 0 : i32
      %dma_start3A_73 = tpu.memref_slice %arg8[%add3A_58, %dma_start3A_72] : memref<10240x128xf32, #tpu.memory_space<vmem_shared>> -> memref<128x128xf32, #tpu.memory_space<vmem_shared>>
      tpu.enqueue_dma source(%dma_start3A_73 : memref<128x128xf32, #tpu.memory_space<vmem_shared>>) target(%arg13 : memref<128x128xf32, #tpu.memory_space<vmem>>) target_semaphore(%run_scoped3A : memref<!tpu.dma_semaphore, #tpu.memory_space<semaphore_mem>>)
      %dma_wait3A_74 = arith.constant 0 : i32
      %dma_wait3A_75 = tpu.memref_slice %arg8[%add3A_58, %dma_wait3A_74] : memref<10240x128xf32, #tpu.memory_space<vmem_shared>> -> memref<128x128xf32, #tpu.memory_space<vmem_shared>>
      %dma_wait3A_76 = arith.constant 0 : i32
      %dma_wait3A_77 = tpu.memref_slice %arg8[%add3A_58, %dma_wait3A_76] : memref<10240x128xf32, #tpu.memory_space<vmem_shared>> -> memref<128x128xf32, #tpu.memory_space<vmem_shared>>
      tpu.wait_dma2 semaphore(%run_scoped3A : memref<!tpu.dma_semaphore, #tpu.memory_space<semaphore_mem>>) src(%dma_wait3A_77 : memref<128x128xf32, #tpu.memory_space<vmem_shared>>) dst(%arg13 : memref<128x128xf32, #tpu.memory_space<vmem>>)
      tpu.yield
    }) : () -> ()
    %add3A_59 = arith.addi %mul3A_24, %add3A_58 : i32
    "tpu.region"() ({
      %run_scoped3A = tpu.sem_alloc : memref<!tpu.dma_semaphore, #tpu.memory_space<semaphore_mem>>
      %dma_start3A_70 = arith.constant 0 : i32
      %dma_start3A_71 = tpu.memref_slice %arg7[%add3A_59, %dma_start3A_70] : memref<20480x128xf32, #tpu.memory_space<hbm>> -> memref<128x128xf32, #tpu.memory_space<hbm>>
      %dma_start3A_72 = arith.constant 0 : i32
      %dma_start3A_73 = tpu.memref_slice %arg7[%add3A_59, %dma_start3A_72] : memref<20480x128xf32, #tpu.memory_space<hbm>> -> memref<128x128xf32, #tpu.memory_space<hbm>>
      tpu.enqueue_dma source(%arg13 : memref<128x128xf32, #tpu.memory_space<vmem>>) target(%dma_start3A_73 : memref<128x128xf32, #tpu.memory_space<hbm>>) target_semaphore(%run_scoped3A : memref<!tpu.dma_semaphore, #tpu.memory_space<semaphore_mem>>)
      %dma_wait3A_74 = arith.constant 0 : i32
      %dma_wait3A_75 = tpu.memref_slice %arg7[%add3A_59, %dma_wait3A_74] : memref<20480x128xf32, #tpu.memory_space<hbm>> -> memref<128x128xf32, #tpu.memory_space<hbm>>
      %dma_wait3A_76 = arith.constant 0 : i32
      %dma_wait3A_77 = tpu.memref_slice %arg7[%add3A_59, %dma_wait3A_76] : memref<20480x128xf32, #tpu.memory_space<hbm>> -> memref<128x128xf32, #tpu.memory_space<hbm>>
      tpu.wait_dma2 semaphore(%run_scoped3A : memref<!tpu.dma_semaphore, #tpu.memory_space<semaphore_mem>>) src(%arg13 : memref<128x128xf32, #tpu.memory_space<vmem>>) dst(%dma_wait3A_77 : memref<128x128xf32, #tpu.memory_space<hbm>>)
      tpu.yield
    }) : () -> ()
    %mul3A_60 = arith.constant 640 : i32
    %mul3A_61 = arith.muli %arg1, %mul3A_60 : i32
    %add3A_62 = arith.constant 384 : i32
    %add3A_63 = arith.addi %mul3A_61, %add3A_62 : i32
    "tpu.region"() ({
      %run_scoped3A = tpu.sem_alloc : memref<!tpu.dma_semaphore, #tpu.memory_space<semaphore_mem>>
      %dma_start3A_70 = arith.constant 0 : i32
      %dma_start3A_71 = tpu.memref_slice %arg8[%add3A_63, %dma_start3A_70] : memref<10240x128xf32, #tpu.memory_space<vmem_shared>> -> memref<128x128xf32, #tpu.memory_space<vmem_shared>>
      %dma_start3A_72 = arith.constant 0 : i32
      %dma_start3A_73 = tpu.memref_slice %arg8[%add3A_63, %dma_start3A_72] : memref<10240x128xf32, #tpu.memory_space<vmem_shared>> -> memref<128x128xf32, #tpu.memory_space<vmem_shared>>
      tpu.enqueue_dma source(%dma_start3A_73 : memref<128x128xf32, #tpu.memory_space<vmem_shared>>) target(%arg13 : memref<128x128xf32, #tpu.memory_space<vmem>>) target_semaphore(%run_scoped3A : memref<!tpu.dma_semaphore, #tpu.memory_space<semaphore_mem>>)
      %dma_wait3A_74 = arith.constant 0 : i32
      %dma_wait3A_75 = tpu.memref_slice %arg8[%add3A_63, %dma_wait3A_74] : memref<10240x128xf32, #tpu.memory_space<vmem_shared>> -> memref<128x128xf32, #tpu.memory_space<vmem_shared>>
      %dma_wait3A_76 = arith.constant 0 : i32
      %dma_wait3A_77 = tpu.memref_slice %arg8[%add3A_63, %dma_wait3A_76] : memref<10240x128xf32, #tpu.memory_space<vmem_shared>> -> memref<128x128xf32, #tpu.memory_space<vmem_shared>>
      tpu.wait_dma2 semaphore(%run_scoped3A : memref<!tpu.dma_semaphore, #tpu.memory_space<semaphore_mem>>) src(%dma_wait3A_77 : memref<128x128xf32, #tpu.memory_space<vmem_shared>>) dst(%arg13 : memref<128x128xf32, #tpu.memory_space<vmem>>)
      tpu.yield
    }) : () -> ()
    %add3A_64 = arith.addi %mul3A_24, %add3A_63 : i32
    "tpu.region"() ({
      %run_scoped3A = tpu.sem_alloc : memref<!tpu.dma_semaphore, #tpu.memory_space<semaphore_mem>>
      %dma_start3A_70 = arith.constant 0 : i32
      %dma_start3A_71 = tpu.memref_slice %arg7[%add3A_64, %dma_start3A_70] : memref<20480x128xf32, #tpu.memory_space<hbm>> -> memref<128x128xf32, #tpu.memory_space<hbm>>
      %dma_start3A_72 = arith.constant 0 : i32
      %dma_start3A_73 = tpu.memref_slice %arg7[%add3A_64, %dma_start3A_72] : memref<20480x128xf32, #tpu.memory_space<hbm>> -> memref<128x128xf32, #tpu.memory_space<hbm>>
      tpu.enqueue_dma source(%arg13 : memref<128x128xf32, #tpu.memory_space<vmem>>) target(%dma_start3A_73 : memref<128x128xf32, #tpu.memory_space<hbm>>) target_semaphore(%run_scoped3A : memref<!tpu.dma_semaphore, #tpu.memory_space<semaphore_mem>>)
      %dma_wait3A_74 = arith.constant 0 : i32
      %dma_wait3A_75 = tpu.memref_slice %arg7[%add3A_64, %dma_wait3A_74] : memref<20480x128xf32, #tpu.memory_space<hbm>> -> memref<128x128xf32, #tpu.memory_space<hbm>>
      %dma_wait3A_76 = arith.constant 0 : i32
      %dma_wait3A_77 = tpu.memref_slice %arg7[%add3A_64, %dma_wait3A_76] : memref<20480x128xf32, #tpu.memory_space<hbm>> -> memref<128x128xf32, #tpu.memory_space<hbm>>
      tpu.wait_dma2 semaphore(%run_scoped3A : memref<!tpu.dma_semaphore, #tpu.memory_space<semaphore_mem>>) src(%arg13 : memref<128x128xf32, #tpu.memory_space<vmem>>) dst(%dma_wait3A_77 : memref<128x128xf32, #tpu.memory_space<hbm>>)
      tpu.yield
    }) : () -> ()
    %mul3A_65 = arith.constant 640 : i32
    %mul3A_66 = arith.muli %arg1, %mul3A_65 : i32
    %add3A_67 = arith.constant 512 : i32
    %add3A_68 = arith.addi %mul3A_66, %add3A_67 : i32
    "tpu.region"() ({
      %run_scoped3A = tpu.sem_alloc : memref<!tpu.dma_semaphore, #tpu.memory_space<semaphore_mem>>
      %dma_start3A_70 = arith.constant 0 : i32
      %dma_start3A_71 = tpu.memref_slice %arg8[%add3A_68, %dma_start3A_70] : memref<10240x128xf32, #tpu.memory_space<vmem_shared>> -> memref<128x128xf32, #tpu.memory_space<vmem_shared>>
      %dma_start3A_72 = arith.constant 0 : i32
      %dma_start3A_73 = tpu.memref_slice %arg8[%add3A_68, %dma_start3A_72] : memref<10240x128xf32, #tpu.memory_space<vmem_shared>> -> memref<128x128xf32, #tpu.memory_space<vmem_shared>>
      tpu.enqueue_dma source(%dma_start3A_73 : memref<128x128xf32, #tpu.memory_space<vmem_shared>>) target(%arg13 : memref<128x128xf32, #tpu.memory_space<vmem>>) target_semaphore(%run_scoped3A : memref<!tpu.dma_semaphore, #tpu.memory_space<semaphore_mem>>)
      %dma_wait3A_74 = arith.constant 0 : i32
      %dma_wait3A_75 = tpu.memref_slice %arg8[%add3A_68, %dma_wait3A_74] : memref<10240x128xf32, #tpu.memory_space<vmem_shared>> -> memref<128x128xf32, #tpu.memory_space<vmem_shared>>
      %dma_wait3A_76 = arith.constant 0 : i32
      %dma_wait3A_77 = tpu.memref_slice %arg8[%add3A_68, %dma_wait3A_76] : memref<10240x128xf32, #tpu.memory_space<vmem_shared>> -> memref<128x128xf32, #tpu.memory_space<vmem_shared>>
      tpu.wait_dma2 semaphore(%run_scoped3A : memref<!tpu.dma_semaphore, #tpu.memory_space<semaphore_mem>>) src(%dma_wait3A_77 : memref<128x128xf32, #tpu.memory_space<vmem_shared>>) dst(%arg13 : memref<128x128xf32, #tpu.memory_space<vmem>>)
      tpu.yield
    }) : () -> ()
    %add3A_69 = arith.addi %mul3A_24, %add3A_68 : i32
    "tpu.region"() ({
      %run_scoped3A = tpu.sem_alloc : memref<!tpu.dma_semaphore, #tpu.memory_space<semaphore_mem>>
      %dma_start3A_70 = arith.constant 0 : i32
      %dma_start3A_71 = tpu.memref_slice %arg7[%add3A_69, %dma_start3A_70] : memref<20480x128xf32, #tpu.memory_space<hbm>> -> memref<128x128xf32, #tpu.memory_space<hbm>>
      %dma_start3A_72 = arith.constant 0 : i32
      %dma_start3A_73 = tpu.memref_slice %arg7[%add3A_69, %dma_start3A_72] : memref<20480x128xf32, #tpu.memory_space<hbm>> -> memref<128x128xf32, #tpu.memory_space<hbm>>
      tpu.enqueue_dma source(%arg13 : memref<128x128xf32, #tpu.memory_space<vmem>>) target(%dma_start3A_73 : memref<128x128xf32, #tpu.memory_space<hbm>>) target_semaphore(%run_scoped3A : memref<!tpu.dma_semaphore, #tpu.memory_space<semaphore_mem>>)
      %dma_wait3A_74 = arith.constant 0 : i32
      %dma_wait3A_75 = tpu.memref_slice %arg7[%add3A_69, %dma_wait3A_74] : memref<20480x128xf32, #tpu.memory_space<hbm>> -> memref<128x128xf32, #tpu.memory_space<hbm>>
      %dma_wait3A_76 = arith.constant 0 : i32
      %dma_wait3A_77 = tpu.memref_slice %arg7[%add3A_69, %dma_wait3A_76] : memref<20480x128xf32, #tpu.memory_space<hbm>> -> memref<128x128xf32, #tpu.memory_space<hbm>>
      tpu.wait_dma2 semaphore(%run_scoped3A : memref<!tpu.dma_semaphore, #tpu.memory_space<semaphore_mem>>) src(%arg13 : memref<128x128xf32, #tpu.memory_space<vmem>>) dst(%dma_wait3A_77 : memref<128x128xf32, #tpu.memory_space<hbm>>)
      tpu.yield
    }) : () -> ()
    return
  }
}

module attributes {stable_mosaic.version = 14 : i64} {
  func.func @_enc_body(%arg0: i32, %arg1: memref<400x8xf32, #tpu.memory_space<vmem>>, %arg2: memref<8x128xf32, #tpu.memory_space<vmem>>, %arg3: memref<1x128xf32, #tpu.memory_space<vmem>>, %arg4: memref<400x128xf32, #tpu.memory_space<vmem>>, %arg5: memref<400x24xf32, #tpu.memory_space<vmem>>, %arg6: memref<24x128xf32, #tpu.memory_space<vmem>>, %arg7: memref<1x128xf32, #tpu.memory_space<vmem>>, %arg8: memref<400x128xf32, #tpu.memory_space<vmem>>, %arg9: memref<128x128xf32, #tpu.memory_space<vmem>>, %arg10: memref<128x128xf32, #tpu.memory_space<vmem>>, %arg11: memref<400x128xf32, #tpu.memory_space<vmem>>, %arg12: memref<400x128xf32, #tpu.memory_space<vmem>>, %arg13: memref<400x128xf32, #tpu.memory_space<vmem>>, %arg14: memref<400x128xf32, #tpu.memory_space<vmem>>) attributes {dimension_semantics = [#tpu.dimension_semantics<arbitrary>], iteration_bounds = array<i64: 25>, scalar_prefetch = 0 : i64, scratch_operands = 0 : i64, tpu.core_type = #tpu.core_type<tc>, window_params = [{transform_indices = @transform_0, window_bounds = array<i64: 400, 8>}, {pipeline_mode = #tpu.pipeline_mode<synchronous>, transform_indices = @transform_1, window_bounds = array<i64: 8, 128>}, {pipeline_mode = #tpu.pipeline_mode<synchronous>, transform_indices = @transform_2, window_bounds = array<i64: 1, 128>}, {transform_indices = @transform_3, window_bounds = array<i64: 400, 128>}, {transform_indices = @transform_4, window_bounds = array<i64: 400, 24>}, {pipeline_mode = #tpu.pipeline_mode<synchronous>, transform_indices = @transform_5, window_bounds = array<i64: 24, 128>}, {pipeline_mode = #tpu.pipeline_mode<synchronous>, transform_indices = @transform_6, window_bounds = array<i64: 1, 128>}, {transform_indices = @transform_7, window_bounds = array<i64: 400, 128>}, {pipeline_mode = #tpu.pipeline_mode<synchronous>, transform_indices = @transform_8, window_bounds = array<i64: 128, 128>}, {pipeline_mode = #tpu.pipeline_mode<synchronous>, transform_indices = @transform_9, window_bounds = array<i64: 128, 128>}, {transform_indices = @transform_10, window_bounds = array<i64: 400, 128>}, {transform_indices = @transform_11, window_bounds = array<i64: 400, 128>}, {transform_indices = @transform_12, window_bounds = array<i64: 400, 128>}, {transform_indices = @transform_13, window_bounds = array<i64: 400, 128>}]} {
    %get3A = arith.constant 0 : index
    %get3A_0 = arith.constant 0 : index
    %get3A_1 = vector.load %arg1[%get3A, %get3A_0] : memref<400x8xf32, #tpu.memory_space<vmem>>, vector<400x8xf32>
    %get3A_2 = arith.constant 0 : index
    %get3A_3 = arith.constant 0 : index
    %get3A_4 = vector.load %arg2[%get3A_2, %get3A_3] : memref<8x128xf32, #tpu.memory_space<vmem>>, vector<8x128xf32>
    %dot_general3A = arith.constant dense<0.000000e+00> : vector<400x128xf32>
    %dot_general3A_5 = tpu.matmul %get3A_1, %get3A_4, %dot_general3A {dimension_numbers = #tpu.dot_dimension_numbers<[1], [0], [0], [1], [0, 0, 1, 1], [], []>, transpose_lhs_hint = false} : vector<400x8xf32>, vector<8x128xf32>, vector<400x128xf32> -> vector<400x128xf32>
    %get3A_6 = arith.constant 0 : index
    %get3A_7 = arith.constant 0 : index
    %get3A_8 = vector.load %arg3[%get3A_6, %get3A_7] : memref<1x128xf32, #tpu.memory_space<vmem>>, vector<1x128xf32>
    %add3A = vector.broadcast %get3A_8 : vector<1x128xf32> to vector<400x128xf32>
    %add3A_9 = arith.addf %dot_general3A_5, %add3A : vector<400x128xf32>
    %get3A_10 = arith.constant 0 : index
    %get3A_11 = arith.constant 0 : index
    %get3A_12 = vector.load %arg4[%get3A_10, %get3A_11] : memref<400x128xf32, #tpu.memory_space<vmem>>, vector<400x128xf32>
    %add3A_13 = arith.addf %add3A_9, %get3A_12 : vector<400x128xf32>
    %get3A_14 = arith.constant 0 : index
    %get3A_15 = arith.constant 0 : index
    %get3A_16 = vector.load %arg5[%get3A_14, %get3A_15] : memref<400x24xf32, #tpu.memory_space<vmem>>, vector<400x24xf32>
    %get3A_17 = arith.constant 0 : index
    %get3A_18 = arith.constant 0 : index
    %get3A_19 = vector.load %arg6[%get3A_17, %get3A_18] : memref<24x128xf32, #tpu.memory_space<vmem>>, vector<24x128xf32>
    %dot_general3A_20 = arith.constant dense<0.000000e+00> : vector<400x128xf32>
    %dot_general3A_21 = tpu.matmul %get3A_16, %get3A_19, %dot_general3A_20 {dimension_numbers = #tpu.dot_dimension_numbers<[1], [0], [0], [1], [0, 0, 1, 1], [], []>, transpose_lhs_hint = false} : vector<400x24xf32>, vector<24x128xf32>, vector<400x128xf32> -> vector<400x128xf32>
    %get3A_22 = arith.constant 0 : index
    %get3A_23 = arith.constant 0 : index
    %get3A_24 = vector.load %arg7[%get3A_22, %get3A_23] : memref<1x128xf32, #tpu.memory_space<vmem>>, vector<1x128xf32>
    %add3A_25 = vector.broadcast %get3A_24 : vector<1x128xf32> to vector<400x128xf32>
    %add3A_26 = arith.addf %dot_general3A_21, %add3A_25 : vector<400x128xf32>
    %get3A_27 = arith.constant 0 : index
    %get3A_28 = arith.constant 0 : index
    %get3A_29 = vector.load %arg8[%get3A_27, %get3A_28] : memref<400x128xf32, #tpu.memory_space<vmem>>, vector<400x128xf32>
    %add3A_30 = arith.addf %add3A_26, %get3A_29 : vector<400x128xf32>
    %swap3A = arith.constant 0 : index
    %swap3A_31 = arith.constant 0 : index
    %swap3A_32 = vector.load %arg11[%swap3A, %swap3A_31] : memref<400x128xf32, #tpu.memory_space<vmem>>, vector<400x128xf32>
    tpu.vector_store %arg11[%swap3A, %swap3A_31], %add3A_13 {strides = array<i32>} : memref<400x128xf32, #tpu.memory_space<vmem>>, vector<400x128xf32>,
    %swap3A_33 = arith.constant 0 : index
    %swap3A_34 = arith.constant 0 : index
    %swap3A_35 = vector.load %arg12[%swap3A_33, %swap3A_34] : memref<400x128xf32, #tpu.memory_space<vmem>>, vector<400x128xf32>
    tpu.vector_store %arg12[%swap3A_33, %swap3A_34], %add3A_30 {strides = array<i32>} : memref<400x128xf32, #tpu.memory_space<vmem>>, vector<400x128xf32>,
    %get3A_36 = arith.constant 0 : index
    %get3A_37 = arith.constant 0 : index
    %get3A_38 = vector.load %arg9[%get3A_36, %get3A_37] : memref<128x128xf32, #tpu.memory_space<vmem>>, vector<128x128xf32>
    %dot_general3A_39 = arith.constant dense<0.000000e+00> : vector<400x128xf32>
    %dot_general3A_40 = tpu.matmul %add3A_13, %get3A_38, %dot_general3A_39 {dimension_numbers = #tpu.dot_dimension_numbers<[1], [0], [0], [1], [0, 0, 1, 1], [], []>, transpose_lhs_hint = false} : vector<400x128xf32>, vector<128x128xf32>, vector<400x128xf32> -> vector<400x128xf32>
    %swap3A_41 = arith.constant 0 : index
    %swap3A_42 = arith.constant 0 : index
    %swap3A_43 = vector.load %arg13[%swap3A_41, %swap3A_42] : memref<400x128xf32, #tpu.memory_space<vmem>>, vector<400x128xf32>
    tpu.vector_store %arg13[%swap3A_41, %swap3A_42], %dot_general3A_40 {strides = array<i32>} : memref<400x128xf32, #tpu.memory_space<vmem>>, vector<400x128xf32>,
    %get3A_44 = arith.constant 0 : index
    %get3A_45 = arith.constant 0 : index
    %get3A_46 = vector.load %arg10[%get3A_44, %get3A_45] : memref<128x128xf32, #tpu.memory_space<vmem>>, vector<128x128xf32>
    %dot_general3A_47 = arith.constant dense<0.000000e+00> : vector<400x128xf32>
    %dot_general3A_48 = tpu.matmul %add3A_30, %get3A_46, %dot_general3A_47 {dimension_numbers = #tpu.dot_dimension_numbers<[1], [0], [0], [1], [0, 0, 1, 1], [], []>, transpose_lhs_hint = false} : vector<400x128xf32>, vector<128x128xf32>, vector<400x128xf32> -> vector<400x128xf32>
    %swap3A_49 = arith.constant 0 : index
    %swap3A_50 = arith.constant 0 : index
    %swap3A_51 = vector.load %arg14[%swap3A_49, %swap3A_50] : memref<400x128xf32, #tpu.memory_space<vmem>>, vector<400x128xf32>
    tpu.vector_store %arg14[%swap3A_49, %swap3A_50], %dot_general3A_48 {strides = array<i32>} : memref<400x128xf32, #tpu.memory_space<vmem>>, vector<400x128xf32>,
    return
  }
  func.func @transform_0(%arg0: i32) -> (i32, i32) {
    %c0_i32 = arith.constant 0 : i32
    %c0_i32_0 = arith.constant 0 : i32
    return %arg0, %c0_i32 : i32, i32
  }
  func.func @transform_1(%arg0: i32) -> (i32, i32) {
    %c0_i32 = arith.constant 0 : i32
    %c0_i32_0 = arith.constant 0 : i32
    %c0_i32_1 = arith.constant 0 : i32
    return %c0_i32, %c0_i32_0 : i32, i32
  }
  func.func @transform_2(%arg0: i32) -> (i32, i32) {
    %c0_i32 = arith.constant 0 : i32
    %c0_i32_0 = arith.constant 0 : i32
    %c0_i32_1 = arith.constant 0 : i32
    return %c0_i32, %c0_i32_0 : i32, i32
  }
  func.func @transform_3(%arg0: i32) -> (i32, i32) {
    %c0_i32 = arith.constant 0 : i32
    %c0_i32_0 = arith.constant 0 : i32
    return %arg0, %c0_i32 : i32, i32
  }
  func.func @transform_4(%arg0: i32) -> (i32, i32) {
    %c0_i32 = arith.constant 0 : i32
    %c0_i32_0 = arith.constant 0 : i32
    return %arg0, %c0_i32 : i32, i32
  }
  func.func @transform_5(%arg0: i32) -> (i32, i32) {
    %c0_i32 = arith.constant 0 : i32
    %c0_i32_0 = arith.constant 0 : i32
    %c0_i32_1 = arith.constant 0 : i32
    return %c0_i32, %c0_i32_0 : i32, i32
  }
  func.func @transform_6(%arg0: i32) -> (i32, i32) {
    %c0_i32 = arith.constant 0 : i32
    %c0_i32_0 = arith.constant 0 : i32
    %c0_i32_1 = arith.constant 0 : i32
    return %c0_i32, %c0_i32_0 : i32, i32
  }
  func.func @transform_7(%arg0: i32) -> (i32, i32) {
    %c0_i32 = arith.constant 0 : i32
    %c0_i32_0 = arith.constant 0 : i32
    return %arg0, %c0_i32 : i32, i32
  }
  func.func @transform_8(%arg0: i32) -> (i32, i32) {
    %c0_i32 = arith.constant 0 : i32
    %c0_i32_0 = arith.constant 0 : i32
    %c0_i32_1 = arith.constant 0 : i32
    return %c0_i32, %c0_i32_0 : i32, i32
  }
  func.func @transform_9(%arg0: i32) -> (i32, i32) {
    %c0_i32 = arith.constant 0 : i32
    %c0_i32_0 = arith.constant 0 : i32
    %c0_i32_1 = arith.constant 0 : i32
    return %c0_i32, %c0_i32_0 : i32, i32
  }
  func.func @transform_10(%arg0: i32) -> (i32, i32) {
    %c0_i32 = arith.constant 0 : i32
    %c0_i32_0 = arith.constant 0 : i32
    return %arg0, %c0_i32 : i32, i32
  }
  func.func @transform_11(%arg0: i32) -> (i32, i32) {
    %c0_i32 = arith.constant 0 : i32
    %c0_i32_0 = arith.constant 0 : i32
    return %arg0, %c0_i32 : i32, i32
  }
  func.func @transform_12(%arg0: i32) -> (i32, i32) {
    %c0_i32 = arith.constant 0 : i32
    %c0_i32_0 = arith.constant 0 : i32
    return %arg0, %c0_i32 : i32, i32
  }
  func.func @transform_13(%arg0: i32) -> (i32, i32) {
    %c0_i32 = arith.constant 0 : i32
    %c0_i32_0 = arith.constant 0 : i32
    return %arg0, %c0_i32 : i32, i32
  }
}

module attributes {stable_mosaic.version = 14 : i64} {
  func.func @_comb1_body(%arg0: i32, %arg1: memref<400x128xf32, #tpu.memory_space<vmem>>, %arg2: memref<400x1xf32, #tpu.memory_space<vmem>>, %arg3: memref<400x128xf32, #tpu.memory_space<vmem>>, %arg4: memref<1x128xf32, #tpu.memory_space<vmem>>, %arg5: memref<128x128xf32, #tpu.memory_space<vmem>>, %arg6: memref<400x128xf32, #tpu.memory_space<vmem>>, %arg7: memref<400x1xf32, #tpu.memory_space<vmem>>, %arg8: memref<400x128xf32, #tpu.memory_space<vmem>>, %arg9: memref<1x128xf32, #tpu.memory_space<vmem>>, %arg10: memref<128x128xf32, #tpu.memory_space<vmem>>, %arg11: memref<128x128xf32, #tpu.memory_space<vmem>>, %arg12: memref<128x128xf32, #tpu.memory_space<vmem>>, %arg13: memref<400x128xf32, #tpu.memory_space<vmem>>, %arg14: memref<400x128xf32, #tpu.memory_space<vmem>>, %arg15: memref<400x128xf32, #tpu.memory_space<vmem>>, %arg16: memref<400x128xf32, #tpu.memory_space<vmem>>) attributes {dimension_semantics = [#tpu.dimension_semantics<arbitrary>], iteration_bounds = array<i64: 25>, scalar_prefetch = 0 : i64, scratch_operands = 0 : i64, tpu.core_type = #tpu.core_type<tc>, window_params = [{transform_indices = @transform_0, window_bounds = array<i64: 400, 128>}, {transform_indices = @transform_1, window_bounds = array<i64: 400, 1>}, {transform_indices = @transform_2, window_bounds = array<i64: 400, 128>}, {pipeline_mode = #tpu.pipeline_mode<synchronous>, transform_indices = @transform_3, window_bounds = array<i64: 1, 128>}, {pipeline_mode = #tpu.pipeline_mode<synchronous>, transform_indices = @transform_4, window_bounds = array<i64: 128, 128>}, {transform_indices = @transform_5, window_bounds = array<i64: 400, 128>}, {transform_indices = @transform_6, window_bounds = array<i64: 400, 1>}, {transform_indices = @transform_7, window_bounds = array<i64: 400, 128>}, {pipeline_mode = #tpu.pipeline_mode<synchronous>, transform_indices = @transform_8, window_bounds = array<i64: 1, 128>}, {pipeline_mode = #tpu.pipeline_mode<synchronous>, transform_indices = @transform_9, window_bounds = array<i64: 128, 128>}, {pipeline_mode = #tpu.pipeline_mode<synchronous>, transform_indices = @transform_10, window_bounds = array<i64: 128, 128>}, {pipeline_mode = #tpu.pipeline_mode<synchronous>, transform_indices = @transform_11, window_bounds = array<i64: 128, 128>}, {transform_indices = @transform_12, window_bounds = array<i64: 400, 128>}, {transform_indices = @transform_13, window_bounds = array<i64: 400, 128>}, {transform_indices = @transform_14, window_bounds = array<i64: 400, 128>}, {transform_indices = @transform_15, window_bounds = array<i64: 400, 128>}]} {
    %get3A = arith.constant 0 : index
    %get3A_0 = arith.constant 0 : index
    %get3A_1 = vector.load %arg1[%get3A, %get3A_0] : memref<400x128xf32, #tpu.memory_space<vmem>>, vector<400x128xf32>
    %get3A_2 = arith.constant 0 : index
    %get3A_3 = arith.constant 0 : index
    %get3A_4 = vector.load %arg2[%get3A_2, %get3A_3] : memref<400x1xf32, #tpu.memory_space<vmem>>, vector<400x1xf32>
    %max3A = arith.constant 1.000000e+00 : f32
    %max3A_5 = vector.broadcast %max3A : f32 to vector<400x1xf32>
    %max3A_6 = arith.maximumf %get3A_4, %max3A_5 : vector<400x1xf32>
    %div3A = vector.broadcast %max3A_6 : vector<400x1xf32> to vector<400x128xf32>
    %div3A_7 = arith.divf %get3A_1, %div3A : vector<400x128xf32>
    %get3A_8 = arith.constant 0 : index
    %get3A_9 = arith.constant 0 : index
    %get3A_10 = vector.load %arg4[%get3A_8, %get3A_9] : memref<1x128xf32, #tpu.memory_space<vmem>>, vector<1x128xf32>
    %add3A = vector.broadcast %get3A_10 : vector<1x128xf32> to vector<400x128xf32>
    %add3A_11 = arith.addf %div3A_7, %add3A : vector<400x128xf32>
    %get3A_12 = arith.constant 0 : index
    %get3A_13 = arith.constant 0 : index
    %get3A_14 = vector.load %arg3[%get3A_12, %get3A_13] : memref<400x128xf32, #tpu.memory_space<vmem>>, vector<400x128xf32>
    %get3A_15 = arith.constant 0 : index
    %get3A_16 = arith.constant 0 : index
    %get3A_17 = vector.load %arg5[%get3A_15, %get3A_16] : memref<128x128xf32, #tpu.memory_space<vmem>>, vector<128x128xf32>
    %dot_general3A = arith.constant dense<0.000000e+00> : vector<400x128xf32>
    %dot_general3A_18 = tpu.matmul %get3A_14, %get3A_17, %dot_general3A {dimension_numbers = #tpu.dot_dimension_numbers<[1], [0], [0], [1], [0, 0, 1, 1], [], []>, transpose_lhs_hint = false} : vector<400x128xf32>, vector<128x128xf32>, vector<400x128xf32> -> vector<400x128xf32>
    %add3A_19 = arith.addf %add3A_11, %dot_general3A_18 : vector<400x128xf32>
    %max3A_20 = arith.constant 0.000000e+00 : f32
    %max3A_21 = vector.broadcast %max3A_20 : f32 to vector<400x128xf32>
    %max3A_22 = arith.maximumf %add3A_19, %max3A_21 : vector<400x128xf32>
    %get3A_23 = arith.constant 0 : index
    %get3A_24 = arith.constant 0 : index
    %get3A_25 = vector.load %arg6[%get3A_23, %get3A_24] : memref<400x128xf32, #tpu.memory_space<vmem>>, vector<400x128xf32>
    %get3A_26 = arith.constant 0 : index
    %get3A_27 = arith.constant 0 : index
    %get3A_28 = vector.load %arg7[%get3A_26, %get3A_27] : memref<400x1xf32, #tpu.memory_space<vmem>>, vector<400x1xf32>
    %max3A_29 = arith.constant 1.000000e+00 : f32
    %max3A_30 = vector.broadcast %max3A_29 : f32 to vector<400x1xf32>
    %max3A_31 = arith.maximumf %get3A_28, %max3A_30 : vector<400x1xf32>
    %div3A_32 = vector.broadcast %max3A_31 : vector<400x1xf32> to vector<400x128xf32>
    %div3A_33 = arith.divf %get3A_25, %div3A_32 : vector<400x128xf32>
    %get3A_34 = arith.constant 0 : index
    %get3A_35 = arith.constant 0 : index
    %get3A_36 = vector.load %arg9[%get3A_34, %get3A_35] : memref<1x128xf32, #tpu.memory_space<vmem>>, vector<1x128xf32>
    %add3A_37 = vector.broadcast %get3A_36 : vector<1x128xf32> to vector<400x128xf32>
    %add3A_38 = arith.addf %div3A_33, %add3A_37 : vector<400x128xf32>
    %get3A_39 = arith.constant 0 : index
    %get3A_40 = arith.constant 0 : index
    %get3A_41 = vector.load %arg8[%get3A_39, %get3A_40] : memref<400x128xf32, #tpu.memory_space<vmem>>, vector<400x128xf32>
    %get3A_42 = arith.constant 0 : index
    %get3A_43 = arith.constant 0 : index
    %get3A_44 = vector.load %arg10[%get3A_42, %get3A_43] : memref<128x128xf32, #tpu.memory_space<vmem>>, vector<128x128xf32>
    %dot_general3A_45 = arith.constant dense<0.000000e+00> : vector<400x128xf32>
    %dot_general3A_46 = tpu.matmul %get3A_41, %get3A_44, %dot_general3A_45 {dimension_numbers = #tpu.dot_dimension_numbers<[1], [0], [0], [1], [0, 0, 1, 1], [], []>, transpose_lhs_hint = false} : vector<400x128xf32>, vector<128x128xf32>, vector<400x128xf32> -> vector<400x128xf32>
    %add3A_47 = arith.addf %add3A_38, %dot_general3A_46 : vector<400x128xf32>
    %max3A_48 = arith.constant 0.000000e+00 : f32
    %max3A_49 = vector.broadcast %max3A_48 : f32 to vector<400x128xf32>
    %max3A_50 = arith.maximumf %add3A_47, %max3A_49 : vector<400x128xf32>
    %swap3A = arith.constant 0 : index
    %swap3A_51 = arith.constant 0 : index
    %swap3A_52 = vector.load %arg13[%swap3A, %swap3A_51] : memref<400x128xf32, #tpu.memory_space<vmem>>, vector<400x128xf32>
    tpu.vector_store %arg13[%swap3A, %swap3A_51], %max3A_50 {strides = array<i32>} : memref<400x128xf32, #tpu.memory_space<vmem>>, vector<400x128xf32>,
    %swap3A_53 = arith.constant 0 : index
    %swap3A_54 = arith.constant 0 : index
    %swap3A_55 = vector.load %arg14[%swap3A_53, %swap3A_54] : memref<400x128xf32, #tpu.memory_space<vmem>>, vector<400x128xf32>
    tpu.vector_store %arg14[%swap3A_53, %swap3A_54], %max3A_22 {strides = array<i32>} : memref<400x128xf32, #tpu.memory_space<vmem>>, vector<400x128xf32>,
    %get3A_56 = arith.constant 0 : index
    %get3A_57 = arith.constant 0 : index
    %get3A_58 = vector.load %arg11[%get3A_56, %get3A_57] : memref<128x128xf32, #tpu.memory_space<vmem>>, vector<128x128xf32>
    %dot_general3A_59 = arith.constant dense<0.000000e+00> : vector<400x128xf32>
    %dot_general3A_60 = tpu.matmul %max3A_50, %get3A_58, %dot_general3A_59 {dimension_numbers = #tpu.dot_dimension_numbers<[1], [0], [0], [1], [0, 0, 1, 1], [], []>, transpose_lhs_hint = false} : vector<400x128xf32>, vector<128x128xf32>, vector<400x128xf32> -> vector<400x128xf32>
    %swap3A_61 = arith.constant 0 : index
    %swap3A_62 = arith.constant 0 : index
    %swap3A_63 = vector.load %arg15[%swap3A_61, %swap3A_62] : memref<400x128xf32, #tpu.memory_space<vmem>>, vector<400x128xf32>
    tpu.vector_store %arg15[%swap3A_61, %swap3A_62], %dot_general3A_60 {strides = array<i32>} : memref<400x128xf32, #tpu.memory_space<vmem>>, vector<400x128xf32>,
    %get3A_64 = arith.constant 0 : index
    %get3A_65 = arith.constant 0 : index
    %get3A_66 = vector.load %arg12[%get3A_64, %get3A_65] : memref<128x128xf32, #tpu.memory_space<vmem>>, vector<128x128xf32>
    %dot_general3A_67 = arith.constant dense<0.000000e+00> : vector<400x128xf32>
    %dot_general3A_68 = tpu.matmul %max3A_22, %get3A_66, %dot_general3A_67 {dimension_numbers = #tpu.dot_dimension_numbers<[1], [0], [0], [1], [0, 0, 1, 1], [], []>, transpose_lhs_hint = false} : vector<400x128xf32>, vector<128x128xf32>, vector<400x128xf32> -> vector<400x128xf32>
    %swap3A_69 = arith.constant 0 : index
    %swap3A_70 = arith.constant 0 : index
    %swap3A_71 = vector.load %arg16[%swap3A_69, %swap3A_70] : memref<400x128xf32, #tpu.memory_space<vmem>>, vector<400x128xf32>
    tpu.vector_store %arg16[%swap3A_69, %swap3A_70], %dot_general3A_68 {strides = array<i32>} : memref<400x128xf32, #tpu.memory_space<vmem>>, vector<400x128xf32>,
    return
  }
  func.func @transform_0(%arg0: i32) -> (i32, i32) {
    %c0_i32 = arith.constant 0 : i32
    %c0_i32_0 = arith.constant 0 : i32
    return %arg0, %c0_i32 : i32, i32
  }
  func.func @transform_1(%arg0: i32) -> (i32, i32) {
    %c0_i32 = arith.constant 0 : i32
    %c0_i32_0 = arith.constant 0 : i32
    return %arg0, %c0_i32 : i32, i32
  }
  func.func @transform_2(%arg0: i32) -> (i32, i32) {
    %c0_i32 = arith.constant 0 : i32
    %c0_i32_0 = arith.constant 0 : i32
    return %arg0, %c0_i32 : i32, i32
  }
  func.func @transform_3(%arg0: i32) -> (i32, i32) {
    %c0_i32 = arith.constant 0 : i32
    %c0_i32_0 = arith.constant 0 : i32
    %c0_i32_1 = arith.constant 0 : i32
    return %c0_i32, %c0_i32_0 : i32, i32
  }
  func.func @transform_4(%arg0: i32) -> (i32, i32) {
    %c0_i32 = arith.constant 0 : i32
    %c0_i32_0 = arith.constant 0 : i32
    %c0_i32_1 = arith.constant 0 : i32
    return %c0_i32, %c0_i32_0 : i32, i32
  }
  func.func @transform_5(%arg0: i32) -> (i32, i32) {
    %c0_i32 = arith.constant 0 : i32
    %c0_i32_0 = arith.constant 0 : i32
    return %arg0, %c0_i32 : i32, i32
  }
  func.func @transform_6(%arg0: i32) -> (i32, i32) {
    %c0_i32 = arith.constant 0 : i32
    %c0_i32_0 = arith.constant 0 : i32
    return %arg0, %c0_i32 : i32, i32
  }
  func.func @transform_7(%arg0: i32) -> (i32, i32) {
    %c0_i32 = arith.constant 0 : i32
    %c0_i32_0 = arith.constant 0 : i32
    return %arg0, %c0_i32 : i32, i32
  }
  func.func @transform_8(%arg0: i32) -> (i32, i32) {
    %c0_i32 = arith.constant 0 : i32
    %c0_i32_0 = arith.constant 0 : i32
    %c0_i32_1 = arith.constant 0 : i32
    return %c0_i32, %c0_i32_0 : i32, i32
  }
  func.func @transform_9(%arg0: i32) -> (i32, i32) {
    %c0_i32 = arith.constant 0 : i32
    %c0_i32_0 = arith.constant 0 : i32
    %c0_i32_1 = arith.constant 0 : i32
    return %c0_i32, %c0_i32_0 : i32, i32
  }
  func.func @transform_10(%arg0: i32) -> (i32, i32) {
    %c0_i32 = arith.constant 0 : i32
    %c0_i32_0 = arith.constant 0 : i32
    %c0_i32_1 = arith.constant 0 : i32
    return %c0_i32, %c0_i32_0 : i32, i32
  }
  func.func @transform_11(%arg0: i32) -> (i32, i32) {
    %c0_i32 = arith.constant 0 : i32
    %c0_i32_0 = arith.constant 0 : i32
    %c0_i32_1 = arith.constant 0 : i32
    return %c0_i32, %c0_i32_0 : i32, i32
  }
  func.func @transform_12(%arg0: i32) -> (i32, i32) {
    %c0_i32 = arith.constant 0 : i32
    %c0_i32_0 = arith.constant 0 : i32
    return %arg0, %c0_i32 : i32, i32
  }
  func.func @transform_13(%arg0: i32) -> (i32, i32) {
    %c0_i32 = arith.constant 0 : i32
    %c0_i32_0 = arith.constant 0 : i32
    return %arg0, %c0_i32 : i32, i32
  }
  func.func @transform_14(%arg0: i32) -> (i32, i32) {
    %c0_i32 = arith.constant 0 : i32
    %c0_i32_0 = arith.constant 0 : i32
    return %arg0, %c0_i32 : i32, i32
  }
  func.func @transform_15(%arg0: i32) -> (i32, i32) {
    %c0_i32 = arith.constant 0 : i32
    %c0_i32_0 = arith.constant 0 : i32
    return %arg0, %c0_i32 : i32, i32
  }
}

module attributes {stable_mosaic.version = 14 : i64} {
  func.func @_comb2_body(%arg0: i32, %arg1: memref<400x128xf32, #tpu.memory_space<vmem>>, %arg2: memref<400x1xf32, #tpu.memory_space<vmem>>, %arg3: memref<400x128xf32, #tpu.memory_space<vmem>>, %arg4: memref<1x128xf32, #tpu.memory_space<vmem>>, %arg5: memref<128x128xf32, #tpu.memory_space<vmem>>, %arg6: memref<400x128xf32, #tpu.memory_space<vmem>>, %arg7: memref<400x1xf32, #tpu.memory_space<vmem>>, %arg8: memref<400x128xf32, #tpu.memory_space<vmem>>, %arg9: memref<1x128xf32, #tpu.memory_space<vmem>>, %arg10: memref<128x128xf32, #tpu.memory_space<vmem>>, %arg11: memref<400x128xf32, #tpu.memory_space<vmem>>, %arg12: memref<400x128xf32, #tpu.memory_space<vmem>>) attributes {dimension_semantics = [#tpu.dimension_semantics<arbitrary>], iteration_bounds = array<i64: 25>, scalar_prefetch = 0 : i64, scratch_operands = 0 : i64, tpu.core_type = #tpu.core_type<tc>, window_params = [{transform_indices = @transform_0, window_bounds = array<i64: 400, 128>}, {transform_indices = @transform_1, window_bounds = array<i64: 400, 1>}, {transform_indices = @transform_2, window_bounds = array<i64: 400, 128>}, {pipeline_mode = #tpu.pipeline_mode<synchronous>, transform_indices = @transform_3, window_bounds = array<i64: 1, 128>}, {pipeline_mode = #tpu.pipeline_mode<synchronous>, transform_indices = @transform_4, window_bounds = array<i64: 128, 128>}, {transform_indices = @transform_5, window_bounds = array<i64: 400, 128>}, {transform_indices = @transform_6, window_bounds = array<i64: 400, 1>}, {transform_indices = @transform_7, window_bounds = array<i64: 400, 128>}, {pipeline_mode = #tpu.pipeline_mode<synchronous>, transform_indices = @transform_8, window_bounds = array<i64: 1, 128>}, {pipeline_mode = #tpu.pipeline_mode<synchronous>, transform_indices = @transform_9, window_bounds = array<i64: 128, 128>}, {transform_indices = @transform_10, window_bounds = array<i64: 400, 128>}, {transform_indices = @transform_11, window_bounds = array<i64: 400, 128>}]} {
    %get3A = arith.constant 0 : index
    %get3A_0 = arith.constant 0 : index
    %get3A_1 = vector.load %arg1[%get3A, %get3A_0] : memref<400x128xf32, #tpu.memory_space<vmem>>, vector<400x128xf32>
    %get3A_2 = arith.constant 0 : index
    %get3A_3 = arith.constant 0 : index
    %get3A_4 = vector.load %arg2[%get3A_2, %get3A_3] : memref<400x1xf32, #tpu.memory_space<vmem>>, vector<400x1xf32>
    %max3A = arith.constant 1.000000e+00 : f32
    %max3A_5 = vector.broadcast %max3A : f32 to vector<400x1xf32>
    %max3A_6 = arith.maximumf %get3A_4, %max3A_5 : vector<400x1xf32>
    %div3A = vector.broadcast %max3A_6 : vector<400x1xf32> to vector<400x128xf32>
    %div3A_7 = arith.divf %get3A_1, %div3A : vector<400x128xf32>
    %get3A_8 = arith.constant 0 : index
    %get3A_9 = arith.constant 0 : index
    %get3A_10 = vector.load %arg4[%get3A_8, %get3A_9] : memref<1x128xf32, #tpu.memory_space<vmem>>, vector<1x128xf32>
    %add3A = vector.broadcast %get3A_10 : vector<1x128xf32> to vector<400x128xf32>
    %add3A_11 = arith.addf %div3A_7, %add3A : vector<400x128xf32>
    %get3A_12 = arith.constant 0 : index
    %get3A_13 = arith.constant 0 : index
    %get3A_14 = vector.load %arg3[%get3A_12, %get3A_13] : memref<400x128xf32, #tpu.memory_space<vmem>>, vector<400x128xf32>
    %get3A_15 = arith.constant 0 : index
    %get3A_16 = arith.constant 0 : index
    %get3A_17 = vector.load %arg5[%get3A_15, %get3A_16] : memref<128x128xf32, #tpu.memory_space<vmem>>, vector<128x128xf32>
    %dot_general3A = arith.constant dense<0.000000e+00> : vector<400x128xf32>
    %dot_general3A_18 = tpu.matmul %get3A_14, %get3A_17, %dot_general3A {dimension_numbers = #tpu.dot_dimension_numbers<[1], [0], [0], [1], [0, 0, 1, 1], [], []>, transpose_lhs_hint = false} : vector<400x128xf32>, vector<128x128xf32>, vector<400x128xf32> -> vector<400x128xf32>
    %add3A_19 = arith.addf %add3A_11, %dot_general3A_18 : vector<400x128xf32>
    %swap3A = arith.constant 0 : index
    %swap3A_20 = arith.constant 0 : index
    %swap3A_21 = vector.load %arg12[%swap3A, %swap3A_20] : memref<400x128xf32, #tpu.memory_space<vmem>>, vector<400x128xf32>
    tpu.vector_store %arg12[%swap3A, %swap3A_20], %add3A_19 {strides = array<i32>} : memref<400x128xf32, #tpu.memory_space<vmem>>, vector<400x128xf32>,
    %get3A_22 = arith.constant 0 : index
    %get3A_23 = arith.constant 0 : index
    %get3A_24 = vector.load %arg6[%get3A_22, %get3A_23] : memref<400x128xf32, #tpu.memory_space<vmem>>, vector<400x128xf32>
    %get3A_25 = arith.constant 0 : index
    %get3A_26 = arith.constant 0 : index
    %get3A_27 = vector.load %arg7[%get3A_25, %get3A_26] : memref<400x1xf32, #tpu.memory_space<vmem>>, vector<400x1xf32>
    %max3A_28 = arith.constant 1.000000e+00 : f32
    %max3A_29 = vector.broadcast %max3A_28 : f32 to vector<400x1xf32>
    %max3A_30 = arith.maximumf %get3A_27, %max3A_29 : vector<400x1xf32>
    %div3A_31 = vector.broadcast %max3A_30 : vector<400x1xf32> to vector<400x128xf32>
    %div3A_32 = arith.divf %get3A_24, %div3A_31 : vector<400x128xf32>
    %get3A_33 = arith.constant 0 : index
    %get3A_34 = arith.constant 0 : index
    %get3A_35 = vector.load %arg9[%get3A_33, %get3A_34] : memref<1x128xf32, #tpu.memory_space<vmem>>, vector<1x128xf32>
    %add3A_36 = vector.broadcast %get3A_35 : vector<1x128xf32> to vector<400x128xf32>
    %add3A_37 = arith.addf %div3A_32, %add3A_36 : vector<400x128xf32>
    %get3A_38 = arith.constant 0 : index
    %get3A_39 = arith.constant 0 : index
    %get3A_40 = vector.load %arg8[%get3A_38, %get3A_39] : memref<400x128xf32, #tpu.memory_space<vmem>>, vector<400x128xf32>
    %get3A_41 = arith.constant 0 : index
    %get3A_42 = arith.constant 0 : index
    %get3A_43 = vector.load %arg10[%get3A_41, %get3A_42] : memref<128x128xf32, #tpu.memory_space<vmem>>, vector<128x128xf32>
    %dot_general3A_44 = arith.constant dense<0.000000e+00> : vector<400x128xf32>
    %dot_general3A_45 = tpu.matmul %get3A_40, %get3A_43, %dot_general3A_44 {dimension_numbers = #tpu.dot_dimension_numbers<[1], [0], [0], [1], [0, 0, 1, 1], [], []>, transpose_lhs_hint = false} : vector<400x128xf32>, vector<128x128xf32>, vector<400x128xf32> -> vector<400x128xf32>
    %add3A_46 = arith.addf %add3A_37, %dot_general3A_45 : vector<400x128xf32>
    %swap3A_47 = arith.constant 0 : index
    %swap3A_48 = arith.constant 0 : index
    %swap3A_49 = vector.load %arg11[%swap3A_47, %swap3A_48] : memref<400x128xf32, #tpu.memory_space<vmem>>, vector<400x128xf32>
    tpu.vector_store %arg11[%swap3A_47, %swap3A_48], %add3A_46 {strides = array<i32>} : memref<400x128xf32, #tpu.memory_space<vmem>>, vector<400x128xf32>,
    return
  }
  func.func @transform_0(%arg0: i32) -> (i32, i32) {
    %c0_i32 = arith.constant 0 : i32
    %c0_i32_0 = arith.constant 0 : i32
    return %arg0, %c0_i32 : i32, i32
  }
  func.func @transform_1(%arg0: i32) -> (i32, i32) {
    %c0_i32 = arith.constant 0 : i32
    %c0_i32_0 = arith.constant 0 : i32
    return %arg0, %c0_i32 : i32, i32
  }
  func.func @transform_2(%arg0: i32) -> (i32, i32) {
    %c0_i32 = arith.constant 0 : i32
    %c0_i32_0 = arith.constant 0 : i32
    return %arg0, %c0_i32 : i32, i32
  }
  func.func @transform_3(%arg0: i32) -> (i32, i32) {
    %c0_i32 = arith.constant 0 : i32
    %c0_i32_0 = arith.constant 0 : i32
    %c0_i32_1 = arith.constant 0 : i32
    return %c0_i32, %c0_i32_0 : i32, i32
  }
  func.func @transform_4(%arg0: i32) -> (i32, i32) {
    %c0_i32 = arith.constant 0 : i32
    %c0_i32_0 = arith.constant 0 : i32
    %c0_i32_1 = arith.constant 0 : i32
    return %c0_i32, %c0_i32_0 : i32, i32
  }
  func.func @transform_5(%arg0: i32) -> (i32, i32) {
    %c0_i32 = arith.constant 0 : i32
    %c0_i32_0 = arith.constant 0 : i32
    return %arg0, %c0_i32 : i32, i32
  }
  func.func @transform_6(%arg0: i32) -> (i32, i32) {
    %c0_i32 = arith.constant 0 : i32
    %c0_i32_0 = arith.constant 0 : i32
    return %arg0, %c0_i32 : i32, i32
  }
  func.func @transform_7(%arg0: i32) -> (i32, i32) {
    %c0_i32 = arith.constant 0 : i32
    %c0_i32_0 = arith.constant 0 : i32
    return %arg0, %c0_i32 : i32, i32
  }
  func.func @transform_8(%arg0: i32) -> (i32, i32) {
    %c0_i32 = arith.constant 0 : i32
    %c0_i32_0 = arith.constant 0 : i32
    %c0_i32_1 = arith.constant 0 : i32
    return %c0_i32, %c0_i32_0 : i32, i32
  }
  func.func @transform_9(%arg0: i32) -> (i32, i32) {
    %c0_i32 = arith.constant 0 : i32
    %c0_i32_0 = arith.constant 0 : i32
    %c0_i32_1 = arith.constant 0 : i32
    return %c0_i32, %c0_i32_0 : i32, i32
  }
  func.func @transform_10(%arg0: i32) -> (i32, i32) {
    %c0_i32 = arith.constant 0 : i32
    %c0_i32_0 = arith.constant 0 : i32
    return %arg0, %c0_i32 : i32, i32
  }
  func.func @transform_11(%arg0: i32) -> (i32, i32) {
    %c0_i32 = arith.constant 0 : i32
    %c0_i32_0 = arith.constant 0 : i32
    return %arg0, %c0_i32 : i32, i32
  }
}

</mosaic_0001>

<sc_bundles>
// kernel: kernel.11.cloned.1.call-start
scs
__scs_entry_jumppad:
0x0: {  	(pc) =	sbr.rel $0x88, $3  }
0x1: {  	(tag) =	ssettag $0x0;
	lr =	simm.s32 $0x1  }
0x2: {  	[smem:$0x3F8B] =	sst lr;
	_ =	strace $0xD0000000  }
0x3: {  	_ = 	snop  }
0x4: {  	_ = 	snop  }
0x5: {  	_ = 	snop  }
0x6: {  	_ = 	snop  }
0x7: {  	_ = 	snop  }
__scs_overlays_trampoline_lowered:
0x8: {  	[smem:$0x3F9A] =	sst s0  }
0x9: {  	[smem:$0x3F9B] =	sst s1  }
0xa: {  	[smem:$0x3F9C] =	sst s2  }
0xb: {  	[smem:$0x3F9D] =	sst s3  }
0xc: {  	[smem:$0x3F9E] =	sst s4  }
0xd: {  	[smem:$0x3F9F] =	sst s5  }
0xe: {  	[smem:$0x3FA0] =	sst s6  }
0xf: {  	[smem:$0x3FA1] =	sst s7  }
0x10: {  	[smem:$0x3FA2] =	sst s8  }
0x11: {  	[smem:$0x3FA3] =	sst s9;
	s0 =	simm.s32 @!p0 $0x0  }
0x12: {  	s1 =	sld [smem:$0x3F89];
	s0 =	simm.s32 @p0 $0x1  }
0x13: {  	[smem:$0x3FA4] =	sst s0;
	s0 =	simm.s32 @!p1 $0x0  }
0x14: {  	s2 =	sld [smem:$0x3F88];
	s0 =	simm.s32 @p1 $0x1  }
0x15: {  	[smem:$0x3FA5] =	sst s0;
	s0 =	simm.s32 @!p2 $0x0  }
0x16: {  	s3 =	sld [smem:$0x3FDB];
	s0 =	simm.s32 @p2 $0x1  }
0x17: {  	s4 =	simm.s32 $0x1BF5;
	[smem:$0x3FA7] =	sst s0  }
0x18: {  	s0 =	sld [smem:$0x3F8A];
	_ =	swait.ge [sflag:s4], $0x0  }
0x19: {  	s7 =	sld [smem:$0x3F8B]  }
0x1a: {  	s8 =	sadd.s32 $0xFFFFE003, lr  }
0x1b: {  	s9 =	sadd.s32 $0xFFFFFEF7, lr;
	s5 =	simm.s32 $0xFFFFFFFF;
	p2 =	slt.u32 s8, $0xFFFFF086  }
0x1c: {  	p1 =	slt.u32 s9, $0xF7A;
	s5 =	simm.s32 @!p2 $0x0  }
0x1d: {  	s5 =	simm.s32 @p1 $0x1;
	p0 =	seq.s32 s7, s2  }
0x1e: {  	s7 =	smul.u32 @!p0 $0xF7A, s2;
	p2 =	seq.s32 @!p0 s5, $0x0  }
0x1f: {  	s9 =	smul.u32 $0xF7A, s1;
	s8 =	simm.s32 @!p0 $0x1BF5;
	p2 =	por !p2, p0  }
0x20: {  	[sflag:s8] =	ssyncset.s32 @!p0 $0xFFFFF086;
	s6 =	sadd.s32 @!p0 s3, s7;
	s7 =	simm.s32 @!p0 $0x108  }
0x21: {  	s3 =	sadd.s32 s3, s9;
	s6 =	sadd.s32 @!p0 $0x88, s6;
	s7 =	simm.s32 @p2 $0x1082  }
0x22: {  	[simem:s7], [sflag:s8] =	dma.local @!p0 [hbm:s6], $0xF7A  }
0x23: {  	s9 =	sor.u32 $0xD0000000, s2;
	s6 =	simm.s32 $0x108;
	_ =	swait.ge @!p0 [sflag:s8], $0x0  }
0x24: {  	s3 =	sadd.s32 $0x88, s3;
	s6 =	simm.s32 @!p1 $0x1082;
	[sflag:s4] =	ssyncset.s32 $0xFFFFF086  }
0x25: {  	[simem:s6], [sflag:s4] =	dma.local [hbm:s3], $0xF7A  }
0x26: {  	[smem:$0x3F8B] =	sst s1;
	(tag) =	ssettag s2;
	_ =	strace s9  }
0x27: {  	s1 =	sld [smem:$0x3F9B]  }
0x28: {  	s2 =	sld [smem:$0x3F9C]  }
0x29: {  	s4 =	sld [smem:$0x3F9E]  }
0x2a: {  	p0 =	seq.s32 s5, $0x0;
	s5 =	sld [smem:$0x3F9F]  }
0x2b: {  	s6 =	sld [smem:$0x3FA0]  }
0x2c: {  	s7 =	sld [smem:$0x3FA1]  }
0x2d: {  	s3 =	simm.s32 $0x108;
	s8 =	sld [smem:$0x3FA2]  }
0x2e: {  	s3 =	simm.s32 @!p0 $0x1082;
	s9 =	sld [smem:$0x3FA3]  }
0x2f: {  	lr =	sadd.s32 s0, s3;
	s0 =	sld [smem:$0x3F9A]  }
0x30: {  	s3 =	sld [smem:$0x3F9D]  }
0x31: {  	[smem:$0x3FA6] =	sst s10  }
0x32: {  	s10 =	sld [smem:$0x3FA4];
	_ =	sdelay $0x3  }
0x33: {  	p0 =	seq.s32 s10, $0x1;
	s10 =	sld [smem:$0x3FA6];
	_ =	sdelay $0x3  }
0x34: {  	[smem:$0x3FA6] =	sst s10  }
0x35: {  	s10 =	sld [smem:$0x3FA5];
	_ =	sdelay $0x3  }
0x36: {  	p1 =	seq.s32 s10, $0x1;
	s10 =	sld [smem:$0x3FA6];
	_ =	sdelay $0x3  }
0x37: {  	[smem:$0x3FA6] =	sst s10  }
0x38: {  	s10 =	sld [smem:$0x3FA7]  }
0x39: {  	_ = 	snop;
	(pc) =	sbr.ind lr, $3  }
0x3a: {  	_ = 	snop  }
0x3b: {  	_ = 	snop  }
0x3c: {  	p2 =	seq.s32 s10, $0x1;
	s10 =	sld [smem:$0x3FA6]  }
0x3d: {  	_ =	shalt  }
0x3e: {  	_ =	shalt  }
0x3f: {  	_ =	shalt  }
0x40: {  	_ =	shalt  }
0x41: {  	_ =	shalt  }
0x42: {  	_ =	shalt  }
0x43: {  	_ =	shalt  }
0x44: {  	_ =	shalt  }
0x45: {  	_ =	shalt  }
0x46: {  	_ =	shalt  }
0x47: {  	_ =	shalt  }
0x48: {  	_ =	shalt  }
0x49: {  	_ =	shalt  }
0x4a: {  	_ =	shalt  }
0x4b: {  	_ =	shalt  }
0x4c: {  	_ =	shalt  }
0x4d: {  	_ =	shalt  }
0x4e: {  	_ =	shalt  }
0x4f: {  	_ =	shalt  }
0x50: {  	_ =	shalt  }
0x51: {  	_ =	shalt  }
0x52: {  	_ =	shalt  }
0x53: {  	_ =	shalt  }
0x54: {  	_ =	shalt  }
0x55: {  	_ =	shalt  }
0x56: {  	_ =	shalt  }
0x57: {  	_ =	shalt  }
0x58: {  	_ =	shalt  }
0x59: {  	_ =	shalt  }
0x5a: {  	_ =	shalt  }
0x5b: {  	_ =	shalt  }
0x5c: {  	_ =	shalt  }
0x5d: {  	_ =	shalt  }
0x5e: {  	_ =	shalt  }
0x5f: {  	_ =	shalt  }
0x60: {  	_ =	shalt  }
0x61: {  	_ =	shalt  }
0x62: {  	_ =	shalt  }
0x63: {  	_ =	shalt  }
0x64: {  	_ =	shalt  }
0x65: {  	_ =	shalt  }
0x66: {  	_ =	shalt  }
0x67: {  	_ =	shalt  }
0x68: {  	_ =	shalt  }
0x69: {  	_ =	shalt  }
0x6a: {  	_ =	shalt  }
0x6b: {  	_ =	shalt  }
0x6c: {  	_ =	shalt  }
0x6d: {  	_ =	shalt  }
0x6e: {  	_ =	shalt  }
0x6f: {  	_ =	shalt  }
0x70: {  	_ =	shalt  }
0x71: {  	_ =	shalt  }
0x72: {  	_ =	shalt  }
0x73: {  	_ =	shalt  }
0x74: {  	_ =	shalt  }
0x75: {  	_ =	shalt  }
0x76: {  	_ =	shalt  }
0x77: {  	_ =	shalt  }
0x78: {  	_ =	shalt  }
0x79: {  	_ =	shalt  }
0x7a: {  	_ =	shalt  }
0x7b: {  	_ =	shalt  }
0x7c: {  	_ =	shalt  }
0x7d: {  	_ =	shalt  }
0x7e: {  	_ =	shalt  }
0x7f: {  	_ =	shalt  }
0x80: {  	_ =	shalt  }
0x81: {  	_ =	shalt  }
0x82: {  	_ =	shalt  }
0x83: {  	_ =	shalt  }
0x84: {  	_ =	shalt  }
0x85: {  	_ =	shalt  }
0x86: {  	_ =	shalt  }
0x87: {  	_ =	shalt  }
.Lfunc_end0:
.L_simem_size_0:
called_computation.1_lowered:
.L_overlay_start_0:
0x88: {  	s2 =	sld [smem:$0x3FD9]  }
0x89: {  	s3 =	sld [smem:$0x3FFE];
	_ =	sdelay $0x1  }
0x8a: {  	s1 =	srdreg.scid  }
0x8b: {  	s0 =	sand.u32 $0x1, s1  }
0x8c: {  	s16 =	sshll.u32 s0, $0xA;
	s2 =	sadd.s32 s3, s2  }
0x8d: {  	s2 =	sadd.s32 s2, s16  }
0x8e: {  	[smem:$0x3FB2] =	sst s2  }
0x8f: {  	_ = 	snop  }
0x90: {  	(tm) =	ssettm $0x1  }
0x91: {  	s17 =	sld [smem:$0x3FFB];
	_ =	sdelay $0x3  }
0x92: {  	_ =	strace s17  }
0x93: {  	s2 =	sld [smem:$0x3FFC];
	_ =	sdelay $0x3  }
0x94: {  	_ =	strace s2  }
0x95: {  	s2 =	sld [smem:$0x3FFD];
	_ =	sdelay $0x3  }
0x96: {  	_ =	strace s2  }
0x97: {  	_ =	strace $0x8FFFFFFF  }
0x98: {  	s18 =	sld [smem:$0x3FDB];
	_ =	sdelay $0x1  }
0x99: {  	s19 =	simm.s32 $_scs_section_size  }
0x9a: {  	s4 =	simm.s32 $_size__tile_overlayer_lowered;
	s5 =	simm.s32 $_tile_overlayer_lowered  }
0x9b: {  	s22 =	simm.s32 $0x1BFF;
	s21 =	sshll.u32 s5, $0x1;
	s2 =	sadd.s32 s19, s18  }
0x9c: {  	s6 =	simm.s32 $0x0;
	s20 =	sshll.u32 s4, $0x1;
	s4 =	sadd.s32 s21, s2  }
0x9d: {  	[timem:s6], [sflag:s22] =	dma.local [hbm:s4], s20  }
0x9e: {  	_ =	swait.ge [sflag:s22], s20  }
0x9f: {  	s3 =	ssub.s32 $0x0, s20;
	[sflag:s22] =	ssyncset.done $0x0  }
0xa0: {  	[sflag:s22] =	ssyncadd.s32 s3;
	_ =	sdelay $0x1  }
0xa1: {  	s23 =	simm.s32 $0x1B8B  }
0xa2: {  	_ =	swait.ge [sflag:s23], $0x1  }
0xa3: {  	[sflag:s23] =	ssyncset.done $0x0  }
0xa4: {  	s25 =	simm.s32 $0x1B8E;
	s24 =	sld [smem:$0x3FFE];
	[sflag:s23] =	ssyncadd.s32 $0xFFFFFFFF  }
0xa5: {  	s26 =	simm.s32 $execute0_lowered;
	[smem:$0x3FD2] =	sst s25  }
0xa6: {  	s4 =	sshll.u32 s26, $0x1;
	_ =	strace $0x80000049;
	[dreg:$0x1] =	wrdreg $0xFFFFFFFF  }
0xa7: {  	s28 =	simm.s32 $_size_execute0_lowered;
	s2 =	sadd.s32 s2, s4;
	[dreg:$0x0] =	wrdreg $0x0  }
0xa8: {  	s4 =	sshll.u32 s28, $0x1;
	[dreg:$0x2] =	wrdreg s2  }
0xa9: {  	[dreg:$0x3] =	wrdreg s4  }
0xaa: {  	[dreg:$0x4] =	wrdreg $0xC0  }
0xab: {  	_ =	task [dreg:s6], $0x5FFFF  }
0xac: {  	[dreg:$0x1] =	wrdreg $0xFFFFFFFF  }
0xad: {  	[dreg:$0x0] =	wrdreg $0x60  }
0xae: {  	[dreg:$0x2] =	wrdreg s24  }
0xaf: {  	[dreg:$0x3] =	wrdreg $0x0  }
0xb0: {  	[dreg:$0x4] =	wrdreg $0x9  }
0xb1: {  	_ =	task.clear_ibuf [dreg:s6], $0x5FFFF;
	_ =	strace $0x90000049  }
0xb2: {  	s29 =	simm.s32 $0x9;
	_ =	strace $0x8000004B  }
0xb3: {  	_ =	swait.ge [sflag:s29], $0x1  }
0xb4: {  	[sflag:s29] =	ssyncadd.s32 $0xFFFFFFFF  }
0xb5: {  	_ =	strace $0x9000004B  }
0xb6: {  	_ =	sfence  }
0xb7: {  	s30 =	sld [smem:$0x0];
	_ =	sdelay $0x2  }
0xb8: {  	s31 =	sshll.u32 s1, $0xD;
	s1 =	sshrl.u32 s1, $0x2  }
0xb9: {  	s3 =	sand.u32 $0x4000, s31;
	s1 =	sadd.s32 s1, s30  }
0xba: {  	s0 =	sor.u32 s3, s0;
	s1 =	sshll.u32 s1, $0x11  }
0xbb: {  	s0 =	sor.u32 s1, s0  }
0xbc: {  	s0 =	sadd.s32 $0x8F2B, s0  }
0xbd: {  	[sflag:s0] =	ssyncadd.remote.s32 $0x1  }
0xbe: {  	_ =	sfence.sel $0xFFFF  }
0xbf: {  	[dreg:$0x0] =	wrdreg $0xFFFFFFFF;
	(pc) =	sbr.abs _section_cstart, $3  }
0xc0: {  	[dreg:$0x1] =	wrdreg $0xFFFFFFFF  }
0xc1: {  	_ =	task.clear_ibuf [dreg:s6], $0x2FFFF;
	_ =	strace $0x9FFFFFFF  }
0xc2: {  	(tm) =	ssettm $0x7FFFFFFF  }
0xc3: {  	_ =	shalt  }
tec
execute0_lowered:
.L_overlay_start_1:
0x0: {  	(tag) =	ssettag $0x1  }
0x1: {  	s0 =	rddreg [dreg:$0x0]  }
0x2: {  	s1 =	rddreg [dreg:$0x1];
	s3 =	simm.s32 $0x0  }
0x3: {  	s11 =	stileid.u32;
	s5 =	srdreg.scid;
	s28 =	simm.s32 $0x14000  }
0x4: {  	s29 =	simm.s32 $0x14080;
	s30 =	simm.s32 $0x80;
	s31 =	simm.s32 $0x18200  }
0x5: {  	[smem:$0x7FF] =	sst s3;
	s4 =	sadd.s32 $0xCB200, s0;
	s2 =	sadd.s32 $0xB6800, s0  }
0x6: {  	s12 =	smul.u32 $0x280, s11;
	s13 =	sadd.s32 $0xA2800, s0;
	s9 =	sand.u32 $0x1, s5  }
0x7: {  	s6 =	smul.u32 $0x50000, s11;
	s5 =	sadd.s32 $0xCA800, s0;
	s0 =	sadd.s32 $0x11B200, s0  }
0x8: {  	s11 =	smul.u32 $0x5000, s11;
	_ =	strace $0x8000004A;
	s7 =	ssub.s32 $0x2, s9  }
0x9: {  	s10 =	smul.u32 $0x50000, s9;
	s8 =	sshrl.u32 s7, $0x1;
	s6 =	sshrl.u32 s6, $0x2  }
0xa: {  	s14 =	sadd.s32 $0x80, s12;
	s16 =	sadd.s32 $0x100, s12;
	s17 =	sadd.s32 $0x180, s12  }
0xb: {  	s19 =	sadd.s32 $0x200, s12;
	s15 =	ssub.s32 s7, s8;
	s21 =	sshll.u32 s14, $0x7  }
0xc: {  	s22 =	sshll.u32 s16, $0x7;
	s18 =	sshll.u32 s17, $0x7;
	s20 =	sshll.u32 s19, $0x7  }
0xd: {  	s7 =	sadd.s32 s21, s1;
	s8 =	sadd.s32 s22, s1;
	s21 =	sadd.s32 s11, s10  }
0xe: {  	s22 =	smul.u32 $0x2800, s9;
	s9 =	sadd.s32 s18, s1;
	s18 =	sshrl.u32 s21, $0x3  }
0xf: {  	s6 =	sadd.s32 s6, s1;
	s10 =	sadd.s32 s20, s1;
	s11 =	sadd.s32 s2, s18  }
0x10: {  	s23 =	sadd.s32 s12, s22;
	s14 =	sadd.s32 s22, s14;
	s12 =	sadd.s32 s13, s18  }
0x11: {  	s24 =	sadd.s32 s22, s16;
	s25 =	sadd.s32 s22, s17;
	s26 =	sadd.s32 s22, s19  }
0x12: {  	s19 =	sadd.s32 $0x9F0, s18;
	s20 =	sshll.u32 s23, $0x4;
	s14 =	sshll.u32 s14, $0x4  }
0x13: {  	s16 =	sshll.u32 s25, $0x4;
	s17 =	sshll.u32 s26, $0x4;
	s22 =	sadd.s32 s2, s19  }
0x14: {  	s23 =	sor.u32 $0x100, s21;
	s20 =	sadd.s32 s0, s20;
	[dreg:$0x9] =	wrdreg s22  }
0x15: {  	s25 =	sor.u32 $0x80, s21;
	s14 =	sadd.s32 s0, s14;
	[dreg:$0x3] =	wrdreg s20  }
0x16: {  	s26 =	sshrl.u32 s25, $0x3;
	s25 =	simm.s32 $0x14200;
	[dreg:$0x4] =	wrdreg s14  }
0x17: {  	s14 =	sshll.u32 s24, $0x4;
	s20 =	smax.u32 s15, $0x1;
	s24 =	sshrl.u32 s23, $0x3  }
0x18: {  	s23 =	sadd.s32 s26, s13;
	s15 =	simm.s32 $0x3;
	s14 =	sadd.s32 s0, s14  }
0x19: {  	[dreg:$0x8] =	wrdreg s20;
	s21 =	sadd.s32 s24, s13;
	s22 =	sadd.s32 s24, s2  }
0x1a: {  	s24 =	sadd.s32 s26, s2;
	s26 =	simm.s32 $0x5;
	s2 =	simm.s32 $0x14180  }
0x1b: {  	[dreg:$0x5] =	wrdreg s14;
	s14 =	sadd.s32 s0, s16;
	s0 =	sadd.s32 s0, s17  }
0x1c: {  	s16 =	simm.s32 $0x2;
	s17 =	simm.s32 $0x0;
	[dreg:$0x6] =	wrdreg s14  }
0x1d: {  	[dreg:$0x7] =	wrdreg s0;
	s0 =	sadd.s32 s13, s19;
	s13 =	simm.s32 $0x4  }
0x1e: {  	s14 =	simm.s32 $0x1;
	[dreg:$0xa] =	wrdreg s0;
	s0 =	simm.s32 $0x14100  }
.LBB2_1:
0x1f: {  	[tilespmem:s25], [sflag:$0x5] =	stream.linear.gather [hbm4b:s5+s3], $0x4000, $0x38;
	[tilespmem:$0x1C200] =	vst v63  }
0x20: {  	_ =	swait.ge [sflag:s26], $0x4000  }
0x21: {  	[sflag:s26] =	ssyncset.done $0x0  }
0x22: {  	[sflag:s26] =	ssyncadd.s32 $0xFFFFC000  }
0x23: {  	[spmem:s6] =	stream.linear.scatter [tilespmem:s25], [sflag:$0x5], $0x4000, $0x38;
	[tilespmem:$0x1C200] =	vst v63  }
0x24: {  	_ =	swait.ge [sflag:s26], $0x4000  }
0x25: {  	[sflag:s26] =	ssyncset.done $0x0  }
0x26: {  	[sflag:s26] =	ssyncadd.s32 $0xFFFFC000  }
0x27: {  	[spmem:s7] =	stream.linear.scatter [tilespmem:s25], [sflag:$0x5], $0x4000, $0x38;
	[tilespmem:$0x1C200] =	vst v63  }
0x28: {  	_ =	swait.ge [sflag:s26], $0x4000  }
0x29: {  	[sflag:s26] =	ssyncset.done $0x0  }
0x2a: {  	[sflag:s26] =	ssyncadd.s32 $0xFFFFC000  }
0x2b: {  	[spmem:s8] =	stream.linear.scatter [tilespmem:s25], [sflag:$0x5], $0x4000, $0x38;
	[tilespmem:$0x1C200] =	vst v63  }
0x2c: {  	_ =	swait.ge [sflag:s26], $0x4000  }
0x2d: {  	[sflag:s26] =	ssyncset.done $0x0  }
0x2e: {  	[sflag:s26] =	ssyncadd.s32 $0xFFFFC000  }
0x2f: {  	[spmem:s9] =	stream.linear.scatter [tilespmem:s25], [sflag:$0x5], $0x4000, $0x38;
	[tilespmem:$0x1C200] =	vst v63  }
0x30: {  	_ =	swait.ge [sflag:s26], $0x4000  }
0x31: {  	[sflag:s26] =	ssyncset.done $0x0  }
0x32: {  	[sflag:s26] =	ssyncadd.s32 $0xFFFFC000  }
0x33: {  	[spmem:s10] =	stream.linear.scatter [tilespmem:s25], [sflag:$0x5], $0x4000, $0x38;
	[tilespmem:$0x1C200] =	vst v63  }
0x34: {  	_ =	swait.ge [sflag:s26], $0x4000  }
0x35: {  	[sflag:s26] =	ssyncset.done $0x0  }
0x36: {  	[sflag:s26] =	ssyncadd.s32 $0xFFFFC000  }
0x37: {  	[bflag:$0x0] =	sbarrier.arrive $0xFFFF  }
0x38: {  	[tilespmem:s28], [sflag:$0x5] =	stream.linear.gather [hbm4b:s11+s3], $0x80, $0x38;
	[tilespmem:$0x1C200] =	vst v63  }
0x39: {  	_ =	swait.ge [sflag:s26], $0x80  }
0x3a: {  	[sflag:s26] =	ssyncset.done $0x0  }
0x3b: {  	[sflag:s26] =	ssyncadd.s32 $0xFFFFFF80  }
0x3c: {  	[tilespmem:s29], [sflag:$0x5] =	stream.linear.gather [hbm4b:s12+s3], $0x80, $0x38;
	[tilespmem:$0x1C200] =	vst v63  }
0x3d: {  	_ =	swait.ge [sflag:s26], $0x80  }
0x3e: {  	[sflag:s26] =	ssyncset.done $0x0  }
0x3f: {  	[sflag:s26] =	ssyncadd.s32 $0xFFFFFF80  }
0x40: {  	[tilespmem:s25], [sflag:$0x1] =	stream.indirect.gather [hbm4b:s4+s30], $0x80, s28, s30, $0xb8;
	[tilespmem:$0x1C200] =	vst v63  }
0x41: {  	_ = 	snop  }
0x42: {  	[tilespmem:s31], [sflag:$0x5] =	stream.linear.gather [hbm4b:s5+s3], $0x4000, $0x38;
	[tilespmem:$0x1C200] =	vst v63  }
0x43: {  	_ =	swait.ge [sflag:s26], $0x4000  }
0x44: {  	[sflag:s26] =	ssyncset.done $0x0  }
0x45: {  	[sflag:s26] =	ssyncadd.s32 $0xFFFFC000  }
0x46: {  	[tilespmem:s0], [sflag:$0x5] =	stream.linear.gather [hbm4b:s11+s3], $0x80, $0x38;
	[tilespmem:$0x1C200] =	vst v63  }
0x47: {  	_ =	swait.ge [sflag:s26], $0x80  }
0x48: {  	[sflag:s26] =	ssyncset.done $0x0  }
0x49: {  	[sflag:s26] =	ssyncadd.s32 $0xFFFFFF80  }
0x4a: {  	[tilespmem:s2], [sflag:$0x5] =	stream.linear.gather [hbm4b:s12+s3], $0x80, $0x38;
	[tilespmem:$0x1C200] =	vst v63  }
0x4b: {  	_ =	swait.ge [sflag:s26], $0x80  }
0x4c: {  	[sflag:s26] =	ssyncset.done $0x0  }
0x4d: {  	[sflag:s26] =	ssyncadd.s32 $0xFFFFFF80  }
0x4e: {  	[spmem:s1] =	stream.indirect.scatter.add.f32 [tilespmem:s31], [sflag:$0x4], $0x80, s2, s30, $0xb8;
	[tilespmem:$0x1C200] =	vst v63  }
0x4f: {  	_ =	swait.ge [sflag:s13], $0x4000  }
0x50: {  	[sflag:s13] =	ssyncset.done $0x0  }
0x51: {  	s18 =	sadd.s32 $0x0, s24;
	[sflag:s13] =	ssyncadd.s32 $0xFFFFC000  }
0x52: {  	[tilespmem:s0], [sflag:$0x5] =	stream.linear.gather [hbm4b:s18+s3], $0x80, $0x38;
	[tilespmem:$0x1C200] =	vst v63  }
0x53: {  	_ =	swait.ge [sflag:s26], $0x80  }
0x54: {  	[sflag:s26] =	ssyncset.done $0x0  }
0x55: {  	s20 =	sadd.s32 $0x0, s23;
	[sflag:s26] =	ssyncadd.s32 $0xFFFFFF80  }
0x56: {  	[tilespmem:s2], [sflag:$0x5] =	stream.linear.gather [hbm4b:s20+s3], $0x80, $0x38;
	[tilespmem:$0x1C200] =	vst v63  }
0x57: {  	_ =	swait.ge [sflag:s26], $0x80  }
0x58: {  	[sflag:s26] =	ssyncset.done $0x0  }
0x59: {  	[sflag:s26] =	ssyncadd.s32 $0xFFFFFF80  }
0x5a: {  	[tilespmem:s31], [sflag:$0x2] =	stream.indirect.gather [hbm4b:s4+s30], $0x80, s0, s30, $0xb8;
	[tilespmem:$0x1C200] =	vst v63  }
0x5b: {  	_ =	swait.ge [sflag:s14], $0x4000  }
0x5c: {  	[sflag:s14] =	ssyncset.done $0x0  }
0x5d: {  	[sflag:s14] =	ssyncadd.s32 $0xFFFFC000  }
0x5e: {  	[spmem:s1] =	stream.indirect.scatter.add.f32 [tilespmem:s25], [sflag:$0x3], $0x80, s29, s30, $0xb8;
	[tilespmem:$0x1C200] =	vst v63  }
0x5f: {  	_ =	swait.ge [sflag:s15], $0x4000  }
0x60: {  	[sflag:s15] =	ssyncset.done $0x0  }
0x61: {  	s19 =	sadd.s32 $0x0, s22;
	[sflag:s15] =	ssyncadd.s32 $0xFFFFC000  }
0x62: {  	[tilespmem:s28], [sflag:$0x5] =	stream.linear.gather [hbm4b:s19+s3], $0x80, $0x38;
	[tilespmem:$0x1C200] =	vst v63  }
0x63: {  	_ =	swait.ge [sflag:s26], $0x80  }
0x64: {  	[sflag:s26] =	ssyncset.done $0x0  }
0x65: {  	s20 =	sadd.s32 $0x0, s21;
	[sflag:s26] =	ssyncadd.s32 $0xFFFFFF80  }
0x66: {  	[tilespmem:s29], [sflag:$0x5] =	stream.linear.gather [hbm4b:s20+s3], $0x80, $0x38;
	[tilespmem:$0x1C200] =	vst v63  }
0x67: {  	_ =	swait.ge [sflag:s26], $0x80  }
0x68: {  	[sflag:s26] =	ssyncset.done $0x0  }
0x69: {  	[sflag:s26] =	ssyncadd.s32 $0xFFFFFF80  }
0x6a: {  	[tilespmem:s25], [sflag:$0x1] =	stream.indirect.gather [hbm4b:s4+s30], $0x80, s28, s30, $0xb8;
	[tilespmem:$0x1C200] =	vst v63  }
0x6b: {  	_ =	swait.ge [sflag:s16], $0x4000  }
0x6c: {  	[sflag:s16] =	ssyncset.done $0x0  }
0x6d: {  	s18 =	simm.s32 $0x20;
	[sflag:s16] =	ssyncadd.s32 $0xFFFFC000  }
.LBB2_2:
0x6e: {  	[spmem:s1] =	stream.indirect.scatter.add.f32 [tilespmem:s31], [sflag:$0x4], $0x80, s2, s30, $0xb8;
	[tilespmem:$0x1C200] =	vst v63  }
0x6f: {  	s19 =	smov.u32 s18  }
0x70: {  	p0 =	sne.s32 s18, $0x9C0;
	s18 =	sadd.s32 $0x20, s18;
	_ =	swait.ge [sflag:s13], $0x4000  }
0x71: {  	[sflag:s13] =	ssyncset.done $0x0  }
0x72: {  	s20 =	sadd.s32 s19, s24;
	[sflag:s13] =	ssyncadd.s32 $0xFFFFC000  }
0x73: {  	[tilespmem:s0], [sflag:$0x5] =	stream.linear.gather [hbm4b:s20+s3], $0x80, $0x38;
	[tilespmem:$0x1C200] =	vst v63  }
0x74: {  	_ =	swait.ge [sflag:s26], $0x80  }
0x75: {  	[sflag:s26] =	ssyncset.done $0x0  }
0x76: {  	s20 =	sadd.s32 s19, s23;
	[sflag:s26] =	ssyncadd.s32 $0xFFFFFF80  }
0x77: {  	[tilespmem:s2], [sflag:$0x5] =	stream.linear.gather [hbm4b:s20+s3], $0x80, $0x38;
	[tilespmem:$0x1C200] =	vst v63  }
0x78: {  	_ =	swait.ge [sflag:s26], $0x80  }
0x79: {  	[sflag:s26] =	ssyncset.done $0x0  }
0x7a: {  	[sflag:s26] =	ssyncadd.s32 $0xFFFFFF80  }
0x7b: {  	[tilespmem:s31], [sflag:$0x2] =	stream.indirect.gather [hbm4b:s4+s30], $0x80, s0, s30, $0xb8;
	[tilespmem:$0x1C200] =	vst v63  }
0x7c: {  	_ =	swait.ge [sflag:s14], $0x4000  }
0x7d: {  	[sflag:s14] =	ssyncset.done $0x0  }
0x7e: {  	[sflag:s14] =	ssyncadd.s32 $0xFFFFC000  }
0x7f: {  	[spmem:s1] =	stream.indirect.scatter.add.f32 [tilespmem:s25], [sflag:$0x3], $0x80, s29, s30, $0xb8;
	[tilespmem:$0x1C200] =	vst v63  }
0x80: {  	_ =	swait.ge [sflag:s15], $0x4000  }
0x81: {  	[sflag:s15] =	ssyncset.done $0x0  }
0x82: {  	s20 =	sadd.s32 s19, s22;
	[sflag:s15] =	ssyncadd.s32 $0xFFFFC000  }
0x83: {  	[tilespmem:s28], [sflag:$0x5] =	stream.linear.gather [hbm4b:s20+s3], $0x80, $0x38;
	[tilespmem:$0x1C200] =	vst v63  }
0x84: {  	_ =	swait.ge [sflag:s26], $0x80  }
0x85: {  	[sflag:s26] =	ssyncset.done $0x0  }
0x86: {  	s19 =	sadd.s32 s19, s21;
	[sflag:s26] =	ssyncadd.s32 $0xFFFFFF80  }
0x87: {  	[tilespmem:s29], [sflag:$0x5] =	stream.linear.gather [hbm4b:s19+s3], $0x80, $0x38;
	[tilespmem:$0x1C200] =	vst v63  }
0x88: {  	_ =	swait.ge [sflag:s26], $0x80  }
0x89: {  	[sflag:s26] =	ssyncset.done $0x0  }
.Ltmp0:
0x8a: {  	[sflag:s26] =	ssyncadd.s32 $0xFFFFFF80;
	(pc) =	sbr.rel @p0 .LBB2_2-.Ltmp0, $4  }
0x8b: {  	[tilespmem:s25], [sflag:$0x1] =	stream.indirect.gather [hbm4b:s4+s30], $0x80, s28, s30, $0xb8;
	[tilespmem:$0x1C200] =	vst v63  }
0x8c: {  	_ =	swait.ge [sflag:s16], $0x4000  }
0x8d: {  	[sflag:s16] =	ssyncset.done $0x0  }
0x8e: {  	[sflag:s16] =	ssyncadd.s32 $0xFFFFC000  }
0x8f: {  	[spmem:s1] =	stream.indirect.scatter.add.f32 [tilespmem:s31], [sflag:$0x4], $0x80, s2, s30, $0xb8;
	[tilespmem:$0x1C200] =	vst v63  }
0x90: {  	_ =	swait.ge [sflag:s13], $0x4000  }
0x91: {  	[sflag:s13] =	ssyncset.done $0x0  }
0x92: {  	s18 =	rddreg [dreg:$0x9];
	[sflag:s13] =	ssyncadd.s32 $0xFFFFC000  }
0x93: {  	[tilespmem:s0], [sflag:$0x5] =	stream.linear.gather [hbm4b:s18+s3], $0x80, $0x38;
	[tilespmem:$0x1C200] =	vst v63  }
0x94: {  	_ =	swait.ge [sflag:s26], $0x80  }
0x95: {  	[sflag:s26] =	ssyncset.done $0x0  }
0x96: {  	s20 =	rddreg [dreg:$0xa];
	[sflag:s26] =	ssyncadd.s32 $0xFFFFFF80  }
0x97: {  	[tilespmem:s2], [sflag:$0x5] =	stream.linear.gather [hbm4b:s20+s3], $0x80, $0x38;
	[tilespmem:$0x1C200] =	vst v63  }
0x98: {  	_ =	swait.ge [sflag:s26], $0x80  }
0x99: {  	[sflag:s26] =	ssyncset.done $0x0  }
0x9a: {  	[sflag:s26] =	ssyncadd.s32 $0xFFFFFF80  }
0x9b: {  	[tilespmem:s31], [sflag:$0x2] =	stream.indirect.gather [hbm4b:s4+s30], $0x80, s0, s30, $0xb8;
	[tilespmem:$0x1C200] =	vst v63  }
0x9c: {  	_ =	swait.ge [sflag:s14], $0x4000  }
0x9d: {  	[sflag:s14] =	ssyncset.done $0x0  }
0x9e: {  	[sflag:s14] =	ssyncadd.s32 $0xFFFFC000  }
0x9f: {  	[spmem:s1] =	stream.indirect.scatter.add.f32 [tilespmem:s25], [sflag:$0x3], $0x80, s29, s30, $0xb8;
	[tilespmem:$0x1C200] =	vst v63  }
0xa0: {  	_ =	swait.ge [sflag:s15], $0x4000  }
0xa1: {  	[sflag:s15] =	ssyncset.done $0x0  }
0xa2: {  	[sflag:s15] =	ssyncadd.s32 $0xFFFFC000  }
0xa3: {  	[tilespmem:s28], [sflag:$0x5] =	stream.linear.gather [hbm4b:s11+s3], $0x80, $0x38;
	[tilespmem:$0x1C200] =	vst v63  }
0xa4: {  	_ =	swait.ge [sflag:s26], $0x80  }
0xa5: {  	[sflag:s26] =	ssyncset.done $0x0  }
0xa6: {  	[sflag:s26] =	ssyncadd.s32 $0xFFFFFF80  }
0xa7: {  	[tilespmem:s29], [sflag:$0x5] =	stream.linear.gather [hbm4b:s12+s3], $0x80, $0x38;
	[tilespmem:$0x1C200] =	vst v63  }
0xa8: {  	_ =	swait.ge [sflag:s26], $0x80  }
0xa9: {  	[sflag:s26] =	ssyncset.done $0x0  }
0xaa: {  	[sflag:s26] =	ssyncadd.s32 $0xFFFFFF80  }
0xab: {  	[tilespmem:s25], [sflag:$0x1] =	stream.indirect.gather [hbm4b:s4+s30], $0x80, s28, s30, $0xb8;
	[tilespmem:$0x1C200] =	vst v63  }
0xac: {  	_ =	swait.ge [sflag:s16], $0x4000  }
0xad: {  	[sflag:s16] =	ssyncset.done $0x0  }
0xae: {  	[sflag:s16] =	ssyncadd.s32 $0xFFFFC000  }
0xaf: {  	[spmem:s1] =	stream.indirect.scatter.add.f32 [tilespmem:s31], [sflag:$0x4], $0x80, s2, s30, $0xb8;
	[tilespmem:$0x1C200] =	vst v63  }
0xb0: {  	_ =	swait.ge [sflag:s14], $0x4000  }
0xb1: {  	[sflag:s14] =	ssyncset.done $0x0  }
0xb2: {  	[sflag:s14] =	ssyncadd.s32 $0xFFFFC000  }
0xb3: {  	_ =	swait.ge [sflag:s13], $0x4000  }
0xb4: {  	[sflag:s13] =	ssyncset.done $0x0  }
0xb5: {  	[sflag:s13] =	ssyncadd.s32 $0xFFFFC000  }
0xb6: {  	[bflag:$0x0] =	sbarrier.arrive $0xFFFF  }
0xb7: {  	[tilespmem:s25], [sflag:$0x5] =	stream.linear.gather [spmem:s6], $0x4000, $0x38;
	[tilespmem:$0x1C200] =	vst v63  }
0xb8: {  	_ =	swait.ge [sflag:s26], $0x4000  }
0xb9: {  	[sflag:s26] =	ssyncset.done $0x0  }
0xba: {  	s19 =	rddreg [dreg:$0x3];
	[sflag:s26] =	ssyncadd.s32 $0xFFFFC000  }
0xbb: {  	[hbm4b:s19+s3] =	stream.linear.scatter [tilespmem:s25], [sflag:$0x5], $0x4000, $0x38;
	[tilespmem:$0x1C200] =	vst v63  }
0xbc: {  	_ =	swait.ge [sflag:s26], $0x4000  }
0xbd: {  	[sflag:s26] =	ssyncset.done $0x0  }
0xbe: {  	[sflag:s26] =	ssyncadd.s32 $0xFFFFC000  }
0xbf: {  	[tilespmem:s25], [sflag:$0x5] =	stream.linear.gather [spmem:s7], $0x4000, $0x38;
	[tilespmem:$0x1C200] =	vst v63  }
0xc0: {  	_ =	swait.ge [sflag:s26], $0x4000  }
0xc1: {  	[sflag:s26] =	ssyncset.done $0x0  }
0xc2: {  	s20 =	rddreg [dreg:$0x4];
	[sflag:s26] =	ssyncadd.s32 $0xFFFFC000  }
0xc3: {  	[hbm4b:s20+s3] =	stream.linear.scatter [tilespmem:s25], [sflag:$0x5], $0x4000, $0x38;
	[tilespmem:$0x1C200] =	vst v63  }
0xc4: {  	_ =	swait.ge [sflag:s26], $0x4000  }
0xc5: {  	[sflag:s26] =	ssyncset.done $0x0  }
0xc6: {  	[sflag:s26] =	ssyncadd.s32 $0xFFFFC000  }
0xc7: {  	[tilespmem:s25], [sflag:$0x5] =	stream.linear.gather [spmem:s8], $0x4000, $0x38;
	[tilespmem:$0x1C200] =	vst v63  }
0xc8: {  	_ =	swait.ge [sflag:s26], $0x4000  }
0xc9: {  	[sflag:s26] =	ssyncset.done $0x0  }
0xca: {  	s19 =	rddreg [dreg:$0x5];
	[sflag:s26] =	ssyncadd.s32 $0xFFFFC000  }
0xcb: {  	[hbm4b:s19+s3] =	stream.linear.scatter [tilespmem:s25], [sflag:$0x5], $0x4000, $0x38;
	[tilespmem:$0x1C200] =	vst v63  }
0xcc: {  	_ =	swait.ge [sflag:s26], $0x4000  }
0xcd: {  	[sflag:s26] =	ssyncset.done $0x0  }
0xce: {  	[sflag:s26] =	ssyncadd.s32 $0xFFFFC000  }
0xcf: {  	[tilespmem:s25], [sflag:$0x5] =	stream.linear.gather [spmem:s9], $0x4000, $0x38;
	[tilespmem:$0x1C200] =	vst v63  }
0xd0: {  	_ =	swait.ge [sflag:s26], $0x4000  }
0xd1: {  	[sflag:s26] =	ssyncset.done $0x0  }
0xd2: {  	s20 =	rddreg [dreg:$0x6];
	[sflag:s26] =	ssyncadd.s32 $0xFFFFC000  }
0xd3: {  	[hbm4b:s20+s3] =	stream.linear.scatter [tilespmem:s25], [sflag:$0x5], $0x4000, $0x38;
	[tilespmem:$0x1C200] =	vst v63  }
0xd4: {  	_ =	swait.ge [sflag:s26], $0x4000  }
0xd5: {  	[sflag:s26] =	ssyncset.done $0x0  }
0xd6: {  	[sflag:s26] =	ssyncadd.s32 $0xFFFFC000  }
0xd7: {  	[tilespmem:s25], [sflag:$0x5] =	stream.linear.gather [spmem:s10], $0x4000, $0x38;
	[tilespmem:$0x1C200] =	vst v63  }
0xd8: {  	_ =	swait.ge [sflag:s26], $0x4000  }
0xd9: {  	[sflag:s26] =	ssyncset.done $0x0  }
0xda: {  	s19 =	rddreg [dreg:$0x7];
	[sflag:s26] =	ssyncadd.s32 $0xFFFFC000  }
0xdb: {  	[hbm4b:s19+s3] =	stream.linear.scatter [tilespmem:s25], [sflag:$0x5], $0x4000, $0x38;
	[tilespmem:$0x1C200] =	vst v63  }
0xdc: {  	_ =	swait.ge [sflag:s26], $0x4000  }
0xdd: {  	s17 =	sadd.s32 $0x1, s17;
	s20 =	rddreg [dreg:$0x8]  }
0xde: {  	p0 =	sne.s32 s17, s20  }
.Ltmp1:
0xdf: {  	_ = 	snop;
	(pc) =	sbr.rel @p0 .LBB2_1-.Ltmp1, $3  }
0xe0: {  	_ =	sdelay $0x1  }
0xe1: {  	[sflag:s26] =	ssyncset.done $0x0  }
0xe2: {  	[sflag:s26] =	ssyncadd.s32 $0xFFFFC000  }
0xe3: {  	_ =	sfence.sel $0x180000  }
0xe4: {  	[bflag:$0x0] =	sbarrier.arrive $0xFFFF  }
0xe5: {  	_ =	strace $0x9000004A  }
0xe6: {  	s0 =	stileid.u32;
	[bflag:$0x2] =	sbarrier.arrive $0xFFFF  }
0xe7: {  	p0 =	sne.s32 s0, $0x0;
	s0 =	rddreg [dreg:$0x2]  }
0xe8: {  	s0 =	sadd.s32 @!p0 $0x100000, s0  }
0xe9: {  	[sflag:s0] =	ssyncadd.tile.s32 @!p0 $0x1;
	_ =	shalt  }
.Lfunc_end2:
_tile_overlayer_lowered:
.L_overlay_start_2:
0xea: {  	(tag) =	ssettag $0x2  }
0xeb: {  	s0 =	rddreg [dreg:$0x0];
	s2 =	stileid.u32  }
0xec: {  	s1 =	rddreg [dreg:$0x1];
	p0 =	sne.s32 s2, $0x0  }
0xed: {  	s3 =	rddreg [dreg:$0x2];
	[bflag:$0x3] =	sbarrier.arrive $0xFFFF;
	s2 =	simm.s32 @!p0 $0x1C05  }
0xee: {  	[timem:s3], [sflag:s2] =	dma.local @!p0 [hbm:s0], s1  }
0xef: {  	s0 =	simm.s32 @!p0 $0x5  }
0xf0: {  	_ =	swait.ge @!p0 [sflag:s0], s1  }
0xf1: {  	s1 =	ssub.s32 @!p0 $0x0, s1;
	[sflag:s0] =	ssyncset.done @!p0 $0x0  }
0xf2: {  	[sflag:s0] =	ssyncadd.s32 @!p0 s1  }
0xf3: {  	[bflag:$0x3] =	sbarrier.arrive $0xFFFF  }
0xf4: {  	_ =	shalt  }

// kernel: kernel.14.cloned.1.call-start
scs
__scs_entry_jumppad:
0x0: {  	(pc) =	sbr.rel $0x88, $3  }
0x1: {  	(tag) =	ssettag $0x0;
	lr =	simm.s32 $0x1  }
0x2: {  	[smem:$0x3F8B] =	sst lr;
	_ =	strace $0xD0000000  }
0x3: {  	_ = 	snop  }
0x4: {  	_ = 	snop  }
0x5: {  	_ = 	snop  }
0x6: {  	_ = 	snop  }
0x7: {  	_ = 	snop  }
__scs_overlays_trampoline_lowered:
0x8: {  	[smem:$0x3F9A] =	sst s0  }
0x9: {  	[smem:$0x3F9B] =	sst s1  }
0xa: {  	[smem:$0x3F9C] =	sst s2  }
0xb: {  	[smem:$0x3F9D] =	sst s3  }
0xc: {  	[smem:$0x3F9E] =	sst s4  }
0xd: {  	[smem:$0x3F9F] =	sst s5  }
0xe: {  	[smem:$0x3FA0] =	sst s6  }
0xf: {  	[smem:$0x3FA1] =	sst s7  }
0x10: {  	[smem:$0x3FA2] =	sst s8  }
0x11: {  	[smem:$0x3FA3] =	sst s9;
	s0 =	simm.s32 @!p0 $0x0  }
0x12: {  	s1 =	sld [smem:$0x3F89];
	s0 =	simm.s32 @p0 $0x1  }
0x13: {  	[smem:$0x3FA4] =	sst s0;
	s0 =	simm.s32 @!p1 $0x0  }
0x14: {  	s2 =	sld [smem:$0x3F88];
	s0 =	simm.s32 @p1 $0x1  }
0x15: {  	[smem:$0x3FA5] =	sst s0;
	s0 =	simm.s32 @!p2 $0x0  }
0x16: {  	s3 =	sld [smem:$0x3FDB];
	s0 =	simm.s32 @p2 $0x1  }
0x17: {  	s4 =	simm.s32 $0x1BF5;
	[smem:$0x3FA7] =	sst s0  }
0x18: {  	s0 =	sld [smem:$0x3F8A];
	_ =	swait.ge [sflag:s4], $0x0  }
0x19: {  	s7 =	sld [smem:$0x3F8B]  }
0x1a: {  	s8 =	sadd.s32 $0xFFFFE003, lr  }
0x1b: {  	s9 =	sadd.s32 $0xFFFFFEF7, lr;
	s5 =	simm.s32 $0xFFFFFFFF;
	p2 =	slt.u32 s8, $0xFFFFF086  }
0x1c: {  	p1 =	slt.u32 s9, $0xF7A;
	s5 =	simm.s32 @!p2 $0x0  }
0x1d: {  	s5 =	simm.s32 @p1 $0x1;
	p0 =	seq.s32 s7, s2  }
0x1e: {  	s7 =	smul.u32 @!p0 $0xF7A, s2;
	p2 =	seq.s32 @!p0 s5, $0x0  }
0x1f: {  	s9 =	smul.u32 $0xF7A, s1;
	s8 =	simm.s32 @!p0 $0x1BF5;
	p2 =	por !p2, p0  }
0x20: {  	[sflag:s8] =	ssyncset.s32 @!p0 $0xFFFFF086;
	s6 =	sadd.s32 @!p0 s3, s7;
	s7 =	simm.s32 @!p0 $0x108  }
0x21: {  	s3 =	sadd.s32 s3, s9;
	s6 =	sadd.s32 @!p0 $0x88, s6;
	s7 =	simm.s32 @p2 $0x1082  }
0x22: {  	[simem:s7], [sflag:s8] =	dma.local @!p0 [hbm:s6], $0xF7A  }
0x23: {  	s9 =	sor.u32 $0xD0000000, s2;
	s6 =	simm.s32 $0x108;
	_ =	swait.ge @!p0 [sflag:s8], $0x0  }
0x24: {  	s3 =	sadd.s32 $0x88, s3;
	s6 =	simm.s32 @!p1 $0x1082;
	[sflag:s4] =	ssyncset.s32 $0xFFFFF086  }
0x25: {  	[simem:s6], [sflag:s4] =	dma.local [hbm:s3], $0xF7A  }
0x26: {  	[smem:$0x3F8B] =	sst s1;
	(tag) =	ssettag s2;
	_ =	strace s9  }
0x27: {  	s1 =	sld [smem:$0x3F9B]  }
0x28: {  	s2 =	sld [smem:$0x3F9C]  }
0x29: {  	s4 =	sld [smem:$0x3F9E]  }
0x2a: {  	p0 =	seq.s32 s5, $0x0;
	s5 =	sld [smem:$0x3F9F]  }
0x2b: {  	s6 =	sld [smem:$0x3FA0]  }
0x2c: {  	s7 =	sld [smem:$0x3FA1]  }
0x2d: {  	s3 =	simm.s32 $0x108;
	s8 =	sld [smem:$0x3FA2]  }
0x2e: {  	s3 =	simm.s32 @!p0 $0x1082;
	s9 =	sld [smem:$0x3FA3]  }
0x2f: {  	lr =	sadd.s32 s0, s3;
	s0 =	sld [smem:$0x3F9A]  }
0x30: {  	s3 =	sld [smem:$0x3F9D]  }
0x31: {  	[smem:$0x3FA6] =	sst s10  }
0x32: {  	s10 =	sld [smem:$0x3FA4];
	_ =	sdelay $0x3  }
0x33: {  	p0 =	seq.s32 s10, $0x1;
	s10 =	sld [smem:$0x3FA6];
	_ =	sdelay $0x3  }
0x34: {  	[smem:$0x3FA6] =	sst s10  }
0x35: {  	s10 =	sld [smem:$0x3FA5];
	_ =	sdelay $0x3  }
0x36: {  	p1 =	seq.s32 s10, $0x1;
	s10 =	sld [smem:$0x3FA6];
	_ =	sdelay $0x3  }
0x37: {  	[smem:$0x3FA6] =	sst s10  }
0x38: {  	s10 =	sld [smem:$0x3FA7]  }
0x39: {  	_ = 	snop;
	(pc) =	sbr.ind lr, $3  }
0x3a: {  	_ = 	snop  }
0x3b: {  	_ = 	snop  }
0x3c: {  	p2 =	seq.s32 s10, $0x1;
	s10 =	sld [smem:$0x3FA6]  }
0x3d: {  	_ =	shalt  }
0x3e: {  	_ =	shalt  }
0x3f: {  	_ =	shalt  }
0x40: {  	_ =	shalt  }
0x41: {  	_ =	shalt  }
0x42: {  	_ =	shalt  }
0x43: {  	_ =	shalt  }
0x44: {  	_ =	shalt  }
0x45: {  	_ =	shalt  }
0x46: {  	_ =	shalt  }
0x47: {  	_ =	shalt  }
0x48: {  	_ =	shalt  }
0x49: {  	_ =	shalt  }
0x4a: {  	_ =	shalt  }
0x4b: {  	_ =	shalt  }
0x4c: {  	_ =	shalt  }
0x4d: {  	_ =	shalt  }
0x4e: {  	_ =	shalt  }
0x4f: {  	_ =	shalt  }
0x50: {  	_ =	shalt  }
0x51: {  	_ =	shalt  }
0x52: {  	_ =	shalt  }
0x53: {  	_ =	shalt  }
0x54: {  	_ =	shalt  }
0x55: {  	_ =	shalt  }
0x56: {  	_ =	shalt  }
0x57: {  	_ =	shalt  }
0x58: {  	_ =	shalt  }
0x59: {  	_ =	shalt  }
0x5a: {  	_ =	shalt  }
0x5b: {  	_ =	shalt  }
0x5c: {  	_ =	shalt  }
0x5d: {  	_ =	shalt  }
0x5e: {  	_ =	shalt  }
0x5f: {  	_ =	shalt  }
0x60: {  	_ =	shalt  }
0x61: {  	_ =	shalt  }
0x62: {  	_ =	shalt  }
0x63: {  	_ =	shalt  }
0x64: {  	_ =	shalt  }
0x65: {  	_ =	shalt  }
0x66: {  	_ =	shalt  }
0x67: {  	_ =	shalt  }
0x68: {  	_ =	shalt  }
0x69: {  	_ =	shalt  }
0x6a: {  	_ =	shalt  }
0x6b: {  	_ =	shalt  }
0x6c: {  	_ =	shalt  }
0x6d: {  	_ =	shalt  }
0x6e: {  	_ =	shalt  }
0x6f: {  	_ =	shalt  }
0x70: {  	_ =	shalt  }
0x71: {  	_ =	shalt  }
0x72: {  	_ =	shalt  }
0x73: {  	_ =	shalt  }
0x74: {  	_ =	shalt  }
0x75: {  	_ =	shalt  }
0x76: {  	_ =	shalt  }
0x77: {  	_ =	shalt  }
0x78: {  	_ =	shalt  }
0x79: {  	_ =	shalt  }
0x7a: {  	_ =	shalt  }
0x7b: {  	_ =	shalt  }
0x7c: {  	_ =	shalt  }
0x7d: {  	_ =	shalt  }
0x7e: {  	_ =	shalt  }
0x7f: {  	_ =	shalt  }
0x80: {  	_ =	shalt  }
0x81: {  	_ =	shalt  }
0x82: {  	_ =	shalt  }
0x83: {  	_ =	shalt  }
0x84: {  	_ =	shalt  }
0x85: {  	_ =	shalt  }
0x86: {  	_ =	shalt  }
0x87: {  	_ =	shalt  }
.Lfunc_end0:
.L_simem_size_0:
called_computation.2_lowered:
.L_overlay_start_0:
0x88: {  	s2 =	sld [smem:$0x3FD9]  }
0x89: {  	s3 =	sld [smem:$0x3FFE];
	_ =	sdelay $0x1  }
0x8a: {  	s1 =	srdreg.scid  }
0x8b: {  	s0 =	sand.u32 $0x1, s1  }
0x8c: {  	s16 =	sshll.u32 s0, $0xA;
	s2 =	sadd.s32 s3, s2  }
0x8d: {  	s2 =	sadd.s32 s2, s16  }
0x8e: {  	[smem:$0x3FB2] =	sst s2  }
0x8f: {  	_ = 	snop  }
0x90: {  	(tm) =	ssettm $0x1  }
0x91: {  	s17 =	sld [smem:$0x3FFB];
	_ =	sdelay $0x3  }
0x92: {  	_ =	strace s17  }
0x93: {  	s2 =	sld [smem:$0x3FFC];
	_ =	sdelay $0x3  }
0x94: {  	_ =	strace s2  }
0x95: {  	s2 =	sld [smem:$0x3FFD];
	_ =	sdelay $0x3  }
0x96: {  	_ =	strace s2  }
0x97: {  	_ =	strace $0x8FFFFFFF  }
0x98: {  	s18 =	sld [smem:$0x3FDB];
	_ =	sdelay $0x1  }
0x99: {  	s19 =	simm.s32 $_scs_section_size  }
0x9a: {  	s4 =	simm.s32 $_size__tile_overlayer_lowered;
	s5 =	simm.s32 $_tile_overlayer_lowered  }
0x9b: {  	s22 =	simm.s32 $0x1BFF;
	s21 =	sshll.u32 s5, $0x1;
	s2 =	sadd.s32 s19, s18  }
0x9c: {  	s6 =	simm.s32 $0x0;
	s20 =	sshll.u32 s4, $0x1;
	s4 =	sadd.s32 s21, s2  }
0x9d: {  	[timem:s6], [sflag:s22] =	dma.local [hbm:s4], s20  }
0x9e: {  	_ =	swait.ge [sflag:s22], s20  }
0x9f: {  	s3 =	ssub.s32 $0x0, s20;
	[sflag:s22] =	ssyncset.done $0x0  }
0xa0: {  	[sflag:s22] =	ssyncadd.s32 s3;
	_ =	sdelay $0x1  }
0xa1: {  	s23 =	simm.s32 $0x1B8B  }
0xa2: {  	_ =	swait.ge [sflag:s23], $0x1  }
0xa3: {  	[sflag:s23] =	ssyncset.done $0x0  }
0xa4: {  	s25 =	simm.s32 $0x1B8E;
	s24 =	sld [smem:$0x3FFE];
	[sflag:s23] =	ssyncadd.s32 $0xFFFFFFFF  }
0xa5: {  	s26 =	simm.s32 $execute0_lowered;
	[smem:$0x3FD2] =	sst s25  }
0xa6: {  	s4 =	sshll.u32 s26, $0x1;
	_ =	strace $0x8000004C;
	[dreg:$0x1] =	wrdreg $0xFFFFFFFF  }
0xa7: {  	s28 =	simm.s32 $_size_execute0_lowered;
	s2 =	sadd.s32 s2, s4;
	[dreg:$0x0] =	wrdreg $0x0  }
0xa8: {  	s4 =	sshll.u32 s28, $0x1;
	[dreg:$0x2] =	wrdreg s2  }
0xa9: {  	[dreg:$0x3] =	wrdreg s4  }
0xaa: {  	[dreg:$0x4] =	wrdreg $0xC0  }
0xab: {  	_ =	task [dreg:s6], $0x5FFFF  }
0xac: {  	[dreg:$0x1] =	wrdreg $0xFFFFFFFF  }
0xad: {  	[dreg:$0x0] =	wrdreg $0x60  }
0xae: {  	[dreg:$0x2] =	wrdreg s24  }
0xaf: {  	[dreg:$0x3] =	wrdreg $0x9  }
0xb0: {  	_ =	task.clear_ibuf [dreg:s6], $0x4FFFF;
	_ =	strace $0x9000004C  }
0xb1: {  	s29 =	simm.s32 $0x9;
	_ =	strace $0x8000004E  }
0xb2: {  	_ =	swait.ge [sflag:s29], $0x1  }
0xb3: {  	[sflag:s29] =	ssyncadd.s32 $0xFFFFFFFF  }
0xb4: {  	_ =	strace $0x9000004E  }
0xb5: {  	_ =	sfence  }
0xb6: {  	s30 =	sld [smem:$0x0];
	_ =	sdelay $0x2  }
0xb7: {  	s31 =	sshll.u32 s1, $0xD;
	s1 =	sshrl.u32 s1, $0x2  }
0xb8: {  	s3 =	sand.u32 $0x4000, s31;
	s1 =	sadd.s32 s1, s30  }
0xb9: {  	s0 =	sor.u32 s3, s0;
	s1 =	sshll.u32 s1, $0x11  }
0xba: {  	s0 =	sor.u32 s1, s0  }
0xbb: {  	s0 =	sadd.s32 $0x8F2B, s0  }
0xbc: {  	[sflag:s0] =	ssyncadd.remote.s32 $0x1  }
0xbd: {  	_ =	sfence.sel $0xFFFF  }
0xbe: {  	[dreg:$0x0] =	wrdreg $0xFFFFFFFF;
	(pc) =	sbr.abs _section_cstart, $3  }
0xbf: {  	[dreg:$0x1] =	wrdreg $0xFFFFFFFF  }
0xc0: {  	_ =	task.clear_ibuf [dreg:s6], $0x2FFFF;
	_ =	strace $0x9FFFFFFF  }
0xc1: {  	(tm) =	ssettm $0x7FFFFFFF  }
tec
execute0_lowered:
.L_overlay_start_1:
0x0: {  	(tag) =	ssettag $0x1  }
0x1: {  	s0 =	rddreg [dreg:$0x0];
	s1 =	srdreg.scid  }
0x2: {  	s3 =	stileid.u32;
	s2 =	simm.s32 $0x0;
	s13 =	simm.s32 $0x5  }
0x3: {  	s14 =	simm.s32 $0x80;
	s15 =	simm.s32 $0x200;
	s16 =	simm.s32 $0x4200  }
0x4: {  	s17 =	simm.s32 $0x100;
	s18 =	simm.s32 $0x180;
	s19 =	simm.s32 $0x8200  }
0x5: {  	s20 =	simm.s32 $0xC200;
	s21 =	simm.s32 $0x1;
	s22 =	simm.s32 $0x2  }
0x6: {  	v0 =	vlaneseq.u32;
	s23 =	simm.s32 $0x10280;
	s24 =	simm.s32 $0x10200;
	s25 =	simm.s32 $0x3  }
0x7: {  	s26 =	simm.s32 $0x4;
	s28 =	simm.s32 $0x0;
	s1 =	sand.u32 $0x1, s1;
	v0 =	vmul.u32 $0x80, v0  }
0x8: {  	s3 =	sshll.u32 s3, $0x1;
	[smem:$0x7FF] =	sst s2;
	s5 =	sadd.s32 $0x4400, s0  }
0x9: {  	s6 =	sadd.s32 $0x175200, s0;
	s7 =	sadd.s32 $0x16B200, s0;
	s4 =	sor.u32 s1, s3;
	v1 =	vor.u32 $0x1, v0;
	v2 =	vor.u32 $0x2, v0;
	v3 =	vor.u32 $0x3, v0  }
0xa: {  	s8 =	sadd.s32 $0x54400, s0;
	s1 =	ssub.s32 $0x2, s1;
	s4 =	smul.u32 $0x2800, s4;
	v4 =	vor.u32 $0x4, v0;
	v5 =	vor.u32 $0x5, v0;
	v6 =	vor.u32 $0x6, v0  }
0xb: {  	_ =	strace $0x8000004D;
	s3 =	sadd.s32 $0x2C400, s0;
	s9 =	sshrl.u32 s1, $0x1;
	v7 =	vor.u32 $0x7, v0;
	v8 =	vor.u32 $0x8, v0;
	v9 =	vor.u32 $0x9, v0  }
0xc: {  	v10 =	vor.u32 $0xA, v0;
	v11 =	vor.u32 $0xB, v0;
	v12 =	vor.u32 $0xC, v0;
	s31 =	ssub.s32 s1, s9;
	s10 =	sshrl.u32 s4, $0x3;
	s11 =	sor.u32 $0x80, s4  }
0xd: {  	v13 =	vor.u32 $0xD, v0;
	v14 =	vor.u32 $0xE, v0;
	v15 =	vor.u32 $0xF, v0;
	s12 =	smax.u32 s31, $0x1;
	s9 =	sadd.s32 s6, s10;
	s10 =	sadd.s32 s7, s10  }
.LBB2_1:
0xe: {  	[tilespmem:s2], [sflag:$0x5] =	stream.linear.gather [hbm4b:s9+s2], $0x80, $0x38;
	[tilespmem:$0x10A80] =	vst v63  }
0xf: {  	_ =	swait.ge [sflag:s13], $0x80  }
0x10: {  	[sflag:s13] =	ssyncset.done $0x0  }
0x11: {  	[sflag:s13] =	ssyncadd.s32 $0xFFFFFF80  }
0x12: {  	[tilespmem:s14], [sflag:$0x5] =	stream.linear.gather [hbm4b:s10+s2], $0x80, $0x38;
	[tilespmem:$0x10A80] =	vst v63  }
0x13: {  	_ =	swait.ge [sflag:s13], $0x80  }
0x14: {  	[sflag:s13] =	ssyncset.done $0x0  }
0x15: {  	[sflag:s13] =	ssyncadd.s32 $0xFFFFFF80  }
0x16: {  	[tilespmem:s15], [sflag:$0x1] =	stream.indirect.gather [hbm4b:s3+s14], $0x80, s2, s14, $0xb8;
	[tilespmem:$0x10A80] =	vst v63  }
0x17: {  	s29 =	simm.s32 $0x0  }
0x18: {  	[tilespmem:s16], [sflag:$0x2] =	stream.indirect.gather [hbm4b:s5+s14], $0x80, s14, s14, $0xb8;
	[tilespmem:$0x10A80] =	vst v63  }
.LBB2_2:
0x19: {  	s31 =	sshll.u32 s29, $0x8  }
0x1a: {  	s0 =	sadd.s32 s31, s11  }
0x1b: {  	s30 =	sshrl.u32 s0, $0x3  }
0x1c: {  	s0 =	simm.s32 $0x0;
	s1 =	sadd.s32 s6, s30  }
0x1d: {  	[tilespmem:s17], [sflag:$0x5] =	stream.linear.gather [hbm4b:s1+s0], $0x80, $0x38;
	[tilespmem:$0x10A80] =	vst v63  }
0x1e: {  	_ =	swait.ge [sflag:s13], $0x80  }
0x1f: {  	[sflag:s13] =	ssyncset.done $0x0  }
0x20: {  	s1 =	sadd.s32 s7, s30;
	[sflag:s13] =	ssyncadd.s32 $0xFFFFFF80  }
0x21: {  	[tilespmem:s18], [sflag:$0x5] =	stream.linear.gather [hbm4b:s1+s0], $0x80, $0x38;
	[tilespmem:$0x10A80] =	vst v63  }
0x22: {  	_ =	swait.ge [sflag:s13], $0x80  }
0x23: {  	[sflag:s13] =	ssyncset.done $0x0  }
0x24: {  	[sflag:s13] =	ssyncadd.s32 $0xFFFFFF80  }
0x25: {  	[tilespmem:s19], [sflag:$0x3] =	stream.indirect.gather [hbm4b:s3+s14], $0x80, s17, s14, $0xb8;
	[tilespmem:$0x10A80] =	vst v63  }
0x26: {  	_ = 	snop  }
0x27: {  	[tilespmem:s20], [sflag:$0x4] =	stream.indirect.gather [hbm4b:s5+s14], $0x80, s18, s14, $0xb8;
	[tilespmem:$0x10A80] =	vst v63  }
0x28: {  	_ =	swait.ge [sflag:s21], $0x4000  }
0x29: {  	[sflag:s21] =	ssyncset.done $0x0  }
0x2a: {  	[sflag:s21] =	ssyncadd.s32 $0xFFFFC000  }
0x2b: {  	_ =	swait.ge [sflag:s22], $0x4000  }
0x2c: {  	[sflag:s22] =	ssyncset.done $0x0  }
0x2d: {  	[sflag:s22] =	ssyncadd.s32 $0xFFFFC000  }
.LBB2_3:
0x2e: {  	s1 =	sshll.u32 s0, $0xB  }
0x2f: {  	v16 =	vld [tilespmem:s1+$0x200]  }
0x30: {  	v17 =	vld [tilespmem:s1+$0x4200]  }
0x31: {  	v18 =	vld [tilespmem:s1+$0x210]  }
0x32: {  	v19 =	vld [tilespmem:s1+$0x4210]  }
0x33: {  	v20 =	vld [tilespmem:s1+$0x220]  }
0x34: {  	v21 =	vld [tilespmem:s1+$0x4220]  }
0x35: {  	v22 =	vld [tilespmem:s1+$0x230]  }
0x36: {  	v23 =	vld [tilespmem:s1+$0x4230]  }
0x37: {  	v36 =	vld [tilespmem:s1+$0x240];
	v16 =	vmul.f32 v17, v16;
	v17 =	vmul.f32 v19, v18  }
0x38: {  	v37 =	vld [tilespmem:s1+$0x4240]  }
0x39: {  	v38 =	vld [tilespmem:s1+$0x250];
	v16 =	vadd.f32 v17, v16;
	v17 =	vmul.f32 v21, v20  }
0x3a: {  	v39 =	vld [tilespmem:s1+$0x4250]  }
0x3b: {  	v40 =	vld [tilespmem:s1+$0x260];
	v16 =	vadd.f32 v17, v16;
	v17 =	vmul.f32 v23, v22  }
0x3c: {  	v41 =	vld [tilespmem:s1+$0x4260]  }
0x3d: {  	v42 =	vld [tilespmem:s1+$0x270];
	v16 =	vadd.f32 v17, v16;
	v17 =	vmul.f32 v37, v36  }
0x3e: {  	v43 =	vld [tilespmem:s1+$0x4270]  }
0x3f: {  	v16 =	vadd.f32 v17, v16;
	v17 =	vmul.f32 v39, v38;
	_ =	sdelay $0x1  }
0x40: {  	v16 =	vadd.f32 v17, v16;
	v17 =	vmul.f32 v41, v40;
	_ =	sdelay $0x1  }
0x41: {  	v16 =	vadd.f32 v17, v16;
	v17 =	vmul.f32 v43, v42;
	_ =	sdelay $0x1  }
0x42: {  	v16 =	vadd.f32 v17, v16;
	_ =	sdelay $0x1  }
0x43: {  	[tilespmem:v0+s23+$0x0] =	vst.idx.msk $0xffff, v16  }
0x44: {  	v16 =	vld [tilespmem:s1+$0x280]  }
0x45: {  	v17 =	vld [tilespmem:s1+$0x4280]  }
0x46: {  	v44 =	vld [tilespmem:s1+$0x290]  }
0x47: {  	v45 =	vld [tilespmem:s1+$0x4290]  }
0x48: {  	v46 =	vld [tilespmem:s1+$0x2A0]  }
0x49: {  	v47 =	vld [tilespmem:s1+$0x42A0]  }
0x4a: {  	v48 =	vld [tilespmem:s1+$0x2B0]  }
0x4b: {  	v49 =	vld [tilespmem:s1+$0x42B0]  }
0x4c: {  	v50 =	vld [tilespmem:s1+$0x2C0];
	v16 =	vmul.f32 v17, v16;
	v17 =	vmul.f32 v45, v44  }
0x4d: {  	v51 =	vld [tilespmem:s1+$0x42C0]  }
0x4e: {  	v52 =	vld [tilespmem:s1+$0x2D0];
	v16 =	vadd.f32 v17, v16;
	v17 =	vmul.f32 v47, v46  }
0x4f: {  	v53 =	vld [tilespmem:s1+$0x42D0]  }
0x50: {  	v54 =	vld [tilespmem:s1+$0x2E0];
	v16 =	vadd.f32 v17, v16;
	v17 =	vmul.f32 v49, v48  }
0x51: {  	v55 =	vld [tilespmem:s1+$0x42E0]  }
0x52: {  	v56 =	vld [tilespmem:s1+$0x2F0];
	v16 =	vadd.f32 v17, v16;
	v17 =	vmul.f32 v51, v50  }
0x53: {  	v57 =	vld [tilespmem:s1+$0x42F0]  }
0x54: {  	v16 =	vadd.f32 v17, v16;
	v17 =	vmul.f32 v53, v52;
	_ =	sdelay $0x1  }
0x55: {  	v16 =	vadd.f32 v17, v16;
	v17 =	vmul.f32 v55, v54;
	_ =	sdelay $0x1  }
0x56: {  	v16 =	vadd.f32 v17, v16;
	v17 =	vmul.f32 v57, v56;
	_ =	sdelay $0x1  }
0x57: {  	v16 =	vadd.f32 v17, v16;
	_ =	sdelay $0x1  }
0x58: {  	[tilespmem:v1+s23+$0x0] =	vst.idx.msk $0xffff, v16  }
0x59: {  	v16 =	vld [tilespmem:s1+$0x300]  }
0x5a: {  	v17 =	vld [tilespmem:s1+$0x4300]  }
0x5b: {  	v58 =	vld [tilespmem:s1+$0x310]  }
0x5c: {  	v59 =	vld [tilespmem:s1+$0x4310]  }
0x5d: {  	v60 =	vld [tilespmem:s1+$0x320]  }
0x5e: {  	v61 =	vld [tilespmem:s1+$0x4320]  }
0x5f: {  	v62 =	vld [tilespmem:s1+$0x330]  }
0x60: {  	v63 =	vld [tilespmem:s1+$0x4330]  }
0x61: {  	v24 =	vld [tilespmem:s1+$0x340];
	v16 =	vmul.f32 v17, v16;
	v17 =	vmul.f32 v59, v58  }
0x62: {  	v25 =	vld [tilespmem:s1+$0x4340]  }
0x63: {  	v26 =	vld [tilespmem:s1+$0x350];
	v16 =	vadd.f32 v17, v16;
	v17 =	vmul.f32 v61, v60  }
0x64: {  	v27 =	vld [tilespmem:s1+$0x4350]  }
0x65: {  	v28 =	vld [tilespmem:s1+$0x360];
	v16 =	vadd.f32 v17, v16;
	v17 =	vmul.f32 v63, v62  }
0x66: {  	v29 =	vld [tilespmem:s1+$0x4360]  }
0x67: {  	v30 =	vld [tilespmem:s1+$0x370];
	v16 =	vadd.f32 v17, v16;
	v17 =	vmul.f32 v25, v24  }
0x68: {  	v31 =	vld [tilespmem:s1+$0x4370]  }
0x69: {  	v16 =	vadd.f32 v17, v16;
	v17 =	vmul.f32 v27, v26;
	_ =	sdelay $0x1  }
0x6a: {  	v16 =	vadd.f32 v17, v16;
	v17 =	vmul.f32 v29, v28;
	_ =	sdelay $0x1  }
0x6b: {  	v16 =	vadd.f32 v17, v16;
	v17 =	vmul.f32 v31, v30;
	_ =	sdelay $0x1  }
0x6c: {  	v16 =	vadd.f32 v17, v16;
	_ =	sdelay $0x1  }
0x6d: {  	[tilespmem:v2+s23+$0x0] =	vst.idx.msk $0xffff, v16  }
0x6e: {  	v16 =	vld [tilespmem:s1+$0x380]  }
0x6f: {  	v17 =	vld [tilespmem:s1+$0x4380]  }
0x70: {  	v32 =	vld [tilespmem:s1+$0x390]  }
0x71: {  	v33 =	vld [tilespmem:s1+$0x4390]  }
0x72: {  	v34 =	vld [tilespmem:s1+$0x3A0]  }
0x73: {  	v35 =	vld [tilespmem:s1+$0x43A0]  }
0x74: {  	v36 =	vld [tilespmem:s1+$0x3B0]  }
0x75: {  	v37 =	vld [tilespmem:s1+$0x43B0]  }
0x76: {  	v38 =	vld [tilespmem:s1+$0x3C0];
	v16 =	vmul.f32 v17, v16;
	v17 =	vmul.f32 v33, v32  }
0x77: {  	v39 =	vld [tilespmem:s1+$0x43C0]  }
0x78: {  	v40 =	vld [tilespmem:s1+$0x3D0];
	v16 =	vadd.f32 v17, v16;
	v17 =	vmul.f32 v35, v34  }
0x79: {  	v41 =	vld [tilespmem:s1+$0x43D0]  }
0x7a: {  	v42 =	vld [tilespmem:s1+$0x3E0];
	v16 =	vadd.f32 v17, v16;
	v17 =	vmul.f32 v37, v36  }
0x7b: {  	v43 =	vld [tilespmem:s1+$0x43E0]  }
0x7c: {  	v44 =	vld [tilespmem:s1+$0x3F0];
	v16 =	vadd.f32 v17, v16;
	v17 =	vmul.f32 v39, v38  }
0x7d: {  	v45 =	vld [tilespmem:s1+$0x43F0]  }
0x7e: {  	v16 =	vadd.f32 v17, v16;
	v17 =	vmul.f32 v41, v40;
	_ =	sdelay $0x1  }
0x7f: {  	v16 =	vadd.f32 v17, v16;
	v17 =	vmul.f32 v43, v42;
	_ =	sdelay $0x1  }
0x80: {  	v16 =	vadd.f32 v17, v16;
	v17 =	vmul.f32 v45, v44;
	_ =	sdelay $0x1  }
0x81: {  	v16 =	vadd.f32 v17, v16;
	_ =	sdelay $0x1  }
0x82: {  	[tilespmem:v3+s23+$0x0] =	vst.idx.msk $0xffff, v16  }
0x83: {  	v16 =	vld [tilespmem:s1+$0x400]  }
0x84: {  	v17 =	vld [tilespmem:s1+$0x4400]  }
0x85: {  	v46 =	vld [tilespmem:s1+$0x410]  }
0x86: {  	v47 =	vld [tilespmem:s1+$0x4410]  }
0x87: {  	v48 =	vld [tilespmem:s1+$0x420]  }
0x88: {  	v49 =	vld [tilespmem:s1+$0x4420]  }
0x89: {  	v50 =	vld [tilespmem:s1+$0x430]  }
0x8a: {  	v51 =	vld [tilespmem:s1+$0x4430]  }
0x8b: {  	v52 =	vld [tilespmem:s1+$0x440];
	v16 =	vmul.f32 v17, v16;
	v17 =	vmul.f32 v47, v46  }
0x8c: {  	v53 =	vld [tilespmem:s1+$0x4440]  }
0x8d: {  	v54 =	vld [tilespmem:s1+$0x450];
	v16 =	vadd.f32 v17, v16;
	v17 =	vmul.f32 v49, v48  }
0x8e: {  	v55 =	vld [tilespmem:s1+$0x4450]  }
0x8f: {  	v56 =	vld [tilespmem:s1+$0x460];
	v16 =	vadd.f32 v17, v16;
	v17 =	vmul.f32 v51, v50  }
0x90: {  	v57 =	vld [tilespmem:s1+$0x4460]  }
0x91: {  	v58 =	vld [tilespmem:s1+$0x470];
	v16 =	vadd.f32 v17, v16;
	v17 =	vmul.f32 v53, v52  }
0x92: {  	v59 =	vld [tilespmem:s1+$0x4470]  }
0x93: {  	v16 =	vadd.f32 v17, v16;
	v17 =	vmul.f32 v55, v54;
	_ =	sdelay $0x1  }
0x94: {  	v16 =	vadd.f32 v17, v16;
	v17 =	vmul.f32 v57, v56;
	_ =	sdelay $0x1  }
0x95: {  	v16 =	vadd.f32 v17, v16;
	v17 =	vmul.f32 v59, v58;
	_ =	sdelay $0x1  }
0x96: {  	v16 =	vadd.f32 v17, v16;
	_ =	sdelay $0x1  }
0x97: {  	[tilespmem:v4+s23+$0x0] =	vst.idx.msk $0xffff, v16  }
0x98: {  	v16 =	vld [tilespmem:s1+$0x480]  }
0x99: {  	v17 =	vld [tilespmem:s1+$0x4480]  }
0x9a: {  	v60 =	vld [tilespmem:s1+$0x490]  }
0x9b: {  	v61 =	vld [tilespmem:s1+$0x4490]  }
0x9c: {  	v62 =	vld [tilespmem:s1+$0x4A0]  }
0x9d: {  	v63 =	vld [tilespmem:s1+$0x44A0]  }
0x9e: {  	v24 =	vld [tilespmem:s1+$0x4B0]  }
0x9f: {  	v25 =	vld [tilespmem:s1+$0x44B0]  }
0xa0: {  	v26 =	vld [tilespmem:s1+$0x4C0];
	v16 =	vmul.f32 v17, v16;
	v17 =	vmul.f32 v61, v60  }
0xa1: {  	v27 =	vld [tilespmem:s1+$0x44C0]  }
0xa2: {  	v28 =	vld [tilespmem:s1+$0x4D0];
	v16 =	vadd.f32 v17, v16;
	v17 =	vmul.f32 v63, v62  }
0xa3: {  	v29 =	vld [tilespmem:s1+$0x44D0]  }
0xa4: {  	v30 =	vld [tilespmem:s1+$0x4E0];
	v16 =	vadd.f32 v17, v16;
	v17 =	vmul.f32 v25, v24  }
0xa5: {  	v31 =	vld [tilespmem:s1+$0x44E0]  }
0xa6: {  	v32 =	vld [tilespmem:s1+$0x4F0];
	v16 =	vadd.f32 v17, v16;
	v17 =	vmul.f32 v27, v26  }
0xa7: {  	v33 =	vld [tilespmem:s1+$0x44F0]  }
0xa8: {  	v16 =	vadd.f32 v17, v16;
	v17 =	vmul.f32 v29, v28;
	_ =	sdelay $0x1  }
0xa9: {  	v16 =	vadd.f32 v17, v16;
	v17 =	vmul.f32 v31, v30;
	_ =	sdelay $0x1  }
0xaa: {  	v16 =	vadd.f32 v17, v16;
	v17 =	vmul.f32 v33, v32;
	_ =	sdelay $0x1  }
0xab: {  	v16 =	vadd.f32 v17, v16;
	_ =	sdelay $0x1  }
0xac: {  	[tilespmem:v5+s23+$0x0] =	vst.idx.msk $0xffff, v16  }
0xad: {  	v16 =	vld [tilespmem:s1+$0x500]  }
0xae: {  	v17 =	vld [tilespmem:s1+$0x4500]  }
0xaf: {  	v34 =	vld [tilespmem:s1+$0x510]  }
0xb0: {  	v35 =	vld [tilespmem:s1+$0x4510]  }
0xb1: {  	v36 =	vld [tilespmem:s1+$0x520]  }
0xb2: {  	v37 =	vld [tilespmem:s1+$0x4520]  }
0xb3: {  	v38 =	vld [tilespmem:s1+$0x530]  }
0xb4: {  	v39 =	vld [tilespmem:s1+$0x4530]  }
0xb5: {  	v40 =	vld [tilespmem:s1+$0x540];
	v16 =	vmul.f32 v17, v16;
	v17 =	vmul.f32 v35, v34  }
0xb6: {  	v41 =	vld [tilespmem:s1+$0x4540]  }
0xb7: {  	v42 =	vld [tilespmem:s1+$0x550];
	v16 =	vadd.f32 v17, v16;
	v17 =	vmul.f32 v37, v36  }
0xb8: {  	v43 =	vld [tilespmem:s1+$0x4550]  }
0xb9: {  	v44 =	vld [tilespmem:s1+$0x560];
	v16 =	vadd.f32 v17, v16;
	v17 =	vmul.f32 v39, v38  }
0xba: {  	v45 =	vld [tilespmem:s1+$0x4560]  }
0xbb: {  	v46 =	vld [tilespmem:s1+$0x570];
	v16 =	vadd.f32 v17, v16;
	v17 =	vmul.f32 v41, v40  }
0xbc: {  	v47 =	vld [tilespmem:s1+$0x4570]  }
0xbd: {  	v16 =	vadd.f32 v17, v16;
	v17 =	vmul.f32 v43, v42;
	_ =	sdelay $0x1  }
0xbe: {  	v16 =	vadd.f32 v17, v16;
	v17 =	vmul.f32 v45, v44;
	_ =	sdelay $0x1  }
0xbf: {  	v16 =	vadd.f32 v17, v16;
	v17 =	vmul.f32 v47, v46;
	_ =	sdelay $0x1  }
0xc0: {  	v16 =	vadd.f32 v17, v16;
	_ =	sdelay $0x1  }
0xc1: {  	[tilespmem:v6+s23+$0x0] =	vst.idx.msk $0xffff, v16  }
0xc2: {  	v16 =	vld [tilespmem:s1+$0x580]  }
0xc3: {  	v17 =	vld [tilespmem:s1+$0x4580]  }
0xc4: {  	v48 =	vld [tilespmem:s1+$0x590]  }
0xc5: {  	v49 =	vld [tilespmem:s1+$0x4590]  }
0xc6: {  	v50 =	vld [tilespmem:s1+$0x5A0]  }
0xc7: {  	v51 =	vld [tilespmem:s1+$0x45A0]  }
0xc8: {  	v52 =	vld [tilespmem:s1+$0x5B0]  }
0xc9: {  	v53 =	vld [tilespmem:s1+$0x45B0]  }
0xca: {  	v54 =	vld [tilespmem:s1+$0x5C0];
	v16 =	vmul.f32 v17, v16;
	v17 =	vmul.f32 v49, v48  }
0xcb: {  	v55 =	vld [tilespmem:s1+$0x45C0]  }
0xcc: {  	v56 =	vld [tilespmem:s1+$0x5D0];
	v16 =	vadd.f32 v17, v16;
	v17 =	vmul.f32 v51, v50  }
0xcd: {  	v57 =	vld [tilespmem:s1+$0x45D0]  }
0xce: {  	v58 =	vld [tilespmem:s1+$0x5E0];
	v16 =	vadd.f32 v17, v16;
	v17 =	vmul.f32 v53, v52  }
0xcf: {  	v59 =	vld [tilespmem:s1+$0x45E0]  }
0xd0: {  	v60 =	vld [tilespmem:s1+$0x5F0];
	v16 =	vadd.f32 v17, v16;
	v17 =	vmul.f32 v55, v54  }
0xd1: {  	v61 =	vld [tilespmem:s1+$0x45F0]  }
0xd2: {  	v16 =	vadd.f32 v17, v16;
	v17 =	vmul.f32 v57, v56;
	_ =	sdelay $0x1  }
0xd3: {  	v16 =	vadd.f32 v17, v16;
	v17 =	vmul.f32 v59, v58;
	_ =	sdelay $0x1  }
0xd4: {  	v16 =	vadd.f32 v17, v16;
	v17 =	vmul.f32 v61, v60;
	_ =	sdelay $0x1  }
0xd5: {  	v16 =	vadd.f32 v17, v16;
	_ =	sdelay $0x1  }
0xd6: {  	[tilespmem:v7+s23+$0x0] =	vst.idx.msk $0xffff, v16  }
0xd7: {  	v16 =	vld [tilespmem:s1+$0x600]  }
0xd8: {  	v17 =	vld [tilespmem:s1+$0x4600]  }
0xd9: {  	v62 =	vld [tilespmem:s1+$0x610]  }
0xda: {  	v63 =	vld [tilespmem:s1+$0x4610]  }
0xdb: {  	v24 =	vld [tilespmem:s1+$0x620]  }
0xdc: {  	v25 =	vld [tilespmem:s1+$0x4620]  }
0xdd: {  	v26 =	vld [tilespmem:s1+$0x630]  }
0xde: {  	v27 =	vld [tilespmem:s1+$0x4630]  }
0xdf: {  	v28 =	vld [tilespmem:s1+$0x640];
	v16 =	vmul.f32 v17, v16;
	v17 =	vmul.f32 v63, v62  }
0xe0: {  	v29 =	vld [tilespmem:s1+$0x4640]  }
0xe1: {  	v30 =	vld [tilespmem:s1+$0x650];
	v16 =	vadd.f32 v17, v16;
	v17 =	vmul.f32 v25, v24  }
0xe2: {  	v31 =	vld [tilespmem:s1+$0x4650]  }
0xe3: {  	v32 =	vld [tilespmem:s1+$0x660];
	v16 =	vadd.f32 v17, v16;
	v17 =	vmul.f32 v27, v26  }
0xe4: {  	v33 =	vld [tilespmem:s1+$0x4660]  }
0xe5: {  	v34 =	vld [tilespmem:s1+$0x670];
	v16 =	vadd.f32 v17, v16;
	v17 =	vmul.f32 v29, v28  }
0xe6: {  	v35 =	vld [tilespmem:s1+$0x4670]  }
0xe7: {  	v16 =	vadd.f32 v17, v16;
	v17 =	vmul.f32 v31, v30;
	_ =	sdelay $0x1  }
0xe8: {  	v16 =	vadd.f32 v17, v16;
	v17 =	vmul.f32 v33, v32;
	_ =	sdelay $0x1  }
0xe9: {  	v16 =	vadd.f32 v17, v16;
	v17 =	vmul.f32 v35, v34;
	_ =	sdelay $0x1  }
0xea: {  	v16 =	vadd.f32 v17, v16;
	_ =	sdelay $0x1  }
0xeb: {  	[tilespmem:v8+s23+$0x0] =	vst.idx.msk $0xffff, v16  }
0xec: {  	v16 =	vld [tilespmem:s1+$0x680]  }
0xed: {  	v17 =	vld [tilespmem:s1+$0x4680]  }
0xee: {  	v36 =	vld [tilespmem:s1+$0x690]  }
0xef: {  	v37 =	vld [tilespmem:s1+$0x4690]  }
0xf0: {  	v38 =	vld [tilespmem:s1+$0x6A0]  }
0xf1: {  	v39 =	vld [tilespmem:s1+$0x46A0]  }
0xf2: {  	v40 =	vld [tilespmem:s1+$0x6B0]  }
0xf3: {  	v41 =	vld [tilespmem:s1+$0x46B0]  }
0xf4: {  	v42 =	vld [tilespmem:s1+$0x6C0];
	v16 =	vmul.f32 v17, v16;
	v17 =	vmul.f32 v37, v36  }
0xf5: {  	v43 =	vld [tilespmem:s1+$0x46C0]  }
0xf6: {  	v44 =	vld [tilespmem:s1+$0x6D0];
	v16 =	vadd.f32 v17, v16;
	v17 =	vmul.f32 v39, v38  }
0xf7: {  	v45 =	vld [tilespmem:s1+$0x46D0]  }
0xf8: {  	v46 =	vld [tilespmem:s1+$0x6E0];
	v16 =	vadd.f32 v17, v16;
	v17 =	vmul.f32 v41, v40  }
0xf9: {  	v47 =	vld [tilespmem:s1+$0x46E0]  }
0xfa: {  	v48 =	vld [tilespmem:s1+$0x6F0];
	v16 =	vadd.f32 v17, v16;
	v17 =	vmul.f32 v43, v42  }
0xfb: {  	v49 =	vld [tilespmem:s1+$0x46F0]  }
0xfc: {  	v16 =	vadd.f32 v17, v16;
	v17 =	vmul.f32 v45, v44;
	_ =	sdelay $0x1  }
0xfd: {  	v16 =	vadd.f32 v17, v16;
	v17 =	vmul.f32 v47, v46;
	_ =	sdelay $0x1  }
0xfe: {  	v16 =	vadd.f32 v17, v16;
	v17 =	vmul.f32 v49, v48;
	_ =	sdelay $0x1  }
0xff: {  	v16 =	vadd.f32 v17, v16;
	_ =	sdelay $0x1  }
0x100: {  	[tilespmem:v9+s23+$0x0] =	vst.idx.msk $0xffff, v16  }
0x101: {  	v16 =	vld [tilespmem:s1+$0x700]  }
0x102: {  	v17 =	vld [tilespmem:s1+$0x4700]  }
0x103: {  	v50 =	vld [tilespmem:s1+$0x710]  }
0x104: {  	v51 =	vld [tilespmem:s1+$0x4710]  }
0x105: {  	v52 =	vld [tilespmem:s1+$0x720]  }
0x106: {  	v53 =	vld [tilespmem:s1+$0x4720]  }
0x107: {  	v54 =	vld [tilespmem:s1+$0x730]  }
0x108: {  	v55 =	vld [tilespmem:s1+$0x4730]  }
0x109: {  	v56 =	vld [tilespmem:s1+$0x740];
	v16 =	vmul.f32 v17, v16;
	v17 =	vmul.f32 v51, v50  }
0x10a: {  	v57 =	vld [tilespmem:s1+$0x4740]  }
0x10b: {  	v58 =	vld [tilespmem:s1+$0x750];
	v16 =	vadd.f32 v17, v16;
	v17 =	vmul.f32 v53, v52  }
0x10c: {  	v59 =	vld [tilespmem:s1+$0x4750]  }
0x10d: {  	v60 =	vld [tilespmem:s1+$0x760];
	v16 =	vadd.f32 v17, v16;
	v17 =	vmul.f32 v55, v54  }
0x10e: {  	v61 =	vld [tilespmem:s1+$0x4760]  }
0x10f: {  	v62 =	vld [tilespmem:s1+$0x770];
	v16 =	vadd.f32 v17, v16;
	v17 =	vmul.f32 v57, v56  }
0x110: {  	v63 =	vld [tilespmem:s1+$0x4770]  }
0x111: {  	v16 =	vadd.f32 v17, v16;
	v17 =	vmul.f32 v59, v58;
	_ =	sdelay $0x1  }
0x112: {  	v16 =	vadd.f32 v17, v16;
	v17 =	vmul.f32 v61, v60;
	_ =	sdelay $0x1  }
0x113: {  	v16 =	vadd.f32 v17, v16;
	v17 =	vmul.f32 v63, v62;
	_ =	sdelay $0x1  }
0x114: {  	v16 =	vadd.f32 v17, v16;
	_ =	sdelay $0x1  }
0x115: {  	[tilespmem:v10+s23+$0x0] =	vst.idx.msk $0xffff, v16  }
0x116: {  	v16 =	vld [tilespmem:s1+$0x780]  }
0x117: {  	v17 =	vld [tilespmem:s1+$0x4780]  }
0x118: {  	v24 =	vld [tilespmem:s1+$0x790]  }
0x119: {  	v25 =	vld [tilespmem:s1+$0x4790]  }
0x11a: {  	v26 =	vld [tilespmem:s1+$0x7A0]  }
0x11b: {  	v27 =	vld [tilespmem:s1+$0x47A0]  }
0x11c: {  	v28 =	vld [tilespmem:s1+$0x7B0]  }
0x11d: {  	v29 =	vld [tilespmem:s1+$0x47B0]  }
0x11e: {  	v30 =	vld [tilespmem:s1+$0x7C0];
	v16 =	vmul.f32 v17, v16;
	v17 =	vmul.f32 v25, v24  }
0x11f: {  	v31 =	vld [tilespmem:s1+$0x47C0]  }
0x120: {  	v32 =	vld [tilespmem:s1+$0x7D0];
	v16 =	vadd.f32 v17, v16;
	v17 =	vmul.f32 v27, v26  }
0x121: {  	v33 =	vld [tilespmem:s1+$0x47D0]  }
0x122: {  	v34 =	vld [tilespmem:s1+$0x7E0];
	v16 =	vadd.f32 v17, v16;
	v17 =	vmul.f32 v29, v28  }
0x123: {  	v35 =	vld [tilespmem:s1+$0x47E0]  }
0x124: {  	v36 =	vld [tilespmem:s1+$0x7F0];
	v16 =	vadd.f32 v17, v16;
	v17 =	vmul.f32 v31, v30  }
0x125: {  	v37 =	vld [tilespmem:s1+$0x47F0]  }
0x126: {  	v16 =	vadd.f32 v17, v16;
	v17 =	vmul.f32 v33, v32;
	_ =	sdelay $0x1  }
0x127: {  	v16 =	vadd.f32 v17, v16;
	v17 =	vmul.f32 v35, v34;
	_ =	sdelay $0x1  }
0x128: {  	v16 =	vadd.f32 v17, v16;
	v17 =	vmul.f32 v37, v36;
	_ =	sdelay $0x1  }
0x129: {  	v16 =	vadd.f32 v17, v16;
	_ =	sdelay $0x1  }
0x12a: {  	[tilespmem:v11+s23+$0x0] =	vst.idx.msk $0xffff, v16  }
0x12b: {  	v16 =	vld [tilespmem:s1+$0x800]  }
0x12c: {  	v17 =	vld [tilespmem:s1+$0x4800]  }
0x12d: {  	v38 =	vld [tilespmem:s1+$0x810]  }
0x12e: {  	v39 =	vld [tilespmem:s1+$0x4810]  }
0x12f: {  	v40 =	vld [tilespmem:s1+$0x820]  }
0x130: {  	v41 =	vld [tilespmem:s1+$0x4820]  }
0x131: {  	v42 =	vld [tilespmem:s1+$0x830]  }
0x132: {  	v43 =	vld [tilespmem:s1+$0x4830]  }
0x133: {  	v44 =	vld [tilespmem:s1+$0x840];
	v16 =	vmul.f32 v17, v16;
	v17 =	vmul.f32 v39, v38  }
0x134: {  	v45 =	vld [tilespmem:s1+$0x4840]  }
0x135: {  	v46 =	vld [tilespmem:s1+$0x850];
	v16 =	vadd.f32 v17, v16;
	v17 =	vmul.f32 v41, v40  }
0x136: {  	v47 =	vld [tilespmem:s1+$0x4850]  }
0x137: {  	v48 =	vld [tilespmem:s1+$0x860];
	v16 =	vadd.f32 v17, v16;
	v17 =	vmul.f32 v43, v42  }
0x138: {  	v49 =	vld [tilespmem:s1+$0x4860]  }
0x139: {  	v50 =	vld [tilespmem:s1+$0x870];
	v16 =	vadd.f32 v17, v16;
	v17 =	vmul.f32 v45, v44  }
0x13a: {  	v51 =	vld [tilespmem:s1+$0x4870]  }
0x13b: {  	v16 =	vadd.f32 v17, v16;
	v17 =	vmul.f32 v47, v46;
	_ =	sdelay $0x1  }
0x13c: {  	v16 =	vadd.f32 v17, v16;
	v17 =	vmul.f32 v49, v48;
	_ =	sdelay $0x1  }
0x13d: {  	v16 =	vadd.f32 v17, v16;
	v17 =	vmul.f32 v51, v50;
	_ =	sdelay $0x1  }
0x13e: {  	v16 =	vadd.f32 v17, v16;
	_ =	sdelay $0x1  }
0x13f: {  	[tilespmem:v12+s23+$0x0] =	vst.idx.msk $0xffff, v16  }
0x140: {  	v16 =	vld [tilespmem:s1+$0x880]  }
0x141: {  	v17 =	vld [tilespmem:s1+$0x4880]  }
0x142: {  	v52 =	vld [tilespmem:s1+$0x890]  }
0x143: {  	v53 =	vld [tilespmem:s1+$0x4890]  }
0x144: {  	v54 =	vld [tilespmem:s1+$0x8A0]  }
0x145: {  	v55 =	vld [tilespmem:s1+$0x48A0]  }
0x146: {  	v56 =	vld [tilespmem:s1+$0x8B0]  }
0x147: {  	v57 =	vld [tilespmem:s1+$0x48B0]  }
0x148: {  	v58 =	vld [tilespmem:s1+$0x8C0];
	v16 =	vmul.f32 v17, v16;
	v17 =	vmul.f32 v53, v52  }
0x149: {  	v59 =	vld [tilespmem:s1+$0x48C0]  }
0x14a: {  	v60 =	vld [tilespmem:s1+$0x8D0];
	v16 =	vadd.f32 v17, v16;
	v17 =	vmul.f32 v55, v54  }
0x14b: {  	v61 =	vld [tilespmem:s1+$0x48D0]  }
0x14c: {  	v62 =	vld [tilespmem:s1+$0x8E0];
	v16 =	vadd.f32 v17, v16;
	v17 =	vmul.f32 v57, v56  }
0x14d: {  	v63 =	vld [tilespmem:s1+$0x48E0]  }
0x14e: {  	v24 =	vld [tilespmem:s1+$0x8F0];
	v16 =	vadd.f32 v17, v16;
	v17 =	vmul.f32 v59, v58  }
0x14f: {  	v25 =	vld [tilespmem:s1+$0x48F0]  }
0x150: {  	v16 =	vadd.f32 v17, v16;
	v17 =	vmul.f32 v61, v60;
	_ =	sdelay $0x1  }
0x151: {  	v16 =	vadd.f32 v17, v16;
	v17 =	vmul.f32 v63, v62;
	_ =	sdelay $0x1  }
0x152: {  	v16 =	vadd.f32 v17, v16;
	v17 =	vmul.f32 v25, v24;
	_ =	sdelay $0x1  }
0x153: {  	v16 =	vadd.f32 v17, v16;
	_ =	sdelay $0x1  }
0x154: {  	[tilespmem:v13+s23+$0x0] =	vst.idx.msk $0xffff, v16  }
0x155: {  	v16 =	vld [tilespmem:s1+$0x900]  }
0x156: {  	v17 =	vld [tilespmem:s1+$0x4900]  }
0x157: {  	v26 =	vld [tilespmem:s1+$0x910]  }
0x158: {  	v27 =	vld [tilespmem:s1+$0x4910]  }
0x159: {  	v28 =	vld [tilespmem:s1+$0x920]  }
0x15a: {  	v29 =	vld [tilespmem:s1+$0x4920]  }
0x15b: {  	v30 =	vld [tilespmem:s1+$0x930]  }
0x15c: {  	v31 =	vld [tilespmem:s1+$0x4930]  }
0x15d: {  	v32 =	vld [tilespmem:s1+$0x940];
	v16 =	vmul.f32 v17, v16;
	v17 =	vmul.f32 v27, v26  }
0x15e: {  	v33 =	vld [tilespmem:s1+$0x4940]  }
0x15f: {  	v34 =	vld [tilespmem:s1+$0x950];
	v16 =	vadd.f32 v17, v16;
	v17 =	vmul.f32 v29, v28  }
0x160: {  	v35 =	vld [tilespmem:s1+$0x4950]  }
0x161: {  	v36 =	vld [tilespmem:s1+$0x960];
	v16 =	vadd.f32 v17, v16;
	v17 =	vmul.f32 v31, v30  }
0x162: {  	v37 =	vld [tilespmem:s1+$0x4960]  }
0x163: {  	v38 =	vld [tilespmem:s1+$0x970];
	v16 =	vadd.f32 v17, v16;
	v17 =	vmul.f32 v33, v32  }
0x164: {  	v39 =	vld [tilespmem:s1+$0x4970]  }
0x165: {  	v16 =	vadd.f32 v17, v16;
	v17 =	vmul.f32 v35, v34;
	_ =	sdelay $0x1  }
0x166: {  	v16 =	vadd.f32 v17, v16;
	v17 =	vmul.f32 v37, v36;
	_ =	sdelay $0x1  }
0x167: {  	v16 =	vadd.f32 v17, v16;
	v17 =	vmul.f32 v39, v38;
	_ =	sdelay $0x1  }
0x168: {  	v16 =	vadd.f32 v17, v16;
	_ =	sdelay $0x1  }
0x169: {  	[tilespmem:v14+s23+$0x0] =	vst.idx.msk $0xffff, v16  }
0x16a: {  	v16 =	vld [tilespmem:s1+$0x980]  }
0x16b: {  	v17 =	vld [tilespmem:s1+$0x4980]  }
0x16c: {  	v40 =	vld [tilespmem:s1+$0x990]  }
0x16d: {  	v41 =	vld [tilespmem:s1+$0x4990]  }
0x16e: {  	v42 =	vld [tilespmem:s1+$0x9A0]  }
0x16f: {  	v43 =	vld [tilespmem:s1+$0x49A0]  }
0x170: {  	v44 =	vld [tilespmem:s1+$0x9B0]  }
0x171: {  	v45 =	vld [tilespmem:s1+$0x49B0]  }
0x172: {  	v46 =	vld [tilespmem:s1+$0x9C0];
	v16 =	vmul.f32 v17, v16;
	v17 =	vmul.f32 v41, v40  }
0x173: {  	v47 =	vld [tilespmem:s1+$0x49C0]  }
0x174: {  	v48 =	vld [tilespmem:s1+$0x9D0];
	v16 =	vadd.f32 v17, v16;
	v17 =	vmul.f32 v43, v42  }
0x175: {  	v49 =	vld [tilespmem:s1+$0x49D0]  }
0x176: {  	v50 =	vld [tilespmem:s1+$0x9E0];
	v16 =	vadd.f32 v17, v16;
	v17 =	vmul.f32 v45, v44  }
0x177: {  	v51 =	vld [tilespmem:s1+$0x49E0]  }
0x178: {  	v52 =	vld [tilespmem:s1+$0x9F0];
	v16 =	vadd.f32 v17, v16;
	v17 =	vmul.f32 v47, v46  }
0x179: {  	v53 =	vld [tilespmem:s1+$0x49F0]  }
0x17a: {  	v16 =	vadd.f32 v17, v16;
	v17 =	vmul.f32 v49, v48;
	_ =	sdelay $0x1  }
0x17b: {  	v16 =	vadd.f32 v17, v16;
	v17 =	vmul.f32 v51, v50;
	_ =	sdelay $0x1  }
0x17c: {  	v16 =	vadd.f32 v17, v16;
	v17 =	vmul.f32 v53, v52;
	_ =	sdelay $0x1  }
0x17d: {  	v16 =	vadd.f32 v17, v16;
	_ =	sdelay $0x1  }
0x17e: {  	[tilespmem:v15+s23+$0x0] =	vst.idx.msk $0xffff, v16  }
0x17f: {  	v16 =	vld [tilespmem:$0x10280]  }
0x180: {  	v17 =	vld [tilespmem:$0x10300];
	_ =	sdelay $0x1  }
0x181: {  	v54 =	vld [tilespmem:$0x10380];
	_ =	sdelay $0x1  }
0x182: {  	v55 =	vld [tilespmem:$0x10400]  }
0x183: {  	v16 =	vadd.f32 v17, v16  }
0x184: {  	v17 =	vld [tilespmem:$0x10480]  }
0x185: {  	v16 =	vadd.f32 v54, v16  }
0x186: {  	v56 =	vld [tilespmem:$0x10500]  }
0x187: {  	v16 =	vadd.f32 v55, v16  }
0x188: {  	v57 =	vld [tilespmem:$0x10580]  }
0x189: {  	v16 =	vadd.f32 v17, v16  }
0x18a: {  	v17 =	vld [tilespmem:$0x10600]  }
0x18b: {  	v16 =	vadd.f32 v56, v16  }
0x18c: {  	v58 =	vld [tilespmem:$0x10680]  }
0x18d: {  	v16 =	vadd.f32 v57, v16  }
0x18e: {  	v59 =	vld [tilespmem:$0x10700]  }
0x18f: {  	v16 =	vadd.f32 v17, v16  }
0x190: {  	v17 =	vld [tilespmem:$0x10780]  }
0x191: {  	v16 =	vadd.f32 v58, v16  }
0x192: {  	v60 =	vld [tilespmem:$0x10800]  }
0x193: {  	v16 =	vadd.f32 v59, v16  }
0x194: {  	v61 =	vld [tilespmem:$0x10880]  }
0x195: {  	v16 =	vadd.f32 v17, v16  }
0x196: {  	v17 =	vld [tilespmem:$0x10900]  }
0x197: {  	v16 =	vadd.f32 v60, v16  }
0x198: {  	v62 =	vld [tilespmem:$0x10980]  }
0x199: {  	v16 =	vadd.f32 v61, v16  }
0x19a: {  	v63 =	vld [tilespmem:$0x10A00]  }
0x19b: {  	v16 =	vadd.f32 v17, v16  }
0x19c: {  	p0 =	sne.s32 s0, $0x7  }
.Ltmp0:
0x19d: {  	v16 =	vadd.f32 v62, v16;
	(pc) =	sbr.rel @p0 .LBB2_3-.Ltmp0, $4  }
0x19e: {  	_ = 	snop  }
0x19f: {  	s1 =	sshll.u32 s0, $0x4;
	v16 =	vadd.f32 v63, v16  }
0x1a0: {  	s1 =	sand.u32 $0x3FFFFFF0, s1  }
0x1a1: {  	s0 =	sadd.s32 $0x1, s0;
	[tilespmem:s1+$0x10200] =	vst v16  }
0x1a2: {  	s0 =	sadd.s32 s4, s31  }
0x1a3: {  	s1 =	sshll.u32 s29, $0x1;
	s0 =	sshrl.u32 s0, $0x3  }
0x1a4: {  	s31 =	simm.s32 $0x0;
	s1 =	sadd.s32 $0x2, s1;
	s0 =	sadd.s32 s8, s0  }
0x1a5: {  	[hbm4b:s0+s31] =	stream.linear.scatter [tilespmem:s24], [sflag:$0x5], $0x80, $0x38;
	[tilespmem:$0x10A80] =	vst v63  }
0x1a6: {  	p0 =	seq.s32 s1, $0x50;
	s0 =	sshll.u32 s1, $0x7  }
0x1a7: {  	s0 =	simm.s32 @p0 $0x0  }
0x1a8: {  	_ =	swait.ge [sflag:s13], $0x80;
	s0 =	sadd.s32 s4, s0  }
0x1a9: {  	[sflag:s13] =	ssyncset.done $0x0;
	s0 =	sshrl.u32 s0, $0x3  }
0x1aa: {  	[sflag:s13] =	ssyncadd.s32 $0xFFFFFF80;
	s1 =	sadd.s32 s6, s0  }
0x1ab: {  	[tilespmem:s31], [sflag:$0x5] =	stream.linear.gather [hbm4b:s1+s31], $0x80, $0x38;
	[tilespmem:$0x10A80] =	vst v63  }
0x1ac: {  	_ =	swait.ge [sflag:s13], $0x80  }
0x1ad: {  	[sflag:s13] =	ssyncset.done $0x0  }
0x1ae: {  	s0 =	sadd.s32 s7, s0;
	[sflag:s13] =	ssyncadd.s32 $0xFFFFFF80  }
0x1af: {  	[tilespmem:s14], [sflag:$0x5] =	stream.linear.gather [hbm4b:s0+s31], $0x80, $0x38;
	[tilespmem:$0x10A80] =	vst v63  }
0x1b0: {  	_ =	swait.ge [sflag:s13], $0x80  }
0x1b1: {  	[sflag:s13] =	ssyncset.done $0x0  }
0x1b2: {  	[sflag:s13] =	ssyncadd.s32 $0xFFFFFF80  }
0x1b3: {  	[tilespmem:s15], [sflag:$0x1] =	stream.indirect.gather [hbm4b:s3+s14], $0x80, s31, s14, $0xb8;
	[tilespmem:$0x10A80] =	vst v63  }
0x1b4: {  	_ = 	snop  }
0x1b5: {  	[tilespmem:s16], [sflag:$0x2] =	stream.indirect.gather [hbm4b:s5+s14], $0x80, s14, s14, $0xb8;
	[tilespmem:$0x10A80] =	vst v63  }
0x1b6: {  	_ =	swait.ge [sflag:s25], $0x4000  }
0x1b7: {  	[sflag:s25] =	ssyncset.done $0x0  }
0x1b8: {  	[sflag:s25] =	ssyncadd.s32 $0xFFFFC000  }
0x1b9: {  	_ =	swait.ge [sflag:s26], $0x4000  }
0x1ba: {  	[sflag:s26] =	ssyncset.done $0x0  }
0x1bb: {  	[sflag:s26] =	ssyncadd.s32 $0xFFFFC000  }
.LBB2_5:
0x1bc: {  	s0 =	sshll.u32 s31, $0xB  }
0x1bd: {  	v16 =	vld [tilespmem:s0+$0x8200]  }
0x1be: {  	v17 =	vld [tilespmem:s0+$0xC200]  }
0x1bf: {  	v18 =	vld [tilespmem:s0+$0x8210]  }
0x1c0: {  	v19 =	vld [tilespmem:s0+$0xC210]  }
0x1c1: {  	v20 =	vld [tilespmem:s0+$0x8220]  }
0x1c2: {  	v21 =	vld [tilespmem:s0+$0xC220]  }
0x1c3: {  	v22 =	vld [tilespmem:s0+$0x8230]  }
0x1c4: {  	v23 =	vld [tilespmem:s0+$0xC230]  }
0x1c5: {  	v36 =	vld [tilespmem:s0+$0x8240];
	v16 =	vmul.f32 v17, v16;
	v17 =	vmul.f32 v19, v18  }
0x1c6: {  	v37 =	vld [tilespmem:s0+$0xC240]  }
0x1c7: {  	v38 =	vld [tilespmem:s0+$0x8250];
	v16 =	vadd.f32 v17, v16;
	v17 =	vmul.f32 v21, v20  }
0x1c8: {  	v39 =	vld [tilespmem:s0+$0xC250]  }
0x1c9: {  	v40 =	vld [tilespmem:s0+$0x8260];
	v16 =	vadd.f32 v17, v16;
	v17 =	vmul.f32 v23, v22  }
0x1ca: {  	v41 =	vld [tilespmem:s0+$0xC260]  }
0x1cb: {  	v42 =	vld [tilespmem:s0+$0x8270];
	v16 =	vadd.f32 v17, v16;
	v17 =	vmul.f32 v37, v36  }
0x1cc: {  	v43 =	vld [tilespmem:s0+$0xC270]  }
0x1cd: {  	v16 =	vadd.f32 v17, v16;
	v17 =	vmul.f32 v39, v38;
	_ =	sdelay $0x1  }
0x1ce: {  	v16 =	vadd.f32 v17, v16;
	v17 =	vmul.f32 v41, v40;
	_ =	sdelay $0x1  }
0x1cf: {  	v16 =	vadd.f32 v17, v16;
	v17 =	vmul.f32 v43, v42;
	_ =	sdelay $0x1  }
0x1d0: {  	v16 =	vadd.f32 v17, v16;
	_ =	sdelay $0x1  }
0x1d1: {  	[tilespmem:v0+s23+$0x0] =	vst.idx.msk $0xffff, v16  }
0x1d2: {  	v16 =	vld [tilespmem:s0+$0x8280]  }
0x1d3: {  	v17 =	vld [tilespmem:s0+$0xC280]  }
0x1d4: {  	v44 =	vld [tilespmem:s0+$0x8290]  }
0x1d5: {  	v45 =	vld [tilespmem:s0+$0xC290]  }
0x1d6: {  	v46 =	vld [tilespmem:s0+$0x82A0]  }
0x1d7: {  	v47 =	vld [tilespmem:s0+$0xC2A0]  }
0x1d8: {  	v48 =	vld [tilespmem:s0+$0x82B0]  }
0x1d9: {  	v49 =	vld [tilespmem:s0+$0xC2B0]  }
0x1da: {  	v50 =	vld [tilespmem:s0+$0x82C0];
	v16 =	vmul.f32 v17, v16;
	v17 =	vmul.f32 v45, v44  }
0x1db: {  	v51 =	vld [tilespmem:s0+$0xC2C0]  }
0x1dc: {  	v52 =	vld [tilespmem:s0+$0x82D0];
	v16 =	vadd.f32 v17, v16;
	v17 =	vmul.f32 v47, v46  }
0x1dd: {  	v53 =	vld [tilespmem:s0+$0xC2D0]  }
0x1de: {  	v54 =	vld [tilespmem:s0+$0x82E0];
	v16 =	vadd.f32 v17, v16;
	v17 =	vmul.f32 v49, v48  }
0x1df: {  	v55 =	vld [tilespmem:s0+$0xC2E0]  }
0x1e0: {  	v56 =	vld [tilespmem:s0+$0x82F0];
	v16 =	vadd.f32 v17, v16;
	v17 =	vmul.f32 v51, v50  }
0x1e1: {  	v57 =	vld [tilespmem:s0+$0xC2F0]  }
0x1e2: {  	v16 =	vadd.f32 v17, v16;
	v17 =	vmul.f32 v53, v52;
	_ =	sdelay $0x1  }
0x1e3: {  	v16 =	vadd.f32 v17, v16;
	v17 =	vmul.f32 v55, v54;
	_ =	sdelay $0x1  }
0x1e4: {  	v16 =	vadd.f32 v17, v16;
	v17 =	vmul.f32 v57, v56;
	_ =	sdelay $0x1  }
0x1e5: {  	v16 =	vadd.f32 v17, v16;
	_ =	sdelay $0x1  }
0x1e6: {  	[tilespmem:v1+s23+$0x0] =	vst.idx.msk $0xffff, v16  }
0x1e7: {  	v16 =	vld [tilespmem:s0+$0x8300]  }
0x1e8: {  	v17 =	vld [tilespmem:s0+$0xC300]  }
0x1e9: {  	v58 =	vld [tilespmem:s0+$0x8310]  }
0x1ea: {  	v59 =	vld [tilespmem:s0+$0xC310]  }
0x1eb: {  	v60 =	vld [tilespmem:s0+$0x8320]  }
0x1ec: {  	v61 =	vld [tilespmem:s0+$0xC320]  }
0x1ed: {  	v62 =	vld [tilespmem:s0+$0x8330]  }
0x1ee: {  	v63 =	vld [tilespmem:s0+$0xC330]  }
0x1ef: {  	v24 =	vld [tilespmem:s0+$0x8340];
	v16 =	vmul.f32 v17, v16;
	v17 =	vmul.f32 v59, v58  }
0x1f0: {  	v25 =	vld [tilespmem:s0+$0xC340]  }
0x1f1: {  	v26 =	vld [tilespmem:s0+$0x8350];
	v16 =	vadd.f32 v17, v16;
	v17 =	vmul.f32 v61, v60  }
0x1f2: {  	v27 =	vld [tilespmem:s0+$0xC350]  }
0x1f3: {  	v28 =	vld [tilespmem:s0+$0x8360];
	v16 =	vadd.f32 v17, v16;
	v17 =	vmul.f32 v63, v62  }
0x1f4: {  	v29 =	vld [tilespmem:s0+$0xC360]  }
0x1f5: {  	v30 =	vld [tilespmem:s0+$0x8370];
	v16 =	vadd.f32 v17, v16;
	v17 =	vmul.f32 v25, v24  }
0x1f6: {  	v31 =	vld [tilespmem:s0+$0xC370]  }
0x1f7: {  	v16 =	vadd.f32 v17, v16;
	v17 =	vmul.f32 v27, v26;
	_ =	sdelay $0x1  }
0x1f8: {  	v16 =	vadd.f32 v17, v16;
	v17 =	vmul.f32 v29, v28;
	_ =	sdelay $0x1  }
0x1f9: {  	v16 =	vadd.f32 v17, v16;
	v17 =	vmul.f32 v31, v30;
	_ =	sdelay $0x1  }
0x1fa: {  	v16 =	vadd.f32 v17, v16;
	_ =	sdelay $0x1  }
0x1fb: {  	[tilespmem:v2+s23+$0x0] =	vst.idx.msk $0xffff, v16  }
0x1fc: {  	v16 =	vld [tilespmem:s0+$0x8380]  }
0x1fd: {  	v17 =	vld [tilespmem:s0+$0xC380]  }
0x1fe: {  	v32 =	vld [tilespmem:s0+$0x8390]  }
0x1ff: {  	v33 =	vld [tilespmem:s0+$0xC390]  }
0x200: {  	v34 =	vld [tilespmem:s0+$0x83A0]  }
0x201: {  	v35 =	vld [tilespmem:s0+$0xC3A0]  }
0x202: {  	v36 =	vld [tilespmem:s0+$0x83B0]  }
0x203: {  	v37 =	vld [tilespmem:s0+$0xC3B0]  }
0x204: {  	v38 =	vld [tilespmem:s0+$0x83C0];
	v16 =	vmul.f32 v17, v16;
	v17 =	vmul.f32 v33, v32  }
0x205: {  	v39 =	vld [tilespmem:s0+$0xC3C0]  }
0x206: {  	v40 =	vld [tilespmem:s0+$0x83D0];
	v16 =	vadd.f32 v17, v16;
	v17 =	vmul.f32 v35, v34  }
0x207: {  	v41 =	vld [tilespmem:s0+$0xC3D0]  }
0x208: {  	v42 =	vld [tilespmem:s0+$0x83E0];
	v16 =	vadd.f32 v17, v16;
	v17 =	vmul.f32 v37, v36  }
0x209: {  	v43 =	vld [tilespmem:s0+$0xC3E0]  }
0x20a: {  	v44 =	vld [tilespmem:s0+$0x83F0];
	v16 =	vadd.f32 v17, v16;
	v17 =	vmul.f32 v39, v38  }
0x20b: {  	v45 =	vld [tilespmem:s0+$0xC3F0]  }
0x20c: {  	v16 =	vadd.f32 v17, v16;
	v17 =	vmul.f32 v41, v40;
	_ =	sdelay $0x1  }
0x20d: {  	v16 =	vadd.f32 v17, v16;
	v17 =	vmul.f32 v43, v42;
	_ =	sdelay $0x1  }
0x20e: {  	v16 =	vadd.f32 v17, v16;
	v17 =	vmul.f32 v45, v44;
	_ =	sdelay $0x1  }
0x20f: {  	v16 =	vadd.f32 v17, v16;
	_ =	sdelay $0x1  }
0x210: {  	[tilespmem:v3+s23+$0x0] =	vst.idx.msk $0xffff, v16  }
0x211: {  	v16 =	vld [tilespmem:s0+$0x8400]  }
0x212: {  	v17 =	vld [tilespmem:s0+$0xC400]  }
0x213: {  	v46 =	vld [tilespmem:s0+$0x8410]  }
0x214: {  	v47 =	vld [tilespmem:s0+$0xC410]  }
0x215: {  	v48 =	vld [tilespmem:s0+$0x8420]  }
0x216: {  	v49 =	vld [tilespmem:s0+$0xC420]  }
0x217: {  	v50 =	vld [tilespmem:s0+$0x8430]  }
0x218: {  	v51 =	vld [tilespmem:s0+$0xC430]  }
0x219: {  	v52 =	vld [tilespmem:s0+$0x8440];
	v16 =	vmul.f32 v17, v16;
	v17 =	vmul.f32 v47, v46  }
0x21a: {  	v53 =	vld [tilespmem:s0+$0xC440]  }
0x21b: {  	v54 =	vld [tilespmem:s0+$0x8450];
	v16 =	vadd.f32 v17, v16;
	v17 =	vmul.f32 v49, v48  }
0x21c: {  	v55 =	vld [tilespmem:s0+$0xC450]  }
0x21d: {  	v56 =	vld [tilespmem:s0+$0x8460];
	v16 =	vadd.f32 v17, v16;
	v17 =	vmul.f32 v51, v50  }
0x21e: {  	v57 =	vld [tilespmem:s0+$0xC460]  }
0x21f: {  	v58 =	vld [tilespmem:s0+$0x8470];
	v16 =	vadd.f32 v17, v16;
	v17 =	vmul.f32 v53, v52  }
0x220: {  	v59 =	vld [tilespmem:s0+$0xC470]  }
0x221: {  	v16 =	vadd.f32 v17, v16;
	v17 =	vmul.f32 v55, v54;
	_ =	sdelay $0x1  }
0x222: {  	v16 =	vadd.f32 v17, v16;
	v17 =	vmul.f32 v57, v56;
	_ =	sdelay $0x1  }
0x223: {  	v16 =	vadd.f32 v17, v16;
	v17 =	vmul.f32 v59, v58;
	_ =	sdelay $0x1  }
0x224: {  	v16 =	vadd.f32 v17, v16;
	_ =	sdelay $0x1  }
0x225: {  	[tilespmem:v4+s23+$0x0] =	vst.idx.msk $0xffff, v16  }
0x226: {  	v16 =	vld [tilespmem:s0+$0x8480]  }
0x227: {  	v17 =	vld [tilespmem:s0+$0xC480]  }
0x228: {  	v60 =	vld [tilespmem:s0+$0x8490]  }
0x229: {  	v61 =	vld [tilespmem:s0+$0xC490]  }
0x22a: {  	v62 =	vld [tilespmem:s0+$0x84A0]  }
0x22b: {  	v63 =	vld [tilespmem:s0+$0xC4A0]  }
0x22c: {  	v24 =	vld [tilespmem:s0+$0x84B0]  }
0x22d: {  	v25 =	vld [tilespmem:s0+$0xC4B0]  }
0x22e: {  	v26 =	vld [tilespmem:s0+$0x84C0];
	v16 =	vmul.f32 v17, v16;
	v17 =	vmul.f32 v61, v60  }
0x22f: {  	v27 =	vld [tilespmem:s0+$0xC4C0]  }
0x230: {  	v28 =	vld [tilespmem:s0+$0x84D0];
	v16 =	vadd.f32 v17, v16;
	v17 =	vmul.f32 v63, v62  }
0x231: {  	v29 =	vld [tilespmem:s0+$0xC4D0]  }
0x232: {  	v30 =	vld [tilespmem:s0+$0x84E0];
	v16 =	vadd.f32 v17, v16;
	v17 =	vmul.f32 v25, v24  }
0x233: {  	v31 =	vld [tilespmem:s0+$0xC4E0]  }
0x234: {  	v32 =	vld [tilespmem:s0+$0x84F0];
	v16 =	vadd.f32 v17, v16;
	v17 =	vmul.f32 v27, v26  }
0x235: {  	v33 =	vld [tilespmem:s0+$0xC4F0]  }
0x236: {  	v16 =	vadd.f32 v17, v16;
	v17 =	vmul.f32 v29, v28;
	_ =	sdelay $0x1  }
0x237: {  	v16 =	vadd.f32 v17, v16;
	v17 =	vmul.f32 v31, v30;
	_ =	sdelay $0x1  }
0x238: {  	v16 =	vadd.f32 v17, v16;
	v17 =	vmul.f32 v33, v32;
	_ =	sdelay $0x1  }
0x239: {  	v16 =	vadd.f32 v17, v16;
	_ =	sdelay $0x1  }
0x23a: {  	[tilespmem:v5+s23+$0x0] =	vst.idx.msk $0xffff, v16  }
0x23b: {  	v16 =	vld [tilespmem:s0+$0x8500]  }
0x23c: {  	v17 =	vld [tilespmem:s0+$0xC500]  }
0x23d: {  	v34 =	vld [tilespmem:s0+$0x8510]  }
0x23e: {  	v35 =	vld [tilespmem:s0+$0xC510]  }
0x23f: {  	v36 =	vld [tilespmem:s0+$0x8520]  }
0x240: {  	v37 =	vld [tilespmem:s0+$0xC520]  }
0x241: {  	v38 =	vld [tilespmem:s0+$0x8530]  }
0x242: {  	v39 =	vld [tilespmem:s0+$0xC530]  }
0x243: {  	v40 =	vld [tilespmem:s0+$0x8540];
	v16 =	vmul.f32 v17, v16;
	v17 =	vmul.f32 v35, v34  }
0x244: {  	v41 =	vld [tilespmem:s0+$0xC540]  }
0x245: {  	v42 =	vld [tilespmem:s0+$0x8550];
	v16 =	vadd.f32 v17, v16;
	v17 =	vmul.f32 v37, v36  }
0x246: {  	v43 =	vld [tilespmem:s0+$0xC550]  }
0x247: {  	v44 =	vld [tilespmem:s0+$0x8560];
	v16 =	vadd.f32 v17, v16;
	v17 =	vmul.f32 v39, v38  }
0x248: {  	v45 =	vld [tilespmem:s0+$0xC560]  }
0x249: {  	v46 =	vld [tilespmem:s0+$0x8570];
	v16 =	vadd.f32 v17, v16;
	v17 =	vmul.f32 v41, v40  }
0x24a: {  	v47 =	vld [tilespmem:s0+$0xC570]  }
0x24b: {  	v16 =	vadd.f32 v17, v16;
	v17 =	vmul.f32 v43, v42;
	_ =	sdelay $0x1  }
0x24c: {  	v16 =	vadd.f32 v17, v16;
	v17 =	vmul.f32 v45, v44;
	_ =	sdelay $0x1  }
0x24d: {  	v16 =	vadd.f32 v17, v16;
	v17 =	vmul.f32 v47, v46;
	_ =	sdelay $0x1  }
0x24e: {  	v16 =	vadd.f32 v17, v16;
	_ =	sdelay $0x1  }
0x24f: {  	[tilespmem:v6+s23+$0x0] =	vst.idx.msk $0xffff, v16  }
0x250: {  	v16 =	vld [tilespmem:s0+$0x8580]  }
0x251: {  	v17 =	vld [tilespmem:s0+$0xC580]  }
0x252: {  	v48 =	vld [tilespmem:s0+$0x8590]  }
0x253: {  	v49 =	vld [tilespmem:s0+$0xC590]  }
0x254: {  	v50 =	vld [tilespmem:s0+$0x85A0]  }
0x255: {  	v51 =	vld [tilespmem:s0+$0xC5A0]  }
0x256: {  	v52 =	vld [tilespmem:s0+$0x85B0]  }
0x257: {  	v53 =	vld [tilespmem:s0+$0xC5B0]  }
0x258: {  	v54 =	vld [tilespmem:s0+$0x85C0];
	v16 =	vmul.f32 v17, v16;
	v17 =	vmul.f32 v49, v48  }
0x259: {  	v55 =	vld [tilespmem:s0+$0xC5C0]  }
0x25a: {  	v56 =	vld [tilespmem:s0+$0x85D0];
	v16 =	vadd.f32 v17, v16;
	v17 =	vmul.f32 v51, v50  }
0x25b: {  	v57 =	vld [tilespmem:s0+$0xC5D0]  }
0x25c: {  	v58 =	vld [tilespmem:s0+$0x85E0];
	v16 =	vadd.f32 v17, v16;
	v17 =	vmul.f32 v53, v52  }
0x25d: {  	v59 =	vld [tilespmem:s0+$0xC5E0]  }
0x25e: {  	v60 =	vld [tilespmem:s0+$0x85F0];
	v16 =	vadd.f32 v17, v16;
	v17 =	vmul.f32 v55, v54  }
0x25f: {  	v61 =	vld [tilespmem:s0+$0xC5F0]  }
0x260: {  	v16 =	vadd.f32 v17, v16;
	v17 =	vmul.f32 v57, v56;
	_ =	sdelay $0x1  }
0x261: {  	v16 =	vadd.f32 v17, v16;
	v17 =	vmul.f32 v59, v58;
	_ =	sdelay $0x1  }
0x262: {  	v16 =	vadd.f32 v17, v16;
	v17 =	vmul.f32 v61, v60;
	_ =	sdelay $0x1  }
0x263: {  	v16 =	vadd.f32 v17, v16;
	_ =	sdelay $0x1  }
0x264: {  	[tilespmem:v7+s23+$0x0] =	vst.idx.msk $0xffff, v16  }
0x265: {  	v16 =	vld [tilespmem:s0+$0x8600]  }
0x266: {  	v17 =	vld [tilespmem:s0+$0xC600]  }
0x267: {  	v62 =	vld [tilespmem:s0+$0x8610]  }
0x268: {  	v63 =	vld [tilespmem:s0+$0xC610]  }
0x269: {  	v24 =	vld [tilespmem:s0+$0x8620]  }
0x26a: {  	v25 =	vld [tilespmem:s0+$0xC620]  }
0x26b: {  	v26 =	vld [tilespmem:s0+$0x8630]  }
0x26c: {  	v27 =	vld [tilespmem:s0+$0xC630]  }
0x26d: {  	v28 =	vld [tilespmem:s0+$0x8640];
	v16 =	vmul.f32 v17, v16;
	v17 =	vmul.f32 v63, v62  }
0x26e: {  	v29 =	vld [tilespmem:s0+$0xC640]  }
0x26f: {  	v30 =	vld [tilespmem:s0+$0x8650];
	v16 =	vadd.f32 v17, v16;
	v17 =	vmul.f32 v25, v24  }
0x270: {  	v31 =	vld [tilespmem:s0+$0xC650]  }
0x271: {  	v32 =	vld [tilespmem:s0+$0x8660];
	v16 =	vadd.f32 v17, v16;
	v17 =	vmul.f32 v27, v26  }
0x272: {  	v33 =	vld [tilespmem:s0+$0xC660]  }
0x273: {  	v34 =	vld [tilespmem:s0+$0x8670];
	v16 =	vadd.f32 v17, v16;
	v17 =	vmul.f32 v29, v28  }
0x274: {  	v35 =	vld [tilespmem:s0+$0xC670]  }
0x275: {  	v16 =	vadd.f32 v17, v16;
	v17 =	vmul.f32 v31, v30;
	_ =	sdelay $0x1  }
0x276: {  	v16 =	vadd.f32 v17, v16;
	v17 =	vmul.f32 v33, v32;
	_ =	sdelay $0x1  }
0x277: {  	v16 =	vadd.f32 v17, v16;
	v17 =	vmul.f32 v35, v34;
	_ =	sdelay $0x1  }
0x278: {  	v16 =	vadd.f32 v17, v16;
	_ =	sdelay $0x1  }
0x279: {  	[tilespmem:v8+s23+$0x0] =	vst.idx.msk $0xffff, v16  }
0x27a: {  	v16 =	vld [tilespmem:s0+$0x8680]  }
0x27b: {  	v17 =	vld [tilespmem:s0+$0xC680]  }
0x27c: {  	v36 =	vld [tilespmem:s0+$0x8690]  }
0x27d: {  	v37 =	vld [tilespmem:s0+$0xC690]  }
0x27e: {  	v38 =	vld [tilespmem:s0+$0x86A0]  }
0x27f: {  	v39 =	vld [tilespmem:s0+$0xC6A0]  }
0x280: {  	v40 =	vld [tilespmem:s0+$0x86B0]  }
0x281: {  	v41 =	vld [tilespmem:s0+$0xC6B0]  }
0x282: {  	v42 =	vld [tilespmem:s0+$0x86C0];
	v16 =	vmul.f32 v17, v16;
	v17 =	vmul.f32 v37, v36  }
0x283: {  	v43 =	vld [tilespmem:s0+$0xC6C0]  }
0x284: {  	v44 =	vld [tilespmem:s0+$0x86D0];
	v16 =	vadd.f32 v17, v16;
	v17 =	vmul.f32 v39, v38  }
0x285: {  	v45 =	vld [tilespmem:s0+$0xC6D0]  }
0x286: {  	v46 =	vld [tilespmem:s0+$0x86E0];
	v16 =	vadd.f32 v17, v16;
	v17 =	vmul.f32 v41, v40  }
0x287: {  	v47 =	vld [tilespmem:s0+$0xC6E0]  }
0x288: {  	v48 =	vld [tilespmem:s0+$0x86F0];
	v16 =	vadd.f32 v17, v16;
	v17 =	vmul.f32 v43, v42  }
0x289: {  	v49 =	vld [tilespmem:s0+$0xC6F0]  }
0x28a: {  	v16 =	vadd.f32 v17, v16;
	v17 =	vmul.f32 v45, v44;
	_ =	sdelay $0x1  }
0x28b: {  	v16 =	vadd.f32 v17, v16;
	v17 =	vmul.f32 v47, v46;
	_ =	sdelay $0x1  }
0x28c: {  	v16 =	vadd.f32 v17, v16;
	v17 =	vmul.f32 v49, v48;
	_ =	sdelay $0x1  }
0x28d: {  	v16 =	vadd.f32 v17, v16;
	_ =	sdelay $0x1  }
0x28e: {  	[tilespmem:v9+s23+$0x0] =	vst.idx.msk $0xffff, v16  }
0x28f: {  	v16 =	vld [tilespmem:s0+$0x8700]  }
0x290: {  	v17 =	vld [tilespmem:s0+$0xC700]  }
0x291: {  	v50 =	vld [tilespmem:s0+$0x8710]  }
0x292: {  	v51 =	vld [tilespmem:s0+$0xC710]  }
0x293: {  	v52 =	vld [tilespmem:s0+$0x8720]  }
0x294: {  	v53 =	vld [tilespmem:s0+$0xC720]  }
0x295: {  	v54 =	vld [tilespmem:s0+$0x8730]  }
0x296: {  	v55 =	vld [tilespmem:s0+$0xC730]  }
0x297: {  	v56 =	vld [tilespmem:s0+$0x8740];
	v16 =	vmul.f32 v17, v16;
	v17 =	vmul.f32 v51, v50  }
0x298: {  	v57 =	vld [tilespmem:s0+$0xC740]  }
0x299: {  	v58 =	vld [tilespmem:s0+$0x8750];
	v16 =	vadd.f32 v17, v16;
	v17 =	vmul.f32 v53, v52  }
0x29a: {  	v59 =	vld [tilespmem:s0+$0xC750]  }
0x29b: {  	v60 =	vld [tilespmem:s0+$0x8760];
	v16 =	vadd.f32 v17, v16;
	v17 =	vmul.f32 v55, v54  }
0x29c: {  	v61 =	vld [tilespmem:s0+$0xC760]  }
0x29d: {  	v62 =	vld [tilespmem:s0+$0x8770];
	v16 =	vadd.f32 v17, v16;
	v17 =	vmul.f32 v57, v56  }
0x29e: {  	v63 =	vld [tilespmem:s0+$0xC770]  }
0x29f: {  	v16 =	vadd.f32 v17, v16;
	v17 =	vmul.f32 v59, v58;
	_ =	sdelay $0x1  }
0x2a0: {  	v16 =	vadd.f32 v17, v16;
	v17 =	vmul.f32 v61, v60;
	_ =	sdelay $0x1  }
0x2a1: {  	v16 =	vadd.f32 v17, v16;
	v17 =	vmul.f32 v63, v62;
	_ =	sdelay $0x1  }
0x2a2: {  	v16 =	vadd.f32 v17, v16;
	_ =	sdelay $0x1  }
0x2a3: {  	[tilespmem:v10+s23+$0x0] =	vst.idx.msk $0xffff, v16  }
0x2a4: {  	v16 =	vld [tilespmem:s0+$0x8780]  }
0x2a5: {  	v17 =	vld [tilespmem:s0+$0xC780]  }
0x2a6: {  	v24 =	vld [tilespmem:s0+$0x8790]  }
0x2a7: {  	v25 =	vld [tilespmem:s0+$0xC790]  }
0x2a8: {  	v26 =	vld [tilespmem:s0+$0x87A0]  }
0x2a9: {  	v27 =	vld [tilespmem:s0+$0xC7A0]  }
0x2aa: {  	v28 =	vld [tilespmem:s0+$0x87B0]  }
0x2ab: {  	v29 =	vld [tilespmem:s0+$0xC7B0]  }
0x2ac: {  	v30 =	vld [tilespmem:s0+$0x87C0];
	v16 =	vmul.f32 v17, v16;
	v17 =	vmul.f32 v25, v24  }
0x2ad: {  	v31 =	vld [tilespmem:s0+$0xC7C0]  }
0x2ae: {  	v32 =	vld [tilespmem:s0+$0x87D0];
	v16 =	vadd.f32 v17, v16;
	v17 =	vmul.f32 v27, v26  }
0x2af: {  	v33 =	vld [tilespmem:s0+$0xC7D0]  }
0x2b0: {  	v34 =	vld [tilespmem:s0+$0x87E0];
	v16 =	vadd.f32 v17, v16;
	v17 =	vmul.f32 v29, v28  }
0x2b1: {  	v35 =	vld [tilespmem:s0+$0xC7E0]  }
0x2b2: {  	v36 =	vld [tilespmem:s0+$0x87F0];
	v16 =	vadd.f32 v17, v16;
	v17 =	vmul.f32 v31, v30  }
0x2b3: {  	v37 =	vld [tilespmem:s0+$0xC7F0]  }
0x2b4: {  	v16 =	vadd.f32 v17, v16;
	v17 =	vmul.f32 v33, v32;
	_ =	sdelay $0x1  }
0x2b5: {  	v16 =	vadd.f32 v17, v16;
	v17 =	vmul.f32 v35, v34;
	_ =	sdelay $0x1  }
0x2b6: {  	v16 =	vadd.f32 v17, v16;
	v17 =	vmul.f32 v37, v36;
	_ =	sdelay $0x1  }
0x2b7: {  	v16 =	vadd.f32 v17, v16;
	_ =	sdelay $0x1  }
0x2b8: {  	[tilespmem:v11+s23+$0x0] =	vst.idx.msk $0xffff, v16  }
0x2b9: {  	v16 =	vld [tilespmem:s0+$0x8800]  }
0x2ba: {  	v17 =	vld [tilespmem:s0+$0xC800]  }
0x2bb: {  	v38 =	vld [tilespmem:s0+$0x8810]  }
0x2bc: {  	v39 =	vld [tilespmem:s0+$0xC810]  }
0x2bd: {  	v40 =	vld [tilespmem:s0+$0x8820]  }
0x2be: {  	v41 =	vld [tilespmem:s0+$0xC820]  }
0x2bf: {  	v42 =	vld [tilespmem:s0+$0x8830]  }
0x2c0: {  	v43 =	vld [tilespmem:s0+$0xC830]  }
0x2c1: {  	v44 =	vld [tilespmem:s0+$0x8840];
	v16 =	vmul.f32 v17, v16;
	v17 =	vmul.f32 v39, v38  }
0x2c2: {  	v45 =	vld [tilespmem:s0+$0xC840]  }
0x2c3: {  	v46 =	vld [tilespmem:s0+$0x8850];
	v16 =	vadd.f32 v17, v16;
	v17 =	vmul.f32 v41, v40  }
0x2c4: {  	v47 =	vld [tilespmem:s0+$0xC850]  }
0x2c5: {  	v48 =	vld [tilespmem:s0+$0x8860];
	v16 =	vadd.f32 v17, v16;
	v17 =	vmul.f32 v43, v42  }
0x2c6: {  	v49 =	vld [tilespmem:s0+$0xC860]  }
0x2c7: {  	v50 =	vld [tilespmem:s0+$0x8870];
	v16 =	vadd.f32 v17, v16;
	v17 =	vmul.f32 v45, v44  }
0x2c8: {  	v51 =	vld [tilespmem:s0+$0xC870]  }
0x2c9: {  	v16 =	vadd.f32 v17, v16;
	v17 =	vmul.f32 v47, v46;
	_ =	sdelay $0x1  }
0x2ca: {  	v16 =	vadd.f32 v17, v16;
	v17 =	vmul.f32 v49, v48;
	_ =	sdelay $0x1  }
0x2cb: {  	v16 =	vadd.f32 v17, v16;
	v17 =	vmul.f32 v51, v50;
	_ =	sdelay $0x1  }
0x2cc: {  	v16 =	vadd.f32 v17, v16;
	_ =	sdelay $0x1  }
0x2cd: {  	[tilespmem:v12+s23+$0x0] =	vst.idx.msk $0xffff, v16  }
0x2ce: {  	v16 =	vld [tilespmem:s0+$0x8880]  }
0x2cf: {  	v17 =	vld [tilespmem:s0+$0xC880]  }
0x2d0: {  	v52 =	vld [tilespmem:s0+$0x8890]  }
0x2d1: {  	v53 =	vld [tilespmem:s0+$0xC890]  }
0x2d2: {  	v54 =	vld [tilespmem:s0+$0x88A0]  }
0x2d3: {  	v55 =	vld [tilespmem:s0+$0xC8A0]  }
0x2d4: {  	v56 =	vld [tilespmem:s0+$0x88B0]  }
0x2d5: {  	v57 =	vld [tilespmem:s0+$0xC8B0]  }
0x2d6: {  	v58 =	vld [tilespmem:s0+$0x88C0];
	v16 =	vmul.f32 v17, v16;
	v17 =	vmul.f32 v53, v52  }
0x2d7: {  	v59 =	vld [tilespmem:s0+$0xC8C0]  }
0x2d8: {  	v60 =	vld [tilespmem:s0+$0x88D0];
	v16 =	vadd.f32 v17, v16;
	v17 =	vmul.f32 v55, v54  }
0x2d9: {  	v61 =	vld [tilespmem:s0+$0xC8D0]  }
0x2da: {  	v62 =	vld [tilespmem:s0+$0x88E0];
	v16 =	vadd.f32 v17, v16;
	v17 =	vmul.f32 v57, v56  }
0x2db: {  	v63 =	vld [tilespmem:s0+$0xC8E0]  }
0x2dc: {  	v24 =	vld [tilespmem:s0+$0x88F0];
	v16 =	vadd.f32 v17, v16;
	v17 =	vmul.f32 v59, v58  }
0x2dd: {  	v25 =	vld [tilespmem:s0+$0xC8F0]  }
0x2de: {  	v16 =	vadd.f32 v17, v16;
	v17 =	vmul.f32 v61, v60;
	_ =	sdelay $0x1  }
0x2df: {  	v16 =	vadd.f32 v17, v16;
	v17 =	vmul.f32 v63, v62;
	_ =	sdelay $0x1  }
0x2e0: {  	v16 =	vadd.f32 v17, v16;
	v17 =	vmul.f32 v25, v24;
	_ =	sdelay $0x1  }
0x2e1: {  	v16 =	vadd.f32 v17, v16;
	_ =	sdelay $0x1  }
0x2e2: {  	[tilespmem:v13+s23+$0x0] =	vst.idx.msk $0xffff, v16  }
0x2e3: {  	v16 =	vld [tilespmem:s0+$0x8900]  }
0x2e4: {  	v17 =	vld [tilespmem:s0+$0xC900]  }
0x2e5: {  	v26 =	vld [tilespmem:s0+$0x8910]  }
0x2e6: {  	v27 =	vld [tilespmem:s0+$0xC910]  }
0x2e7: {  	v28 =	vld [tilespmem:s0+$0x8920]  }
0x2e8: {  	v29 =	vld [tilespmem:s0+$0xC920]  }
0x2e9: {  	v30 =	vld [tilespmem:s0+$0x8930]  }
0x2ea: {  	v31 =	vld [tilespmem:s0+$0xC930]  }
0x2eb: {  	v32 =	vld [tilespmem:s0+$0x8940];
	v16 =	vmul.f32 v17, v16;
	v17 =	vmul.f32 v27, v26  }
0x2ec: {  	v33 =	vld [tilespmem:s0+$0xC940]  }
0x2ed: {  	v34 =	vld [tilespmem:s0+$0x8950];
	v16 =	vadd.f32 v17, v16;
	v17 =	vmul.f32 v29, v28  }
0x2ee: {  	v35 =	vld [tilespmem:s0+$0xC950]  }
0x2ef: {  	v36 =	vld [tilespmem:s0+$0x8960];
	v16 =	vadd.f32 v17, v16;
	v17 =	vmul.f32 v31, v30  }
0x2f0: {  	v37 =	vld [tilespmem:s0+$0xC960]  }
0x2f1: {  	v38 =	vld [tilespmem:s0+$0x8970];
	v16 =	vadd.f32 v17, v16;
	v17 =	vmul.f32 v33, v32  }
0x2f2: {  	v39 =	vld [tilespmem:s0+$0xC970]  }
0x2f3: {  	v16 =	vadd.f32 v17, v16;
	v17 =	vmul.f32 v35, v34;
	_ =	sdelay $0x1  }
0x2f4: {  	v16 =	vadd.f32 v17, v16;
	v17 =	vmul.f32 v37, v36;
	_ =	sdelay $0x1  }
0x2f5: {  	v16 =	vadd.f32 v17, v16;
	v17 =	vmul.f32 v39, v38;
	_ =	sdelay $0x1  }
0x2f6: {  	v16 =	vadd.f32 v17, v16;
	_ =	sdelay $0x1  }
0x2f7: {  	[tilespmem:v14+s23+$0x0] =	vst.idx.msk $0xffff, v16  }
0x2f8: {  	v16 =	vld [tilespmem:s0+$0x8980]  }
0x2f9: {  	v17 =	vld [tilespmem:s0+$0xC980]  }
0x2fa: {  	v40 =	vld [tilespmem:s0+$0x8990]  }
0x2fb: {  	v41 =	vld [tilespmem:s0+$0xC990]  }
0x2fc: {  	v42 =	vld [tilespmem:s0+$0x89A0]  }
0x2fd: {  	v43 =	vld [tilespmem:s0+$0xC9A0]  }
0x2fe: {  	v44 =	vld [tilespmem:s0+$0x89B0]  }
0x2ff: {  	v45 =	vld [tilespmem:s0+$0xC9B0]  }
0x300: {  	v46 =	vld [tilespmem:s0+$0x89C0];
	v16 =	vmul.f32 v17, v16;
	v17 =	vmul.f32 v41, v40  }
0x301: {  	v47 =	vld [tilespmem:s0+$0xC9C0]  }
0x302: {  	v48 =	vld [tilespmem:s0+$0x89D0];
	v16 =	vadd.f32 v17, v16;
	v17 =	vmul.f32 v43, v42  }
0x303: {  	v49 =	vld [tilespmem:s0+$0xC9D0]  }
0x304: {  	v50 =	vld [tilespmem:s0+$0x89E0];
	v16 =	vadd.f32 v17, v16;
	v17 =	vmul.f32 v45, v44  }
0x305: {  	v51 =	vld [tilespmem:s0+$0xC9E0]  }
0x306: {  	v52 =	vld [tilespmem:s0+$0x89F0];
	v16 =	vadd.f32 v17, v16;
	v17 =	vmul.f32 v47, v46  }
0x307: {  	v53 =	vld [tilespmem:s0+$0xC9F0]  }
0x308: {  	v16 =	vadd.f32 v17, v16;
	v17 =	vmul.f32 v49, v48;
	_ =	sdelay $0x1  }
0x309: {  	v16 =	vadd.f32 v17, v16;
	v17 =	vmul.f32 v51, v50;
	_ =	sdelay $0x1  }
0x30a: {  	v16 =	vadd.f32 v17, v16;
	v17 =	vmul.f32 v53, v52;
	_ =	sdelay $0x1  }
0x30b: {  	v16 =	vadd.f32 v17, v16;
	_ =	sdelay $0x1  }
0x30c: {  	[tilespmem:v15+s23+$0x0] =	vst.idx.msk $0xffff, v16  }
0x30d: {  	v16 =	vld [tilespmem:$0x10280]  }
0x30e: {  	v17 =	vld [tilespmem:$0x10300];
	_ =	sdelay $0x1  }
0x30f: {  	v54 =	vld [tilespmem:$0x10380];
	_ =	sdelay $0x1  }
0x310: {  	v55 =	vld [tilespmem:$0x10400]  }
0x311: {  	v16 =	vadd.f32 v17, v16  }
0x312: {  	v17 =	vld [tilespmem:$0x10480]  }
0x313: {  	v16 =	vadd.f32 v54, v16  }
0x314: {  	v56 =	vld [tilespmem:$0x10500]  }
0x315: {  	v16 =	vadd.f32 v55, v16  }
0x316: {  	v57 =	vld [tilespmem:$0x10580]  }
0x317: {  	v16 =	vadd.f32 v17, v16  }
0x318: {  	v17 =	vld [tilespmem:$0x10600]  }
0x319: {  	v16 =	vadd.f32 v56, v16  }
0x31a: {  	v58 =	vld [tilespmem:$0x10680]  }
0x31b: {  	v16 =	vadd.f32 v57, v16  }
0x31c: {  	v59 =	vld [tilespmem:$0x10700]  }
0x31d: {  	v16 =	vadd.f32 v17, v16  }
0x31e: {  	v17 =	vld [tilespmem:$0x10780]  }
0x31f: {  	v16 =	vadd.f32 v58, v16  }
0x320: {  	v60 =	vld [tilespmem:$0x10800]  }
0x321: {  	v16 =	vadd.f32 v59, v16  }
0x322: {  	v61 =	vld [tilespmem:$0x10880]  }
0x323: {  	v16 =	vadd.f32 v17, v16  }
0x324: {  	v17 =	vld [tilespmem:$0x10900]  }
0x325: {  	v16 =	vadd.f32 v60, v16  }
0x326: {  	v62 =	vld [tilespmem:$0x10980]  }
0x327: {  	v16 =	vadd.f32 v61, v16  }
0x328: {  	v63 =	vld [tilespmem:$0x10A00]  }
0x329: {  	v16 =	vadd.f32 v17, v16  }
0x32a: {  	p0 =	sne.s32 s31, $0x7  }
.Ltmp1:
0x32b: {  	v16 =	vadd.f32 v62, v16;
	(pc) =	sbr.rel @p0 .LBB2_5-.Ltmp1, $4  }
0x32c: {  	_ = 	snop  }
0x32d: {  	s1 =	sshll.u32 s31, $0x4;
	v16 =	vadd.f32 v63, v16  }
0x32e: {  	s0 =	sand.u32 $0x3FFFFFF0, s1  }
0x32f: {  	s31 =	sadd.s32 $0x1, s31;
	[tilespmem:s0+$0x10200] =	vst v16  }
0x330: {  	s29 =	sadd.s32 $0x1, s29  }
0x331: {  	p0 =	sne.s32 s29, $0x28  }
.Ltmp2:
0x332: {  	s0 =	sadd.s32 s8, s30;
	(pc) =	sbr.rel @p0 .LBB2_2-.Ltmp2, $4  }
0x333: {  	[hbm4b:s0+s2] =	stream.linear.scatter [tilespmem:s24], [sflag:$0x5], $0x80, $0x38;
	[tilespmem:$0x10A80] =	vst v63  }
0x334: {  	_ =	swait.ge [sflag:s13], $0x80  }
0x335: {  	[sflag:s13] =	ssyncset.done $0x0  }
0x336: {  	[sflag:s13] =	ssyncadd.s32 $0xFFFFFF80  }
0x337: {  	s28 =	sadd.s32 $0x1, s28  }
0x338: {  	_ =	swait.ge [sflag:s21], $0x4000;
	p0 =	sne.s32 s28, s12  }
.Ltmp3:
0x339: {  	[sflag:s21] =	ssyncset.done $0x0;
	(pc) =	sbr.rel @p0 .LBB2_1-.Ltmp3, $4  }
0x33a: {  	[sflag:s21] =	ssyncadd.s32 $0xFFFFC000  }
0x33b: {  	_ =	swait.ge [sflag:s22], $0x4000  }
0x33c: {  	[sflag:s22] =	ssyncset.done $0x0  }
0x33d: {  	[sflag:s22] =	ssyncadd.s32 $0xFFFFC000  }
0x33e: {  	_ =	sfence.sel $0x180000  }
0x33f: {  	[bflag:$0x0] =	sbarrier.arrive $0xFFFF  }
0x340: {  	_ =	strace $0x9000004D  }
0x341: {  	s0 =	stileid.u32;
	[bflag:$0x2] =	sbarrier.arrive $0xFFFF  }
0x342: {  	p0 =	sne.s32 s0, $0x0;
	s0 =	rddreg [dreg:$0x1]  }
0x343: {  	s0 =	sadd.s32 @!p0 $0x100000, s0  }
0x344: {  	[sflag:s0] =	ssyncadd.tile.s32 @!p0 $0x1;
	_ =	shalt  }
.Lfunc_end2:
_tile_overlayer_lowered:
.L_overlay_start_2:
0x345: {  	(tag) =	ssettag $0x2  }
0x346: {  	s0 =	rddreg [dreg:$0x0];
	s2 =	stileid.u32  }
0x347: {  	s1 =	rddreg [dreg:$0x1];
	p0 =	sne.s32 s2, $0x0  }
0x348: {  	s3 =	rddreg [dreg:$0x2];
	[bflag:$0x3] =	sbarrier.arrive $0xFFFF;
	s2 =	simm.s32 @!p0 $0x1C05  }
0x349: {  	[timem:s3], [sflag:s2] =	dma.local @!p0 [hbm:s0], s1  }
0x34a: {  	s0 =	simm.s32 @!p0 $0x5  }
0x34b: {  	_ =	swait.ge @!p0 [sflag:s0], s1  }
0x34c: {  	s1 =	ssub.s32 @!p0 $0x0, s1;
	[sflag:s0] =	ssyncset.done @!p0 $0x0  }
0x34d: {  	[sflag:s0] =	ssyncadd.s32 @!p0 s1  }
0x34e: {  	[bflag:$0x3] =	sbarrier.arrive $0xFFFF  }
0x34f: {  	_ =	shalt  }

// kernel: kernel.8.cloned.1.call-start
scs
__scs_entry_jumppad:
0x0: {  	(pc) =	sbr.rel $0x88, $3  }
0x1: {  	(tag) =	ssettag $0x0;
	lr =	simm.s32 $0x1  }
0x2: {  	[smem:$0x3F8B] =	sst lr;
	_ =	strace $0xD0000000  }
0x3: {  	_ = 	snop  }
0x4: {  	_ = 	snop  }
0x5: {  	_ = 	snop  }
0x6: {  	_ = 	snop  }
0x7: {  	_ = 	snop  }
__scs_overlays_trampoline_lowered:
0x8: {  	[smem:$0x3F9A] =	sst s0  }
0x9: {  	[smem:$0x3F9B] =	sst s1  }
0xa: {  	[smem:$0x3F9C] =	sst s2  }
0xb: {  	[smem:$0x3F9D] =	sst s3  }
0xc: {  	[smem:$0x3F9E] =	sst s4  }
0xd: {  	[smem:$0x3F9F] =	sst s5  }
0xe: {  	[smem:$0x3FA0] =	sst s6  }
0xf: {  	[smem:$0x3FA1] =	sst s7  }
0x10: {  	[smem:$0x3FA2] =	sst s8  }
0x11: {  	[smem:$0x3FA3] =	sst s9;
	s0 =	simm.s32 @!p0 $0x0  }
0x12: {  	s1 =	sld [smem:$0x3F89];
	s0 =	simm.s32 @p0 $0x1  }
0x13: {  	[smem:$0x3FA4] =	sst s0;
	s0 =	simm.s32 @!p1 $0x0  }
0x14: {  	s2 =	sld [smem:$0x3F88];
	s0 =	simm.s32 @p1 $0x1  }
0x15: {  	[smem:$0x3FA5] =	sst s0;
	s0 =	simm.s32 @!p2 $0x0  }
0x16: {  	s3 =	sld [smem:$0x3FDB];
	s0 =	simm.s32 @p2 $0x1  }
0x17: {  	s4 =	simm.s32 $0x1BF5;
	[smem:$0x3FA7] =	sst s0  }
0x18: {  	s0 =	sld [smem:$0x3F8A];
	_ =	swait.ge [sflag:s4], $0x0  }
0x19: {  	s7 =	sld [smem:$0x3F8B]  }
0x1a: {  	s8 =	sadd.s32 $0xFFFFE003, lr  }
0x1b: {  	s9 =	sadd.s32 $0xFFFFFEF7, lr;
	s5 =	simm.s32 $0xFFFFFFFF;
	p2 =	slt.u32 s8, $0xFFFFF086  }
0x1c: {  	p1 =	slt.u32 s9, $0xF7A;
	s5 =	simm.s32 @!p2 $0x0  }
0x1d: {  	s5 =	simm.s32 @p1 $0x1;
	p0 =	seq.s32 s7, s2  }
0x1e: {  	s7 =	smul.u32 @!p0 $0xF7A, s2;
	p2 =	seq.s32 @!p0 s5, $0x0  }
0x1f: {  	s9 =	smul.u32 $0xF7A, s1;
	s8 =	simm.s32 @!p0 $0x1BF5;
	p2 =	por !p2, p0  }
0x20: {  	[sflag:s8] =	ssyncset.s32 @!p0 $0xFFFFF086;
	s6 =	sadd.s32 @!p0 s3, s7;
	s7 =	simm.s32 @!p0 $0x108  }
0x21: {  	s3 =	sadd.s32 s3, s9;
	s6 =	sadd.s32 @!p0 $0x88, s6;
	s7 =	simm.s32 @p2 $0x1082  }
0x22: {  	[simem:s7], [sflag:s8] =	dma.local @!p0 [hbm:s6], $0xF7A  }
0x23: {  	s9 =	sor.u32 $0xD0000000, s2;
	s6 =	simm.s32 $0x108;
	_ =	swait.ge @!p0 [sflag:s8], $0x0  }
0x24: {  	s3 =	sadd.s32 $0x88, s3;
	s6 =	simm.s32 @!p1 $0x1082;
	[sflag:s4] =	ssyncset.s32 $0xFFFFF086  }
0x25: {  	[simem:s6], [sflag:s4] =	dma.local [hbm:s3], $0xF7A  }
0x26: {  	[smem:$0x3F8B] =	sst s1;
	(tag) =	ssettag s2;
	_ =	strace s9  }
0x27: {  	s1 =	sld [smem:$0x3F9B]  }
0x28: {  	s2 =	sld [smem:$0x3F9C]  }
0x29: {  	s4 =	sld [smem:$0x3F9E]  }
0x2a: {  	p0 =	seq.s32 s5, $0x0;
	s5 =	sld [smem:$0x3F9F]  }
0x2b: {  	s6 =	sld [smem:$0x3FA0]  }
0x2c: {  	s7 =	sld [smem:$0x3FA1]  }
0x2d: {  	s3 =	simm.s32 $0x108;
	s8 =	sld [smem:$0x3FA2]  }
0x2e: {  	s3 =	simm.s32 @!p0 $0x1082;
	s9 =	sld [smem:$0x3FA3]  }
0x2f: {  	lr =	sadd.s32 s0, s3;
	s0 =	sld [smem:$0x3F9A]  }
0x30: {  	s3 =	sld [smem:$0x3F9D]  }
0x31: {  	[smem:$0x3FA6] =	sst s10  }
0x32: {  	s10 =	sld [smem:$0x3FA4];
	_ =	sdelay $0x3  }
0x33: {  	p0 =	seq.s32 s10, $0x1;
	s10 =	sld [smem:$0x3FA6];
	_ =	sdelay $0x3  }
0x34: {  	[smem:$0x3FA6] =	sst s10  }
0x35: {  	s10 =	sld [smem:$0x3FA5];
	_ =	sdelay $0x3  }
0x36: {  	p1 =	seq.s32 s10, $0x1;
	s10 =	sld [smem:$0x3FA6];
	_ =	sdelay $0x3  }
0x37: {  	[smem:$0x3FA6] =	sst s10  }
0x38: {  	s10 =	sld [smem:$0x3FA7]  }
0x39: {  	_ = 	snop;
	(pc) =	sbr.ind lr, $3  }
0x3a: {  	_ = 	snop  }
0x3b: {  	_ = 	snop  }
0x3c: {  	p2 =	seq.s32 s10, $0x1;
	s10 =	sld [smem:$0x3FA6]  }
0x3d: {  	_ =	shalt  }
0x3e: {  	_ =	shalt  }
0x3f: {  	_ =	shalt  }
0x40: {  	_ =	shalt  }
0x41: {  	_ =	shalt  }
0x42: {  	_ =	shalt  }
0x43: {  	_ =	shalt  }
0x44: {  	_ =	shalt  }
0x45: {  	_ =	shalt  }
0x46: {  	_ =	shalt  }
0x47: {  	_ =	shalt  }
0x48: {  	_ =	shalt  }
0x49: {  	_ =	shalt  }
0x4a: {  	_ =	shalt  }
0x4b: {  	_ =	shalt  }
0x4c: {  	_ =	shalt  }
0x4d: {  	_ =	shalt  }
0x4e: {  	_ =	shalt  }
0x4f: {  	_ =	shalt  }
0x50: {  	_ =	shalt  }
0x51: {  	_ =	shalt  }
0x52: {  	_ =	shalt  }
0x53: {  	_ =	shalt  }
0x54: {  	_ =	shalt  }
0x55: {  	_ =	shalt  }
0x56: {  	_ =	shalt  }
0x57: {  	_ =	shalt  }
0x58: {  	_ =	shalt  }
0x59: {  	_ =	shalt  }
0x5a: {  	_ =	shalt  }
0x5b: {  	_ =	shalt  }
0x5c: {  	_ =	shalt  }
0x5d: {  	_ =	shalt  }
0x5e: {  	_ =	shalt  }
0x5f: {  	_ =	shalt  }
0x60: {  	_ =	shalt  }
0x61: {  	_ =	shalt  }
0x62: {  	_ =	shalt  }
0x63: {  	_ =	shalt  }
0x64: {  	_ =	shalt  }
0x65: {  	_ =	shalt  }
0x66: {  	_ =	shalt  }
0x67: {  	_ =	shalt  }
0x68: {  	_ =	shalt  }
0x69: {  	_ =	shalt  }
0x6a: {  	_ =	shalt  }
0x6b: {  	_ =	shalt  }
0x6c: {  	_ =	shalt  }
0x6d: {  	_ =	shalt  }
0x6e: {  	_ =	shalt  }
0x6f: {  	_ =	shalt  }
0x70: {  	_ =	shalt  }
0x71: {  	_ =	shalt  }
0x72: {  	_ =	shalt  }
0x73: {  	_ =	shalt  }
0x74: {  	_ =	shalt  }
0x75: {  	_ =	shalt  }
0x76: {  	_ =	shalt  }
0x77: {  	_ =	shalt  }
0x78: {  	_ =	shalt  }
0x79: {  	_ =	shalt  }
0x7a: {  	_ =	shalt  }
0x7b: {  	_ =	shalt  }
0x7c: {  	_ =	shalt  }
0x7d: {  	_ =	shalt  }
0x7e: {  	_ =	shalt  }
0x7f: {  	_ =	shalt  }
0x80: {  	_ =	shalt  }
0x81: {  	_ =	shalt  }
0x82: {  	_ =	shalt  }
0x83: {  	_ =	shalt  }
0x84: {  	_ =	shalt  }
0x85: {  	_ =	shalt  }
0x86: {  	_ =	shalt  }
0x87: {  	_ =	shalt  }
.Lfunc_end0:
.L_simem_size_0:
called_computation_lowered:
.L_overlay_start_0:
0x88: {  	s2 =	sld [smem:$0x3FD9]  }
0x89: {  	s3 =	sld [smem:$0x3FFE];
	_ =	sdelay $0x1  }
0x8a: {  	s1 =	srdreg.scid  }
0x8b: {  	s0 =	sand.u32 $0x1, s1  }
0x8c: {  	s17 =	sshll.u32 s0, $0xA;
	s2 =	sadd.s32 s3, s2  }
0x8d: {  	s2 =	sadd.s32 s2, s17  }
0x8e: {  	[smem:$0x3FB2] =	sst s2  }
0x8f: {  	_ = 	snop  }
0x90: {  	s2 =	sld [smem:$0x3FD0];
	(tm) =	ssettm $0x1  }
0x91: {  	s18 =	sld [smem:$0x3FFB];
	_ =	sdelay $0x3  }
0x92: {  	_ =	strace s18  }
0x93: {  	s3 =	sld [smem:$0x3FFC];
	_ =	sdelay $0x3  }
0x94: {  	_ =	strace s3  }
0x95: {  	s3 =	sld [smem:$0x3FFD];
	_ =	sdelay $0x3  }
0x96: {  	_ =	strace s3  }
0x97: {  	_ =	strace $0x8FFFFFFF  }
0x98: {  	s19 =	sld [smem:$0x3FDB];
	_ =	sdelay $0x1  }
0x99: {  	s4 =	simm.s32 $_scs_section_size  }
0x9a: {  	s5 =	simm.s32 $_size__tile_overlayer_lowered;
	s6 =	simm.s32 $_tile_overlayer_lowered  }
0x9b: {  	s22 =	simm.s32 $0x1BFF;
	s21 =	sshll.u32 s6, $0x1;
	s3 =	sadd.s32 s4, s19  }
0x9c: {  	s7 =	simm.s32 $0x0;
	s20 =	sshll.u32 s5, $0x1;
	s5 =	sadd.s32 s21, s3  }
0x9d: {  	[timem:s7], [sflag:s22] =	dma.local [hbm:s5], s20  }
0x9e: {  	_ =	swait.ge [sflag:s22], s20  }
0x9f: {  	s4 =	ssub.s32 $0x0, s20;
	[sflag:s22] =	ssyncset.done $0x0  }
0xa0: {  	[sflag:s22] =	ssyncadd.s32 s4;
	_ =	sdelay $0x1  }
0xa1: {  	s23 =	simm.s32 $0x1B8B  }
0xa2: {  	_ =	swait.ge [sflag:s23], $0x1  }
0xa3: {  	[sflag:s23] =	ssyncset.done $0x0  }
0xa4: {  	s25 =	simm.s32 $0x1B8E;
	s24 =	sld [smem:$0x3FFE];
	[sflag:s23] =	ssyncadd.s32 $0xFFFFFFFF  }
0xa5: {  	s26 =	simm.s32 $execute0_lowered;
	[smem:$0x3FD2] =	sst s25  }
0xa6: {  	s5 =	sshll.u32 s26, $0x1;
	_ =	strace $0x80000046;
	[dreg:$0x1] =	wrdreg $0xFFFFFFFF  }
0xa7: {  	s28 =	simm.s32 $_size_execute0_lowered;
	s3 =	sadd.s32 s3, s5;
	[dreg:$0x0] =	wrdreg $0x0  }
0xa8: {  	s5 =	sshll.u32 s28, $0x1;
	[dreg:$0x2] =	wrdreg s3  }
0xa9: {  	[dreg:$0x3] =	wrdreg s5  }
0xaa: {  	[dreg:$0x4] =	wrdreg $0xC0  }
0xab: {  	_ =	task [dreg:s7], $0x5FFFF  }
0xac: {  	[dreg:$0x1] =	wrdreg $0xFFFFFFFF  }
0xad: {  	[dreg:$0x0] =	wrdreg $0x60  }
0xae: {  	[dreg:$0x2] =	wrdreg s24  }
0xaf: {  	[dreg:$0x3] =	wrdreg s2  }
0xb0: {  	[dreg:$0x4] =	wrdreg $0x0  }
0xb1: {  	[dreg:$0x5] =	wrdreg $0x1C2000  }
0xb2: {  	[dreg:$0x6] =	wrdreg $0x9  }
0xb3: {  	_ =	task.clear_ibuf [dreg:s7], $0x7FFFF;
	_ =	strace $0x90000046  }
0xb4: {  	s29 =	simm.s32 $0x9;
	_ =	strace $0x80000048  }
0xb5: {  	_ =	swait.ge [sflag:s29], $0x1  }
0xb6: {  	[sflag:s29] =	ssyncadd.s32 $0xFFFFFFFF  }
0xb7: {  	_ =	strace $0x90000048  }
0xb8: {  	_ =	sfence  }
0xb9: {  	s30 =	sld [smem:$0x0];
	_ =	sdelay $0x2  }
0xba: {  	s31 =	sshll.u32 s1, $0xD;
	s1 =	sshrl.u32 s1, $0x2  }
0xbb: {  	s3 =	sand.u32 $0x4000, s31;
	s1 =	sadd.s32 s1, s30  }
0xbc: {  	s0 =	sor.u32 s3, s0;
	s1 =	sshll.u32 s1, $0x11  }
0xbd: {  	s0 =	sor.u32 s1, s0  }
0xbe: {  	s0 =	sadd.s32 $0x8F2B, s0  }
0xbf: {  	[sflag:s0] =	ssyncadd.remote.s32 $0x1  }
0xc0: {  	_ =	sfence.sel $0xFFFF  }
0xc1: {  	[dreg:$0x0] =	wrdreg $0xFFFFFFFF;
	(pc) =	sbr.abs _section_cstart, $3  }
0xc2: {  	[dreg:$0x1] =	wrdreg $0xFFFFFFFF  }
0xc3: {  	_ =	task.clear_ibuf [dreg:s7], $0x2FFFF;
	_ =	strace $0x9FFFFFFF  }
0xc4: {  	(tm) =	ssettm $0x7FFFFFFF  }
0xc5: {  	_ =	shalt  }
tec
execute0_lowered:
.L_overlay_start_1:
0x0: {  	(tag) =	ssettag $0x1  }
0x1: {  	s0 =	rddreg [dreg:$0x0]  }
0x2: {  	s2 =	rddreg [dreg:$0x1]  }
0x3: {  	s1 =	rddreg [dreg:$0x2]  }
0x4: {  	s21 =	rddreg [dreg:$0x3];
	s3 =	simm.s32 $0x0  }
0x5: {  	s4 =	srdreg.scid;
	s25 =	stileid.u32;
	s29 =	simm.s32 $0x14200  }
0x6: {  	s30 =	simm.s32 $0x5;
	s31 =	simm.s32 $0x1C480;
	[smem:$0x7FF] =	sst s3  }
0x7: {  	s5 =	sadd.s32 $0x52800, s0;
	s6 =	sadd.s32 $0xB6800, s0;
	s4 =	sand.u32 $0x1, s4  }
0x8: {  	s7 =	sadd.s32 $0xA2800, s0;
	s10 =	smul.u32 $0x280, s25;
	s8 =	sadd.s32 $0xCA800, s0  }
0x9: {  	s12 =	smul.u32 $0x50000, s25;
	s13 =	sadd.s32 $0xCB000, s0;
	s0 =	sadd.s32 $0xCB200, s0  }
0xa: {  	s20 =	smul.u32 $0x5000, s25;
	s22 =	sshll.u32 s25, $0xA;
	p0 =	sgt.u32 s25, $0x9  }
0xb: {  	s25 =	simm.s32 $0x2;
	_ =	strace $0x80000047;
	[dreg:$0xc] =	wrdreg s8  }
0xc: {  	s9 =	ssub.s32 $0x2, s4;
	[dreg:$0x5] =	wrdreg s13;
	s15 =	smul.u32 $0x50000, s4  }
0xd: {  	s4 =	smul.u32 $0x2800, s4;
	s11 =	sshrl.u32 s9, $0x1;
	s23 =	sshrl.u32 s12, $0x2  }
0xe: {  	s16 =	sadd.s32 $0x80, s10;
	s17 =	sadd.s32 $0x100, s10;
	s18 =	sadd.s32 $0x180, s10  }
0xf: {  	s19 =	sadd.s32 $0x200, s10;
	s9 =	ssub.s32 s9, s11;
	s26 =	sadd.s32 s23, s1  }
0x10: {  	s24 =	sshll.u32 s16, $0x7;
	s8 =	sshll.u32 s17, $0x7;
	s12 =	sshll.u32 s18, $0x7  }
0x11: {  	s14 =	sshll.u32 s19, $0x7;
	s15 =	sadd.s32 s20, s15;
	s10 =	sadd.s32 s10, s4  }
0x12: {  	s16 =	sadd.s32 s4, s16;
	s17 =	sadd.s32 s4, s17;
	s13 =	sadd.s32 s4, s18  }
0x13: {  	s28 =	sadd.s32 s24, s1;
	s11 =	sadd.s32 s8, s1;
	s12 =	sadd.s32 s12, s1  }
0x14: {  	s24 =	sadd.s32 s14, s1;
	s10 =	sshll.u32 s10, $0x4;
	s16 =	sshll.u32 s16, $0x4  }
0x15: {  	s8 =	sshll.u32 s17, $0x4;
	s14 =	sadd.s32 s4, s19;
	s4 =	sadd.s32 s4, s22  }
0x16: {  	s18 =	sshrl.u32 s15, $0x3;
	s19 =	sor.u32 $0x80, s15;
	s10 =	sadd.s32 s0, s10  }
0x17: {  	s23 =	sadd.s32 s0, s16;
	s16 =	sshll.u32 s14, $0x4;
	[dreg:$0x13] =	wrdreg s24  }
0x18: {  	s17 =	sshrl.u32 s4, $0x3;
	s20 =	sadd.s32 s6, s18;
	[dreg:$0x6] =	wrdreg s10  }
0x19: {  	s14 =	simm.s32 $0x1EC80;
	s4 =	simm.s32 $0x14000;
	[dreg:$0x7] =	wrdreg s23  }
0x1a: {  	s10 =	sadd.s32 s0, s8;
	s8 =	sadd.s32 s22, s21;
	[dreg:$0xe] =	wrdreg s20  }
0x1b: {  	s21 =	sadd.s32 s7, s18;
	s22 =	smax.u32 s9, $0x1;
	[dreg:$0x8] =	wrdreg s10  }
0x1c: {  	s9 =	simm.s32 $0x80;
	s18 =	simm.s32 $0x14180;
	[dreg:$0xf] =	wrdreg s21  }
0x1d: {  	s20 =	simm.s32 $0x1;
	s10 =	sshll.u32 s13, $0x4;
	[dreg:$0x10] =	wrdreg s22  }
0x1e: {  	[dreg:$0xd] =	wrdreg s8;
	s10 =	sadd.s32 s0, s10;
	s0 =	sadd.s32 s0, s16  }
0x1f: {  	s21 =	simm.s32 $0x3;
	[dreg:$0xa] =	wrdreg s0;
	s0 =	sadd.s32 s2, s17  }
0x20: {  	s16 =	simm.s32 $0x18200;
	[dreg:$0xb] =	wrdreg s0;
	s0 =	sshrl.u32 s19, $0x3  }
0x21: {  	[dreg:$0x9] =	wrdreg s10;
	s2 =	simm.s32 $0x14080;
	s23 =	sadd.s32 s0, s7  }
0x22: {  	s17 =	simm.s32 $0x14100;
	s0 =	sadd.s32 s0, s6;
	[dreg:$0x11] =	wrdreg s23  }
0x23: {  	v0 =	vimm.f32 $1.000000000e+00;
	s19 =	simm.s32 $0x4;
	[dreg:$0x12] =	wrdreg s0;
	s0 =	simm.s32 $0x0  }
.LBB2_1:
0x24: {  	s23 =	rddreg [dreg:$0xc]  }
0x25: {  	[tilespmem:s29], [sflag:$0x5] =	stream.linear.gather [hbm4b:s23+s3], $0x4000, $0x38;
	[tilespmem:$0x1ECD0] =	vst v63  }
0x26: {  	_ =	swait.ge [sflag:s30], $0x4000  }
0x27: {  	[sflag:s30] =	ssyncset.done $0x0  }
0x28: {  	[sflag:s30] =	ssyncadd.s32 $0xFFFFC000  }
0x29: {  	[spmem:s26] =	stream.linear.scatter [tilespmem:s29], [sflag:$0x5], $0x4000, $0x38;
	[tilespmem:$0x1ECD0] =	vst v63  }
0x2a: {  	_ =	swait.ge [sflag:s30], $0x4000  }
0x2b: {  	[sflag:s30] =	ssyncset.done $0x0  }
0x2c: {  	[sflag:s30] =	ssyncadd.s32 $0xFFFFC000  }
0x2d: {  	[spmem:s28] =	stream.linear.scatter [tilespmem:s29], [sflag:$0x5], $0x4000, $0x38;
	[tilespmem:$0x1ECD0] =	vst v63  }
0x2e: {  	_ =	swait.ge [sflag:s30], $0x4000  }
0x2f: {  	[sflag:s30] =	ssyncset.done $0x0  }
0x30: {  	[sflag:s30] =	ssyncadd.s32 $0xFFFFC000  }
0x31: {  	[spmem:s11] =	stream.linear.scatter [tilespmem:s29], [sflag:$0x5], $0x4000, $0x38;
	[tilespmem:$0x1ECD0] =	vst v63  }
0x32: {  	_ =	swait.ge [sflag:s30], $0x4000  }
0x33: {  	[sflag:s30] =	ssyncset.done $0x0  }
0x34: {  	[sflag:s30] =	ssyncadd.s32 $0xFFFFC000  }
0x35: {  	[spmem:s12] =	stream.linear.scatter [tilespmem:s29], [sflag:$0x5], $0x4000, $0x38;
	[tilespmem:$0x1ECD0] =	vst v63  }
0x36: {  	_ =	swait.ge [sflag:s30], $0x4000  }
0x37: {  	[sflag:s30] =	ssyncset.done $0x0  }
0x38: {  	s10 =	smov.u32 s24;
	[sflag:s30] =	ssyncadd.s32 $0xFFFFC000  }
0x39: {  	[spmem:s10] =	stream.linear.scatter [tilespmem:s29], [sflag:$0x5], $0x4000, $0x38;
	[tilespmem:$0x1ECD0] =	vst v63  }
0x3a: {  	_ =	swait.ge [sflag:s30], $0x4000  }
0x3b: {  	[sflag:s30] =	ssyncset.done $0x0  }
0x3c: {  	[sflag:s30] =	ssyncadd.s32 $0xFFFFC000  }
0x3d: {  	[tilespmem:s31], [sflag:$0x5] =	stream.linear.gather [hbm4b:s23+s3], $0x2800, $0x38;
	[tilespmem:$0x1ECD0] =	vst v63  }
0x3e: {  	_ =	swait.ge [sflag:s30], $0x2800  }
0x3f: {  	s13 =	smov.u32 s26;
	[sflag:s30] =	ssyncset.done $0x0  }
0x40: {  	s26 =	smov.u32 s8;
	s10 =	simm.s32 @!p0 $0x14200;
	[sflag:s30] =	ssyncadd.s32 $0xFFFFD800  }
0x41: {  	[spmem:s26] =	stream.linear.scatter @!p0 [tilespmem:s10], [sflag:$0x5], $0x400, $0x38;
	[tilespmem:$0x1ECD0] =	vst v63  }
0x42: {  	s10 =	simm.s32 @!p0 $0x5  }
0x43: {  	_ =	swait.ge @!p0 [sflag:s10], $0x400  }
0x44: {  	[sflag:s10] =	ssyncset.done @!p0 $0x0  }
0x45: {  	s24 =	smov.u32 s12;
	s12 =	rddreg [dreg:$0x5];
	[sflag:s10] =	ssyncadd.s32 @!p0 $0xFFFFFC00  }
0x46: {  	[tilespmem:s14], [sflag:$0x5] =	stream.linear.gather [hbm4b:s12+s3], $0x50, $0x38;
	[tilespmem:$0x1ECD0] =	vst v63  }
0x47: {  	_ =	swait.ge [sflag:s30], $0x50  }
0x48: {  	[sflag:s30] =	ssyncset.done $0x0  }
0x49: {  	[sflag:s30] =	ssyncadd.s32 $0xFFFFFFB0  }
0x4a: {  	[bflag:$0x0] =	sbarrier.arrive $0xFFFF  }
0x4b: {  	s14 =	rddreg [dreg:$0xe]  }
0x4c: {  	[tilespmem:s4], [sflag:$0x5] =	stream.linear.gather [hbm4b:s14+s3], $0x80, $0x38;
	[tilespmem:$0x1ECD0] =	vst v63  }
0x4d: {  	_ =	swait.ge [sflag:s30], $0x80  }
0x4e: {  	[sflag:s30] =	ssyncset.done $0x0  }
0x4f: {  	s26 =	rddreg [dreg:$0xf];
	[sflag:s30] =	ssyncadd.s32 $0xFFFFFF80  }
0x50: {  	[tilespmem:s2], [sflag:$0x5] =	stream.linear.gather [hbm4b:s26+s3], $0x80, $0x38;
	[tilespmem:$0x1ECD0] =	vst v63  }
0x51: {  	_ =	swait.ge [sflag:s30], $0x80  }
0x52: {  	[sflag:s30] =	ssyncset.done $0x0  }
0x53: {  	[sflag:s30] =	ssyncadd.s32 $0xFFFFFF80  }
0x54: {  	[tilespmem:s29], [sflag:$0x1] =	stream.indirect.gather [hbm4b:s5+s9], $0x80, s4, s9, $0xb8;
	[tilespmem:$0x1ECD0] =	vst v63  }
0x55: {  	_ = 	snop  }
0x56: {  	[tilespmem:s16], [sflag:$0x5] =	stream.linear.gather [hbm4b:s23+s3], $0x4000, $0x38;
	[tilespmem:$0x1ECD0] =	vst v63  }
0x57: {  	_ =	swait.ge [sflag:s30], $0x4000  }
0x58: {  	[sflag:s30] =	ssyncset.done $0x0  }
0x59: {  	[sflag:s30] =	ssyncadd.s32 $0xFFFFC000  }
0x5a: {  	[tilespmem:s17], [sflag:$0x5] =	stream.linear.gather [hbm4b:s14+s3], $0x80, $0x38;
	[tilespmem:$0x1ECD0] =	vst v63  }
0x5b: {  	_ =	swait.ge [sflag:s30], $0x80  }
0x5c: {  	[sflag:s30] =	ssyncset.done $0x0  }
0x5d: {  	[sflag:s30] =	ssyncadd.s32 $0xFFFFFF80  }
0x5e: {  	[tilespmem:s18], [sflag:$0x5] =	stream.linear.gather [hbm4b:s26+s3], $0x80, $0x38;
	[tilespmem:$0x1ECD0] =	vst v63  }
0x5f: {  	s22 =	smov.u32 s11;
	_ =	swait.ge [sflag:s30], $0x80  }
0x60: {  	s8 =	smov.u32 s28;
	[sflag:s30] =	ssyncset.done $0x0;
	s28 =	rddreg [dreg:$0x12]  }
0x61: {  	s11 =	simm.s32 $0x100;
	s10 =	rddreg [dreg:$0x11];
	[sflag:s30] =	ssyncadd.s32 $0xFFFFFF80  }
0x62: {  	[spmem:s1] =	stream.indirect.scatter.add.f32 [tilespmem:s16], [sflag:$0x4], $0x80, s18, s9, $0xb8;
	[tilespmem:$0x1ECD0] =	vst v63  }
.LBB2_2:
0x63: {  	_ =	swait.ge [sflag:s19], $0x4000  }
0x64: {  	[sflag:s19] =	ssyncset.done $0x0  }
0x65: {  	[sflag:s19] =	ssyncadd.s32 $0xFFFFC000  }
0x66: {  	[tilespmem:s17], [sflag:$0x5] =	stream.linear.gather [hbm4b:s28+s3], $0x80, $0x38;
	[tilespmem:$0x1ECD0] =	vst v63  }
0x67: {  	_ =	swait.ge [sflag:s30], $0x80  }
0x68: {  	[sflag:s30] =	ssyncset.done $0x0  }
0x69: {  	[sflag:s30] =	ssyncadd.s32 $0xFFFFFF80  }
0x6a: {  	[tilespmem:s18], [sflag:$0x5] =	stream.linear.gather [hbm4b:s10+s3], $0x80, $0x38;
	[tilespmem:$0x1ECD0] =	vst v63  }
0x6b: {  	_ =	swait.ge [sflag:s30], $0x80  }
0x6c: {  	[sflag:s30] =	ssyncset.done $0x0  }
0x6d: {  	[sflag:s30] =	ssyncadd.s32 $0xFFFFFF80  }
0x6e: {  	[tilespmem:s16], [sflag:$0x2] =	stream.indirect.gather [hbm4b:s5+s9], $0x80, s17, s9, $0xb8;
	[tilespmem:$0x1ECD0] =	vst v63  }
0x6f: {  	_ =	swait.ge [sflag:s20], $0x4000  }
0x70: {  	[sflag:s20] =	ssyncset.done $0x0  }
0x71: {  	[sflag:s20] =	ssyncadd.s32 $0xFFFFC000  }
0x72: {  	[spmem:s1] =	stream.indirect.scatter.add.f32 [tilespmem:s29], [sflag:$0x3], $0x80, s2, s9, $0xb8;
	[tilespmem:$0x1ECD0] =	vst v63  }
0x73: {  	v1 =	vld [tilespmem:$0x14080];
	_ =	sdelay $0x7  }
0x74: {  	[tilespmem:v1+s31+$0x0] =	vst.idx.add.f32.msk $0xffff, v0  }
0x75: {  	v1 =	vld [tilespmem:$0x14090];
	_ =	sdelay $0x7  }
0x76: {  	[tilespmem:v1+s31+$0x0] =	vst.idx.add.f32.msk $0xffff, v0  }
0x77: {  	v1 =	vld [tilespmem:$0x140A0];
	_ =	sdelay $0x7  }
0x78: {  	[tilespmem:v1+s31+$0x0] =	vst.idx.add.f32.msk $0xffff, v0  }
0x79: {  	v1 =	vld [tilespmem:$0x140B0];
	_ =	sdelay $0x7  }
0x7a: {  	[tilespmem:v1+s31+$0x0] =	vst.idx.add.f32.msk $0xffff, v0  }
0x7b: {  	v1 =	vld [tilespmem:$0x140C0];
	_ =	sdelay $0x7  }
0x7c: {  	[tilespmem:v1+s31+$0x0] =	vst.idx.add.f32.msk $0xffff, v0  }
0x7d: {  	v1 =	vld [tilespmem:$0x140D0];
	_ =	sdelay $0x7  }
0x7e: {  	[tilespmem:v1+s31+$0x0] =	vst.idx.add.f32.msk $0xffff, v0  }
0x7f: {  	v1 =	vld [tilespmem:$0x140E0];
	_ =	sdelay $0x7  }
0x80: {  	[tilespmem:v1+s31+$0x0] =	vst.idx.add.f32.msk $0xffff, v0  }
0x81: {  	v1 =	vld [tilespmem:$0x140F0];
	_ =	sdelay $0x6  }
0x82: {  	p1 =	seq.s32 s11, $0x5000;
	s26 =	smov.u32 s11  }
0x83: {  	s26 =	simm.s32 @p1 $0x0;
	[tilespmem:v1+s31+$0x0] =	vst.idx.add.f32.msk $0xffff, v0  }
0x84: {  	s26 =	sadd.s32 s15, s26;
	_ =	swait.ge [sflag:s21], $0x4000  }
0x85: {  	s26 =	sshrl.u32 s26, $0x3;
	[sflag:s21] =	ssyncset.done $0x0  }
0x86: {  	s12 =	sadd.s32 s6, s26;
	[sflag:s21] =	ssyncadd.s32 $0xFFFFC000  }
0x87: {  	[tilespmem:s4], [sflag:$0x5] =	stream.linear.gather [hbm4b:s12+s3], $0x80, $0x38;
	[tilespmem:$0x1ECD0] =	vst v63  }
0x88: {  	_ =	swait.ge [sflag:s30], $0x80  }
0x89: {  	[sflag:s30] =	ssyncset.done $0x0  }
0x8a: {  	s26 =	sadd.s32 s7, s26;
	[sflag:s30] =	ssyncadd.s32 $0xFFFFFF80  }
0x8b: {  	[tilespmem:s2], [sflag:$0x5] =	stream.linear.gather [hbm4b:s26+s3], $0x80, $0x38;
	[tilespmem:$0x1ECD0] =	vst v63  }
0x8c: {  	_ =	swait.ge [sflag:s30], $0x80  }
0x8d: {  	[sflag:s30] =	ssyncset.done $0x0  }
0x8e: {  	[sflag:s30] =	ssyncadd.s32 $0xFFFFFF80  }
0x8f: {  	[tilespmem:s29], [sflag:$0x1] =	stream.indirect.gather [hbm4b:s5+s9], $0x80, s4, s9, $0xb8;
	[tilespmem:$0x1ECD0] =	vst v63  }
0x90: {  	_ =	swait.ge [sflag:s25], $0x4000  }
0x91: {  	[sflag:s25] =	ssyncset.done $0x0  }
0x92: {  	[sflag:s25] =	ssyncadd.s32 $0xFFFFC000  }
0x93: {  	[spmem:s1] =	stream.indirect.scatter.add.f32 [tilespmem:s16], [sflag:$0x4], $0x80, s18, s9, $0xb8;
	[tilespmem:$0x1ECD0] =	vst v63  }
0x94: {  	v1 =	vld [tilespmem:$0x14180];
	_ =	sdelay $0x7  }
0x95: {  	[tilespmem:v1+s31+$0x0] =	vst.idx.add.f32.msk $0xffff, v0  }
0x96: {  	v1 =	vld [tilespmem:$0x14190];
	_ =	sdelay $0x7  }
0x97: {  	[tilespmem:v1+s31+$0x0] =	vst.idx.add.f32.msk $0xffff, v0  }
0x98: {  	v1 =	vld [tilespmem:$0x141A0];
	_ =	sdelay $0x7  }
0x99: {  	[tilespmem:v1+s31+$0x0] =	vst.idx.add.f32.msk $0xffff, v0  }
0x9a: {  	v1 =	vld [tilespmem:$0x141B0];
	_ =	sdelay $0x7  }
0x9b: {  	[tilespmem:v1+s31+$0x0] =	vst.idx.add.f32.msk $0xffff, v0  }
0x9c: {  	v1 =	vld [tilespmem:$0x141C0];
	_ =	sdelay $0x7  }
0x9d: {  	[tilespmem:v1+s31+$0x0] =	vst.idx.add.f32.msk $0xffff, v0  }
0x9e: {  	v1 =	vld [tilespmem:$0x141D0];
	_ =	sdelay $0x7  }
0x9f: {  	[tilespmem:v1+s31+$0x0] =	vst.idx.add.f32.msk $0xffff, v0  }
0xa0: {  	v1 =	vld [tilespmem:$0x141E0];
	_ =	sdelay $0x7  }
0xa1: {  	[tilespmem:v1+s31+$0x0] =	vst.idx.add.f32.msk $0xffff, v0  }
0xa2: {  	v1 =	vld [tilespmem:$0x141F0];
	_ =	sdelay $0x2  }
0xa3: {  	p1 =	sne.s32 s11, $0x5000  }
.Ltmp0:
0xa4: {  	_ = 	snop;
	(pc) =	sbr.rel @p1 .LBB2_2-.Ltmp0, $2  }
0xa5: {  	_ =	sdelay $0x2  }
0xa6: {  	s11 =	sadd.s32 $0x100, s11;
	s28 =	sadd.s32 $0x20, s28;
	s10 =	sadd.s32 $0x20, s10;
	[tilespmem:v1+s31+$0x0] =	vst.idx.add.f32.msk $0xffff, v0  }
0xa7: {  	_ =	swait.ge [sflag:s20], $0x4000  }
0xa8: {  	[sflag:s20] =	ssyncset.done $0x0  }
0xa9: {  	[sflag:s20] =	ssyncadd.s32 $0xFFFFC000  }
0xaa: {  	_ =	swait.ge [sflag:s19], $0x4000  }
0xab: {  	[sflag:s19] =	ssyncset.done $0x0  }
0xac: {  	[sflag:s19] =	ssyncadd.s32 $0xFFFFC000  }
0xad: {  	s14 =	simm.s32 $0x1EC80;
	s11 =	simm.s32 $0x50;
	s10 =	rddreg [dreg:$0x3]  }
0xae: {  	[spmem:s10] =	stream.indirect.scatter.add.f32 [tilespmem:s31], [sflag:$0x5], $0x80, s14, s11, $0xb8;
	[tilespmem:$0x1ECD0] =	vst v63  }
0xaf: {  	_ =	swait.ge [sflag:s30], $0x2800  }
0xb0: {  	[sflag:s30] =	ssyncset.done $0x0  }
0xb1: {  	[sflag:s30] =	ssyncadd.s32 $0xFFFFD800  }
0xb2: {  	[bflag:$0x0] =	sbarrier.arrive $0xFFFF  }
0xb3: {  	[tilespmem:s29], [sflag:$0x5] =	stream.linear.gather [spmem:s13], $0x4000, $0x38;
	[tilespmem:$0x1ECD0] =	vst v63  }
0xb4: {  	_ =	swait.ge [sflag:s30], $0x4000  }
0xb5: {  	[sflag:s30] =	ssyncset.done $0x0  }
0xb6: {  	s23 =	rddreg [dreg:$0x6];
	[sflag:s30] =	ssyncadd.s32 $0xFFFFC000  }
0xb7: {  	[hbm4b:s23+s3] =	stream.linear.scatter [tilespmem:s29], [sflag:$0x5], $0x4000, $0x38;
	[tilespmem:$0x1ECD0] =	vst v63  }
0xb8: {  	_ =	swait.ge [sflag:s30], $0x4000  }
0xb9: {  	[sflag:s30] =	ssyncset.done $0x0  }
0xba: {  	[sflag:s30] =	ssyncadd.s32 $0xFFFFC000  }
0xbb: {  	[tilespmem:s29], [sflag:$0x5] =	stream.linear.gather [spmem:s8], $0x4000, $0x38;
	[tilespmem:$0x1ECD0] =	vst v63  }
0xbc: {  	_ =	swait.ge [sflag:s30], $0x4000  }
0xbd: {  	[sflag:s30] =	ssyncset.done $0x0  }
0xbe: {  	s28 =	smov.u32 s8;
	s8 =	rddreg [dreg:$0x7];
	[sflag:s30] =	ssyncadd.s32 $0xFFFFC000  }
0xbf: {  	[hbm4b:s8+s3] =	stream.linear.scatter [tilespmem:s29], [sflag:$0x5], $0x4000, $0x38;
	[tilespmem:$0x1ECD0] =	vst v63  }
0xc0: {  	_ =	swait.ge [sflag:s30], $0x4000  }
0xc1: {  	[sflag:s30] =	ssyncset.done $0x0  }
0xc2: {  	[sflag:s30] =	ssyncadd.s32 $0xFFFFC000  }
0xc3: {  	[tilespmem:s29], [sflag:$0x5] =	stream.linear.gather [spmem:s22], $0x4000, $0x38;
	[tilespmem:$0x1ECD0] =	vst v63  }
0xc4: {  	_ =	swait.ge [sflag:s30], $0x4000  }
0xc5: {  	[sflag:s30] =	ssyncset.done $0x0  }
0xc6: {  	s11 =	rddreg [dreg:$0x8];
	[sflag:s30] =	ssyncadd.s32 $0xFFFFC000  }
0xc7: {  	[hbm4b:s11+s3] =	stream.linear.scatter [tilespmem:s29], [sflag:$0x5], $0x4000, $0x38;
	[tilespmem:$0x1ECD0] =	vst v63  }
0xc8: {  	_ =	swait.ge [sflag:s30], $0x4000  }
0xc9: {  	[sflag:s30] =	ssyncset.done $0x0  }
0xca: {  	[sflag:s30] =	ssyncadd.s32 $0xFFFFC000  }
0xcb: {  	[tilespmem:s29], [sflag:$0x5] =	stream.linear.gather [spmem:s24], $0x4000, $0x38;
	[tilespmem:$0x1ECD0] =	vst v63  }
0xcc: {  	_ =	swait.ge [sflag:s30], $0x4000  }
0xcd: {  	[sflag:s30] =	ssyncset.done $0x0  }
0xce: {  	s12 =	rddreg [dreg:$0x9];
	[sflag:s30] =	ssyncadd.s32 $0xFFFFC000  }
0xcf: {  	[hbm4b:s12+s3] =	stream.linear.scatter [tilespmem:s29], [sflag:$0x5], $0x4000, $0x38;
	[tilespmem:$0x1ECD0] =	vst v63  }
0xd0: {  	_ =	swait.ge [sflag:s30], $0x4000  }
0xd1: {  	[sflag:s30] =	ssyncset.done $0x0  }
0xd2: {  	s23 =	smov.u32 s24;
	s24 =	rddreg [dreg:$0x13];
	[sflag:s30] =	ssyncadd.s32 $0xFFFFC000  }
0xd3: {  	[tilespmem:s29], [sflag:$0x5] =	stream.linear.gather [spmem:s24], $0x4000, $0x38;
	[tilespmem:$0x1ECD0] =	vst v63  }
0xd4: {  	_ =	swait.ge [sflag:s30], $0x4000  }
0xd5: {  	[sflag:s30] =	ssyncset.done $0x0  }
0xd6: {  	s26 =	smov.u32 s13;
	s13 =	rddreg [dreg:$0xa];
	[sflag:s30] =	ssyncadd.s32 $0xFFFFC000  }
0xd7: {  	[hbm4b:s13+s3] =	stream.linear.scatter [tilespmem:s29], [sflag:$0x5], $0x4000, $0x38;
	[tilespmem:$0x1ECD0] =	vst v63  }
0xd8: {  	_ =	swait.ge [sflag:s30], $0x4000  }
0xd9: {  	s10 =	simm.s32 @!p0 $0x14200;
	[sflag:s30] =	ssyncset.done $0x0  }
0xda: {  	s11 =	simm.s32 @!p0 $0x5;
	s8 =	rddreg [dreg:$0xd];
	[sflag:s30] =	ssyncadd.s32 $0xFFFFC000  }
0xdb: {  	[tilespmem:s10], [sflag:$0x5] =	stream.linear.gather @!p0 [spmem:s8], $0x400, $0x38;
	[tilespmem:$0x1ECD0] =	vst v63  }
0xdc: {  	_ =	swait.ge @!p0 [sflag:s11], $0x400  }
0xdd: {  	[sflag:s11] =	ssyncset.done @!p0 $0x0  }
0xde: {  	s12 =	simm.s32 @!p0 $0x0;
	s13 =	rddreg [dreg:$0xb];
	[sflag:s11] =	ssyncadd.s32 @!p0 $0xFFFFFC00  }
0xdf: {  	[hbm4b:s13+s12] =	stream.linear.scatter @!p0 [tilespmem:s10], [sflag:$0x5], $0x400, $0x38;
	[tilespmem:$0x1ECD0] =	vst v63  }
0xe0: {  	_ =	swait.ge @!p0 [sflag:s11], $0x400  }
0xe1: {  	s0 =	sadd.s32 $0x1, s0;
	s12 =	smov.u32 s23;
	s23 =	rddreg [dreg:$0x10]  }
0xe2: {  	p1 =	sne.s32 s0, s23  }
.Ltmp1:
0xe3: {  	_ = 	snop;
	(pc) =	sbr.rel @p1 .LBB2_1-.Ltmp1, $3  }
0xe4: {  	_ =	sdelay $0x1  }
0xe5: {  	[sflag:s11] =	ssyncset.done @!p0 $0x0  }
0xe6: {  	[sflag:s11] =	ssyncadd.s32 @!p0 $0xFFFFFC00;
	s11 =	smov.u32 s22  }
0xe7: {  	_ =	sfence.sel $0x180000  }
0xe8: {  	[bflag:$0x0] =	sbarrier.arrive $0xFFFF  }
0xe9: {  	_ =	strace $0x90000047  }
0xea: {  	s0 =	stileid.u32;
	[bflag:$0x2] =	sbarrier.arrive $0xFFFF  }
0xeb: {  	p0 =	sne.s32 s0, $0x0;
	s0 =	rddreg [dreg:$0x4]  }
0xec: {  	s0 =	sadd.s32 @!p0 $0x100000, s0  }
0xed: {  	[sflag:s0] =	ssyncadd.tile.s32 @!p0 $0x1;
	_ =	shalt  }
.Lfunc_end2:
_tile_overlayer_lowered:
.L_overlay_start_2:
0xee: {  	(tag) =	ssettag $0x2  }
0xef: {  	s0 =	rddreg [dreg:$0x0];
	s2 =	stileid.u32  }
0xf0: {  	s1 =	rddreg [dreg:$0x1];
	p0 =	sne.s32 s2, $0x0  }
0xf1: {  	s3 =	rddreg [dreg:$0x2];
	[bflag:$0x3] =	sbarrier.arrive $0xFFFF;
	s2 =	simm.s32 @!p0 $0x1C05  }
0xf2: {  	[timem:s3], [sflag:s2] =	dma.local @!p0 [hbm:s0], s1  }
0xf3: {  	s0 =	simm.s32 @!p0 $0x5  }
0xf4: {  	_ =	swait.ge @!p0 [sflag:s0], s1  }
0xf5: {  	s1 =	ssub.s32 @!p0 $0x0, s1;
	[sflag:s0] =	ssyncset.done @!p0 $0x0  }
0xf6: {  	[sflag:s0] =	ssyncadd.s32 @!p0 s1  }
0xf7: {  	[bflag:$0x3] =	sbarrier.arrive $0xFFFF  }
0xf8: {  	_ =	shalt  }

</sc_bundles>
